<compile_context>
chip_gen: v7x
topology: tpu7x:2x2x1
jax: 0.10.2.dev20260603
libtpu: 0.0.44.dev20260713+nightly
codegen_flags: <defaults>
</compile_context>

<pallas_src>
import functools

import jax
import jax.numpy as jnp
from jax import lax
from jax.experimental import pallas as pl
from jax.experimental.pallas import tpu as pltpu
from jax.experimental.pallas import tpu_sc as plsc

_JITTER = 0.01
_NEG_INF = float("-inf")

_T = 2048
_D = 768
_DFF = 1536
_E = 8
_TOPK = 2
_BT = 256
_NT = (_T * _TOPK) // _BT + _E
_P = _NT * _BT

_NC = 2
_NS = 16
_NW = _NC * _NS
_L = 16



def _router_body(x_ref, wg_ref, logits_ref, wt_ref):
    x = x_ref[...]
    wg = wg_ref[...]
    s = lax.dot_general(x, wg, (((1,), (1,)), ((), ())),
                        preferred_element_type=jnp.float32)
    logits_ref[...] = s
    bt, e = s.shape
    iota = lax.broadcasted_iota(jnp.int32, (bt, e), 1)
    t1 = jnp.max(s, axis=-1, keepdims=True)
    i1 = jnp.min(jnp.where(s == t1, iota, e), axis=-1, keepdims=True)
    oh1 = iota == i1
    factor1 = jnp.maximum(jnp.abs(s), t1)
    mask1 = ((t1 - s) / factor1) > (2.0 * _JITTER)
    a1 = jnp.exp(jnp.where(mask1, _NEG_INF, s) - t1)
    m1 = jnp.sum(jnp.where(oh1, a1, 0.0), axis=-1, keepdims=True) / jnp.sum(
        a1, axis=-1, keepdims=True)
    s2 = jnp.where(oh1, _NEG_INF, s)
    t2 = jnp.max(s2, axis=-1, keepdims=True)
    i2 = jnp.min(jnp.where(s2 == t2, iota, e), axis=-1, keepdims=True)
    oh2 = iota == i2
    factor2 = jnp.maximum(jnp.abs(s), t2)
    mask2 = ((t2 - s) / factor2) > (2.0 * _JITTER)
    a2 = jnp.exp(jnp.where(mask2, _NEG_INF, s2) - t2)
    m2 = jnp.sum(jnp.where(oh2, a2, 0.0), axis=-1, keepdims=True) / jnp.sum(
        a2, axis=-1, keepdims=True)
    w = jnp.where(oh1, m1, 0.0) + jnp.where(oh2, m2, 0.0)
    ident = (lax.broadcasted_iota(jnp.int32, (e, e), 0) ==
             lax.broadcasted_iota(jnp.int32, (e, e), 1)).astype(jnp.float32)
    wt_ref[...] = lax.dot_general(ident, w, (((1,), (1,)), ((), ())),
                                  preferred_element_type=jnp.float32)


def _router(x, Wg):
    t, d = x.shape
    e = Wg.shape[0]
    bt = 256
    return pl.pallas_call(
        _router_body,
        grid=(t // bt,),
        in_specs=[
            pl.BlockSpec((bt, d), lambda i: (i, 0)),
            pl.BlockSpec((e, d), lambda i: (0, 0)),
        ],
        out_specs=[
            pl.BlockSpec((bt, e), lambda i: (i, 0)),
            pl.BlockSpec((e, bt), lambda i: (0, i)),
        ],
        out_shape=[
            jax.ShapeDtypeStruct((t, e), jnp.float32),
            jax.ShapeDtypeStruct((e, t), jnp.float32),
        ],
    )(x, Wg)



def _dispatch_body(wt_hbm, sc_hbm, pa_hbm, pb_hbm, te_hbm, nt_hbm,
                   wt_v, sc_v, pa_v, pb_v, seen_v, te_v, nt_v, sem):
    cid = lax.axis_index("c")
    sid = lax.axis_index("s")

    @pl.when((cid == 0) & (sid == 0))
    def _():
        pltpu.sync_copy(wt_hbm, wt_v)
        zi = jnp.zeros((_L,), jnp.int32)

        def _zero2(i, _):
            seen_v[pl.ds(i * _L, _L)] = zi
            return 0
        lax.fori_loop(0, _T // _L, _zero2, 0)

        counts = []
        for e in range(_E):
            def _hist(c, acc, e=e):
                v = wt_v[e, pl.ds(c * _L, _L)]
                return acc + jnp.sum((v != 0.0).astype(jnp.int32))
            counts.append(lax.fori_loop(0, _T // _L, _hist, jnp.int32(0)))

        tiles = [(c + _BT - 1) // _BT for c in counts]
        row_starts, tile_ends = [], []
        acc_rows = jnp.int32(0)
        acc_tiles = jnp.int32(0)
        for e in range(_E):
            row_starts.append(acc_rows)
            acc_rows = acc_rows + tiles[e] * _BT
            acc_tiles = acc_tiles + tiles[e]
            tile_ends.append(acc_tiles)
        nt_active = tile_ends[-1]

        for g in range(_NT // _L + 1):
            tv = lax.iota(jnp.int32, _L) + g * _L
            tvc = jnp.minimum(tv, nt_active - 1)
            ex = jnp.zeros((_L,), jnp.int32)
            for e in range(_E - 1):
                ex = ex + (tvc >= tile_ends[e]).astype(jnp.int32)
            te_v[pl.ds(g * _L, _L)] = ex
        nt_v[...] = jnp.full((_L,), nt_active, jnp.int32)

        for e in range(_E):
            def _assign(c, running, e=e):
                v = wt_v[e, pl.ds(c * _L, _L)]
                m = v != 0.0
                mi = m.astype(jnp.int32)
                pref = plsc.cumsum(mi)
                pos = running + pref - 1
                plsc.store_scatter(sc_v, [pos], v, mask=m)
                sl = pl.ds(c * _L, _L)
                seen = seen_v[sl]
                pa_v[sl] = jnp.where(m & (seen == 0), pos, pa_v[sl])
                pb_v[sl] = jnp.where(m & (seen == 1), pos, pb_v[sl])
                seen_v[sl] = seen + mi
                return running + jnp.sum(mi)
            lax.fori_loop(0, _T // _L, _assign, row_starts[e])

        pltpu.sync_copy(sc_v, sc_hbm)
        pltpu.sync_copy(pa_v, pa_hbm)
        pltpu.sync_copy(pb_v, pb_hbm)
        pltpu.sync_copy(te_v, te_hbm)
        pltpu.sync_copy(nt_v, nt_hbm)


def _dispatch(wt):
    mesh = plsc.VectorSubcoreMesh(core_axis_name="c", subcore_axis_name="s", num_cores=_NC, num_subcores=_NS)
    te_len = (_NT // _L + 1) * _L
    return pl.kernel(
        _dispatch_body,
        out_type=[
            jax.ShapeDtypeStruct((_P,), jnp.float32),
            jax.ShapeDtypeStruct((_T,), jnp.int32),
            jax.ShapeDtypeStruct((_T,), jnp.int32),
            jax.ShapeDtypeStruct((te_len,), jnp.int32),
            jax.ShapeDtypeStruct((_L,), jnp.int32),
        ],
        mesh=mesh,
        compiler_params=pltpu.CompilerParams(needs_layout_passes=False),
        scratch_types=[
            pltpu.VMEM((_E, _T), jnp.float32),
            pltpu.VMEM((_P,), jnp.float32),
            pltpu.VMEM((_T,), jnp.int32),
            pltpu.VMEM((_T,), jnp.int32),
            pltpu.VMEM((_T,), jnp.int32),
            pltpu.VMEM((te_len,), jnp.int32),
            pltpu.VMEM((_L,), jnp.int32),
            pltpu.SemaphoreType.DMA,
        ],
    )(wt)



_STOK = _T // _NW
_SCHUNK = 16
_SN = _STOK // _SCHUNK


def _scatter_body(x_hbm, pa_hbm, pb_hbm, xs_hbm, pa_v, pb_v, buf0, buf1,
                  rsem, wsema, wsemb):
    wid = lax.axis_index("s") * _NC + lax.axis_index("c")
    base = wid * _STOK
    bufs = (buf0, buf1)
    for g in range(_SN):
        pltpu.sync_copy(pa_hbm.at[pl.ds(base + g * _SCHUNK, _SCHUNK)],
                        pa_v.at[g])
        pltpu.sync_copy(pb_hbm.at[pl.ds(base + g * _SCHUNK, _SCHUNK)],
                        pb_v.at[g])
    rd = [None] * _SN
    wa = [None] * _SN
    wb = [None] * _SN
    rd[0] = pltpu.async_copy(x_hbm.at[pl.ds(base, _SCHUNK)], bufs[0], rsem)
    for g in range(_SN):
        rd[g].wait()
        if g + 1 < _SN:
            if g - 1 >= 0:
                wa[g - 1].wait()
                wb[g - 1].wait()
            rd[g + 1] = pltpu.async_copy(
                x_hbm.at[pl.ds(base + (g + 1) * _SCHUNK, _SCHUNK)],
                bufs[(g + 1) % 2], rsem)
        wa[g] = pltpu.async_copy(bufs[g % 2], xs_hbm.at[pa_v.at[g]], wsema)
        wb[g] = pltpu.async_copy(bufs[g % 2], xs_hbm.at[pb_v.at[g]], wsemb)
    wa[_SN - 2].wait()
    wb[_SN - 2].wait()
    wa[_SN - 1].wait()
    wb[_SN - 1].wait()


def _scatter_x(x, pos_a, pos_b):
    mesh = plsc.VectorSubcoreMesh(core_axis_name="c", subcore_axis_name="s", num_cores=_NC, num_subcores=_NS)
    return pl.kernel(
        _scatter_body,
        out_type=jax.ShapeDtypeStruct((_P, _D), jnp.float32),
        mesh=mesh,
        compiler_params=pltpu.CompilerParams(needs_layout_passes=False),
        scratch_types=[
            pltpu.VMEM((_SN, _SCHUNK), jnp.int32),
            pltpu.VMEM((_SN, _SCHUNK), jnp.int32),
            pltpu.VMEM((_SCHUNK, _D), jnp.float32),
            pltpu.VMEM((_SCHUNK, _D), jnp.float32),
            pltpu.SemaphoreType.DMA,
            pltpu.SemaphoreType.DMA,
            pltpu.SemaphoreType.DMA,
        ],
    )(x, pos_a, pos_b)



def _ffn_body(te_ref, nt_ref, xs_ref, sc_ref, w1_ref, w3_ref, w2_ref, out_ref):
    i = pl.program_id(0)

    @pl.when(i < nt_ref[0])
    def _():
        x = xs_ref[...]
        h1 = lax.dot_general(x, w1_ref[0], (((1,), (1,)), ((), ())),
                             preferred_element_type=jnp.float32)
        h3 = lax.dot_general(x, w3_ref[0], (((1,), (1,)), ((), ())),
                             preferred_element_type=jnp.float32)
        h = (h1 * jax.nn.sigmoid(h1)) * h3
        y = lax.dot_general(h, w2_ref[0], (((1,), (1,)), ((), ())),
                            preferred_element_type=jnp.float32)
        out_ref[...] = y * sc_ref[...]


def _ffn(xs, scale, W1, W3, W2, tile_expert, nt_active):
    grid_spec = pltpu.PrefetchScalarGridSpec(
        num_scalar_prefetch=2,
        grid=(_NT,),
        in_specs=[
            pl.BlockSpec((_BT, _D), lambda i, te, nt: (i, 0)),
            pl.BlockSpec((_BT, 1), lambda i, te, nt: (i, 0)),
            pl.BlockSpec((1, _DFF, _D), lambda i, te, nt: (te[i], 0, 0)),
            pl.BlockSpec((1, _DFF, _D), lambda i, te, nt: (te[i], 0, 0)),
            pl.BlockSpec((1, _D, _DFF), lambda i, te, nt: (te[i], 0, 0)),
        ],
        out_specs=pl.BlockSpec((_BT, _D), lambda i, te, nt: (i, 0)),
    )
    return pl.pallas_call(
        _ffn_body,
        grid_spec=grid_spec,
        out_shape=jax.ShapeDtypeStruct((_P, _D), jnp.float32),
        compiler_params=pltpu.CompilerParams(
            dimension_semantics=("arbitrary",)),
    )(tile_expert, nt_active, xs, scale.reshape(_P, 1), W1, W3, W2)



_CTOK = _T // _NW
_CCHUNK = 16


def _combine_body(ys_hbm, pa_hbm, pb_hbm, out_hbm, pa_v, pb_v,
                  ra0, ra1, rb0, rb1, sema, semb, semw):
    wid = lax.axis_index("s") * _NC + lax.axis_index("c")
    base = wid * _CTOK
    cn = _CTOK // _CCHUNK
    ras = (ra0, ra1)
    rbs = (rb0, rb1)
    for g in range(cn):
        pltpu.sync_copy(pa_hbm.at[pl.ds(base + g * _CCHUNK, _CCHUNK)],
                        pa_v.at[g])
        pltpu.sync_copy(pb_hbm.at[pl.ds(base + g * _CCHUNK, _CCHUNK)],
                        pb_v.at[g])
    ga = [None] * cn
    gb = [None] * cn
    wd = [None] * cn
    ga[0] = pltpu.async_copy(ys_hbm.at[pa_v.at[0]], ras[0], sema)
    gb[0] = pltpu.async_copy(ys_hbm.at[pb_v.at[0]], rbs[0], semb)
    for g in range(cn):
        ga[g].wait()
        gb[g].wait()
        if g + 1 < cn:
            if g - 1 >= 0:
                wd[g - 1].wait()
            ga[g + 1] = pltpu.async_copy(ys_hbm.at[pa_v.at[g + 1]],
                                         ras[(g + 1) % 2], sema)
            gb[g + 1] = pltpu.async_copy(ys_hbm.at[pb_v.at[g + 1]],
                                         rbs[(g + 1) % 2], semb)
        ra, rb = ras[g % 2], rbs[g % 2]

        def _add(j, _, ra=ra, rb=rb):
            sl = pl.ds(j * _L, _L)
            for tl in range(_CCHUNK):
                ra[tl, sl] = ra[tl, sl] + rb[tl, sl]
            return 0
        lax.fori_loop(0, _D // _L, _add, 0)
        wd[g] = pltpu.async_copy(
            ra, out_hbm.at[pl.ds(base + g * _CCHUNK, _CCHUNK)], semw)
    wd[cn - 2].wait()
    wd[cn - 1].wait()


def _combine(ys, pos_a, pos_b):
    mesh = plsc.VectorSubcoreMesh(core_axis_name="c", subcore_axis_name="s", num_cores=_NC, num_subcores=_NS)
    return pl.kernel(
        _combine_body,
        out_type=jax.ShapeDtypeStruct((_T, _D), jnp.float32),
        mesh=mesh,
        compiler_params=pltpu.CompilerParams(needs_layout_passes=False),
        scratch_types=[
            pltpu.VMEM((_CTOK // _CCHUNK, _CCHUNK), jnp.int32),
            pltpu.VMEM((_CTOK // _CCHUNK, _CCHUNK), jnp.int32),
            pltpu.VMEM((_CCHUNK, _D), jnp.float32),
            pltpu.VMEM((_CCHUNK, _D), jnp.float32),
            pltpu.VMEM((_CCHUNK, _D), jnp.float32),
            pltpu.VMEM((_CCHUNK, _D), jnp.float32),
            pltpu.SemaphoreType.DMA,
            pltpu.SemaphoreType.DMA,
            pltpu.SemaphoreType.DMA,
        ],
    )(ys, pos_a, pos_b)



@jax.jit
def kernel(hidden_states, Wg, W1, W3, W2):
    b, s, d = hidden_states.shape
    x = hidden_states.reshape(b * s, d)
    logits, wt = _router(x, Wg)
    scale, pos_a, pos_b, tile_expert, nt_active = _dispatch(wt)
    xs = _scatter_x(x, pos_a, pos_b)
    ys = _ffn(xs, scale, W1, W3, W2, tile_expert, nt_active)
    out = _combine(ys, pos_a, pos_b)
    return out.reshape(b, s, d), logits

# --- scband reference (transcript-rebuilt; emitter-appended) ---
"""Pipeline reference for scband-phi-mo-esparse-moe-block-78658031058967 (READ-ONLY COPY).

The authoritative reference and input builder live on the scoring server;
editing this copy changes nothing except your own understanding.
"""

import jax, jax.numpy as jnp
import numpy as np

B, S, D = 1, 2048, 768
E, TOPK = 8, 2
DFF = 1536
JITTER = 0.01


def setup_inputs(seed: int = 0) -> dict:
    key = jax.random.key(seed)
    k0, k1, k2, k3, k4 = jax.random.split(key, 5)
    hidden_states = jax.random.normal(k0, (B, S, D), dtype=jnp.float32)
    Wg = jax.random.normal(k1, (E, D), dtype=jnp.float32) * 0.02
    W1 = jax.random.normal(k2, (E, DFF, D), dtype=jnp.float32) * 0.02
    W3 = jax.random.normal(k3, (E, DFF, D), dtype=jnp.float32) * 0.02
    W2 = jax.random.normal(k4, (E, D, DFF), dtype=jnp.float32) * 0.02
    return {"hidden_states": hidden_states, "Wg": Wg, "W1": W1, "W3": W3, "W2": W2}


def _sparsemixer_inference(scores, jitter_eps):
    # faithful to masked_sampling_omp_inference / sparsemixer eval path (top_k=2)
    vals, idx = jax.lax.top_k(scores, 2)
    # --- first expert ---
    t1 = vals[:, 0:1]
    factor1 = jnp.maximum(jnp.abs(scores), t1)  # scores.abs().clamp(min=t1)
    mask1 = ((t1 - scores) / factor1) > (2.0 * jitter_eps)
    p1 = jax.nn.softmax(jnp.where(mask1, -jnp.inf, scores), axis=-1)
    m1 = jnp.take_along_axis(p1, idx[:, 0:1], axis=-1)
    # --- second expert: scatter -inf at first selected expert ---
    first_oh = jax.nn.one_hot(idx[:, 0], scores.shape[-1], dtype=jnp.bool_)
    scores2 = jnp.where(first_oh, -jnp.inf, scores)
    t2 = vals[:, 1:2]
    factor2 = jnp.maximum(jnp.abs(scores), t2)
    mask2 = ((t2 - scores) / factor2) > (2.0 * jitter_eps)
    p2 = jax.nn.softmax(jnp.where(mask2, -jnp.inf, scores2), axis=-1)
    m2 = jnp.take_along_axis(p2, idx[:, 1:2], axis=-1)
    multiplier = jnp.concatenate([m1, m2], axis=-1)
    return multiplier, idx


def reference(hidden_states, Wg, W1, W3, W2):
    b, s, d = hidden_states.shape
    x = hidden_states.reshape(-1, d)
    router_logits = x @ Wg.T  # [T, E]
    multiplier, idx = _sparsemixer_inference(router_logits, JITTER)
    final = jnp.zeros_like(x)
    for e in range(E):
        h = jax.nn.silu(x @ W1[e].T) * (x @ W3[e].T)
        out_e = h @ W2[e].T
        w_e = jnp.sum(jnp.where(idx == e, multiplier, 0.0), axis=-1)
        final = final + w_e[:, None] * out_e
    return final.reshape(b, s, d), router_logits

if __name__ == "__main__":
    import jax
    _d = setup_inputs()
    print(jax.jit(kernel)(*tuple(_d.values())))

</pallas_src>

<mosaic_0001>
#map = affine_map<(d0, d1) -> (0, 0)>
#map1 = affine_map<(d0, d1) -> (0)>
module attributes {stable_mosaic.version = 14 : i64} {
  func.func @_dispatch_body(%arg0: i32, %arg1: i32, %arg2: memref<8x2048xf32, #tpu.memory_space<hbm>>, %arg3: memref<6144xf32, #tpu.memory_space<hbm>>, %arg4: memref<2048xi32, #tpu.memory_space<hbm>>, %arg5: memref<2048xi32, #tpu.memory_space<hbm>>, %arg6: memref<32xi32, #tpu.memory_space<hbm>>, %arg7: memref<16xi32, #tpu.memory_space<hbm>>, %arg8: memref<8x2048xf32, #tpu.memory_space<vmem>>, %arg9: memref<6144xf32, #tpu.memory_space<vmem>>, %arg10: memref<2048xi32, #tpu.memory_space<vmem>>, %arg11: memref<2048xi32, #tpu.memory_space<vmem>>, %arg12: memref<2048xi32, #tpu.memory_space<vmem>>, %arg13: memref<32xi32, #tpu.memory_space<vmem>>, %arg14: memref<16xi32, #tpu.memory_space<vmem>>, %arg15: memref<!tpu.dma_semaphore, #tpu.memory_space<semaphore_mem>>) attributes {dimension_semantics = [#tpu.dimension_semantics<core_parallel>, #tpu.dimension_semantics<subcore_parallel>], iteration_bounds = array<i64: 2, 16>, scalar_prefetch = 0 : i64, scratch_operands = 8 : i64, tpu.core_type = #tpu.core_type<sc_vector_subcore>, window_params = [{transform_indices = #map}, {transform_indices = #map1}, {transform_indices = #map1}, {transform_indices = #map1}, {transform_indices = #map1}, {transform_indices = #map1}]} {
    %eq3A = arith.constant 0 : i32
    %eq3A_0 = arith.cmpi eq, %arg0, %eq3A : i32
    %eq3A_1 = arith.constant 0 : i32
    %eq3A_2 = arith.cmpi eq, %arg1, %eq3A_1 : i32
    %and3A = arith.andi %eq3A_0, %eq3A_2 : i1
    %convert_element_type3A = arith.extui %and3A : i1 to i32
    %cond3A = arith.constant 0 : i32
    %cond3A_3 = arith.cmpi ne, %convert_element_type3A, %cond3A : i32
    scf.if %cond3A_3 {
      "tpu.region"() ({
        %run_scoped3A = tpu.sem_alloc : memref<!tpu.dma_semaphore, #tpu.memory_space<semaphore_mem>>
        tpu.enqueue_dma source(%arg2 : memref<8x2048xf32, #tpu.memory_space<hbm>>) target(%arg8 : memref<8x2048xf32, #tpu.memory_space<vmem>>) target_semaphore(%run_scoped3A : memref<!tpu.dma_semaphore, #tpu.memory_space<semaphore_mem>>)
        tpu.wait_dma2 semaphore(%run_scoped3A : memref<!tpu.dma_semaphore, #tpu.memory_space<semaphore_mem>>) src(%arg2 : memref<8x2048xf32, #tpu.memory_space<hbm>>) dst(%arg8 : memref<8x2048xf32, #tpu.memory_space<vmem>>)
        tpu.yield
      }) : () -> ()
      %broadcast_in_dim3A = arith.constant 0 : i32
      %broadcast_in_dim3A_4 = vector.broadcast %broadcast_in_dim3A : i32 to vector<16xi32>
      %scan3A = arith.constant 0 : i32
      %scan3A_5 = arith.constant 0 : i32
      %scan3A_6 = arith.constant 128 : i32
      %scan3A_7 = arith.addi %scan3A_5, %scan3A_6 : i32
      %scan3A_8 = arith.constant 1 : i32
      %scan3A_9 = scf.for %scan3A_444 = %scan3A_5 to %scan3A_7 step %scan3A_8 iter_args(%scan3A_445 = %scan3A) -> (i32)  : i32 {
        %mul3A_446 = arith.constant 16 : i32
        %mul3A_447 = arith.muli %scan3A_444, %mul3A_446 : i32
        %swap3A_448 = arith.index_cast %mul3A_447 : i32 to index
        %swap3A_449 = tpu.vector_load %arg12[%swap3A_448] {strides = array<i32>} : memref<2048xi32, #tpu.memory_space<vmem>>, vector<16xi32>,
        tpu.vector_store %arg12[%swap3A_448], %broadcast_in_dim3A_4 {strides = array<i32>} : memref<2048xi32, #tpu.memory_space<vmem>>, vector<16xi32>,
        %scan3A_450 = arith.constant 0 : i32
        scf.yield %scan3A_450 : i32
      }
      %scan3A_10 = arith.constant 128 : i32
      %scan3A_11 = arith.constant 0 : i32
      %scan3A_12 = arith.constant 0 : i32
      %scan3A_13 = arith.constant 128 : i32
      %scan3A_14 = arith.addi %scan3A_12, %scan3A_13 : i32
      %scan3A_15 = arith.constant 1 : i32
      %scan3A_16 = scf.for %scan3A_444 = %scan3A_12 to %scan3A_14 step %scan3A_15 iter_args(%scan3A_445 = %scan3A_11) -> (i32)  : i32 {
        %mul3A_446 = arith.constant 16 : i32
        %mul3A_447 = arith.muli %scan3A_444, %mul3A_446 : i32
        %get3A = arith.constant 0 : i32
        %get3A_448 = arith.index_cast %get3A : i32 to index
        %get3A_449 = arith.index_cast %mul3A_447 : i32 to index
        %get3A_450 = tpu.vector_load %arg8[%get3A_448, %get3A_449] {strides = array<i32>} : memref<8x2048xf32, #tpu.memory_space<vmem>>, vector<16xf32>,
        %ne3A_451 = arith.constant 0.000000e+00 : f32
        %ne3A_452 = vector.broadcast %ne3A_451 : f32 to vector<16xf32>
        %ne3A_453 = arith.cmpf one, %get3A_450, %ne3A_452 : vector<16xf32>
        %convert_element_type3A_454 = arith.extui %ne3A_453 : vector<16xi1> to vector<16xi32>
        %reduce_sum3A = arith.constant true
        %reduce_sum3A_455 = vector.broadcast %reduce_sum3A : i1 to vector<16xi1>
        %reduce_sum3A_456 = tpu.scan <sum>, %convert_element_type3A_454 masked %reduce_sum3A_455 : vector<16xi32>, vector<16xi1> -> vector<16xi32>
        %reduce_sum3A_457 = vector.extract %reduce_sum3A_456[15] : i32 from vector<16xi32>
        %add3A_458 = arith.addi %scan3A_445, %reduce_sum3A_457 : i32
        scf.yield %add3A_458 : i32
      }
      %scan3A_17 = arith.constant 128 : i32
      %scan3A_18 = arith.constant 0 : i32
      %scan3A_19 = arith.constant 0 : i32
      %scan3A_20 = arith.constant 128 : i32
      %scan3A_21 = arith.addi %scan3A_19, %scan3A_20 : i32
      %scan3A_22 = arith.constant 1 : i32
      %scan3A_23 = scf.for %scan3A_444 = %scan3A_19 to %scan3A_21 step %scan3A_22 iter_args(%scan3A_445 = %scan3A_18) -> (i32)  : i32 {
        %mul3A_446 = arith.constant 16 : i32
        %mul3A_447 = arith.muli %scan3A_444, %mul3A_446 : i32
        %get3A = arith.constant 1 : i32
        %get3A_448 = arith.index_cast %get3A : i32 to index
        %get3A_449 = arith.index_cast %mul3A_447 : i32 to index
        %get3A_450 = tpu.vector_load %arg8[%get3A_448, %get3A_449] {strides = array<i32>} : memref<8x2048xf32, #tpu.memory_space<vmem>>, vector<16xf32>,
        %ne3A_451 = arith.constant 0.000000e+00 : f32
        %ne3A_452 = vector.broadcast %ne3A_451 : f32 to vector<16xf32>
        %ne3A_453 = arith.cmpf one, %get3A_450, %ne3A_452 : vector<16xf32>
        %convert_element_type3A_454 = arith.extui %ne3A_453 : vector<16xi1> to vector<16xi32>
        %reduce_sum3A = arith.constant true
        %reduce_sum3A_455 = vector.broadcast %reduce_sum3A : i1 to vector<16xi1>
        %reduce_sum3A_456 = tpu.scan <sum>, %convert_element_type3A_454 masked %reduce_sum3A_455 : vector<16xi32>, vector<16xi1> -> vector<16xi32>
        %reduce_sum3A_457 = vector.extract %reduce_sum3A_456[15] : i32 from vector<16xi32>
        %add3A_458 = arith.addi %scan3A_445, %reduce_sum3A_457 : i32
        scf.yield %add3A_458 : i32
      }
      %scan3A_24 = arith.constant 128 : i32
      %scan3A_25 = arith.constant 0 : i32
      %scan3A_26 = arith.constant 0 : i32
      %scan3A_27 = arith.constant 128 : i32
      %scan3A_28 = arith.addi %scan3A_26, %scan3A_27 : i32
      %scan3A_29 = arith.constant 1 : i32
      %scan3A_30 = scf.for %scan3A_444 = %scan3A_26 to %scan3A_28 step %scan3A_29 iter_args(%scan3A_445 = %scan3A_25) -> (i32)  : i32 {
        %mul3A_446 = arith.constant 16 : i32
        %mul3A_447 = arith.muli %scan3A_444, %mul3A_446 : i32
        %get3A = arith.constant 2 : i32
        %get3A_448 = arith.index_cast %get3A : i32 to index
        %get3A_449 = arith.index_cast %mul3A_447 : i32 to index
        %get3A_450 = tpu.vector_load %arg8[%get3A_448, %get3A_449] {strides = array<i32>} : memref<8x2048xf32, #tpu.memory_space<vmem>>, vector<16xf32>,
        %ne3A_451 = arith.constant 0.000000e+00 : f32
        %ne3A_452 = vector.broadcast %ne3A_451 : f32 to vector<16xf32>
        %ne3A_453 = arith.cmpf one, %get3A_450, %ne3A_452 : vector<16xf32>
        %convert_element_type3A_454 = arith.extui %ne3A_453 : vector<16xi1> to vector<16xi32>
        %reduce_sum3A = arith.constant true
        %reduce_sum3A_455 = vector.broadcast %reduce_sum3A : i1 to vector<16xi1>
        %reduce_sum3A_456 = tpu.scan <sum>, %convert_element_type3A_454 masked %reduce_sum3A_455 : vector<16xi32>, vector<16xi1> -> vector<16xi32>
        %reduce_sum3A_457 = vector.extract %reduce_sum3A_456[15] : i32 from vector<16xi32>
        %add3A_458 = arith.addi %scan3A_445, %reduce_sum3A_457 : i32
        scf.yield %add3A_458 : i32
      }
      %scan3A_31 = arith.constant 128 : i32
      %scan3A_32 = arith.constant 0 : i32
      %scan3A_33 = arith.constant 0 : i32
      %scan3A_34 = arith.constant 128 : i32
      %scan3A_35 = arith.addi %scan3A_33, %scan3A_34 : i32
      %scan3A_36 = arith.constant 1 : i32
      %scan3A_37 = scf.for %scan3A_444 = %scan3A_33 to %scan3A_35 step %scan3A_36 iter_args(%scan3A_445 = %scan3A_32) -> (i32)  : i32 {
        %mul3A_446 = arith.constant 16 : i32
        %mul3A_447 = arith.muli %scan3A_444, %mul3A_446 : i32
        %get3A = arith.constant 3 : i32
        %get3A_448 = arith.index_cast %get3A : i32 to index
        %get3A_449 = arith.index_cast %mul3A_447 : i32 to index
        %get3A_450 = tpu.vector_load %arg8[%get3A_448, %get3A_449] {strides = array<i32>} : memref<8x2048xf32, #tpu.memory_space<vmem>>, vector<16xf32>,
        %ne3A_451 = arith.constant 0.000000e+00 : f32
        %ne3A_452 = vector.broadcast %ne3A_451 : f32 to vector<16xf32>
        %ne3A_453 = arith.cmpf one, %get3A_450, %ne3A_452 : vector<16xf32>
        %convert_element_type3A_454 = arith.extui %ne3A_453 : vector<16xi1> to vector<16xi32>
        %reduce_sum3A = arith.constant true
        %reduce_sum3A_455 = vector.broadcast %reduce_sum3A : i1 to vector<16xi1>
        %reduce_sum3A_456 = tpu.scan <sum>, %convert_element_type3A_454 masked %reduce_sum3A_455 : vector<16xi32>, vector<16xi1> -> vector<16xi32>
        %reduce_sum3A_457 = vector.extract %reduce_sum3A_456[15] : i32 from vector<16xi32>
        %add3A_458 = arith.addi %scan3A_445, %reduce_sum3A_457 : i32
        scf.yield %add3A_458 : i32
      }
      %scan3A_38 = arith.constant 128 : i32
      %scan3A_39 = arith.constant 0 : i32
      %scan3A_40 = arith.constant 0 : i32
      %scan3A_41 = arith.constant 128 : i32
      %scan3A_42 = arith.addi %scan3A_40, %scan3A_41 : i32
      %scan3A_43 = arith.constant 1 : i32
      %scan3A_44 = scf.for %scan3A_444 = %scan3A_40 to %scan3A_42 step %scan3A_43 iter_args(%scan3A_445 = %scan3A_39) -> (i32)  : i32 {
        %mul3A_446 = arith.constant 16 : i32
        %mul3A_447 = arith.muli %scan3A_444, %mul3A_446 : i32
        %get3A = arith.constant 4 : i32
        %get3A_448 = arith.index_cast %get3A : i32 to index
        %get3A_449 = arith.index_cast %mul3A_447 : i32 to index
        %get3A_450 = tpu.vector_load %arg8[%get3A_448, %get3A_449] {strides = array<i32>} : memref<8x2048xf32, #tpu.memory_space<vmem>>, vector<16xf32>,
        %ne3A_451 = arith.constant 0.000000e+00 : f32
        %ne3A_452 = vector.broadcast %ne3A_451 : f32 to vector<16xf32>
        %ne3A_453 = arith.cmpf one, %get3A_450, %ne3A_452 : vector<16xf32>
        %convert_element_type3A_454 = arith.extui %ne3A_453 : vector<16xi1> to vector<16xi32>
        %reduce_sum3A = arith.constant true
        %reduce_sum3A_455 = vector.broadcast %reduce_sum3A : i1 to vector<16xi1>
        %reduce_sum3A_456 = tpu.scan <sum>, %convert_element_type3A_454 masked %reduce_sum3A_455 : vector<16xi32>, vector<16xi1> -> vector<16xi32>
        %reduce_sum3A_457 = vector.extract %reduce_sum3A_456[15] : i32 from vector<16xi32>
        %add3A_458 = arith.addi %scan3A_445, %reduce_sum3A_457 : i32
        scf.yield %add3A_458 : i32
      }
      %scan3A_45 = arith.constant 128 : i32
      %scan3A_46 = arith.constant 0 : i32
      %scan3A_47 = arith.constant 0 : i32
      %scan3A_48 = arith.constant 128 : i32
      %scan3A_49 = arith.addi %scan3A_47, %scan3A_48 : i32
      %scan3A_50 = arith.constant 1 : i32
      %scan3A_51 = scf.for %scan3A_444 = %scan3A_47 to %scan3A_49 step %scan3A_50 iter_args(%scan3A_445 = %scan3A_46) -> (i32)  : i32 {
        %mul3A_446 = arith.constant 16 : i32
        %mul3A_447 = arith.muli %scan3A_444, %mul3A_446 : i32
        %get3A = arith.constant 5 : i32
        %get3A_448 = arith.index_cast %get3A : i32 to index
        %get3A_449 = arith.index_cast %mul3A_447 : i32 to index
        %get3A_450 = tpu.vector_load %arg8[%get3A_448, %get3A_449] {strides = array<i32>} : memref<8x2048xf32, #tpu.memory_space<vmem>>, vector<16xf32>,
        %ne3A_451 = arith.constant 0.000000e+00 : f32
        %ne3A_452 = vector.broadcast %ne3A_451 : f32 to vector<16xf32>
        %ne3A_453 = arith.cmpf one, %get3A_450, %ne3A_452 : vector<16xf32>
        %convert_element_type3A_454 = arith.extui %ne3A_453 : vector<16xi1> to vector<16xi32>
        %reduce_sum3A = arith.constant true
        %reduce_sum3A_455 = vector.broadcast %reduce_sum3A : i1 to vector<16xi1>
        %reduce_sum3A_456 = tpu.scan <sum>, %convert_element_type3A_454 masked %reduce_sum3A_455 : vector<16xi32>, vector<16xi1> -> vector<16xi32>
        %reduce_sum3A_457 = vector.extract %reduce_sum3A_456[15] : i32 from vector<16xi32>
        %add3A_458 = arith.addi %scan3A_445, %reduce_sum3A_457 : i32
        scf.yield %add3A_458 : i32
      }
      %scan3A_52 = arith.constant 128 : i32
      %scan3A_53 = arith.constant 0 : i32
      %scan3A_54 = arith.constant 0 : i32
      %scan3A_55 = arith.constant 128 : i32
      %scan3A_56 = arith.addi %scan3A_54, %scan3A_55 : i32
      %scan3A_57 = arith.constant 1 : i32
      %scan3A_58 = scf.for %scan3A_444 = %scan3A_54 to %scan3A_56 step %scan3A_57 iter_args(%scan3A_445 = %scan3A_53) -> (i32)  : i32 {
        %mul3A_446 = arith.constant 16 : i32
        %mul3A_447 = arith.muli %scan3A_444, %mul3A_446 : i32
        %get3A = arith.constant 6 : i32
        %get3A_448 = arith.index_cast %get3A : i32 to index
        %get3A_449 = arith.index_cast %mul3A_447 : i32 to index
        %get3A_450 = tpu.vector_load %arg8[%get3A_448, %get3A_449] {strides = array<i32>} : memref<8x2048xf32, #tpu.memory_space<vmem>>, vector<16xf32>,
        %ne3A_451 = arith.constant 0.000000e+00 : f32
        %ne3A_452 = vector.broadcast %ne3A_451 : f32 to vector<16xf32>
        %ne3A_453 = arith.cmpf one, %get3A_450, %ne3A_452 : vector<16xf32>
        %convert_element_type3A_454 = arith.extui %ne3A_453 : vector<16xi1> to vector<16xi32>
        %reduce_sum3A = arith.constant true
        %reduce_sum3A_455 = vector.broadcast %reduce_sum3A : i1 to vector<16xi1>
        %reduce_sum3A_456 = tpu.scan <sum>, %convert_element_type3A_454 masked %reduce_sum3A_455 : vector<16xi32>, vector<16xi1> -> vector<16xi32>
        %reduce_sum3A_457 = vector.extract %reduce_sum3A_456[15] : i32 from vector<16xi32>
        %add3A_458 = arith.addi %scan3A_445, %reduce_sum3A_457 : i32
        scf.yield %add3A_458 : i32
      }
      %scan3A_59 = arith.constant 128 : i32
      %scan3A_60 = arith.constant 0 : i32
      %scan3A_61 = arith.constant 0 : i32
      %scan3A_62 = arith.constant 128 : i32
      %scan3A_63 = arith.addi %scan3A_61, %scan3A_62 : i32
      %scan3A_64 = arith.constant 1 : i32
      %scan3A_65 = scf.for %scan3A_444 = %scan3A_61 to %scan3A_63 step %scan3A_64 iter_args(%scan3A_445 = %scan3A_60) -> (i32)  : i32 {
        %mul3A_446 = arith.constant 16 : i32
        %mul3A_447 = arith.muli %scan3A_444, %mul3A_446 : i32
        %get3A = arith.constant 7 : i32
        %get3A_448 = arith.index_cast %get3A : i32 to index
        %get3A_449 = arith.index_cast %mul3A_447 : i32 to index
        %get3A_450 = tpu.vector_load %arg8[%get3A_448, %get3A_449] {strides = array<i32>} : memref<8x2048xf32, #tpu.memory_space<vmem>>, vector<16xf32>,
        %ne3A_451 = arith.constant 0.000000e+00 : f32
        %ne3A_452 = vector.broadcast %ne3A_451 : f32 to vector<16xf32>
        %ne3A_453 = arith.cmpf one, %get3A_450, %ne3A_452 : vector<16xf32>
        %convert_element_type3A_454 = arith.extui %ne3A_453 : vector<16xi1> to vector<16xi32>
        %reduce_sum3A = arith.constant true
        %reduce_sum3A_455 = vector.broadcast %reduce_sum3A : i1 to vector<16xi1>
        %reduce_sum3A_456 = tpu.scan <sum>, %convert_element_type3A_454 masked %reduce_sum3A_455 : vector<16xi32>, vector<16xi1> -> vector<16xi32>
        %reduce_sum3A_457 = vector.extract %reduce_sum3A_456[15] : i32 from vector<16xi32>
        %add3A_458 = arith.addi %scan3A_445, %reduce_sum3A_457 : i32
        scf.yield %add3A_458 : i32
      }
      %scan3A_66 = arith.constant 128 : i32
      %add3A = arith.constant 256 : i32
      %add3A_67 = arith.addi %scan3A_16, %add3A : i32
      %sub3A = arith.constant 1 : i32
      %sub3A_68 = arith.subi %add3A_67, %sub3A : i32
      %jit3A = arith.constant 256 : i32
      %div3A = arith.divsi %sub3A_68, %jit3A : i32
      %sign3A = arith.constant 0 : i32
      %sign3A_69 = arith.cmpi sgt, %sub3A_68, %sign3A : i32
      %sign3A_70 = arith.extui %sign3A_69 : i1 to i32
      %sign3A_71 = arith.constant 0 : i32
      %sign3A_72 = arith.cmpi slt, %sub3A_68, %sign3A_71 : i32
      %sign3A_73 = arith.extui %sign3A_72 : i1 to i32
      %sign3A_74 = arith.subi %sign3A_70, %sign3A_73 : i32
      %sign3A_75 = arith.constant 0 : i32
      %sign3A_76 = arith.cmpi sgt, %jit3A, %sign3A_75 : i32
      %sign3A_77 = arith.extui %sign3A_76 : i1 to i32
      %sign3A_78 = arith.constant 0 : i32
      %sign3A_79 = arith.cmpi slt, %jit3A, %sign3A_78 : i32
      %sign3A_80 = arith.extui %sign3A_79 : i1 to i32
      %sign3A_81 = arith.subi %sign3A_77, %sign3A_80 : i32
      %ne3A = arith.cmpi ne, %sign3A_74, %sign3A_81 : i32
      %rem3A = arith.remsi %sub3A_68, %jit3A : i32
      %ne3A_82 = arith.constant 0 : i32
      %ne3A_83 = arith.cmpi ne, %rem3A, %ne3A_82 : i32
      %and3A_84 = arith.andi %ne3A, %ne3A_83 : i1
      %sub3A_85 = arith.constant 1 : i32
      %sub3A_86 = arith.subi %div3A, %sub3A_85 : i32
      %select_n3A = arith.select %and3A_84, %sub3A_86, %div3A : i32
      %add3A_87 = arith.constant 256 : i32
      %add3A_88 = arith.addi %scan3A_23, %add3A_87 : i32
      %sub3A_89 = arith.constant 1 : i32
      %sub3A_90 = arith.subi %add3A_88, %sub3A_89 : i32
      %jit3A_91 = arith.constant 256 : i32
      %div3A_92 = arith.divsi %sub3A_90, %jit3A_91 : i32
      %sign3A_93 = arith.constant 0 : i32
      %sign3A_94 = arith.cmpi sgt, %sub3A_90, %sign3A_93 : i32
      %sign3A_95 = arith.extui %sign3A_94 : i1 to i32
      %sign3A_96 = arith.constant 0 : i32
      %sign3A_97 = arith.cmpi slt, %sub3A_90, %sign3A_96 : i32
      %sign3A_98 = arith.extui %sign3A_97 : i1 to i32
      %sign3A_99 = arith.subi %sign3A_95, %sign3A_98 : i32
      %sign3A_100 = arith.constant 0 : i32
      %sign3A_101 = arith.cmpi sgt, %jit3A_91, %sign3A_100 : i32
      %sign3A_102 = arith.extui %sign3A_101 : i1 to i32
      %sign3A_103 = arith.constant 0 : i32
      %sign3A_104 = arith.cmpi slt, %jit3A_91, %sign3A_103 : i32
      %sign3A_105 = arith.extui %sign3A_104 : i1 to i32
      %sign3A_106 = arith.subi %sign3A_102, %sign3A_105 : i32
      %ne3A_107 = arith.cmpi ne, %sign3A_99, %sign3A_106 : i32
      %rem3A_108 = arith.remsi %sub3A_90, %jit3A_91 : i32
      %ne3A_109 = arith.constant 0 : i32
      %ne3A_110 = arith.cmpi ne, %rem3A_108, %ne3A_109 : i32
      %and3A_111 = arith.andi %ne3A_107, %ne3A_110 : i1
      %sub3A_112 = arith.constant 1 : i32
      %sub3A_113 = arith.subi %div3A_92, %sub3A_112 : i32
      %select_n3A_114 = arith.select %and3A_111, %sub3A_113, %div3A_92 : i32
      %add3A_115 = arith.constant 256 : i32
      %add3A_116 = arith.addi %scan3A_30, %add3A_115 : i32
      %sub3A_117 = arith.constant 1 : i32
      %sub3A_118 = arith.subi %add3A_116, %sub3A_117 : i32
      %jit3A_119 = arith.constant 256 : i32
      %div3A_120 = arith.divsi %sub3A_118, %jit3A_119 : i32
      %sign3A_121 = arith.constant 0 : i32
      %sign3A_122 = arith.cmpi sgt, %sub3A_118, %sign3A_121 : i32
      %sign3A_123 = arith.extui %sign3A_122 : i1 to i32
      %sign3A_124 = arith.constant 0 : i32
      %sign3A_125 = arith.cmpi slt, %sub3A_118, %sign3A_124 : i32
      %sign3A_126 = arith.extui %sign3A_125 : i1 to i32
      %sign3A_127 = arith.subi %sign3A_123, %sign3A_126 : i32
      %sign3A_128 = arith.constant 0 : i32
      %sign3A_129 = arith.cmpi sgt, %jit3A_119, %sign3A_128 : i32
      %sign3A_130 = arith.extui %sign3A_129 : i1 to i32
      %sign3A_131 = arith.constant 0 : i32
      %sign3A_132 = arith.cmpi slt, %jit3A_119, %sign3A_131 : i32
      %sign3A_133 = arith.extui %sign3A_132 : i1 to i32
      %sign3A_134 = arith.subi %sign3A_130, %sign3A_133 : i32
      %ne3A_135 = arith.cmpi ne, %sign3A_127, %sign3A_134 : i32
      %rem3A_136 = arith.remsi %sub3A_118, %jit3A_119 : i32
      %ne3A_137 = arith.constant 0 : i32
      %ne3A_138 = arith.cmpi ne, %rem3A_136, %ne3A_137 : i32
      %and3A_139 = arith.andi %ne3A_135, %ne3A_138 : i1
      %sub3A_140 = arith.constant 1 : i32
      %sub3A_141 = arith.subi %div3A_120, %sub3A_140 : i32
      %select_n3A_142 = arith.select %and3A_139, %sub3A_141, %div3A_120 : i32
      %add3A_143 = arith.constant 256 : i32
      %add3A_144 = arith.addi %scan3A_37, %add3A_143 : i32
      %sub3A_145 = arith.constant 1 : i32
      %sub3A_146 = arith.subi %add3A_144, %sub3A_145 : i32
      %jit3A_147 = arith.constant 256 : i32
      %div3A_148 = arith.divsi %sub3A_146, %jit3A_147 : i32
      %sign3A_149 = arith.constant 0 : i32
      %sign3A_150 = arith.cmpi sgt, %sub3A_146, %sign3A_149 : i32
      %sign3A_151 = arith.extui %sign3A_150 : i1 to i32
      %sign3A_152 = arith.constant 0 : i32
      %sign3A_153 = arith.cmpi slt, %sub3A_146, %sign3A_152 : i32
      %sign3A_154 = arith.extui %sign3A_153 : i1 to i32
      %sign3A_155 = arith.subi %sign3A_151, %sign3A_154 : i32
      %sign3A_156 = arith.constant 0 : i32
      %sign3A_157 = arith.cmpi sgt, %jit3A_147, %sign3A_156 : i32
      %sign3A_158 = arith.extui %sign3A_157 : i1 to i32
      %sign3A_159 = arith.constant 0 : i32
      %sign3A_160 = arith.cmpi slt, %jit3A_147, %sign3A_159 : i32
      %sign3A_161 = arith.extui %sign3A_160 : i1 to i32
      %sign3A_162 = arith.subi %sign3A_158, %sign3A_161 : i32
      %ne3A_163 = arith.cmpi ne, %sign3A_155, %sign3A_162 : i32
      %rem3A_164 = arith.remsi %sub3A_146, %jit3A_147 : i32
      %ne3A_165 = arith.constant 0 : i32
      %ne3A_166 = arith.cmpi ne, %rem3A_164, %ne3A_165 : i32
      %and3A_167 = arith.andi %ne3A_163, %ne3A_166 : i1
      %sub3A_168 = arith.constant 1 : i32
      %sub3A_169 = arith.subi %div3A_148, %sub3A_168 : i32
      %select_n3A_170 = arith.select %and3A_167, %sub3A_169, %div3A_148 : i32
      %add3A_171 = arith.constant 256 : i32
      %add3A_172 = arith.addi %scan3A_44, %add3A_171 : i32
      %sub3A_173 = arith.constant 1 : i32
      %sub3A_174 = arith.subi %add3A_172, %sub3A_173 : i32
      %jit3A_175 = arith.constant 256 : i32
      %div3A_176 = arith.divsi %sub3A_174, %jit3A_175 : i32
      %sign3A_177 = arith.constant 0 : i32
      %sign3A_178 = arith.cmpi sgt, %sub3A_174, %sign3A_177 : i32
      %sign3A_179 = arith.extui %sign3A_178 : i1 to i32
      %sign3A_180 = arith.constant 0 : i32
      %sign3A_181 = arith.cmpi slt, %sub3A_174, %sign3A_180 : i32
      %sign3A_182 = arith.extui %sign3A_181 : i1 to i32
      %sign3A_183 = arith.subi %sign3A_179, %sign3A_182 : i32
      %sign3A_184 = arith.constant 0 : i32
      %sign3A_185 = arith.cmpi sgt, %jit3A_175, %sign3A_184 : i32
      %sign3A_186 = arith.extui %sign3A_185 : i1 to i32
      %sign3A_187 = arith.constant 0 : i32
      %sign3A_188 = arith.cmpi slt, %jit3A_175, %sign3A_187 : i32
      %sign3A_189 = arith.extui %sign3A_188 : i1 to i32
      %sign3A_190 = arith.subi %sign3A_186, %sign3A_189 : i32
      %ne3A_191 = arith.cmpi ne, %sign3A_183, %sign3A_190 : i32
      %rem3A_192 = arith.remsi %sub3A_174, %jit3A_175 : i32
      %ne3A_193 = arith.constant 0 : i32
      %ne3A_194 = arith.cmpi ne, %rem3A_192, %ne3A_193 : i32
      %and3A_195 = arith.andi %ne3A_191, %ne3A_194 : i1
      %sub3A_196 = arith.constant 1 : i32
      %sub3A_197 = arith.subi %div3A_176, %sub3A_196 : i32
      %select_n3A_198 = arith.select %and3A_195, %sub3A_197, %div3A_176 : i32
      %add3A_199 = arith.constant 256 : i32
      %add3A_200 = arith.addi %scan3A_51, %add3A_199 : i32
      %sub3A_201 = arith.constant 1 : i32
      %sub3A_202 = arith.subi %add3A_200, %sub3A_201 : i32
      %jit3A_203 = arith.constant 256 : i32
      %div3A_204 = arith.divsi %sub3A_202, %jit3A_203 : i32
      %sign3A_205 = arith.constant 0 : i32
      %sign3A_206 = arith.cmpi sgt, %sub3A_202, %sign3A_205 : i32
      %sign3A_207 = arith.extui %sign3A_206 : i1 to i32
      %sign3A_208 = arith.constant 0 : i32
      %sign3A_209 = arith.cmpi slt, %sub3A_202, %sign3A_208 : i32
      %sign3A_210 = arith.extui %sign3A_209 : i1 to i32
      %sign3A_211 = arith.subi %sign3A_207, %sign3A_210 : i32
      %sign3A_212 = arith.constant 0 : i32
      %sign3A_213 = arith.cmpi sgt, %jit3A_203, %sign3A_212 : i32
      %sign3A_214 = arith.extui %sign3A_213 : i1 to i32
      %sign3A_215 = arith.constant 0 : i32
      %sign3A_216 = arith.cmpi slt, %jit3A_203, %sign3A_215 : i32
      %sign3A_217 = arith.extui %sign3A_216 : i1 to i32
      %sign3A_218 = arith.subi %sign3A_214, %sign3A_217 : i32
      %ne3A_219 = arith.cmpi ne, %sign3A_211, %sign3A_218 : i32
      %rem3A_220 = arith.remsi %sub3A_202, %jit3A_203 : i32
      %ne3A_221 = arith.constant 0 : i32
      %ne3A_222 = arith.cmpi ne, %rem3A_220, %ne3A_221 : i32
      %and3A_223 = arith.andi %ne3A_219, %ne3A_222 : i1
      %sub3A_224 = arith.constant 1 : i32
      %sub3A_225 = arith.subi %div3A_204, %sub3A_224 : i32
      %select_n3A_226 = arith.select %and3A_223, %sub3A_225, %div3A_204 : i32
      %add3A_227 = arith.constant 256 : i32
      %add3A_228 = arith.addi %scan3A_58, %add3A_227 : i32
      %sub3A_229 = arith.constant 1 : i32
      %sub3A_230 = arith.subi %add3A_228, %sub3A_229 : i32
      %jit3A_231 = arith.constant 256 : i32
      %div3A_232 = arith.divsi %sub3A_230, %jit3A_231 : i32
      %sign3A_233 = arith.constant 0 : i32
      %sign3A_234 = arith.cmpi sgt, %sub3A_230, %sign3A_233 : i32
      %sign3A_235 = arith.extui %sign3A_234 : i1 to i32
      %sign3A_236 = arith.constant 0 : i32
      %sign3A_237 = arith.cmpi slt, %sub3A_230, %sign3A_236 : i32
      %sign3A_238 = arith.extui %sign3A_237 : i1 to i32
      %sign3A_239 = arith.subi %sign3A_235, %sign3A_238 : i32
      %sign3A_240 = arith.constant 0 : i32
      %sign3A_241 = arith.cmpi sgt, %jit3A_231, %sign3A_240 : i32
      %sign3A_242 = arith.extui %sign3A_241 : i1 to i32
      %sign3A_243 = arith.constant 0 : i32
      %sign3A_244 = arith.cmpi slt, %jit3A_231, %sign3A_243 : i32
      %sign3A_245 = arith.extui %sign3A_244 : i1 to i32
      %sign3A_246 = arith.subi %sign3A_242, %sign3A_245 : i32
      %ne3A_247 = arith.cmpi ne, %sign3A_239, %sign3A_246 : i32
      %rem3A_248 = arith.remsi %sub3A_230, %jit3A_231 : i32
      %ne3A_249 = arith.constant 0 : i32
      %ne3A_250 = arith.cmpi ne, %rem3A_248, %ne3A_249 : i32
      %and3A_251 = arith.andi %ne3A_247, %ne3A_250 : i1
      %sub3A_252 = arith.constant 1 : i32
      %sub3A_253 = arith.subi %div3A_232, %sub3A_252 : i32
      %select_n3A_254 = arith.select %and3A_251, %sub3A_253, %div3A_232 : i32
      %add3A_255 = arith.constant 256 : i32
      %add3A_256 = arith.addi %scan3A_65, %add3A_255 : i32
      %sub3A_257 = arith.constant 1 : i32
      %sub3A_258 = arith.subi %add3A_256, %sub3A_257 : i32
      %jit3A_259 = arith.constant 256 : i32
      %div3A_260 = arith.divsi %sub3A_258, %jit3A_259 : i32
      %sign3A_261 = arith.constant 0 : i32
      %sign3A_262 = arith.cmpi sgt, %sub3A_258, %sign3A_261 : i32
      %sign3A_263 = arith.extui %sign3A_262 : i1 to i32
      %sign3A_264 = arith.constant 0 : i32
      %sign3A_265 = arith.cmpi slt, %sub3A_258, %sign3A_264 : i32
      %sign3A_266 = arith.extui %sign3A_265 : i1 to i32
      %sign3A_267 = arith.subi %sign3A_263, %sign3A_266 : i32
      %sign3A_268 = arith.constant 0 : i32
      %sign3A_269 = arith.cmpi sgt, %jit3A_259, %sign3A_268 : i32
      %sign3A_270 = arith.extui %sign3A_269 : i1 to i32
      %sign3A_271 = arith.constant 0 : i32
      %sign3A_272 = arith.cmpi slt, %jit3A_259, %sign3A_271 : i32
      %sign3A_273 = arith.extui %sign3A_272 : i1 to i32
      %sign3A_274 = arith.subi %sign3A_270, %sign3A_273 : i32
      %ne3A_275 = arith.cmpi ne, %sign3A_267, %sign3A_274 : i32
      %rem3A_276 = arith.remsi %sub3A_258, %jit3A_259 : i32
      %ne3A_277 = arith.constant 0 : i32
      %ne3A_278 = arith.cmpi ne, %rem3A_276, %ne3A_277 : i32
      %and3A_279 = arith.andi %ne3A_275, %ne3A_278 : i1
      %sub3A_280 = arith.constant 1 : i32
      %sub3A_281 = arith.subi %div3A_260, %sub3A_280 : i32
      %select_n3A_282 = arith.select %and3A_279, %sub3A_281, %div3A_260 : i32
      %mul3A = arith.constant 256 : i32
      %mul3A_283 = arith.muli %select_n3A, %mul3A : i32
      %add3A_284 = arith.constant 0 : i32
      %add3A_285 = arith.addi %add3A_284, %mul3A_283 : i32
      %add3A_286 = arith.constant 0 : i32
      %add3A_287 = arith.addi %add3A_286, %select_n3A : i32
      %mul3A_288 = arith.constant 256 : i32
      %mul3A_289 = arith.muli %select_n3A_114, %mul3A_288 : i32
      %add3A_290 = arith.addi %add3A_285, %mul3A_289 : i32
      %add3A_291 = arith.addi %add3A_287, %select_n3A_114 : i32
      %mul3A_292 = arith.constant 256 : i32
      %mul3A_293 = arith.muli %select_n3A_142, %mul3A_292 : i32
      %add3A_294 = arith.addi %add3A_290, %mul3A_293 : i32
      %add3A_295 = arith.addi %add3A_291, %select_n3A_142 : i32
      %mul3A_296 = arith.constant 256 : i32
      %mul3A_297 = arith.muli %select_n3A_170, %mul3A_296 : i32
      %add3A_298 = arith.addi %add3A_294, %mul3A_297 : i32
      %add3A_299 = arith.addi %add3A_295, %select_n3A_170 : i32
      %mul3A_300 = arith.constant 256 : i32
      %mul3A_301 = arith.muli %select_n3A_198, %mul3A_300 : i32
      %add3A_302 = arith.addi %add3A_298, %mul3A_301 : i32
      %add3A_303 = arith.addi %add3A_299, %select_n3A_198 : i32
      %mul3A_304 = arith.constant 256 : i32
      %mul3A_305 = arith.muli %select_n3A_226, %mul3A_304 : i32
      %add3A_306 = arith.addi %add3A_302, %mul3A_305 : i32
      %add3A_307 = arith.addi %add3A_303, %select_n3A_226 : i32
      %mul3A_308 = arith.constant 256 : i32
      %mul3A_309 = arith.muli %select_n3A_254, %mul3A_308 : i32
      %add3A_310 = arith.addi %add3A_306, %mul3A_309 : i32
      %add3A_311 = arith.addi %add3A_307, %select_n3A_254 : i32
      %mul3A_312 = arith.constant 256 : i32
      %mul3A_313 = arith.muli %select_n3A_282, %mul3A_312 : i32
      %add3A_314 = arith.addi %add3A_310, %mul3A_313 : i32
      %add3A_315 = arith.addi %add3A_311, %select_n3A_282 : i32
      %iota3A = tpu.iota {dimensions = array<i32: 0>} : vector<16xi32>
      %add3A_316 = arith.constant 0 : i32
      %add3A_317 = vector.broadcast %add3A_316 : i32 to vector<16xi32>
      %add3A_318 = arith.addi %iota3A, %add3A_317 : vector<16xi32>
      %sub3A_319 = arith.constant 1 : i32
      %sub3A_320 = arith.subi %add3A_315, %sub3A_319 : i32
      %min3A = vector.broadcast %sub3A_320 : i32 to vector<16xi32>
      %min3A_321 = arith.minsi %add3A_318, %min3A : vector<16xi32>
      %broadcast_in_dim3A_322 = arith.constant 0 : i32
      %broadcast_in_dim3A_323 = vector.broadcast %broadcast_in_dim3A_322 : i32 to vector<16xi32>
      %ge3A = vector.broadcast %add3A_287 : i32 to vector<16xi32>
      %ge3A_324 = arith.cmpi sge, %min3A_321, %ge3A : vector<16xi32>
      %convert_element_type3A_325 = arith.extui %ge3A_324 : vector<16xi1> to vector<16xi32>
      %add3A_326 = arith.addi %broadcast_in_dim3A_323, %convert_element_type3A_325 : vector<16xi32>
      %ge3A_327 = vector.broadcast %add3A_291 : i32 to vector<16xi32>
      %ge3A_328 = arith.cmpi sge, %min3A_321, %ge3A_327 : vector<16xi32>
      %convert_element_type3A_329 = arith.extui %ge3A_328 : vector<16xi1> to vector<16xi32>
      %add3A_330 = arith.addi %add3A_326, %convert_element_type3A_329 : vector<16xi32>
      %ge3A_331 = vector.broadcast %add3A_295 : i32 to vector<16xi32>
      %ge3A_332 = arith.cmpi sge, %min3A_321, %ge3A_331 : vector<16xi32>
      %convert_element_type3A_333 = arith.extui %ge3A_332 : vector<16xi1> to vector<16xi32>
      %add3A_334 = arith.addi %add3A_330, %convert_element_type3A_333 : vector<16xi32>
      %ge3A_335 = vector.broadcast %add3A_299 : i32 to vector<16xi32>
      %ge3A_336 = arith.cmpi sge, %min3A_321, %ge3A_335 : vector<16xi32>
      %convert_element_type3A_337 = arith.extui %ge3A_336 : vector<16xi1> to vector<16xi32>
      %add3A_338 = arith.addi %add3A_334, %convert_element_type3A_337 : vector<16xi32>
      %ge3A_339 = vector.broadcast %add3A_303 : i32 to vector<16xi32>
      %ge3A_340 = arith.cmpi sge, %min3A_321, %ge3A_339 : vector<16xi32>
      %convert_element_type3A_341 = arith.extui %ge3A_340 : vector<16xi1> to vector<16xi32>
      %add3A_342 = arith.addi %add3A_338, %convert_element_type3A_341 : vector<16xi32>
      %ge3A_343 = vector.broadcast %add3A_307 : i32 to vector<16xi32>
      %ge3A_344 = arith.cmpi sge, %min3A_321, %ge3A_343 : vector<16xi32>
      %convert_element_type3A_345 = arith.extui %ge3A_344 : vector<16xi1> to vector<16xi32>
      %add3A_346 = arith.addi %add3A_342, %convert_element_type3A_345 : vector<16xi32>
      %ge3A_347 = vector.broadcast %add3A_311 : i32 to vector<16xi32>
      %ge3A_348 = arith.cmpi sge, %min3A_321, %ge3A_347 : vector<16xi32>
      %convert_element_type3A_349 = arith.extui %ge3A_348 : vector<16xi1> to vector<16xi32>
      %add3A_350 = arith.addi %add3A_346, %convert_element_type3A_349 : vector<16xi32>
      %swap3A = arith.constant 0 : index
      %swap3A_351 = tpu.vector_load %arg13[%swap3A] {strides = array<i32>} : memref<32xi32, #tpu.memory_space<vmem>>, vector<16xi32>,
      tpu.vector_store %arg13[%swap3A], %add3A_350 {strides = array<i32>} : memref<32xi32, #tpu.memory_space<vmem>>, vector<16xi32>,
      %iota3A_352 = tpu.iota {dimensions = array<i32: 0>} : vector<16xi32>
      %add3A_353 = arith.constant 16 : i32
      %add3A_354 = vector.broadcast %add3A_353 : i32 to vector<16xi32>
      %add3A_355 = arith.addi %iota3A_352, %add3A_354 : vector<16xi32>
      %sub3A_356 = arith.constant 1 : i32
      %sub3A_357 = arith.subi %add3A_315, %sub3A_356 : i32
      %min3A_358 = vector.broadcast %sub3A_357 : i32 to vector<16xi32>
      %min3A_359 = arith.minsi %add3A_355, %min3A_358 : vector<16xi32>
      %broadcast_in_dim3A_360 = arith.constant 0 : i32
      %broadcast_in_dim3A_361 = vector.broadcast %broadcast_in_dim3A_360 : i32 to vector<16xi32>
      %ge3A_362 = vector.broadcast %add3A_287 : i32 to vector<16xi32>
      %ge3A_363 = arith.cmpi sge, %min3A_359, %ge3A_362 : vector<16xi32>
      %convert_element_type3A_364 = arith.extui %ge3A_363 : vector<16xi1> to vector<16xi32>
      %add3A_365 = arith.addi %broadcast_in_dim3A_361, %convert_element_type3A_364 : vector<16xi32>
      %ge3A_366 = vector.broadcast %add3A_291 : i32 to vector<16xi32>
      %ge3A_367 = arith.cmpi sge, %min3A_359, %ge3A_366 : vector<16xi32>
      %convert_element_type3A_368 = arith.extui %ge3A_367 : vector<16xi1> to vector<16xi32>
      %add3A_369 = arith.addi %add3A_365, %convert_element_type3A_368 : vector<16xi32>
      %ge3A_370 = vector.broadcast %add3A_295 : i32 to vector<16xi32>
      %ge3A_371 = arith.cmpi sge, %min3A_359, %ge3A_370 : vector<16xi32>
      %convert_element_type3A_372 = arith.extui %ge3A_371 : vector<16xi1> to vector<16xi32>
      %add3A_373 = arith.addi %add3A_369, %convert_element_type3A_372 : vector<16xi32>
      %ge3A_374 = vector.broadcast %add3A_299 : i32 to vector<16xi32>
      %ge3A_375 = arith.cmpi sge, %min3A_359, %ge3A_374 : vector<16xi32>
      %convert_element_type3A_376 = arith.extui %ge3A_375 : vector<16xi1> to vector<16xi32>
      %add3A_377 = arith.addi %add3A_373, %convert_element_type3A_376 : vector<16xi32>
      %ge3A_378 = vector.broadcast %add3A_303 : i32 to vector<16xi32>
      %ge3A_379 = arith.cmpi sge, %min3A_359, %ge3A_378 : vector<16xi32>
      %convert_element_type3A_380 = arith.extui %ge3A_379 : vector<16xi1> to vector<16xi32>
      %add3A_381 = arith.addi %add3A_377, %convert_element_type3A_380 : vector<16xi32>
      %ge3A_382 = vector.broadcast %add3A_307 : i32 to vector<16xi32>
      %ge3A_383 = arith.cmpi sge, %min3A_359, %ge3A_382 : vector<16xi32>
      %convert_element_type3A_384 = arith.extui %ge3A_383 : vector<16xi1> to vector<16xi32>
      %add3A_385 = arith.addi %add3A_381, %convert_element_type3A_384 : vector<16xi32>
      %ge3A_386 = vector.broadcast %add3A_311 : i32 to vector<16xi32>
      %ge3A_387 = arith.cmpi sge, %min3A_359, %ge3A_386 : vector<16xi32>
      %convert_element_type3A_388 = arith.extui %ge3A_387 : vector<16xi1> to vector<16xi32>
      %add3A_389 = arith.addi %add3A_385, %convert_element_type3A_388 : vector<16xi32>
      %swap3A_390 = arith.constant 16 : index
      %swap3A_391 = tpu.vector_load %arg13[%swap3A_390] {strides = array<i32>} : memref<32xi32, #tpu.memory_space<vmem>>, vector<16xi32>,
      tpu.vector_store %arg13[%swap3A_390], %add3A_389 {strides = array<i32>} : memref<32xi32, #tpu.memory_space<vmem>>, vector<16xi32>,
      %broadcast_in_dim3A_392 = vector.broadcast %add3A_315 : i32 to vector<16xi32>
      %swap3A_393 = arith.constant 0 : index
      %swap3A_394 = tpu.vector_load %arg14[%swap3A_393] {strides = array<i32>} : memref<16xi32, #tpu.memory_space<vmem>>, vector<16xi32>,
      tpu.vector_store %arg14[%swap3A_393], %broadcast_in_dim3A_392 {strides = array<i32>} : memref<16xi32, #tpu.memory_space<vmem>>, vector<16xi32>,
      %scan3A_395 = arith.constant 0 : i32
      %scan3A_396 = arith.constant 0 : i32
      %scan3A_397 = arith.constant 128 : i32
      %scan3A_398 = arith.addi %scan3A_396, %scan3A_397 : i32
      %scan3A_399 = arith.constant 1 : i32
      %scan3A_400 = scf.for %scan3A_444 = %scan3A_396 to %scan3A_398 step %scan3A_399 iter_args(%scan3A_445 = %scan3A_395) -> (i32)  : i32 {
        %mul3A_446 = arith.constant 16 : i32
        %mul3A_447 = arith.muli %scan3A_444, %mul3A_446 : i32
        %get3A = arith.constant 0 : i32
        %get3A_448 = arith.index_cast %get3A : i32 to index
        %get3A_449 = arith.index_cast %mul3A_447 : i32 to index
        %get3A_450 = tpu.vector_load %arg8[%get3A_448, %get3A_449] {strides = array<i32>} : memref<8x2048xf32, #tpu.memory_space<vmem>>, vector<16xf32>,
        %ne3A_451 = arith.constant 0.000000e+00 : f32
        %ne3A_452 = vector.broadcast %ne3A_451 : f32 to vector<16xf32>
        %ne3A_453 = arith.cmpf one, %get3A_450, %ne3A_452 : vector<16xf32>
        %convert_element_type3A_454 = arith.extui %ne3A_453 : vector<16xi1> to vector<16xi32>
        %broadcast_in_dim3A_455 = arith.constant true
        %broadcast_in_dim3A_456 = vector.broadcast %broadcast_in_dim3A_455 : i1 to vector<16xi1>
        %masked_cumsum3A = tpu.scan <sum>, %convert_element_type3A_454 masked %broadcast_in_dim3A_456 : vector<16xi32>, vector<16xi1> -> vector<16xi32>
        %add3A_457 = vector.broadcast %scan3A_445 : i32 to vector<16xi32>
        %add3A_458 = arith.addi %add3A_457, %masked_cumsum3A : vector<16xi32>
        %sub3A_459 = arith.constant 1 : i32
        %sub3A_460 = vector.broadcast %sub3A_459 : i32 to vector<16xi32>
        %sub3A_461 = arith.subi %add3A_458, %sub3A_460 : vector<16xi32>
        tpu.vector_store_idx %arg9[%sub3A_461], %get3A_450 masked %ne3A_453 : memref<6144xf32, #tpu.memory_space<vmem>>[vector<16xi32>], vector<16xf32>, vector<16xi1>
        %mul3A_462 = arith.constant 16 : i32
        %mul3A_463 = arith.muli %scan3A_444, %mul3A_462 : i32
        %get3A_464 = arith.index_cast %mul3A_463 : i32 to index
        %get3A_465 = tpu.vector_load %arg12[%get3A_464] {strides = array<i32>} : memref<2048xi32, #tpu.memory_space<vmem>>, vector<16xi32>,
        %eq3A_466 = arith.constant 0 : i32
        %eq3A_467 = vector.broadcast %eq3A_466 : i32 to vector<16xi32>
        %eq3A_468 = arith.cmpi eq, %get3A_465, %eq3A_467 : vector<16xi32>
        %and3A_469 = arith.andi %ne3A_453, %eq3A_468 : vector<16xi1>
        %get3A_470 = arith.index_cast %mul3A_463 : i32 to index
        %get3A_471 = tpu.vector_load %arg10[%get3A_470] {strides = array<i32>} : memref<2048xi32, #tpu.memory_space<vmem>>, vector<16xi32>,
        %select_n3A_472 = arith.select %and3A_469, %sub3A_461, %get3A_471 : vector<16xi1>, vector<16xi32>
        %swap3A_473 = arith.index_cast %mul3A_463 : i32 to index
        %swap3A_474 = tpu.vector_load %arg10[%swap3A_473] {strides = array<i32>} : memref<2048xi32, #tpu.memory_space<vmem>>, vector<16xi32>,
        tpu.vector_store %arg10[%swap3A_473], %select_n3A_472 {strides = array<i32>} : memref<2048xi32, #tpu.memory_space<vmem>>, vector<16xi32>,
        %eq3A_475 = arith.constant 1 : i32
        %eq3A_476 = vector.broadcast %eq3A_475 : i32 to vector<16xi32>
        %eq3A_477 = arith.cmpi eq, %get3A_465, %eq3A_476 : vector<16xi32>
        %and3A_478 = arith.andi %ne3A_453, %eq3A_477 : vector<16xi1>
        %get3A_479 = arith.index_cast %mul3A_463 : i32 to index
        %get3A_480 = tpu.vector_load %arg11[%get3A_479] {strides = array<i32>} : memref<2048xi32, #tpu.memory_space<vmem>>, vector<16xi32>,
        %select_n3A_481 = arith.select %and3A_478, %sub3A_461, %get3A_480 : vector<16xi1>, vector<16xi32>
        %swap3A_482 = arith.index_cast %mul3A_463 : i32 to index
        %swap3A_483 = tpu.vector_load %arg11[%swap3A_482] {strides = array<i32>} : memref<2048xi32, #tpu.memory_space<vmem>>, vector<16xi32>,
        tpu.vector_store %arg11[%swap3A_482], %select_n3A_481 {strides = array<i32>} : memref<2048xi32, #tpu.memory_space<vmem>>, vector<16xi32>,
        %add3A_484 = arith.addi %get3A_465, %convert_element_type3A_454 : vector<16xi32>
        %swap3A_485 = arith.index_cast %mul3A_463 : i32 to index
        %swap3A_486 = tpu.vector_load %arg12[%swap3A_485] {strides = array<i32>} : memref<2048xi32, #tpu.memory_space<vmem>>, vector<16xi32>,
        tpu.vector_store %arg12[%swap3A_485], %add3A_484 {strides = array<i32>} : memref<2048xi32, #tpu.memory_space<vmem>>, vector<16xi32>,
        %reduce_sum3A = arith.constant true
        %reduce_sum3A_487 = vector.broadcast %reduce_sum3A : i1 to vector<16xi1>
        %reduce_sum3A_488 = tpu.scan <sum>, %convert_element_type3A_454 masked %reduce_sum3A_487 : vector<16xi32>, vector<16xi1> -> vector<16xi32>
        %reduce_sum3A_489 = vector.extract %reduce_sum3A_488[15] : i32 from vector<16xi32>
        %add3A_490 = arith.addi %scan3A_445, %reduce_sum3A_489 : i32
        scf.yield %add3A_490 : i32
      }
      %scan3A_401 = arith.constant 128 : i32
      %scan3A_402 = arith.constant 0 : i32
      %scan3A_403 = arith.constant 128 : i32
      %scan3A_404 = arith.addi %scan3A_402, %scan3A_403 : i32
      %scan3A_405 = arith.constant 1 : i32
      %scan3A_406 = scf.for %scan3A_444 = %scan3A_402 to %scan3A_404 step %scan3A_405 iter_args(%scan3A_445 = %add3A_285) -> (i32)  : i32 {
        %mul3A_446 = arith.constant 16 : i32
        %mul3A_447 = arith.muli %scan3A_444, %mul3A_446 : i32
        %get3A = arith.constant 1 : i32
        %get3A_448 = arith.index_cast %get3A : i32 to index
        %get3A_449 = arith.index_cast %mul3A_447 : i32 to index
        %get3A_450 = tpu.vector_load %arg8[%get3A_448, %get3A_449] {strides = array<i32>} : memref<8x2048xf32, #tpu.memory_space<vmem>>, vector<16xf32>,
        %ne3A_451 = arith.constant 0.000000e+00 : f32
        %ne3A_452 = vector.broadcast %ne3A_451 : f32 to vector<16xf32>
        %ne3A_453 = arith.cmpf one, %get3A_450, %ne3A_452 : vector<16xf32>
        %convert_element_type3A_454 = arith.extui %ne3A_453 : vector<16xi1> to vector<16xi32>
        %broadcast_in_dim3A_455 = arith.constant true
        %broadcast_in_dim3A_456 = vector.broadcast %broadcast_in_dim3A_455 : i1 to vector<16xi1>
        %masked_cumsum3A = tpu.scan <sum>, %convert_element_type3A_454 masked %broadcast_in_dim3A_456 : vector<16xi32>, vector<16xi1> -> vector<16xi32>
        %add3A_457 = vector.broadcast %scan3A_445 : i32 to vector<16xi32>
        %add3A_458 = arith.addi %add3A_457, %masked_cumsum3A : vector<16xi32>
        %sub3A_459 = arith.constant 1 : i32
        %sub3A_460 = vector.broadcast %sub3A_459 : i32 to vector<16xi32>
        %sub3A_461 = arith.subi %add3A_458, %sub3A_460 : vector<16xi32>
        tpu.vector_store_idx %arg9[%sub3A_461], %get3A_450 masked %ne3A_453 : memref<6144xf32, #tpu.memory_space<vmem>>[vector<16xi32>], vector<16xf32>, vector<16xi1>
        %mul3A_462 = arith.constant 16 : i32
        %mul3A_463 = arith.muli %scan3A_444, %mul3A_462 : i32
        %get3A_464 = arith.index_cast %mul3A_463 : i32 to index
        %get3A_465 = tpu.vector_load %arg12[%get3A_464] {strides = array<i32>} : memref<2048xi32, #tpu.memory_space<vmem>>, vector<16xi32>,
        %eq3A_466 = arith.constant 0 : i32
        %eq3A_467 = vector.broadcast %eq3A_466 : i32 to vector<16xi32>
        %eq3A_468 = arith.cmpi eq, %get3A_465, %eq3A_467 : vector<16xi32>
        %and3A_469 = arith.andi %ne3A_453, %eq3A_468 : vector<16xi1>
        %get3A_470 = arith.index_cast %mul3A_463 : i32 to index
        %get3A_471 = tpu.vector_load %arg10[%get3A_470] {strides = array<i32>} : memref<2048xi32, #tpu.memory_space<vmem>>, vector<16xi32>,
        %select_n3A_472 = arith.select %and3A_469, %sub3A_461, %get3A_471 : vector<16xi1>, vector<16xi32>
        %swap3A_473 = arith.index_cast %mul3A_463 : i32 to index
        %swap3A_474 = tpu.vector_load %arg10[%swap3A_473] {strides = array<i32>} : memref<2048xi32, #tpu.memory_space<vmem>>, vector<16xi32>,
        tpu.vector_store %arg10[%swap3A_473], %select_n3A_472 {strides = array<i32>} : memref<2048xi32, #tpu.memory_space<vmem>>, vector<16xi32>,
        %eq3A_475 = arith.constant 1 : i32
        %eq3A_476 = vector.broadcast %eq3A_475 : i32 to vector<16xi32>
        %eq3A_477 = arith.cmpi eq, %get3A_465, %eq3A_476 : vector<16xi32>
        %and3A_478 = arith.andi %ne3A_453, %eq3A_477 : vector<16xi1>
        %get3A_479 = arith.index_cast %mul3A_463 : i32 to index
        %get3A_480 = tpu.vector_load %arg11[%get3A_479] {strides = array<i32>} : memref<2048xi32, #tpu.memory_space<vmem>>, vector<16xi32>,
        %select_n3A_481 = arith.select %and3A_478, %sub3A_461, %get3A_480 : vector<16xi1>, vector<16xi32>
        %swap3A_482 = arith.index_cast %mul3A_463 : i32 to index
        %swap3A_483 = tpu.vector_load %arg11[%swap3A_482] {strides = array<i32>} : memref<2048xi32, #tpu.memory_space<vmem>>, vector<16xi32>,
        tpu.vector_store %arg11[%swap3A_482], %select_n3A_481 {strides = array<i32>} : memref<2048xi32, #tpu.memory_space<vmem>>, vector<16xi32>,
        %add3A_484 = arith.addi %get3A_465, %convert_element_type3A_454 : vector<16xi32>
        %swap3A_485 = arith.index_cast %mul3A_463 : i32 to index
        %swap3A_486 = tpu.vector_load %arg12[%swap3A_485] {strides = array<i32>} : memref<2048xi32, #tpu.memory_space<vmem>>, vector<16xi32>,
        tpu.vector_store %arg12[%swap3A_485], %add3A_484 {strides = array<i32>} : memref<2048xi32, #tpu.memory_space<vmem>>, vector<16xi32>,
        %reduce_sum3A = arith.constant true
        %reduce_sum3A_487 = vector.broadcast %reduce_sum3A : i1 to vector<16xi1>
        %reduce_sum3A_488 = tpu.scan <sum>, %convert_element_type3A_454 masked %reduce_sum3A_487 : vector<16xi32>, vector<16xi1> -> vector<16xi32>
        %reduce_sum3A_489 = vector.extract %reduce_sum3A_488[15] : i32 from vector<16xi32>
        %add3A_490 = arith.addi %scan3A_445, %reduce_sum3A_489 : i32
        scf.yield %add3A_490 : i32
      }
      %scan3A_407 = arith.constant 128 : i32
      %scan3A_408 = arith.constant 0 : i32
      %scan3A_409 = arith.constant 128 : i32
      %scan3A_410 = arith.addi %scan3A_408, %scan3A_409 : i32
      %scan3A_411 = arith.constant 1 : i32
      %scan3A_412 = scf.for %scan3A_444 = %scan3A_408 to %scan3A_410 step %scan3A_411 iter_args(%scan3A_445 = %add3A_290) -> (i32)  : i32 {
        %mul3A_446 = arith.constant 16 : i32
        %mul3A_447 = arith.muli %scan3A_444, %mul3A_446 : i32
        %get3A = arith.constant 2 : i32
        %get3A_448 = arith.index_cast %get3A : i32 to index
        %get3A_449 = arith.index_cast %mul3A_447 : i32 to index
        %get3A_450 = tpu.vector_load %arg8[%get3A_448, %get3A_449] {strides = array<i32>} : memref<8x2048xf32, #tpu.memory_space<vmem>>, vector<16xf32>,
        %ne3A_451 = arith.constant 0.000000e+00 : f32
        %ne3A_452 = vector.broadcast %ne3A_451 : f32 to vector<16xf32>
        %ne3A_453 = arith.cmpf one, %get3A_450, %ne3A_452 : vector<16xf32>
        %convert_element_type3A_454 = arith.extui %ne3A_453 : vector<16xi1> to vector<16xi32>
        %broadcast_in_dim3A_455 = arith.constant true
        %broadcast_in_dim3A_456 = vector.broadcast %broadcast_in_dim3A_455 : i1 to vector<16xi1>
        %masked_cumsum3A = tpu.scan <sum>, %convert_element_type3A_454 masked %broadcast_in_dim3A_456 : vector<16xi32>, vector<16xi1> -> vector<16xi32>
        %add3A_457 = vector.broadcast %scan3A_445 : i32 to vector<16xi32>
        %add3A_458 = arith.addi %add3A_457, %masked_cumsum3A : vector<16xi32>
        %sub3A_459 = arith.constant 1 : i32
        %sub3A_460 = vector.broadcast %sub3A_459 : i32 to vector<16xi32>
        %sub3A_461 = arith.subi %add3A_458, %sub3A_460 : vector<16xi32>
        tpu.vector_store_idx %arg9[%sub3A_461], %get3A_450 masked %ne3A_453 : memref<6144xf32, #tpu.memory_space<vmem>>[vector<16xi32>], vector<16xf32>, vector<16xi1>
        %mul3A_462 = arith.constant 16 : i32
        %mul3A_463 = arith.muli %scan3A_444, %mul3A_462 : i32
        %get3A_464 = arith.index_cast %mul3A_463 : i32 to index
        %get3A_465 = tpu.vector_load %arg12[%get3A_464] {strides = array<i32>} : memref<2048xi32, #tpu.memory_space<vmem>>, vector<16xi32>,
        %eq3A_466 = arith.constant 0 : i32
        %eq3A_467 = vector.broadcast %eq3A_466 : i32 to vector<16xi32>
        %eq3A_468 = arith.cmpi eq, %get3A_465, %eq3A_467 : vector<16xi32>
        %and3A_469 = arith.andi %ne3A_453, %eq3A_468 : vector<16xi1>
        %get3A_470 = arith.index_cast %mul3A_463 : i32 to index
        %get3A_471 = tpu.vector_load %arg10[%get3A_470] {strides = array<i32>} : memref<2048xi32, #tpu.memory_space<vmem>>, vector<16xi32>,
        %select_n3A_472 = arith.select %and3A_469, %sub3A_461, %get3A_471 : vector<16xi1>, vector<16xi32>
        %swap3A_473 = arith.index_cast %mul3A_463 : i32 to index
        %swap3A_474 = tpu.vector_load %arg10[%swap3A_473] {strides = array<i32>} : memref<2048xi32, #tpu.memory_space<vmem>>, vector<16xi32>,
        tpu.vector_store %arg10[%swap3A_473], %select_n3A_472 {strides = array<i32>} : memref<2048xi32, #tpu.memory_space<vmem>>, vector<16xi32>,
        %eq3A_475 = arith.constant 1 : i32
        %eq3A_476 = vector.broadcast %eq3A_475 : i32 to vector<16xi32>
        %eq3A_477 = arith.cmpi eq, %get3A_465, %eq3A_476 : vector<16xi32>
        %and3A_478 = arith.andi %ne3A_453, %eq3A_477 : vector<16xi1>
        %get3A_479 = arith.index_cast %mul3A_463 : i32 to index
        %get3A_480 = tpu.vector_load %arg11[%get3A_479] {strides = array<i32>} : memref<2048xi32, #tpu.memory_space<vmem>>, vector<16xi32>,
        %select_n3A_481 = arith.select %and3A_478, %sub3A_461, %get3A_480 : vector<16xi1>, vector<16xi32>
        %swap3A_482 = arith.index_cast %mul3A_463 : i32 to index
        %swap3A_483 = tpu.vector_load %arg11[%swap3A_482] {strides = array<i32>} : memref<2048xi32, #tpu.memory_space<vmem>>, vector<16xi32>,
        tpu.vector_store %arg11[%swap3A_482], %select_n3A_481 {strides = array<i32>} : memref<2048xi32, #tpu.memory_space<vmem>>, vector<16xi32>,
        %add3A_484 = arith.addi %get3A_465, %convert_element_type3A_454 : vector<16xi32>
        %swap3A_485 = arith.index_cast %mul3A_463 : i32 to index
        %swap3A_486 = tpu.vector_load %arg12[%swap3A_485] {strides = array<i32>} : memref<2048xi32, #tpu.memory_space<vmem>>, vector<16xi32>,
        tpu.vector_store %arg12[%swap3A_485], %add3A_484 {strides = array<i32>} : memref<2048xi32, #tpu.memory_space<vmem>>, vector<16xi32>,
        %reduce_sum3A = arith.constant true
        %reduce_sum3A_487 = vector.broadcast %reduce_sum3A : i1 to vector<16xi1>
        %reduce_sum3A_488 = tpu.scan <sum>, %convert_element_type3A_454 masked %reduce_sum3A_487 : vector<16xi32>, vector<16xi1> -> vector<16xi32>
        %reduce_sum3A_489 = vector.extract %reduce_sum3A_488[15] : i32 from vector<16xi32>
        %add3A_490 = arith.addi %scan3A_445, %reduce_sum3A_489 : i32
        scf.yield %add3A_490 : i32
      }
      %scan3A_413 = arith.constant 128 : i32
      %scan3A_414 = arith.constant 0 : i32
      %scan3A_415 = arith.constant 128 : i32
      %scan3A_416 = arith.addi %scan3A_414, %scan3A_415 : i32
      %scan3A_417 = arith.constant 1 : i32
      %scan3A_418 = scf.for %scan3A_444 = %scan3A_414 to %scan3A_416 step %scan3A_417 iter_args(%scan3A_445 = %add3A_294) -> (i32)  : i32 {
        %mul3A_446 = arith.constant 16 : i32
        %mul3A_447 = arith.muli %scan3A_444, %mul3A_446 : i32
        %get3A = arith.constant 3 : i32
        %get3A_448 = arith.index_cast %get3A : i32 to index
        %get3A_449 = arith.index_cast %mul3A_447 : i32 to index
        %get3A_450 = tpu.vector_load %arg8[%get3A_448, %get3A_449] {strides = array<i32>} : memref<8x2048xf32, #tpu.memory_space<vmem>>, vector<16xf32>,
        %ne3A_451 = arith.constant 0.000000e+00 : f32
        %ne3A_452 = vector.broadcast %ne3A_451 : f32 to vector<16xf32>
        %ne3A_453 = arith.cmpf one, %get3A_450, %ne3A_452 : vector<16xf32>
        %convert_element_type3A_454 = arith.extui %ne3A_453 : vector<16xi1> to vector<16xi32>
        %broadcast_in_dim3A_455 = arith.constant true
        %broadcast_in_dim3A_456 = vector.broadcast %broadcast_in_dim3A_455 : i1 to vector<16xi1>
        %masked_cumsum3A = tpu.scan <sum>, %convert_element_type3A_454 masked %broadcast_in_dim3A_456 : vector<16xi32>, vector<16xi1> -> vector<16xi32>
        %add3A_457 = vector.broadcast %scan3A_445 : i32 to vector<16xi32>
        %add3A_458 = arith.addi %add3A_457, %masked_cumsum3A : vector<16xi32>
        %sub3A_459 = arith.constant 1 : i32
        %sub3A_460 = vector.broadcast %sub3A_459 : i32 to vector<16xi32>
        %sub3A_461 = arith.subi %add3A_458, %sub3A_460 : vector<16xi32>
        tpu.vector_store_idx %arg9[%sub3A_461], %get3A_450 masked %ne3A_453 : memref<6144xf32, #tpu.memory_space<vmem>>[vector<16xi32>], vector<16xf32>, vector<16xi1>
        %mul3A_462 = arith.constant 16 : i32
        %mul3A_463 = arith.muli %scan3A_444, %mul3A_462 : i32
        %get3A_464 = arith.index_cast %mul3A_463 : i32 to index
        %get3A_465 = tpu.vector_load %arg12[%get3A_464] {strides = array<i32>} : memref<2048xi32, #tpu.memory_space<vmem>>, vector<16xi32>,
        %eq3A_466 = arith.constant 0 : i32
        %eq3A_467 = vector.broadcast %eq3A_466 : i32 to vector<16xi32>
        %eq3A_468 = arith.cmpi eq, %get3A_465, %eq3A_467 : vector<16xi32>
        %and3A_469 = arith.andi %ne3A_453, %eq3A_468 : vector<16xi1>
        %get3A_470 = arith.index_cast %mul3A_463 : i32 to index
        %get3A_471 = tpu.vector_load %arg10[%get3A_470] {strides = array<i32>} : memref<2048xi32, #tpu.memory_space<vmem>>, vector<16xi32>,
        %select_n3A_472 = arith.select %and3A_469, %sub3A_461, %get3A_471 : vector<16xi1>, vector<16xi32>
        %swap3A_473 = arith.index_cast %mul3A_463 : i32 to index
        %swap3A_474 = tpu.vector_load %arg10[%swap3A_473] {strides = array<i32>} : memref<2048xi32, #tpu.memory_space<vmem>>, vector<16xi32>,
        tpu.vector_store %arg10[%swap3A_473], %select_n3A_472 {strides = array<i32>} : memref<2048xi32, #tpu.memory_space<vmem>>, vector<16xi32>,
        %eq3A_475 = arith.constant 1 : i32
        %eq3A_476 = vector.broadcast %eq3A_475 : i32 to vector<16xi32>
        %eq3A_477 = arith.cmpi eq, %get3A_465, %eq3A_476 : vector<16xi32>
        %and3A_478 = arith.andi %ne3A_453, %eq3A_477 : vector<16xi1>
        %get3A_479 = arith.index_cast %mul3A_463 : i32 to index
        %get3A_480 = tpu.vector_load %arg11[%get3A_479] {strides = array<i32>} : memref<2048xi32, #tpu.memory_space<vmem>>, vector<16xi32>,
        %select_n3A_481 = arith.select %and3A_478, %sub3A_461, %get3A_480 : vector<16xi1>, vector<16xi32>
        %swap3A_482 = arith.index_cast %mul3A_463 : i32 to index
        %swap3A_483 = tpu.vector_load %arg11[%swap3A_482] {strides = array<i32>} : memref<2048xi32, #tpu.memory_space<vmem>>, vector<16xi32>,
        tpu.vector_store %arg11[%swap3A_482], %select_n3A_481 {strides = array<i32>} : memref<2048xi32, #tpu.memory_space<vmem>>, vector<16xi32>,
        %add3A_484 = arith.addi %get3A_465, %convert_element_type3A_454 : vector<16xi32>
        %swap3A_485 = arith.index_cast %mul3A_463 : i32 to index
        %swap3A_486 = tpu.vector_load %arg12[%swap3A_485] {strides = array<i32>} : memref<2048xi32, #tpu.memory_space<vmem>>, vector<16xi32>,
        tpu.vector_store %arg12[%swap3A_485], %add3A_484 {strides = array<i32>} : memref<2048xi32, #tpu.memory_space<vmem>>, vector<16xi32>,
        %reduce_sum3A = arith.constant true
        %reduce_sum3A_487 = vector.broadcast %reduce_sum3A : i1 to vector<16xi1>
        %reduce_sum3A_488 = tpu.scan <sum>, %convert_element_type3A_454 masked %reduce_sum3A_487 : vector<16xi32>, vector<16xi1> -> vector<16xi32>
        %reduce_sum3A_489 = vector.extract %reduce_sum3A_488[15] : i32 from vector<16xi32>
        %add3A_490 = arith.addi %scan3A_445, %reduce_sum3A_489 : i32
        scf.yield %add3A_490 : i32
      }
      %scan3A_419 = arith.constant 128 : i32
      %scan3A_420 = arith.constant 0 : i32
      %scan3A_421 = arith.constant 128 : i32
      %scan3A_422 = arith.addi %scan3A_420, %scan3A_421 : i32
      %scan3A_423 = arith.constant 1 : i32
      %scan3A_424 = scf.for %scan3A_444 = %scan3A_420 to %scan3A_422 step %scan3A_423 iter_args(%scan3A_445 = %add3A_298) -> (i32)  : i32 {
        %mul3A_446 = arith.constant 16 : i32
        %mul3A_447 = arith.muli %scan3A_444, %mul3A_446 : i32
        %get3A = arith.constant 4 : i32
        %get3A_448 = arith.index_cast %get3A : i32 to index
        %get3A_449 = arith.index_cast %mul3A_447 : i32 to index
        %get3A_450 = tpu.vector_load %arg8[%get3A_448, %get3A_449] {strides = array<i32>} : memref<8x2048xf32, #tpu.memory_space<vmem>>, vector<16xf32>,
        %ne3A_451 = arith.constant 0.000000e+00 : f32
        %ne3A_452 = vector.broadcast %ne3A_451 : f32 to vector<16xf32>
        %ne3A_453 = arith.cmpf one, %get3A_450, %ne3A_452 : vector<16xf32>
        %convert_element_type3A_454 = arith.extui %ne3A_453 : vector<16xi1> to vector<16xi32>
        %broadcast_in_dim3A_455 = arith.constant true
        %broadcast_in_dim3A_456 = vector.broadcast %broadcast_in_dim3A_455 : i1 to vector<16xi1>
        %masked_cumsum3A = tpu.scan <sum>, %convert_element_type3A_454 masked %broadcast_in_dim3A_456 : vector<16xi32>, vector<16xi1> -> vector<16xi32>
        %add3A_457 = vector.broadcast %scan3A_445 : i32 to vector<16xi32>
        %add3A_458 = arith.addi %add3A_457, %masked_cumsum3A : vector<16xi32>
        %sub3A_459 = arith.constant 1 : i32
        %sub3A_460 = vector.broadcast %sub3A_459 : i32 to vector<16xi32>
        %sub3A_461 = arith.subi %add3A_458, %sub3A_460 : vector<16xi32>
        tpu.vector_store_idx %arg9[%sub3A_461], %get3A_450 masked %ne3A_453 : memref<6144xf32, #tpu.memory_space<vmem>>[vector<16xi32>], vector<16xf32>, vector<16xi1>
        %mul3A_462 = arith.constant 16 : i32
        %mul3A_463 = arith.muli %scan3A_444, %mul3A_462 : i32
        %get3A_464 = arith.index_cast %mul3A_463 : i32 to index
        %get3A_465 = tpu.vector_load %arg12[%get3A_464] {strides = array<i32>} : memref<2048xi32, #tpu.memory_space<vmem>>, vector<16xi32>,
        %eq3A_466 = arith.constant 0 : i32
        %eq3A_467 = vector.broadcast %eq3A_466 : i32 to vector<16xi32>
        %eq3A_468 = arith.cmpi eq, %get3A_465, %eq3A_467 : vector<16xi32>
        %and3A_469 = arith.andi %ne3A_453, %eq3A_468 : vector<16xi1>
        %get3A_470 = arith.index_cast %mul3A_463 : i32 to index
        %get3A_471 = tpu.vector_load %arg10[%get3A_470] {strides = array<i32>} : memref<2048xi32, #tpu.memory_space<vmem>>, vector<16xi32>,
        %select_n3A_472 = arith.select %and3A_469, %sub3A_461, %get3A_471 : vector<16xi1>, vector<16xi32>
        %swap3A_473 = arith.index_cast %mul3A_463 : i32 to index
        %swap3A_474 = tpu.vector_load %arg10[%swap3A_473] {strides = array<i32>} : memref<2048xi32, #tpu.memory_space<vmem>>, vector<16xi32>,
        tpu.vector_store %arg10[%swap3A_473], %select_n3A_472 {strides = array<i32>} : memref<2048xi32, #tpu.memory_space<vmem>>, vector<16xi32>,
        %eq3A_475 = arith.constant 1 : i32
        %eq3A_476 = vector.broadcast %eq3A_475 : i32 to vector<16xi32>
        %eq3A_477 = arith.cmpi eq, %get3A_465, %eq3A_476 : vector<16xi32>
        %and3A_478 = arith.andi %ne3A_453, %eq3A_477 : vector<16xi1>
        %get3A_479 = arith.index_cast %mul3A_463 : i32 to index
        %get3A_480 = tpu.vector_load %arg11[%get3A_479] {strides = array<i32>} : memref<2048xi32, #tpu.memory_space<vmem>>, vector<16xi32>,
        %select_n3A_481 = arith.select %and3A_478, %sub3A_461, %get3A_480 : vector<16xi1>, vector<16xi32>
        %swap3A_482 = arith.index_cast %mul3A_463 : i32 to index
        %swap3A_483 = tpu.vector_load %arg11[%swap3A_482] {strides = array<i32>} : memref<2048xi32, #tpu.memory_space<vmem>>, vector<16xi32>,
        tpu.vector_store %arg11[%swap3A_482], %select_n3A_481 {strides = array<i32>} : memref<2048xi32, #tpu.memory_space<vmem>>, vector<16xi32>,
        %add3A_484 = arith.addi %get3A_465, %convert_element_type3A_454 : vector<16xi32>
        %swap3A_485 = arith.index_cast %mul3A_463 : i32 to index
        %swap3A_486 = tpu.vector_load %arg12[%swap3A_485] {strides = array<i32>} : memref<2048xi32, #tpu.memory_space<vmem>>, vector<16xi32>,
        tpu.vector_store %arg12[%swap3A_485], %add3A_484 {strides = array<i32>} : memref<2048xi32, #tpu.memory_space<vmem>>, vector<16xi32>,
        %reduce_sum3A = arith.constant true
        %reduce_sum3A_487 = vector.broadcast %reduce_sum3A : i1 to vector<16xi1>
        %reduce_sum3A_488 = tpu.scan <sum>, %convert_element_type3A_454 masked %reduce_sum3A_487 : vector<16xi32>, vector<16xi1> -> vector<16xi32>
        %reduce_sum3A_489 = vector.extract %reduce_sum3A_488[15] : i32 from vector<16xi32>
        %add3A_490 = arith.addi %scan3A_445, %reduce_sum3A_489 : i32
        scf.yield %add3A_490 : i32
      }
      %scan3A_425 = arith.constant 128 : i32
      %scan3A_426 = arith.constant 0 : i32
      %scan3A_427 = arith.constant 128 : i32
      %scan3A_428 = arith.addi %scan3A_426, %scan3A_427 : i32
      %scan3A_429 = arith.constant 1 : i32
      %scan3A_430 = scf.for %scan3A_444 = %scan3A_426 to %scan3A_428 step %scan3A_429 iter_args(%scan3A_445 = %add3A_302) -> (i32)  : i32 {
        %mul3A_446 = arith.constant 16 : i32
        %mul3A_447 = arith.muli %scan3A_444, %mul3A_446 : i32
        %get3A = arith.constant 5 : i32
        %get3A_448 = arith.index_cast %get3A : i32 to index
        %get3A_449 = arith.index_cast %mul3A_447 : i32 to index
        %get3A_450 = tpu.vector_load %arg8[%get3A_448, %get3A_449] {strides = array<i32>} : memref<8x2048xf32, #tpu.memory_space<vmem>>, vector<16xf32>,
        %ne3A_451 = arith.constant 0.000000e+00 : f32
        %ne3A_452 = vector.broadcast %ne3A_451 : f32 to vector<16xf32>
        %ne3A_453 = arith.cmpf one, %get3A_450, %ne3A_452 : vector<16xf32>
        %convert_element_type3A_454 = arith.extui %ne3A_453 : vector<16xi1> to vector<16xi32>
        %broadcast_in_dim3A_455 = arith.constant true
        %broadcast_in_dim3A_456 = vector.broadcast %broadcast_in_dim3A_455 : i1 to vector<16xi1>
        %masked_cumsum3A = tpu.scan <sum>, %convert_element_type3A_454 masked %broadcast_in_dim3A_456 : vector<16xi32>, vector<16xi1> -> vector<16xi32>
        %add3A_457 = vector.broadcast %scan3A_445 : i32 to vector<16xi32>
        %add3A_458 = arith.addi %add3A_457, %masked_cumsum3A : vector<16xi32>
        %sub3A_459 = arith.constant 1 : i32
        %sub3A_460 = vector.broadcast %sub3A_459 : i32 to vector<16xi32>
        %sub3A_461 = arith.subi %add3A_458, %sub3A_460 : vector<16xi32>
        tpu.vector_store_idx %arg9[%sub3A_461], %get3A_450 masked %ne3A_453 : memref<6144xf32, #tpu.memory_space<vmem>>[vector<16xi32>], vector<16xf32>, vector<16xi1>
        %mul3A_462 = arith.constant 16 : i32
        %mul3A_463 = arith.muli %scan3A_444, %mul3A_462 : i32
        %get3A_464 = arith.index_cast %mul3A_463 : i32 to index
        %get3A_465 = tpu.vector_load %arg12[%get3A_464] {strides = array<i32>} : memref<2048xi32, #tpu.memory_space<vmem>>, vector<16xi32>,
        %eq3A_466 = arith.constant 0 : i32
        %eq3A_467 = vector.broadcast %eq3A_466 : i32 to vector<16xi32>
        %eq3A_468 = arith.cmpi eq, %get3A_465, %eq3A_467 : vector<16xi32>
        %and3A_469 = arith.andi %ne3A_453, %eq3A_468 : vector<16xi1>
        %get3A_470 = arith.index_cast %mul3A_463 : i32 to index
        %get3A_471 = tpu.vector_load %arg10[%get3A_470] {strides = array<i32>} : memref<2048xi32, #tpu.memory_space<vmem>>, vector<16xi32>,
        %select_n3A_472 = arith.select %and3A_469, %sub3A_461, %get3A_471 : vector<16xi1>, vector<16xi32>
        %swap3A_473 = arith.index_cast %mul3A_463 : i32 to index
        %swap3A_474 = tpu.vector_load %arg10[%swap3A_473] {strides = array<i32>} : memref<2048xi32, #tpu.memory_space<vmem>>, vector<16xi32>,
        tpu.vector_store %arg10[%swap3A_473], %select_n3A_472 {strides = array<i32>} : memref<2048xi32, #tpu.memory_space<vmem>>, vector<16xi32>,
        %eq3A_475 = arith.constant 1 : i32
        %eq3A_476 = vector.broadcast %eq3A_475 : i32 to vector<16xi32>
        %eq3A_477 = arith.cmpi eq, %get3A_465, %eq3A_476 : vector<16xi32>
        %and3A_478 = arith.andi %ne3A_453, %eq3A_477 : vector<16xi1>
        %get3A_479 = arith.index_cast %mul3A_463 : i32 to index
        %get3A_480 = tpu.vector_load %arg11[%get3A_479] {strides = array<i32>} : memref<2048xi32, #tpu.memory_space<vmem>>, vector<16xi32>,
        %select_n3A_481 = arith.select %and3A_478, %sub3A_461, %get3A_480 : vector<16xi1>, vector<16xi32>
        %swap3A_482 = arith.index_cast %mul3A_463 : i32 to index
        %swap3A_483 = tpu.vector_load %arg11[%swap3A_482] {strides = array<i32>} : memref<2048xi32, #tpu.memory_space<vmem>>, vector<16xi32>,
        tpu.vector_store %arg11[%swap3A_482], %select_n3A_481 {strides = array<i32>} : memref<2048xi32, #tpu.memory_space<vmem>>, vector<16xi32>,
        %add3A_484 = arith.addi %get3A_465, %convert_element_type3A_454 : vector<16xi32>
        %swap3A_485 = arith.index_cast %mul3A_463 : i32 to index
        %swap3A_486 = tpu.vector_load %arg12[%swap3A_485] {strides = array<i32>} : memref<2048xi32, #tpu.memory_space<vmem>>, vector<16xi32>,
        tpu.vector_store %arg12[%swap3A_485], %add3A_484 {strides = array<i32>} : memref<2048xi32, #tpu.memory_space<vmem>>, vector<16xi32>,
        %reduce_sum3A = arith.constant true
        %reduce_sum3A_487 = vector.broadcast %reduce_sum3A : i1 to vector<16xi1>
        %reduce_sum3A_488 = tpu.scan <sum>, %convert_element_type3A_454 masked %reduce_sum3A_487 : vector<16xi32>, vector<16xi1> -> vector<16xi32>
        %reduce_sum3A_489 = vector.extract %reduce_sum3A_488[15] : i32 from vector<16xi32>
        %add3A_490 = arith.addi %scan3A_445, %reduce_sum3A_489 : i32
        scf.yield %add3A_490 : i32
      }
      %scan3A_431 = arith.constant 128 : i32
      %scan3A_432 = arith.constant 0 : i32
      %scan3A_433 = arith.constant 128 : i32
      %scan3A_434 = arith.addi %scan3A_432, %scan3A_433 : i32
      %scan3A_435 = arith.constant 1 : i32
      %scan3A_436 = scf.for %scan3A_444 = %scan3A_432 to %scan3A_434 step %scan3A_435 iter_args(%scan3A_445 = %add3A_306) -> (i32)  : i32 {
        %mul3A_446 = arith.constant 16 : i32
        %mul3A_447 = arith.muli %scan3A_444, %mul3A_446 : i32
        %get3A = arith.constant 6 : i32
        %get3A_448 = arith.index_cast %get3A : i32 to index
        %get3A_449 = arith.index_cast %mul3A_447 : i32 to index
        %get3A_450 = tpu.vector_load %arg8[%get3A_448, %get3A_449] {strides = array<i32>} : memref<8x2048xf32, #tpu.memory_space<vmem>>, vector<16xf32>,
        %ne3A_451 = arith.constant 0.000000e+00 : f32
        %ne3A_452 = vector.broadcast %ne3A_451 : f32 to vector<16xf32>
        %ne3A_453 = arith.cmpf one, %get3A_450, %ne3A_452 : vector<16xf32>
        %convert_element_type3A_454 = arith.extui %ne3A_453 : vector<16xi1> to vector<16xi32>
        %broadcast_in_dim3A_455 = arith.constant true
        %broadcast_in_dim3A_456 = vector.broadcast %broadcast_in_dim3A_455 : i1 to vector<16xi1>
        %masked_cumsum3A = tpu.scan <sum>, %convert_element_type3A_454 masked %broadcast_in_dim3A_456 : vector<16xi32>, vector<16xi1> -> vector<16xi32>
        %add3A_457 = vector.broadcast %scan3A_445 : i32 to vector<16xi32>
        %add3A_458 = arith.addi %add3A_457, %masked_cumsum3A : vector<16xi32>
        %sub3A_459 = arith.constant 1 : i32
        %sub3A_460 = vector.broadcast %sub3A_459 : i32 to vector<16xi32>
        %sub3A_461 = arith.subi %add3A_458, %sub3A_460 : vector<16xi32>
        tpu.vector_store_idx %arg9[%sub3A_461], %get3A_450 masked %ne3A_453 : memref<6144xf32, #tpu.memory_space<vmem>>[vector<16xi32>], vector<16xf32>, vector<16xi1>
        %mul3A_462 = arith.constant 16 : i32
        %mul3A_463 = arith.muli %scan3A_444, %mul3A_462 : i32
        %get3A_464 = arith.index_cast %mul3A_463 : i32 to index
        %get3A_465 = tpu.vector_load %arg12[%get3A_464] {strides = array<i32>} : memref<2048xi32, #tpu.memory_space<vmem>>, vector<16xi32>,
        %eq3A_466 = arith.constant 0 : i32
        %eq3A_467 = vector.broadcast %eq3A_466 : i32 to vector<16xi32>
        %eq3A_468 = arith.cmpi eq, %get3A_465, %eq3A_467 : vector<16xi32>
        %and3A_469 = arith.andi %ne3A_453, %eq3A_468 : vector<16xi1>
        %get3A_470 = arith.index_cast %mul3A_463 : i32 to index
        %get3A_471 = tpu.vector_load %arg10[%get3A_470] {strides = array<i32>} : memref<2048xi32, #tpu.memory_space<vmem>>, vector<16xi32>,
        %select_n3A_472 = arith.select %and3A_469, %sub3A_461, %get3A_471 : vector<16xi1>, vector<16xi32>
        %swap3A_473 = arith.index_cast %mul3A_463 : i32 to index
        %swap3A_474 = tpu.vector_load %arg10[%swap3A_473] {strides = array<i32>} : memref<2048xi32, #tpu.memory_space<vmem>>, vector<16xi32>,
        tpu.vector_store %arg10[%swap3A_473], %select_n3A_472 {strides = array<i32>} : memref<2048xi32, #tpu.memory_space<vmem>>, vector<16xi32>,
        %eq3A_475 = arith.constant 1 : i32
        %eq3A_476 = vector.broadcast %eq3A_475 : i32 to vector<16xi32>
        %eq3A_477 = arith.cmpi eq, %get3A_465, %eq3A_476 : vector<16xi32>
        %and3A_478 = arith.andi %ne3A_453, %eq3A_477 : vector<16xi1>
        %get3A_479 = arith.index_cast %mul3A_463 : i32 to index
        %get3A_480 = tpu.vector_load %arg11[%get3A_479] {strides = array<i32>} : memref<2048xi32, #tpu.memory_space<vmem>>, vector<16xi32>,
        %select_n3A_481 = arith.select %and3A_478, %sub3A_461, %get3A_480 : vector<16xi1>, vector<16xi32>
        %swap3A_482 = arith.index_cast %mul3A_463 : i32 to index
        %swap3A_483 = tpu.vector_load %arg11[%swap3A_482] {strides = array<i32>} : memref<2048xi32, #tpu.memory_space<vmem>>, vector<16xi32>,
        tpu.vector_store %arg11[%swap3A_482], %select_n3A_481 {strides = array<i32>} : memref<2048xi32, #tpu.memory_space<vmem>>, vector<16xi32>,
        %add3A_484 = arith.addi %get3A_465, %convert_element_type3A_454 : vector<16xi32>
        %swap3A_485 = arith.index_cast %mul3A_463 : i32 to index
        %swap3A_486 = tpu.vector_load %arg12[%swap3A_485] {strides = array<i32>} : memref<2048xi32, #tpu.memory_space<vmem>>, vector<16xi32>,
        tpu.vector_store %arg12[%swap3A_485], %add3A_484 {strides = array<i32>} : memref<2048xi32, #tpu.memory_space<vmem>>, vector<16xi32>,
        %reduce_sum3A = arith.constant true
        %reduce_sum3A_487 = vector.broadcast %reduce_sum3A : i1 to vector<16xi1>
        %reduce_sum3A_488 = tpu.scan <sum>, %convert_element_type3A_454 masked %reduce_sum3A_487 : vector<16xi32>, vector<16xi1> -> vector<16xi32>
        %reduce_sum3A_489 = vector.extract %reduce_sum3A_488[15] : i32 from vector<16xi32>
        %add3A_490 = arith.addi %scan3A_445, %reduce_sum3A_489 : i32
        scf.yield %add3A_490 : i32
      }
      %scan3A_437 = arith.constant 128 : i32
      %scan3A_438 = arith.constant 0 : i32
      %scan3A_439 = arith.constant 128 : i32
      %scan3A_440 = arith.addi %scan3A_438, %scan3A_439 : i32
      %scan3A_441 = arith.constant 1 : i32
      %scan3A_442 = scf.for %scan3A_444 = %scan3A_438 to %scan3A_440 step %scan3A_441 iter_args(%scan3A_445 = %add3A_310) -> (i32)  : i32 {
        %mul3A_446 = arith.constant 16 : i32
        %mul3A_447 = arith.muli %scan3A_444, %mul3A_446 : i32
        %get3A = arith.constant 7 : i32
        %get3A_448 = arith.index_cast %get3A : i32 to index
        %get3A_449 = arith.index_cast %mul3A_447 : i32 to index
        %get3A_450 = tpu.vector_load %arg8[%get3A_448, %get3A_449] {strides = array<i32>} : memref<8x2048xf32, #tpu.memory_space<vmem>>, vector<16xf32>,
        %ne3A_451 = arith.constant 0.000000e+00 : f32
        %ne3A_452 = vector.broadcast %ne3A_451 : f32 to vector<16xf32>
        %ne3A_453 = arith.cmpf one, %get3A_450, %ne3A_452 : vector<16xf32>
        %convert_element_type3A_454 = arith.extui %ne3A_453 : vector<16xi1> to vector<16xi32>
        %broadcast_in_dim3A_455 = arith.constant true
        %broadcast_in_dim3A_456 = vector.broadcast %broadcast_in_dim3A_455 : i1 to vector<16xi1>
        %masked_cumsum3A = tpu.scan <sum>, %convert_element_type3A_454 masked %broadcast_in_dim3A_456 : vector<16xi32>, vector<16xi1> -> vector<16xi32>
        %add3A_457 = vector.broadcast %scan3A_445 : i32 to vector<16xi32>
        %add3A_458 = arith.addi %add3A_457, %masked_cumsum3A : vector<16xi32>
        %sub3A_459 = arith.constant 1 : i32
        %sub3A_460 = vector.broadcast %sub3A_459 : i32 to vector<16xi32>
        %sub3A_461 = arith.subi %add3A_458, %sub3A_460 : vector<16xi32>
        tpu.vector_store_idx %arg9[%sub3A_461], %get3A_450 masked %ne3A_453 : memref<6144xf32, #tpu.memory_space<vmem>>[vector<16xi32>], vector<16xf32>, vector<16xi1>
        %mul3A_462 = arith.constant 16 : i32
        %mul3A_463 = arith.muli %scan3A_444, %mul3A_462 : i32
        %get3A_464 = arith.index_cast %mul3A_463 : i32 to index
        %get3A_465 = tpu.vector_load %arg12[%get3A_464] {strides = array<i32>} : memref<2048xi32, #tpu.memory_space<vmem>>, vector<16xi32>,
        %eq3A_466 = arith.constant 0 : i32
        %eq3A_467 = vector.broadcast %eq3A_466 : i32 to vector<16xi32>
        %eq3A_468 = arith.cmpi eq, %get3A_465, %eq3A_467 : vector<16xi32>
        %and3A_469 = arith.andi %ne3A_453, %eq3A_468 : vector<16xi1>
        %get3A_470 = arith.index_cast %mul3A_463 : i32 to index
        %get3A_471 = tpu.vector_load %arg10[%get3A_470] {strides = array<i32>} : memref<2048xi32, #tpu.memory_space<vmem>>, vector<16xi32>,
        %select_n3A_472 = arith.select %and3A_469, %sub3A_461, %get3A_471 : vector<16xi1>, vector<16xi32>
        %swap3A_473 = arith.index_cast %mul3A_463 : i32 to index
        %swap3A_474 = tpu.vector_load %arg10[%swap3A_473] {strides = array<i32>} : memref<2048xi32, #tpu.memory_space<vmem>>, vector<16xi32>,
        tpu.vector_store %arg10[%swap3A_473], %select_n3A_472 {strides = array<i32>} : memref<2048xi32, #tpu.memory_space<vmem>>, vector<16xi32>,
        %eq3A_475 = arith.constant 1 : i32
        %eq3A_476 = vector.broadcast %eq3A_475 : i32 to vector<16xi32>
        %eq3A_477 = arith.cmpi eq, %get3A_465, %eq3A_476 : vector<16xi32>
        %and3A_478 = arith.andi %ne3A_453, %eq3A_477 : vector<16xi1>
        %get3A_479 = arith.index_cast %mul3A_463 : i32 to index
        %get3A_480 = tpu.vector_load %arg11[%get3A_479] {strides = array<i32>} : memref<2048xi32, #tpu.memory_space<vmem>>, vector<16xi32>,
        %select_n3A_481 = arith.select %and3A_478, %sub3A_461, %get3A_480 : vector<16xi1>, vector<16xi32>
        %swap3A_482 = arith.index_cast %mul3A_463 : i32 to index
        %swap3A_483 = tpu.vector_load %arg11[%swap3A_482] {strides = array<i32>} : memref<2048xi32, #tpu.memory_space<vmem>>, vector<16xi32>,
        tpu.vector_store %arg11[%swap3A_482], %select_n3A_481 {strides = array<i32>} : memref<2048xi32, #tpu.memory_space<vmem>>, vector<16xi32>,
        %add3A_484 = arith.addi %get3A_465, %convert_element_type3A_454 : vector<16xi32>
        %swap3A_485 = arith.index_cast %mul3A_463 : i32 to index
        %swap3A_486 = tpu.vector_load %arg12[%swap3A_485] {strides = array<i32>} : memref<2048xi32, #tpu.memory_space<vmem>>, vector<16xi32>,
        tpu.vector_store %arg12[%swap3A_485], %add3A_484 {strides = array<i32>} : memref<2048xi32, #tpu.memory_space<vmem>>, vector<16xi32>,
        %reduce_sum3A = arith.constant true
        %reduce_sum3A_487 = vector.broadcast %reduce_sum3A : i1 to vector<16xi1>
        %reduce_sum3A_488 = tpu.scan <sum>, %convert_element_type3A_454 masked %reduce_sum3A_487 : vector<16xi32>, vector<16xi1> -> vector<16xi32>
        %reduce_sum3A_489 = vector.extract %reduce_sum3A_488[15] : i32 from vector<16xi32>
        %add3A_490 = arith.addi %scan3A_445, %reduce_sum3A_489 : i32
        scf.yield %add3A_490 : i32
      }
      %scan3A_443 = arith.constant 128 : i32
      "tpu.region"() ({
        %run_scoped3A = tpu.sem_alloc : memref<!tpu.dma_semaphore, #tpu.memory_space<semaphore_mem>>
        tpu.enqueue_dma source(%arg9 : memref<6144xf32, #tpu.memory_space<vmem>>) target(%arg3 : memref<6144xf32, #tpu.memory_space<hbm>>) target_semaphore(%run_scoped3A : memref<!tpu.dma_semaphore, #tpu.memory_space<semaphore_mem>>)
        tpu.wait_dma2 semaphore(%run_scoped3A : memref<!tpu.dma_semaphore, #tpu.memory_space<semaphore_mem>>) src(%arg9 : memref<6144xf32, #tpu.memory_space<vmem>>) dst(%arg3 : memref<6144xf32, #tpu.memory_space<hbm>>)
        tpu.yield
      }) : () -> ()
      "tpu.region"() ({
        %run_scoped3A = tpu.sem_alloc : memref<!tpu.dma_semaphore, #tpu.memory_space<semaphore_mem>>
        tpu.enqueue_dma source(%arg10 : memref<2048xi32, #tpu.memory_space<vmem>>) target(%arg4 : memref<2048xi32, #tpu.memory_space<hbm>>) target_semaphore(%run_scoped3A : memref<!tpu.dma_semaphore, #tpu.memory_space<semaphore_mem>>)
        tpu.wait_dma2 semaphore(%run_scoped3A : memref<!tpu.dma_semaphore, #tpu.memory_space<semaphore_mem>>) src(%arg10 : memref<2048xi32, #tpu.memory_space<vmem>>) dst(%arg4 : memref<2048xi32, #tpu.memory_space<hbm>>)
        tpu.yield
      }) : () -> ()
      "tpu.region"() ({
        %run_scoped3A = tpu.sem_alloc : memref<!tpu.dma_semaphore, #tpu.memory_space<semaphore_mem>>
        tpu.enqueue_dma source(%arg11 : memref<2048xi32, #tpu.memory_space<vmem>>) target(%arg5 : memref<2048xi32, #tpu.memory_space<hbm>>) target_semaphore(%run_scoped3A : memref<!tpu.dma_semaphore, #tpu.memory_space<semaphore_mem>>)
        tpu.wait_dma2 semaphore(%run_scoped3A : memref<!tpu.dma_semaphore, #tpu.memory_space<semaphore_mem>>) src(%arg11 : memref<2048xi32, #tpu.memory_space<vmem>>) dst(%arg5 : memref<2048xi32, #tpu.memory_space<hbm>>)
        tpu.yield
      }) : () -> ()
      "tpu.region"() ({
        %run_scoped3A = tpu.sem_alloc : memref<!tpu.dma_semaphore, #tpu.memory_space<semaphore_mem>>
        tpu.enqueue_dma source(%arg13 : memref<32xi32, #tpu.memory_space<vmem>>) target(%arg6 : memref<32xi32, #tpu.memory_space<hbm>>) target_semaphore(%run_scoped3A : memref<!tpu.dma_semaphore, #tpu.memory_space<semaphore_mem>>)
        tpu.wait_dma2 semaphore(%run_scoped3A : memref<!tpu.dma_semaphore, #tpu.memory_space<semaphore_mem>>) src(%arg13 : memref<32xi32, #tpu.memory_space<vmem>>) dst(%arg6 : memref<32xi32, #tpu.memory_space<hbm>>)
        tpu.yield
      }) : () -> ()
      "tpu.region"() ({
        %run_scoped3A = tpu.sem_alloc : memref<!tpu.dma_semaphore, #tpu.memory_space<semaphore_mem>>
        tpu.enqueue_dma source(%arg14 : memref<16xi32, #tpu.memory_space<vmem>>) target(%arg7 : memref<16xi32, #tpu.memory_space<hbm>>) target_semaphore(%run_scoped3A : memref<!tpu.dma_semaphore, #tpu.memory_space<semaphore_mem>>)
        tpu.wait_dma2 semaphore(%run_scoped3A : memref<!tpu.dma_semaphore, #tpu.memory_space<semaphore_mem>>) src(%arg14 : memref<16xi32, #tpu.memory_space<vmem>>) dst(%arg7 : memref<16xi32, #tpu.memory_space<hbm>>)
        tpu.yield
      }) : () -> ()
    } else {
    }
    return
  }
}

#map = affine_map<(d0, d1) -> (0, 0)>
#map1 = affine_map<(d0, d1) -> (0)>
module attributes {stable_mosaic.version = 14 : i64} {
  func.func @_scatter_body(%arg0: i32, %arg1: i32, %arg2: memref<2048x768xf32, #tpu.memory_space<hbm>>, %arg3: memref<2048xi32, #tpu.memory_space<hbm>>, %arg4: memref<2048xi32, #tpu.memory_space<hbm>>, %arg5: memref<6144x768xf32, #tpu.memory_space<hbm>>, %arg6: memref<4x16xi32, #tpu.memory_space<vmem>>, %arg7: memref<4x16xi32, #tpu.memory_space<vmem>>, %arg8: memref<16x768xf32, #tpu.memory_space<vmem>>, %arg9: memref<16x768xf32, #tpu.memory_space<vmem>>, %arg10: memref<!tpu.dma_semaphore, #tpu.memory_space<semaphore_mem>>, %arg11: memref<!tpu.dma_semaphore, #tpu.memory_space<semaphore_mem>>, %arg12: memref<!tpu.dma_semaphore, #tpu.memory_space<semaphore_mem>>) attributes {dimension_semantics = [#tpu.dimension_semantics<core_parallel>, #tpu.dimension_semantics<subcore_parallel>], iteration_bounds = array<i64: 2, 16>, scalar_prefetch = 0 : i64, scratch_operands = 7 : i64, tpu.core_type = #tpu.core_type<sc_vector_subcore>, window_params = [{transform_indices = #map}, {transform_indices = #map1}, {transform_indices = #map1}, {transform_indices = #map}]} {
    %mul3A = arith.constant 2 : i32
    %mul3A_0 = arith.muli %arg1, %mul3A : i32
    %add3A = arith.addi %mul3A_0, %arg0 : i32
    %mul3A_1 = arith.constant 64 : i32
    %mul3A_2 = arith.muli %add3A, %mul3A_1 : i32
    %add3A_3 = arith.constant 0 : i32
    %add3A_4 = arith.addi %mul3A_2, %add3A_3 : i32
    %run_scoped3A = arith.constant 0 : i32
    "tpu.region"() ({
      %run_scoped3A_174 = tpu.sem_alloc : memref<!tpu.dma_semaphore, #tpu.memory_space<semaphore_mem>>
      %dma_start3A_175 = arith.constant 0 : i32
      %dma_start3A_176 = tpu.memref_slice %arg6[%run_scoped3A, %dma_start3A_175] : memref<4x16xi32, #tpu.memory_space<vmem>> -> memref<1x16xi32, #tpu.memory_space<vmem>>
      %dma_start3A_177 = tpu.memref_squeeze %dma_start3A_176 : memref<1x16xi32, #tpu.memory_space<vmem>> -> memref<16xi32, #tpu.memory_space<vmem>>
      %dma_start3A_178 = tpu.memref_slice %arg3[%add3A_4] : memref<2048xi32, #tpu.memory_space<hbm>> -> memref<16xi32, #tpu.memory_space<hbm>>
      %dma_start3A_179 = arith.constant 0 : i32
      %dma_start3A_180 = tpu.memref_slice %arg6[%run_scoped3A, %dma_start3A_179] : memref<4x16xi32, #tpu.memory_space<vmem>> -> memref<1x16xi32, #tpu.memory_space<vmem>>
      %dma_start3A_181 = tpu.memref_squeeze %dma_start3A_180 : memref<1x16xi32, #tpu.memory_space<vmem>> -> memref<16xi32, #tpu.memory_space<vmem>>
      %dma_start3A_182 = tpu.memref_slice %arg3[%add3A_4] : memref<2048xi32, #tpu.memory_space<hbm>> -> memref<16xi32, #tpu.memory_space<hbm>>
      tpu.enqueue_dma source(%dma_start3A_182 : memref<16xi32, #tpu.memory_space<hbm>>) target(%dma_start3A_181 : memref<16xi32, #tpu.memory_space<vmem>>) target_semaphore(%run_scoped3A_174 : memref<!tpu.dma_semaphore, #tpu.memory_space<semaphore_mem>>)
      %dma_wait3A_183 = arith.constant 0 : i32
      %dma_wait3A_184 = tpu.memref_slice %arg6[%run_scoped3A, %dma_wait3A_183] : memref<4x16xi32, #tpu.memory_space<vmem>> -> memref<1x16xi32, #tpu.memory_space<vmem>>
      %dma_wait3A_185 = tpu.memref_squeeze %dma_wait3A_184 : memref<1x16xi32, #tpu.memory_space<vmem>> -> memref<16xi32, #tpu.memory_space<vmem>>
      %dma_wait3A_186 = tpu.memref_slice %arg3[%add3A_4] : memref<2048xi32, #tpu.memory_space<hbm>> -> memref<16xi32, #tpu.memory_space<hbm>>
      %dma_wait3A_187 = arith.constant 0 : i32
      %dma_wait3A_188 = tpu.memref_slice %arg6[%run_scoped3A, %dma_wait3A_187] : memref<4x16xi32, #tpu.memory_space<vmem>> -> memref<1x16xi32, #tpu.memory_space<vmem>>
      %dma_wait3A_189 = tpu.memref_squeeze %dma_wait3A_188 : memref<1x16xi32, #tpu.memory_space<vmem>> -> memref<16xi32, #tpu.memory_space<vmem>>
      %dma_wait3A_190 = tpu.memref_slice %arg3[%add3A_4] : memref<2048xi32, #tpu.memory_space<hbm>> -> memref<16xi32, #tpu.memory_space<hbm>>
      tpu.wait_dma2 semaphore(%run_scoped3A_174 : memref<!tpu.dma_semaphore, #tpu.memory_space<semaphore_mem>>) src(%dma_wait3A_190 : memref<16xi32, #tpu.memory_space<hbm>>) dst(%dma_wait3A_189 : memref<16xi32, #tpu.memory_space<vmem>>)
      tpu.yield
    }) : () -> ()
    %add3A_5 = arith.constant 0 : i32
    %add3A_6 = arith.addi %mul3A_2, %add3A_5 : i32
    %run_scoped3A_7 = arith.constant 0 : i32
    "tpu.region"() ({
      %run_scoped3A_174 = tpu.sem_alloc : memref<!tpu.dma_semaphore, #tpu.memory_space<semaphore_mem>>
      %dma_start3A_175 = arith.constant 0 : i32
      %dma_start3A_176 = tpu.memref_slice %arg7[%run_scoped3A_7, %dma_start3A_175] : memref<4x16xi32, #tpu.memory_space<vmem>> -> memref<1x16xi32, #tpu.memory_space<vmem>>
      %dma_start3A_177 = tpu.memref_squeeze %dma_start3A_176 : memref<1x16xi32, #tpu.memory_space<vmem>> -> memref<16xi32, #tpu.memory_space<vmem>>
      %dma_start3A_178 = tpu.memref_slice %arg4[%add3A_6] : memref<2048xi32, #tpu.memory_space<hbm>> -> memref<16xi32, #tpu.memory_space<hbm>>
      %dma_start3A_179 = arith.constant 0 : i32
      %dma_start3A_180 = tpu.memref_slice %arg7[%run_scoped3A_7, %dma_start3A_179] : memref<4x16xi32, #tpu.memory_space<vmem>> -> memref<1x16xi32, #tpu.memory_space<vmem>>
      %dma_start3A_181 = tpu.memref_squeeze %dma_start3A_180 : memref<1x16xi32, #tpu.memory_space<vmem>> -> memref<16xi32, #tpu.memory_space<vmem>>
      %dma_start3A_182 = tpu.memref_slice %arg4[%add3A_6] : memref<2048xi32, #tpu.memory_space<hbm>> -> memref<16xi32, #tpu.memory_space<hbm>>
      tpu.enqueue_dma source(%dma_start3A_182 : memref<16xi32, #tpu.memory_space<hbm>>) target(%dma_start3A_181 : memref<16xi32, #tpu.memory_space<vmem>>) target_semaphore(%run_scoped3A_174 : memref<!tpu.dma_semaphore, #tpu.memory_space<semaphore_mem>>)
      %dma_wait3A_183 = arith.constant 0 : i32
      %dma_wait3A_184 = tpu.memref_slice %arg7[%run_scoped3A_7, %dma_wait3A_183] : memref<4x16xi32, #tpu.memory_space<vmem>> -> memref<1x16xi32, #tpu.memory_space<vmem>>
      %dma_wait3A_185 = tpu.memref_squeeze %dma_wait3A_184 : memref<1x16xi32, #tpu.memory_space<vmem>> -> memref<16xi32, #tpu.memory_space<vmem>>
      %dma_wait3A_186 = tpu.memref_slice %arg4[%add3A_6] : memref<2048xi32, #tpu.memory_space<hbm>> -> memref<16xi32, #tpu.memory_space<hbm>>
      %dma_wait3A_187 = arith.constant 0 : i32
      %dma_wait3A_188 = tpu.memref_slice %arg7[%run_scoped3A_7, %dma_wait3A_187] : memref<4x16xi32, #tpu.memory_space<vmem>> -> memref<1x16xi32, #tpu.memory_space<vmem>>
      %dma_wait3A_189 = tpu.memref_squeeze %dma_wait3A_188 : memref<1x16xi32, #tpu.memory_space<vmem>> -> memref<16xi32, #tpu.memory_space<vmem>>
      %dma_wait3A_190 = tpu.memref_slice %arg4[%add3A_6] : memref<2048xi32, #tpu.memory_space<hbm>> -> memref<16xi32, #tpu.memory_space<hbm>>
      tpu.wait_dma2 semaphore(%run_scoped3A_174 : memref<!tpu.dma_semaphore, #tpu.memory_space<semaphore_mem>>) src(%dma_wait3A_190 : memref<16xi32, #tpu.memory_space<hbm>>) dst(%dma_wait3A_189 : memref<16xi32, #tpu.memory_space<vmem>>)
      tpu.yield
    }) : () -> ()
    %add3A_8 = arith.constant 16 : i32
    %add3A_9 = arith.addi %mul3A_2, %add3A_8 : i32
    %run_scoped3A_10 = arith.constant 1 : i32
    "tpu.region"() ({
      %run_scoped3A_174 = tpu.sem_alloc : memref<!tpu.dma_semaphore, #tpu.memory_space<semaphore_mem>>
      %dma_start3A_175 = arith.constant 0 : i32
      %dma_start3A_176 = tpu.memref_slice %arg6[%run_scoped3A_10, %dma_start3A_175] : memref<4x16xi32, #tpu.memory_space<vmem>> -> memref<1x16xi32, #tpu.memory_space<vmem>>
      %dma_start3A_177 = tpu.memref_squeeze %dma_start3A_176 : memref<1x16xi32, #tpu.memory_space<vmem>> -> memref<16xi32, #tpu.memory_space<vmem>>
      %dma_start3A_178 = tpu.memref_slice %arg3[%add3A_9] : memref<2048xi32, #tpu.memory_space<hbm>> -> memref<16xi32, #tpu.memory_space<hbm>>
      %dma_start3A_179 = arith.constant 0 : i32
      %dma_start3A_180 = tpu.memref_slice %arg6[%run_scoped3A_10, %dma_start3A_179] : memref<4x16xi32, #tpu.memory_space<vmem>> -> memref<1x16xi32, #tpu.memory_space<vmem>>
      %dma_start3A_181 = tpu.memref_squeeze %dma_start3A_180 : memref<1x16xi32, #tpu.memory_space<vmem>> -> memref<16xi32, #tpu.memory_space<vmem>>
      %dma_start3A_182 = tpu.memref_slice %arg3[%add3A_9] : memref<2048xi32, #tpu.memory_space<hbm>> -> memref<16xi32, #tpu.memory_space<hbm>>
      tpu.enqueue_dma source(%dma_start3A_182 : memref<16xi32, #tpu.memory_space<hbm>>) target(%dma_start3A_181 : memref<16xi32, #tpu.memory_space<vmem>>) target_semaphore(%run_scoped3A_174 : memref<!tpu.dma_semaphore, #tpu.memory_space<semaphore_mem>>)
      %dma_wait3A_183 = arith.constant 0 : i32
      %dma_wait3A_184 = tpu.memref_slice %arg6[%run_scoped3A_10, %dma_wait3A_183] : memref<4x16xi32, #tpu.memory_space<vmem>> -> memref<1x16xi32, #tpu.memory_space<vmem>>
      %dma_wait3A_185 = tpu.memref_squeeze %dma_wait3A_184 : memref<1x16xi32, #tpu.memory_space<vmem>> -> memref<16xi32, #tpu.memory_space<vmem>>
      %dma_wait3A_186 = tpu.memref_slice %arg3[%add3A_9] : memref<2048xi32, #tpu.memory_space<hbm>> -> memref<16xi32, #tpu.memory_space<hbm>>
      %dma_wait3A_187 = arith.constant 0 : i32
      %dma_wait3A_188 = tpu.memref_slice %arg6[%run_scoped3A_10, %dma_wait3A_187] : memref<4x16xi32, #tpu.memory_space<vmem>> -> memref<1x16xi32, #tpu.memory_space<vmem>>
      %dma_wait3A_189 = tpu.memref_squeeze %dma_wait3A_188 : memref<1x16xi32, #tpu.memory_space<vmem>> -> memref<16xi32, #tpu.memory_space<vmem>>
      %dma_wait3A_190 = tpu.memref_slice %arg3[%add3A_9] : memref<2048xi32, #tpu.memory_space<hbm>> -> memref<16xi32, #tpu.memory_space<hbm>>
      tpu.wait_dma2 semaphore(%run_scoped3A_174 : memref<!tpu.dma_semaphore, #tpu.memory_space<semaphore_mem>>) src(%dma_wait3A_190 : memref<16xi32, #tpu.memory_space<hbm>>) dst(%dma_wait3A_189 : memref<16xi32, #tpu.memory_space<vmem>>)
      tpu.yield
    }) : () -> ()
    %add3A_11 = arith.constant 16 : i32
    %add3A_12 = arith.addi %mul3A_2, %add3A_11 : i32
    %run_scoped3A_13 = arith.constant 1 : i32
    "tpu.region"() ({
      %run_scoped3A_174 = tpu.sem_alloc : memref<!tpu.dma_semaphore, #tpu.memory_space<semaphore_mem>>
      %dma_start3A_175 = arith.constant 0 : i32
      %dma_start3A_176 = tpu.memref_slice %arg7[%run_scoped3A_13, %dma_start3A_175] : memref<4x16xi32, #tpu.memory_space<vmem>> -> memref<1x16xi32, #tpu.memory_space<vmem>>
      %dma_start3A_177 = tpu.memref_squeeze %dma_start3A_176 : memref<1x16xi32, #tpu.memory_space<vmem>> -> memref<16xi32, #tpu.memory_space<vmem>>
      %dma_start3A_178 = tpu.memref_slice %arg4[%add3A_12] : memref<2048xi32, #tpu.memory_space<hbm>> -> memref<16xi32, #tpu.memory_space<hbm>>
      %dma_start3A_179 = arith.constant 0 : i32
      %dma_start3A_180 = tpu.memref_slice %arg7[%run_scoped3A_13, %dma_start3A_179] : memref<4x16xi32, #tpu.memory_space<vmem>> -> memref<1x16xi32, #tpu.memory_space<vmem>>
      %dma_start3A_181 = tpu.memref_squeeze %dma_start3A_180 : memref<1x16xi32, #tpu.memory_space<vmem>> -> memref<16xi32, #tpu.memory_space<vmem>>
      %dma_start3A_182 = tpu.memref_slice %arg4[%add3A_12] : memref<2048xi32, #tpu.memory_space<hbm>> -> memref<16xi32, #tpu.memory_space<hbm>>
      tpu.enqueue_dma source(%dma_start3A_182 : memref<16xi32, #tpu.memory_space<hbm>>) target(%dma_start3A_181 : memref<16xi32, #tpu.memory_space<vmem>>) target_semaphore(%run_scoped3A_174 : memref<!tpu.dma_semaphore, #tpu.memory_space<semaphore_mem>>)
      %dma_wait3A_183 = arith.constant 0 : i32
      %dma_wait3A_184 = tpu.memref_slice %arg7[%run_scoped3A_13, %dma_wait3A_183] : memref<4x16xi32, #tpu.memory_space<vmem>> -> memref<1x16xi32, #tpu.memory_space<vmem>>
      %dma_wait3A_185 = tpu.memref_squeeze %dma_wait3A_184 : memref<1x16xi32, #tpu.memory_space<vmem>> -> memref<16xi32, #tpu.memory_space<vmem>>
      %dma_wait3A_186 = tpu.memref_slice %arg4[%add3A_12] : memref<2048xi32, #tpu.memory_space<hbm>> -> memref<16xi32, #tpu.memory_space<hbm>>
      %dma_wait3A_187 = arith.constant 0 : i32
      %dma_wait3A_188 = tpu.memref_slice %arg7[%run_scoped3A_13, %dma_wait3A_187] : memref<4x16xi32, #tpu.memory_space<vmem>> -> memref<1x16xi32, #tpu.memory_space<vmem>>
      %dma_wait3A_189 = tpu.memref_squeeze %dma_wait3A_188 : memref<1x16xi32, #tpu.memory_space<vmem>> -> memref<16xi32, #tpu.memory_space<vmem>>
      %dma_wait3A_190 = tpu.memref_slice %arg4[%add3A_12] : memref<2048xi32, #tpu.memory_space<hbm>> -> memref<16xi32, #tpu.memory_space<hbm>>
      tpu.wait_dma2 semaphore(%run_scoped3A_174 : memref<!tpu.dma_semaphore, #tpu.memory_space<semaphore_mem>>) src(%dma_wait3A_190 : memref<16xi32, #tpu.memory_space<hbm>>) dst(%dma_wait3A_189 : memref<16xi32, #tpu.memory_space<vmem>>)
      tpu.yield
    }) : () -> ()
    %add3A_14 = arith.constant 32 : i32
    %add3A_15 = arith.addi %mul3A_2, %add3A_14 : i32
    %run_scoped3A_16 = arith.constant 2 : i32
    "tpu.region"() ({
      %run_scoped3A_174 = tpu.sem_alloc : memref<!tpu.dma_semaphore, #tpu.memory_space<semaphore_mem>>
      %dma_start3A_175 = arith.constant 0 : i32
      %dma_start3A_176 = tpu.memref_slice %arg6[%run_scoped3A_16, %dma_start3A_175] : memref<4x16xi32, #tpu.memory_space<vmem>> -> memref<1x16xi32, #tpu.memory_space<vmem>>
      %dma_start3A_177 = tpu.memref_squeeze %dma_start3A_176 : memref<1x16xi32, #tpu.memory_space<vmem>> -> memref<16xi32, #tpu.memory_space<vmem>>
      %dma_start3A_178 = tpu.memref_slice %arg3[%add3A_15] : memref<2048xi32, #tpu.memory_space<hbm>> -> memref<16xi32, #tpu.memory_space<hbm>>
      %dma_start3A_179 = arith.constant 0 : i32
      %dma_start3A_180 = tpu.memref_slice %arg6[%run_scoped3A_16, %dma_start3A_179] : memref<4x16xi32, #tpu.memory_space<vmem>> -> memref<1x16xi32, #tpu.memory_space<vmem>>
      %dma_start3A_181 = tpu.memref_squeeze %dma_start3A_180 : memref<1x16xi32, #tpu.memory_space<vmem>> -> memref<16xi32, #tpu.memory_space<vmem>>
      %dma_start3A_182 = tpu.memref_slice %arg3[%add3A_15] : memref<2048xi32, #tpu.memory_space<hbm>> -> memref<16xi32, #tpu.memory_space<hbm>>
      tpu.enqueue_dma source(%dma_start3A_182 : memref<16xi32, #tpu.memory_space<hbm>>) target(%dma_start3A_181 : memref<16xi32, #tpu.memory_space<vmem>>) target_semaphore(%run_scoped3A_174 : memref<!tpu.dma_semaphore, #tpu.memory_space<semaphore_mem>>)
      %dma_wait3A_183 = arith.constant 0 : i32
      %dma_wait3A_184 = tpu.memref_slice %arg6[%run_scoped3A_16, %dma_wait3A_183] : memref<4x16xi32, #tpu.memory_space<vmem>> -> memref<1x16xi32, #tpu.memory_space<vmem>>
      %dma_wait3A_185 = tpu.memref_squeeze %dma_wait3A_184 : memref<1x16xi32, #tpu.memory_space<vmem>> -> memref<16xi32, #tpu.memory_space<vmem>>
      %dma_wait3A_186 = tpu.memref_slice %arg3[%add3A_15] : memref<2048xi32, #tpu.memory_space<hbm>> -> memref<16xi32, #tpu.memory_space<hbm>>
      %dma_wait3A_187 = arith.constant 0 : i32
      %dma_wait3A_188 = tpu.memref_slice %arg6[%run_scoped3A_16, %dma_wait3A_187] : memref<4x16xi32, #tpu.memory_space<vmem>> -> memref<1x16xi32, #tpu.memory_space<vmem>>
      %dma_wait3A_189 = tpu.memref_squeeze %dma_wait3A_188 : memref<1x16xi32, #tpu.memory_space<vmem>> -> memref<16xi32, #tpu.memory_space<vmem>>
      %dma_wait3A_190 = tpu.memref_slice %arg3[%add3A_15] : memref<2048xi32, #tpu.memory_space<hbm>> -> memref<16xi32, #tpu.memory_space<hbm>>
      tpu.wait_dma2 semaphore(%run_scoped3A_174 : memref<!tpu.dma_semaphore, #tpu.memory_space<semaphore_mem>>) src(%dma_wait3A_190 : memref<16xi32, #tpu.memory_space<hbm>>) dst(%dma_wait3A_189 : memref<16xi32, #tpu.memory_space<vmem>>)
      tpu.yield
    }) : () -> ()
    %add3A_17 = arith.constant 32 : i32
    %add3A_18 = arith.addi %mul3A_2, %add3A_17 : i32
    %run_scoped3A_19 = arith.constant 2 : i32
    "tpu.region"() ({
      %run_scoped3A_174 = tpu.sem_alloc : memref<!tpu.dma_semaphore, #tpu.memory_space<semaphore_mem>>
      %dma_start3A_175 = arith.constant 0 : i32
      %dma_start3A_176 = tpu.memref_slice %arg7[%run_scoped3A_19, %dma_start3A_175] : memref<4x16xi32, #tpu.memory_space<vmem>> -> memref<1x16xi32, #tpu.memory_space<vmem>>
      %dma_start3A_177 = tpu.memref_squeeze %dma_start3A_176 : memref<1x16xi32, #tpu.memory_space<vmem>> -> memref<16xi32, #tpu.memory_space<vmem>>
      %dma_start3A_178 = tpu.memref_slice %arg4[%add3A_18] : memref<2048xi32, #tpu.memory_space<hbm>> -> memref<16xi32, #tpu.memory_space<hbm>>
      %dma_start3A_179 = arith.constant 0 : i32
      %dma_start3A_180 = tpu.memref_slice %arg7[%run_scoped3A_19, %dma_start3A_179] : memref<4x16xi32, #tpu.memory_space<vmem>> -> memref<1x16xi32, #tpu.memory_space<vmem>>
      %dma_start3A_181 = tpu.memref_squeeze %dma_start3A_180 : memref<1x16xi32, #tpu.memory_space<vmem>> -> memref<16xi32, #tpu.memory_space<vmem>>
      %dma_start3A_182 = tpu.memref_slice %arg4[%add3A_18] : memref<2048xi32, #tpu.memory_space<hbm>> -> memref<16xi32, #tpu.memory_space<hbm>>
      tpu.enqueue_dma source(%dma_start3A_182 : memref<16xi32, #tpu.memory_space<hbm>>) target(%dma_start3A_181 : memref<16xi32, #tpu.memory_space<vmem>>) target_semaphore(%run_scoped3A_174 : memref<!tpu.dma_semaphore, #tpu.memory_space<semaphore_mem>>)
      %dma_wait3A_183 = arith.constant 0 : i32
      %dma_wait3A_184 = tpu.memref_slice %arg7[%run_scoped3A_19, %dma_wait3A_183] : memref<4x16xi32, #tpu.memory_space<vmem>> -> memref<1x16xi32, #tpu.memory_space<vmem>>
      %dma_wait3A_185 = tpu.memref_squeeze %dma_wait3A_184 : memref<1x16xi32, #tpu.memory_space<vmem>> -> memref<16xi32, #tpu.memory_space<vmem>>
      %dma_wait3A_186 = tpu.memref_slice %arg4[%add3A_18] : memref<2048xi32, #tpu.memory_space<hbm>> -> memref<16xi32, #tpu.memory_space<hbm>>
      %dma_wait3A_187 = arith.constant 0 : i32
      %dma_wait3A_188 = tpu.memref_slice %arg7[%run_scoped3A_19, %dma_wait3A_187] : memref<4x16xi32, #tpu.memory_space<vmem>> -> memref<1x16xi32, #tpu.memory_space<vmem>>
      %dma_wait3A_189 = tpu.memref_squeeze %dma_wait3A_188 : memref<1x16xi32, #tpu.memory_space<vmem>> -> memref<16xi32, #tpu.memory_space<vmem>>
      %dma_wait3A_190 = tpu.memref_slice %arg4[%add3A_18] : memref<2048xi32, #tpu.memory_space<hbm>> -> memref<16xi32, #tpu.memory_space<hbm>>
      tpu.wait_dma2 semaphore(%run_scoped3A_174 : memref<!tpu.dma_semaphore, #tpu.memory_space<semaphore_mem>>) src(%dma_wait3A_190 : memref<16xi32, #tpu.memory_space<hbm>>) dst(%dma_wait3A_189 : memref<16xi32, #tpu.memory_space<vmem>>)
      tpu.yield
    }) : () -> ()
    %add3A_20 = arith.constant 48 : i32
    %add3A_21 = arith.addi %mul3A_2, %add3A_20 : i32
    %run_scoped3A_22 = arith.constant 3 : i32
    "tpu.region"() ({
      %run_scoped3A_174 = tpu.sem_alloc : memref<!tpu.dma_semaphore, #tpu.memory_space<semaphore_mem>>
      %dma_start3A_175 = arith.constant 0 : i32
      %dma_start3A_176 = tpu.memref_slice %arg6[%run_scoped3A_22, %dma_start3A_175] : memref<4x16xi32, #tpu.memory_space<vmem>> -> memref<1x16xi32, #tpu.memory_space<vmem>>
      %dma_start3A_177 = tpu.memref_squeeze %dma_start3A_176 : memref<1x16xi32, #tpu.memory_space<vmem>> -> memref<16xi32, #tpu.memory_space<vmem>>
      %dma_start3A_178 = tpu.memref_slice %arg3[%add3A_21] : memref<2048xi32, #tpu.memory_space<hbm>> -> memref<16xi32, #tpu.memory_space<hbm>>
      %dma_start3A_179 = arith.constant 0 : i32
      %dma_start3A_180 = tpu.memref_slice %arg6[%run_scoped3A_22, %dma_start3A_179] : memref<4x16xi32, #tpu.memory_space<vmem>> -> memref<1x16xi32, #tpu.memory_space<vmem>>
      %dma_start3A_181 = tpu.memref_squeeze %dma_start3A_180 : memref<1x16xi32, #tpu.memory_space<vmem>> -> memref<16xi32, #tpu.memory_space<vmem>>
      %dma_start3A_182 = tpu.memref_slice %arg3[%add3A_21] : memref<2048xi32, #tpu.memory_space<hbm>> -> memref<16xi32, #tpu.memory_space<hbm>>
      tpu.enqueue_dma source(%dma_start3A_182 : memref<16xi32, #tpu.memory_space<hbm>>) target(%dma_start3A_181 : memref<16xi32, #tpu.memory_space<vmem>>) target_semaphore(%run_scoped3A_174 : memref<!tpu.dma_semaphore, #tpu.memory_space<semaphore_mem>>)
      %dma_wait3A_183 = arith.constant 0 : i32
      %dma_wait3A_184 = tpu.memref_slice %arg6[%run_scoped3A_22, %dma_wait3A_183] : memref<4x16xi32, #tpu.memory_space<vmem>> -> memref<1x16xi32, #tpu.memory_space<vmem>>
      %dma_wait3A_185 = tpu.memref_squeeze %dma_wait3A_184 : memref<1x16xi32, #tpu.memory_space<vmem>> -> memref<16xi32, #tpu.memory_space<vmem>>
      %dma_wait3A_186 = tpu.memref_slice %arg3[%add3A_21] : memref<2048xi32, #tpu.memory_space<hbm>> -> memref<16xi32, #tpu.memory_space<hbm>>
      %dma_wait3A_187 = arith.constant 0 : i32
      %dma_wait3A_188 = tpu.memref_slice %arg6[%run_scoped3A_22, %dma_wait3A_187] : memref<4x16xi32, #tpu.memory_space<vmem>> -> memref<1x16xi32, #tpu.memory_space<vmem>>
      %dma_wait3A_189 = tpu.memref_squeeze %dma_wait3A_188 : memref<1x16xi32, #tpu.memory_space<vmem>> -> memref<16xi32, #tpu.memory_space<vmem>>
      %dma_wait3A_190 = tpu.memref_slice %arg3[%add3A_21] : memref<2048xi32, #tpu.memory_space<hbm>> -> memref<16xi32, #tpu.memory_space<hbm>>
      tpu.wait_dma2 semaphore(%run_scoped3A_174 : memref<!tpu.dma_semaphore, #tpu.memory_space<semaphore_mem>>) src(%dma_wait3A_190 : memref<16xi32, #tpu.memory_space<hbm>>) dst(%dma_wait3A_189 : memref<16xi32, #tpu.memory_space<vmem>>)
      tpu.yield
    }) : () -> ()
    %add3A_23 = arith.constant 48 : i32
    %add3A_24 = arith.addi %mul3A_2, %add3A_23 : i32
    %run_scoped3A_25 = arith.constant 3 : i32
    "tpu.region"() ({
      %run_scoped3A_174 = tpu.sem_alloc : memref<!tpu.dma_semaphore, #tpu.memory_space<semaphore_mem>>
      %dma_start3A_175 = arith.constant 0 : i32
      %dma_start3A_176 = tpu.memref_slice %arg7[%run_scoped3A_25, %dma_start3A_175] : memref<4x16xi32, #tpu.memory_space<vmem>> -> memref<1x16xi32, #tpu.memory_space<vmem>>
      %dma_start3A_177 = tpu.memref_squeeze %dma_start3A_176 : memref<1x16xi32, #tpu.memory_space<vmem>> -> memref<16xi32, #tpu.memory_space<vmem>>
      %dma_start3A_178 = tpu.memref_slice %arg4[%add3A_24] : memref<2048xi32, #tpu.memory_space<hbm>> -> memref<16xi32, #tpu.memory_space<hbm>>
      %dma_start3A_179 = arith.constant 0 : i32
      %dma_start3A_180 = tpu.memref_slice %arg7[%run_scoped3A_25, %dma_start3A_179] : memref<4x16xi32, #tpu.memory_space<vmem>> -> memref<1x16xi32, #tpu.memory_space<vmem>>
      %dma_start3A_181 = tpu.memref_squeeze %dma_start3A_180 : memref<1x16xi32, #tpu.memory_space<vmem>> -> memref<16xi32, #tpu.memory_space<vmem>>
      %dma_start3A_182 = tpu.memref_slice %arg4[%add3A_24] : memref<2048xi32, #tpu.memory_space<hbm>> -> memref<16xi32, #tpu.memory_space<hbm>>
      tpu.enqueue_dma source(%dma_start3A_182 : memref<16xi32, #tpu.memory_space<hbm>>) target(%dma_start3A_181 : memref<16xi32, #tpu.memory_space<vmem>>) target_semaphore(%run_scoped3A_174 : memref<!tpu.dma_semaphore, #tpu.memory_space<semaphore_mem>>)
      %dma_wait3A_183 = arith.constant 0 : i32
      %dma_wait3A_184 = tpu.memref_slice %arg7[%run_scoped3A_25, %dma_wait3A_183] : memref<4x16xi32, #tpu.memory_space<vmem>> -> memref<1x16xi32, #tpu.memory_space<vmem>>
      %dma_wait3A_185 = tpu.memref_squeeze %dma_wait3A_184 : memref<1x16xi32, #tpu.memory_space<vmem>> -> memref<16xi32, #tpu.memory_space<vmem>>
      %dma_wait3A_186 = tpu.memref_slice %arg4[%add3A_24] : memref<2048xi32, #tpu.memory_space<hbm>> -> memref<16xi32, #tpu.memory_space<hbm>>
      %dma_wait3A_187 = arith.constant 0 : i32
      %dma_wait3A_188 = tpu.memref_slice %arg7[%run_scoped3A_25, %dma_wait3A_187] : memref<4x16xi32, #tpu.memory_space<vmem>> -> memref<1x16xi32, #tpu.memory_space<vmem>>
      %dma_wait3A_189 = tpu.memref_squeeze %dma_wait3A_188 : memref<1x16xi32, #tpu.memory_space<vmem>> -> memref<16xi32, #tpu.memory_space<vmem>>
      %dma_wait3A_190 = tpu.memref_slice %arg4[%add3A_24] : memref<2048xi32, #tpu.memory_space<hbm>> -> memref<16xi32, #tpu.memory_space<hbm>>
      tpu.wait_dma2 semaphore(%run_scoped3A_174 : memref<!tpu.dma_semaphore, #tpu.memory_space<semaphore_mem>>) src(%dma_wait3A_190 : memref<16xi32, #tpu.memory_space<hbm>>) dst(%dma_wait3A_189 : memref<16xi32, #tpu.memory_space<vmem>>)
      tpu.yield
    }) : () -> ()
    %dma_start3A = arith.constant 0 : i32
    %dma_start3A_26 = tpu.memref_slice %arg2[%mul3A_2, %dma_start3A] : memref<2048x768xf32, #tpu.memory_space<hbm>> -> memref<16x768xf32, #tpu.memory_space<hbm>>
    %dma_start3A_27 = arith.constant 0 : i32
    %dma_start3A_28 = tpu.memref_slice %arg2[%mul3A_2, %dma_start3A_27] : memref<2048x768xf32, #tpu.memory_space<hbm>> -> memref<16x768xf32, #tpu.memory_space<hbm>>
    tpu.enqueue_dma source(%dma_start3A_28 : memref<16x768xf32, #tpu.memory_space<hbm>>) target(%arg8 : memref<16x768xf32, #tpu.memory_space<vmem>>) target_semaphore(%arg10 : memref<!tpu.dma_semaphore, #tpu.memory_space<semaphore_mem>>)
    %dma_wait3A = arith.constant 0 : i32
    %dma_wait3A_29 = tpu.memref_slice %arg2[%mul3A_2, %dma_wait3A] : memref<2048x768xf32, #tpu.memory_space<hbm>> -> memref<16x768xf32, #tpu.memory_space<hbm>>
    %dma_wait3A_30 = arith.constant 0 : i32
    %dma_wait3A_31 = tpu.memref_slice %arg2[%mul3A_2, %dma_wait3A_30] : memref<2048x768xf32, #tpu.memory_space<hbm>> -> memref<16x768xf32, #tpu.memory_space<hbm>>
    tpu.wait_dma2 semaphore(%arg10 : memref<!tpu.dma_semaphore, #tpu.memory_space<semaphore_mem>>) src(%dma_wait3A_31 : memref<16x768xf32, #tpu.memory_space<hbm>>) dst(%arg8 : memref<16x768xf32, #tpu.memory_space<vmem>>)
    %add3A_32 = arith.constant 16 : i32
    %add3A_33 = arith.addi %mul3A_2, %add3A_32 : i32
    %dma_start3A_34 = arith.constant 0 : i32
    %dma_start3A_35 = tpu.memref_slice %arg2[%add3A_33, %dma_start3A_34] : memref<2048x768xf32, #tpu.memory_space<hbm>> -> memref<16x768xf32, #tpu.memory_space<hbm>>
    %dma_start3A_36 = arith.constant 0 : i32
    %dma_start3A_37 = tpu.memref_slice %arg2[%add3A_33, %dma_start3A_36] : memref<2048x768xf32, #tpu.memory_space<hbm>> -> memref<16x768xf32, #tpu.memory_space<hbm>>
    tpu.enqueue_dma source(%dma_start3A_37 : memref<16x768xf32, #tpu.memory_space<hbm>>) target(%arg9 : memref<16x768xf32, #tpu.memory_space<vmem>>) target_semaphore(%arg10 : memref<!tpu.dma_semaphore, #tpu.memory_space<semaphore_mem>>)
    %dma_start3A_38 = arith.constant 0 : i32
    %dma_start3A_39 = arith.constant 0 : i32
    %dma_start3A_40 = tpu.memref_slice %arg6[%dma_start3A_38, %dma_start3A_39] : memref<4x16xi32, #tpu.memory_space<vmem>> -> memref<1x16xi32, #tpu.memory_space<vmem>>
    %dma_start3A_41 = tpu.memref_squeeze %dma_start3A_40 : memref<1x16xi32, #tpu.memory_space<vmem>> -> memref<16xi32, #tpu.memory_space<vmem>>
    %dma_start3A_42 = arith.constant 0 : i32
    %dma_start3A_43 = arith.constant 0 : i32
    %dma_start3A_44 = tpu.memref_slice %arg5[%dma_start3A_42, %dma_start3A_43] : memref<6144x768xf32, #tpu.memory_space<hbm>> -> memref<6144x768xf32, #tpu.memory_space<hbm>>
    tpu.enqueue_indirect_dma source(%arg8 : memref<16x768xf32, #tpu.memory_space<vmem>>) target(%dma_start3A_44 : memref<6144x768xf32, #tpu.memory_space<hbm>>) offsets(%dma_start3A_41 : memref<16xi32, #tpu.memory_space<vmem>>) semaphore(%arg11 : memref<!tpu.dma_semaphore, #tpu.memory_space<semaphore_mem>>)
    %dma_start3A_45 = arith.constant 0 : i32
    %dma_start3A_46 = arith.constant 0 : i32
    %dma_start3A_47 = tpu.memref_slice %arg7[%dma_start3A_45, %dma_start3A_46] : memref<4x16xi32, #tpu.memory_space<vmem>> -> memref<1x16xi32, #tpu.memory_space<vmem>>
    %dma_start3A_48 = tpu.memref_squeeze %dma_start3A_47 : memref<1x16xi32, #tpu.memory_space<vmem>> -> memref<16xi32, #tpu.memory_space<vmem>>
    %dma_start3A_49 = arith.constant 0 : i32
    %dma_start3A_50 = arith.constant 0 : i32
    %dma_start3A_51 = tpu.memref_slice %arg5[%dma_start3A_49, %dma_start3A_50] : memref<6144x768xf32, #tpu.memory_space<hbm>> -> memref<6144x768xf32, #tpu.memory_space<hbm>>
    tpu.enqueue_indirect_dma source(%arg8 : memref<16x768xf32, #tpu.memory_space<vmem>>) target(%dma_start3A_51 : memref<6144x768xf32, #tpu.memory_space<hbm>>) offsets(%dma_start3A_48 : memref<16xi32, #tpu.memory_space<vmem>>) semaphore(%arg12 : memref<!tpu.dma_semaphore, #tpu.memory_space<semaphore_mem>>)
    %dma_wait3A_52 = arith.constant 0 : i32
    %dma_wait3A_53 = tpu.memref_slice %arg2[%add3A_33, %dma_wait3A_52] : memref<2048x768xf32, #tpu.memory_space<hbm>> -> memref<16x768xf32, #tpu.memory_space<hbm>>
    %dma_wait3A_54 = arith.constant 0 : i32
    %dma_wait3A_55 = tpu.memref_slice %arg2[%add3A_33, %dma_wait3A_54] : memref<2048x768xf32, #tpu.memory_space<hbm>> -> memref<16x768xf32, #tpu.memory_space<hbm>>
    tpu.wait_dma2 semaphore(%arg10 : memref<!tpu.dma_semaphore, #tpu.memory_space<semaphore_mem>>) src(%dma_wait3A_55 : memref<16x768xf32, #tpu.memory_space<hbm>>) dst(%arg9 : memref<16x768xf32, #tpu.memory_space<vmem>>)
    %dma_wait3A_56 = arith.constant 0 : i32
    %dma_wait3A_57 = arith.constant 0 : i32
    %dma_wait3A_58 = tpu.memref_slice %arg6[%dma_wait3A_56, %dma_wait3A_57] : memref<4x16xi32, #tpu.memory_space<vmem>> -> memref<1x16xi32, #tpu.memory_space<vmem>>
    %dma_wait3A_59 = tpu.memref_squeeze %dma_wait3A_58 : memref<1x16xi32, #tpu.memory_space<vmem>> -> memref<16xi32, #tpu.memory_space<vmem>>
    %dma_wait3A_60 = arith.constant 0 : i32
    %dma_wait3A_61 = arith.constant 0 : i32
    %dma_wait3A_62 = tpu.memref_slice %arg5[%dma_wait3A_60, %dma_wait3A_61] : memref<6144x768xf32, #tpu.memory_space<hbm>> -> memref<6144x768xf32, #tpu.memory_space<hbm>>
    tpu.wait_indirect_dma semaphore(%arg11 : memref<!tpu.dma_semaphore, #tpu.memory_space<semaphore_mem>>) src(%arg8 : memref<16x768xf32, #tpu.memory_space<vmem>>) dst(%dma_wait3A_62 : memref<6144x768xf32, #tpu.memory_space<hbm>>)
    %dma_wait3A_63 = arith.constant 0 : i32
    %dma_wait3A_64 = arith.constant 0 : i32
    %dma_wait3A_65 = tpu.memref_slice %arg7[%dma_wait3A_63, %dma_wait3A_64] : memref<4x16xi32, #tpu.memory_space<vmem>> -> memref<1x16xi32, #tpu.memory_space<vmem>>
    %dma_wait3A_66 = tpu.memref_squeeze %dma_wait3A_65 : memref<1x16xi32, #tpu.memory_space<vmem>> -> memref<16xi32, #tpu.memory_space<vmem>>
    %dma_wait3A_67 = arith.constant 0 : i32
    %dma_wait3A_68 = arith.constant 0 : i32
    %dma_wait3A_69 = tpu.memref_slice %arg5[%dma_wait3A_67, %dma_wait3A_68] : memref<6144x768xf32, #tpu.memory_space<hbm>> -> memref<6144x768xf32, #tpu.memory_space<hbm>>
    tpu.wait_indirect_dma semaphore(%arg12 : memref<!tpu.dma_semaphore, #tpu.memory_space<semaphore_mem>>) src(%arg8 : memref<16x768xf32, #tpu.memory_space<vmem>>) dst(%dma_wait3A_69 : memref<6144x768xf32, #tpu.memory_space<hbm>>)
    %add3A_70 = arith.constant 32 : i32
    %add3A_71 = arith.addi %mul3A_2, %add3A_70 : i32
    %dma_start3A_72 = arith.constant 0 : i32
    %dma_start3A_73 = tpu.memref_slice %arg2[%add3A_71, %dma_start3A_72] : memref<2048x768xf32, #tpu.memory_space<hbm>> -> memref<16x768xf32, #tpu.memory_space<hbm>>
    %dma_start3A_74 = arith.constant 0 : i32
    %dma_start3A_75 = tpu.memref_slice %arg2[%add3A_71, %dma_start3A_74] : memref<2048x768xf32, #tpu.memory_space<hbm>> -> memref<16x768xf32, #tpu.memory_space<hbm>>
    tpu.enqueue_dma source(%dma_start3A_75 : memref<16x768xf32, #tpu.memory_space<hbm>>) target(%arg8 : memref<16x768xf32, #tpu.memory_space<vmem>>) target_semaphore(%arg10 : memref<!tpu.dma_semaphore, #tpu.memory_space<semaphore_mem>>)
    %dma_start3A_76 = arith.constant 1 : i32
    %dma_start3A_77 = arith.constant 0 : i32
    %dma_start3A_78 = tpu.memref_slice %arg6[%dma_start3A_76, %dma_start3A_77] : memref<4x16xi32, #tpu.memory_space<vmem>> -> memref<1x16xi32, #tpu.memory_space<vmem>>
    %dma_start3A_79 = tpu.memref_squeeze %dma_start3A_78 : memref<1x16xi32, #tpu.memory_space<vmem>> -> memref<16xi32, #tpu.memory_space<vmem>>
    %dma_start3A_80 = arith.constant 0 : i32
    %dma_start3A_81 = arith.constant 0 : i32
    %dma_start3A_82 = tpu.memref_slice %arg5[%dma_start3A_80, %dma_start3A_81] : memref<6144x768xf32, #tpu.memory_space<hbm>> -> memref<6144x768xf32, #tpu.memory_space<hbm>>
    tpu.enqueue_indirect_dma source(%arg9 : memref<16x768xf32, #tpu.memory_space<vmem>>) target(%dma_start3A_82 : memref<6144x768xf32, #tpu.memory_space<hbm>>) offsets(%dma_start3A_79 : memref<16xi32, #tpu.memory_space<vmem>>) semaphore(%arg11 : memref<!tpu.dma_semaphore, #tpu.memory_space<semaphore_mem>>)
    %dma_start3A_83 = arith.constant 1 : i32
    %dma_start3A_84 = arith.constant 0 : i32
    %dma_start3A_85 = tpu.memref_slice %arg7[%dma_start3A_83, %dma_start3A_84] : memref<4x16xi32, #tpu.memory_space<vmem>> -> memref<1x16xi32, #tpu.memory_space<vmem>>
    %dma_start3A_86 = tpu.memref_squeeze %dma_start3A_85 : memref<1x16xi32, #tpu.memory_space<vmem>> -> memref<16xi32, #tpu.memory_space<vmem>>
    %dma_start3A_87 = arith.constant 0 : i32
    %dma_start3A_88 = arith.constant 0 : i32
    %dma_start3A_89 = tpu.memref_slice %arg5[%dma_start3A_87, %dma_start3A_88] : memref<6144x768xf32, #tpu.memory_space<hbm>> -> memref<6144x768xf32, #tpu.memory_space<hbm>>
    tpu.enqueue_indirect_dma source(%arg9 : memref<16x768xf32, #tpu.memory_space<vmem>>) target(%dma_start3A_89 : memref<6144x768xf32, #tpu.memory_space<hbm>>) offsets(%dma_start3A_86 : memref<16xi32, #tpu.memory_space<vmem>>) semaphore(%arg12 : memref<!tpu.dma_semaphore, #tpu.memory_space<semaphore_mem>>)
    %dma_wait3A_90 = arith.constant 0 : i32
    %dma_wait3A_91 = tpu.memref_slice %arg2[%add3A_71, %dma_wait3A_90] : memref<2048x768xf32, #tpu.memory_space<hbm>> -> memref<16x768xf32, #tpu.memory_space<hbm>>
    %dma_wait3A_92 = arith.constant 0 : i32
    %dma_wait3A_93 = tpu.memref_slice %arg2[%add3A_71, %dma_wait3A_92] : memref<2048x768xf32, #tpu.memory_space<hbm>> -> memref<16x768xf32, #tpu.memory_space<hbm>>
    tpu.wait_dma2 semaphore(%arg10 : memref<!tpu.dma_semaphore, #tpu.memory_space<semaphore_mem>>) src(%dma_wait3A_93 : memref<16x768xf32, #tpu.memory_space<hbm>>) dst(%arg8 : memref<16x768xf32, #tpu.memory_space<vmem>>)
    %dma_wait3A_94 = arith.constant 1 : i32
    %dma_wait3A_95 = arith.constant 0 : i32
    %dma_wait3A_96 = tpu.memref_slice %arg6[%dma_wait3A_94, %dma_wait3A_95] : memref<4x16xi32, #tpu.memory_space<vmem>> -> memref<1x16xi32, #tpu.memory_space<vmem>>
    %dma_wait3A_97 = tpu.memref_squeeze %dma_wait3A_96 : memref<1x16xi32, #tpu.memory_space<vmem>> -> memref<16xi32, #tpu.memory_space<vmem>>
    %dma_wait3A_98 = arith.constant 0 : i32
    %dma_wait3A_99 = arith.constant 0 : i32
    %dma_wait3A_100 = tpu.memref_slice %arg5[%dma_wait3A_98, %dma_wait3A_99] : memref<6144x768xf32, #tpu.memory_space<hbm>> -> memref<6144x768xf32, #tpu.memory_space<hbm>>
    tpu.wait_indirect_dma semaphore(%arg11 : memref<!tpu.dma_semaphore, #tpu.memory_space<semaphore_mem>>) src(%arg9 : memref<16x768xf32, #tpu.memory_space<vmem>>) dst(%dma_wait3A_100 : memref<6144x768xf32, #tpu.memory_space<hbm>>)
    %dma_wait3A_101 = arith.constant 1 : i32
    %dma_wait3A_102 = arith.constant 0 : i32
    %dma_wait3A_103 = tpu.memref_slice %arg7[%dma_wait3A_101, %dma_wait3A_102] : memref<4x16xi32, #tpu.memory_space<vmem>> -> memref<1x16xi32, #tpu.memory_space<vmem>>
    %dma_wait3A_104 = tpu.memref_squeeze %dma_wait3A_103 : memref<1x16xi32, #tpu.memory_space<vmem>> -> memref<16xi32, #tpu.memory_space<vmem>>
    %dma_wait3A_105 = arith.constant 0 : i32
    %dma_wait3A_106 = arith.constant 0 : i32
    %dma_wait3A_107 = tpu.memref_slice %arg5[%dma_wait3A_105, %dma_wait3A_106] : memref<6144x768xf32, #tpu.memory_space<hbm>> -> memref<6144x768xf32, #tpu.memory_space<hbm>>
    tpu.wait_indirect_dma semaphore(%arg12 : memref<!tpu.dma_semaphore, #tpu.memory_space<semaphore_mem>>) src(%arg9 : memref<16x768xf32, #tpu.memory_space<vmem>>) dst(%dma_wait3A_107 : memref<6144x768xf32, #tpu.memory_space<hbm>>)
    %add3A_108 = arith.constant 48 : i32
    %add3A_109 = arith.addi %mul3A_2, %add3A_108 : i32
    %dma_start3A_110 = arith.constant 0 : i32
    %dma_start3A_111 = tpu.memref_slice %arg2[%add3A_109, %dma_start3A_110] : memref<2048x768xf32, #tpu.memory_space<hbm>> -> memref<16x768xf32, #tpu.memory_space<hbm>>
    %dma_start3A_112 = arith.constant 0 : i32
    %dma_start3A_113 = tpu.memref_slice %arg2[%add3A_109, %dma_start3A_112] : memref<2048x768xf32, #tpu.memory_space<hbm>> -> memref<16x768xf32, #tpu.memory_space<hbm>>
    tpu.enqueue_dma source(%dma_start3A_113 : memref<16x768xf32, #tpu.memory_space<hbm>>) target(%arg9 : memref<16x768xf32, #tpu.memory_space<vmem>>) target_semaphore(%arg10 : memref<!tpu.dma_semaphore, #tpu.memory_space<semaphore_mem>>)
    %dma_start3A_114 = arith.constant 2 : i32
    %dma_start3A_115 = arith.constant 0 : i32
    %dma_start3A_116 = tpu.memref_slice %arg6[%dma_start3A_114, %dma_start3A_115] : memref<4x16xi32, #tpu.memory_space<vmem>> -> memref<1x16xi32, #tpu.memory_space<vmem>>
    %dma_start3A_117 = tpu.memref_squeeze %dma_start3A_116 : memref<1x16xi32, #tpu.memory_space<vmem>> -> memref<16xi32, #tpu.memory_space<vmem>>
    %dma_start3A_118 = arith.constant 0 : i32
    %dma_start3A_119 = arith.constant 0 : i32
    %dma_start3A_120 = tpu.memref_slice %arg5[%dma_start3A_118, %dma_start3A_119] : memref<6144x768xf32, #tpu.memory_space<hbm>> -> memref<6144x768xf32, #tpu.memory_space<hbm>>
    tpu.enqueue_indirect_dma source(%arg8 : memref<16x768xf32, #tpu.memory_space<vmem>>) target(%dma_start3A_120 : memref<6144x768xf32, #tpu.memory_space<hbm>>) offsets(%dma_start3A_117 : memref<16xi32, #tpu.memory_space<vmem>>) semaphore(%arg11 : memref<!tpu.dma_semaphore, #tpu.memory_space<semaphore_mem>>)
    %dma_start3A_121 = arith.constant 2 : i32
    %dma_start3A_122 = arith.constant 0 : i32
    %dma_start3A_123 = tpu.memref_slice %arg7[%dma_start3A_121, %dma_start3A_122] : memref<4x16xi32, #tpu.memory_space<vmem>> -> memref<1x16xi32, #tpu.memory_space<vmem>>
    %dma_start3A_124 = tpu.memref_squeeze %dma_start3A_123 : memref<1x16xi32, #tpu.memory_space<vmem>> -> memref<16xi32, #tpu.memory_space<vmem>>
    %dma_start3A_125 = arith.constant 0 : i32
    %dma_start3A_126 = arith.constant 0 : i32
    %dma_start3A_127 = tpu.memref_slice %arg5[%dma_start3A_125, %dma_start3A_126] : memref<6144x768xf32, #tpu.memory_space<hbm>> -> memref<6144x768xf32, #tpu.memory_space<hbm>>
    tpu.enqueue_indirect_dma source(%arg8 : memref<16x768xf32, #tpu.memory_space<vmem>>) target(%dma_start3A_127 : memref<6144x768xf32, #tpu.memory_space<hbm>>) offsets(%dma_start3A_124 : memref<16xi32, #tpu.memory_space<vmem>>) semaphore(%arg12 : memref<!tpu.dma_semaphore, #tpu.memory_space<semaphore_mem>>)
    %dma_wait3A_128 = arith.constant 0 : i32
    %dma_wait3A_129 = tpu.memref_slice %arg2[%add3A_109, %dma_wait3A_128] : memref<2048x768xf32, #tpu.memory_space<hbm>> -> memref<16x768xf32, #tpu.memory_space<hbm>>
    %dma_wait3A_130 = arith.constant 0 : i32
    %dma_wait3A_131 = tpu.memref_slice %arg2[%add3A_109, %dma_wait3A_130] : memref<2048x768xf32, #tpu.memory_space<hbm>> -> memref<16x768xf32, #tpu.memory_space<hbm>>
    tpu.wait_dma2 semaphore(%arg10 : memref<!tpu.dma_semaphore, #tpu.memory_space<semaphore_mem>>) src(%dma_wait3A_131 : memref<16x768xf32, #tpu.memory_space<hbm>>) dst(%arg9 : memref<16x768xf32, #tpu.memory_space<vmem>>)
    %dma_start3A_132 = arith.constant 3 : i32
    %dma_start3A_133 = arith.constant 0 : i32
    %dma_start3A_134 = tpu.memref_slice %arg6[%dma_start3A_132, %dma_start3A_133] : memref<4x16xi32, #tpu.memory_space<vmem>> -> memref<1x16xi32, #tpu.memory_space<vmem>>
    %dma_start3A_135 = tpu.memref_squeeze %dma_start3A_134 : memref<1x16xi32, #tpu.memory_space<vmem>> -> memref<16xi32, #tpu.memory_space<vmem>>
    %dma_start3A_136 = arith.constant 0 : i32
    %dma_start3A_137 = arith.constant 0 : i32
    %dma_start3A_138 = tpu.memref_slice %arg5[%dma_start3A_136, %dma_start3A_137] : memref<6144x768xf32, #tpu.memory_space<hbm>> -> memref<6144x768xf32, #tpu.memory_space<hbm>>
    tpu.enqueue_indirect_dma source(%arg9 : memref<16x768xf32, #tpu.memory_space<vmem>>) target(%dma_start3A_138 : memref<6144x768xf32, #tpu.memory_space<hbm>>) offsets(%dma_start3A_135 : memref<16xi32, #tpu.memory_space<vmem>>) semaphore(%arg11 : memref<!tpu.dma_semaphore, #tpu.memory_space<semaphore_mem>>)
    %dma_start3A_139 = arith.constant 3 : i32
    %dma_start3A_140 = arith.constant 0 : i32
    %dma_start3A_141 = tpu.memref_slice %arg7[%dma_start3A_139, %dma_start3A_140] : memref<4x16xi32, #tpu.memory_space<vmem>> -> memref<1x16xi32, #tpu.memory_space<vmem>>
    %dma_start3A_142 = tpu.memref_squeeze %dma_start3A_141 : memref<1x16xi32, #tpu.memory_space<vmem>> -> memref<16xi32, #tpu.memory_space<vmem>>
    %dma_start3A_143 = arith.constant 0 : i32
    %dma_start3A_144 = arith.constant 0 : i32
    %dma_start3A_145 = tpu.memref_slice %arg5[%dma_start3A_143, %dma_start3A_144] : memref<6144x768xf32, #tpu.memory_space<hbm>> -> memref<6144x768xf32, #tpu.memory_space<hbm>>
    tpu.enqueue_indirect_dma source(%arg9 : memref<16x768xf32, #tpu.memory_space<vmem>>) target(%dma_start3A_145 : memref<6144x768xf32, #tpu.memory_space<hbm>>) offsets(%dma_start3A_142 : memref<16xi32, #tpu.memory_space<vmem>>) semaphore(%arg12 : memref<!tpu.dma_semaphore, #tpu.memory_space<semaphore_mem>>)
    %dma_wait3A_146 = arith.constant 2 : i32
    %dma_wait3A_147 = arith.constant 0 : i32
    %dma_wait3A_148 = tpu.memref_slice %arg6[%dma_wait3A_146, %dma_wait3A_147] : memref<4x16xi32, #tpu.memory_space<vmem>> -> memref<1x16xi32, #tpu.memory_space<vmem>>
    %dma_wait3A_149 = tpu.memref_squeeze %dma_wait3A_148 : memref<1x16xi32, #tpu.memory_space<vmem>> -> memref<16xi32, #tpu.memory_space<vmem>>
    %dma_wait3A_150 = arith.constant 0 : i32
    %dma_wait3A_151 = arith.constant 0 : i32
    %dma_wait3A_152 = tpu.memref_slice %arg5[%dma_wait3A_150, %dma_wait3A_151] : memref<6144x768xf32, #tpu.memory_space<hbm>> -> memref<6144x768xf32, #tpu.memory_space<hbm>>
    tpu.wait_indirect_dma semaphore(%arg11 : memref<!tpu.dma_semaphore, #tpu.memory_space<semaphore_mem>>) src(%arg8 : memref<16x768xf32, #tpu.memory_space<vmem>>) dst(%dma_wait3A_152 : memref<6144x768xf32, #tpu.memory_space<hbm>>)
    %dma_wait3A_153 = arith.constant 2 : i32
    %dma_wait3A_154 = arith.constant 0 : i32
    %dma_wait3A_155 = tpu.memref_slice %arg7[%dma_wait3A_153, %dma_wait3A_154] : memref<4x16xi32, #tpu.memory_space<vmem>> -> memref<1x16xi32, #tpu.memory_space<vmem>>
    %dma_wait3A_156 = tpu.memref_squeeze %dma_wait3A_155 : memref<1x16xi32, #tpu.memory_space<vmem>> -> memref<16xi32, #tpu.memory_space<vmem>>
    %dma_wait3A_157 = arith.constant 0 : i32
    %dma_wait3A_158 = arith.constant 0 : i32
    %dma_wait3A_159 = tpu.memref_slice %arg5[%dma_wait3A_157, %dma_wait3A_158] : memref<6144x768xf32, #tpu.memory_space<hbm>> -> memref<6144x768xf32, #tpu.memory_space<hbm>>
    tpu.wait_indirect_dma semaphore(%arg12 : memref<!tpu.dma_semaphore, #tpu.memory_space<semaphore_mem>>) src(%arg8 : memref<16x768xf32, #tpu.memory_space<vmem>>) dst(%dma_wait3A_159 : memref<6144x768xf32, #tpu.memory_space<hbm>>)
    %dma_wait3A_160 = arith.constant 3 : i32
    %dma_wait3A_161 = arith.constant 0 : i32
    %dma_wait3A_162 = tpu.memref_slice %arg6[%dma_wait3A_160, %dma_wait3A_161] : memref<4x16xi32, #tpu.memory_space<vmem>> -> memref<1x16xi32, #tpu.memory_space<vmem>>
    %dma_wait3A_163 = tpu.memref_squeeze %dma_wait3A_162 : memref<1x16xi32, #tpu.memory_space<vmem>> -> memref<16xi32, #tpu.memory_space<vmem>>
    %dma_wait3A_164 = arith.constant 0 : i32
    %dma_wait3A_165 = arith.constant 0 : i32
    %dma_wait3A_166 = tpu.memref_slice %arg5[%dma_wait3A_164, %dma_wait3A_165] : memref<6144x768xf32, #tpu.memory_space<hbm>> -> memref<6144x768xf32, #tpu.memory_space<hbm>>
    tpu.wait_indirect_dma semaphore(%arg11 : memref<!tpu.dma_semaphore, #tpu.memory_space<semaphore_mem>>) src(%arg9 : memref<16x768xf32, #tpu.memory_space<vmem>>) dst(%dma_wait3A_166 : memref<6144x768xf32, #tpu.memory_space<hbm>>)
    %dma_wait3A_167 = arith.constant 3 : i32
    %dma_wait3A_168 = arith.constant 0 : i32
    %dma_wait3A_169 = tpu.memref_slice %arg7[%dma_wait3A_167, %dma_wait3A_168] : memref<4x16xi32, #tpu.memory_space<vmem>> -> memref<1x16xi32, #tpu.memory_space<vmem>>
    %dma_wait3A_170 = tpu.memref_squeeze %dma_wait3A_169 : memref<1x16xi32, #tpu.memory_space<vmem>> -> memref<16xi32, #tpu.memory_space<vmem>>
    %dma_wait3A_171 = arith.constant 0 : i32
    %dma_wait3A_172 = arith.constant 0 : i32
    %dma_wait3A_173 = tpu.memref_slice %arg5[%dma_wait3A_171, %dma_wait3A_172] : memref<6144x768xf32, #tpu.memory_space<hbm>> -> memref<6144x768xf32, #tpu.memory_space<hbm>>
    tpu.wait_indirect_dma semaphore(%arg12 : memref<!tpu.dma_semaphore, #tpu.memory_space<semaphore_mem>>) src(%arg9 : memref<16x768xf32, #tpu.memory_space<vmem>>) dst(%dma_wait3A_173 : memref<6144x768xf32, #tpu.memory_space<hbm>>)
    return
  }
}

#map = affine_map<(d0, d1) -> (0, 0)>
#map1 = affine_map<(d0, d1) -> (0)>
module attributes {stable_mosaic.version = 14 : i64} {
  func.func @_combine_body(%arg0: i32, %arg1: i32, %arg2: memref<6144x768xf32, #tpu.memory_space<hbm>>, %arg3: memref<2048xi32, #tpu.memory_space<hbm>>, %arg4: memref<2048xi32, #tpu.memory_space<hbm>>, %arg5: memref<2048x768xf32, #tpu.memory_space<hbm>>, %arg6: memref<4x16xi32, #tpu.memory_space<vmem>>, %arg7: memref<4x16xi32, #tpu.memory_space<vmem>>, %arg8: memref<16x768xf32, #tpu.memory_space<vmem>>, %arg9: memref<16x768xf32, #tpu.memory_space<vmem>>, %arg10: memref<16x768xf32, #tpu.memory_space<vmem>>, %arg11: memref<16x768xf32, #tpu.memory_space<vmem>>, %arg12: memref<!tpu.dma_semaphore, #tpu.memory_space<semaphore_mem>>, %arg13: memref<!tpu.dma_semaphore, #tpu.memory_space<semaphore_mem>>, %arg14: memref<!tpu.dma_semaphore, #tpu.memory_space<semaphore_mem>>) attributes {dimension_semantics = [#tpu.dimension_semantics<core_parallel>, #tpu.dimension_semantics<subcore_parallel>], iteration_bounds = array<i64: 2, 16>, scalar_prefetch = 0 : i64, scratch_operands = 9 : i64, tpu.core_type = #tpu.core_type<sc_vector_subcore>, window_params = [{transform_indices = #map}, {transform_indices = #map1}, {transform_indices = #map1}, {transform_indices = #map}]} {
    %mul3A = arith.constant 2 : i32
    %mul3A_0 = arith.muli %arg1, %mul3A : i32
    %add3A = arith.addi %mul3A_0, %arg0 : i32
    %mul3A_1 = arith.constant 64 : i32
    %mul3A_2 = arith.muli %add3A, %mul3A_1 : i32
    %add3A_3 = arith.constant 0 : i32
    %add3A_4 = arith.addi %mul3A_2, %add3A_3 : i32
    %run_scoped3A = arith.constant 0 : i32
    "tpu.region"() ({
      %run_scoped3A_203 = tpu.sem_alloc : memref<!tpu.dma_semaphore, #tpu.memory_space<semaphore_mem>>
      %dma_start3A_204 = arith.constant 0 : i32
      %dma_start3A_205 = tpu.memref_slice %arg6[%run_scoped3A, %dma_start3A_204] : memref<4x16xi32, #tpu.memory_space<vmem>> -> memref<1x16xi32, #tpu.memory_space<vmem>>
      %dma_start3A_206 = tpu.memref_squeeze %dma_start3A_205 : memref<1x16xi32, #tpu.memory_space<vmem>> -> memref<16xi32, #tpu.memory_space<vmem>>
      %dma_start3A_207 = tpu.memref_slice %arg3[%add3A_4] : memref<2048xi32, #tpu.memory_space<hbm>> -> memref<16xi32, #tpu.memory_space<hbm>>
      %dma_start3A_208 = arith.constant 0 : i32
      %dma_start3A_209 = tpu.memref_slice %arg6[%run_scoped3A, %dma_start3A_208] : memref<4x16xi32, #tpu.memory_space<vmem>> -> memref<1x16xi32, #tpu.memory_space<vmem>>
      %dma_start3A_210 = tpu.memref_squeeze %dma_start3A_209 : memref<1x16xi32, #tpu.memory_space<vmem>> -> memref<16xi32, #tpu.memory_space<vmem>>
      %dma_start3A_211 = tpu.memref_slice %arg3[%add3A_4] : memref<2048xi32, #tpu.memory_space<hbm>> -> memref<16xi32, #tpu.memory_space<hbm>>
      tpu.enqueue_dma source(%dma_start3A_211 : memref<16xi32, #tpu.memory_space<hbm>>) target(%dma_start3A_210 : memref<16xi32, #tpu.memory_space<vmem>>) target_semaphore(%run_scoped3A_203 : memref<!tpu.dma_semaphore, #tpu.memory_space<semaphore_mem>>)
      %dma_wait3A_212 = arith.constant 0 : i32
      %dma_wait3A_213 = tpu.memref_slice %arg6[%run_scoped3A, %dma_wait3A_212] : memref<4x16xi32, #tpu.memory_space<vmem>> -> memref<1x16xi32, #tpu.memory_space<vmem>>
      %dma_wait3A_214 = tpu.memref_squeeze %dma_wait3A_213 : memref<1x16xi32, #tpu.memory_space<vmem>> -> memref<16xi32, #tpu.memory_space<vmem>>
      %dma_wait3A_215 = tpu.memref_slice %arg3[%add3A_4] : memref<2048xi32, #tpu.memory_space<hbm>> -> memref<16xi32, #tpu.memory_space<hbm>>
      %dma_wait3A_216 = arith.constant 0 : i32
      %dma_wait3A_217 = tpu.memref_slice %arg6[%run_scoped3A, %dma_wait3A_216] : memref<4x16xi32, #tpu.memory_space<vmem>> -> memref<1x16xi32, #tpu.memory_space<vmem>>
      %dma_wait3A_218 = tpu.memref_squeeze %dma_wait3A_217 : memref<1x16xi32, #tpu.memory_space<vmem>> -> memref<16xi32, #tpu.memory_space<vmem>>
      %dma_wait3A_219 = tpu.memref_slice %arg3[%add3A_4] : memref<2048xi32, #tpu.memory_space<hbm>> -> memref<16xi32, #tpu.memory_space<hbm>>
      tpu.wait_dma2 semaphore(%run_scoped3A_203 : memref<!tpu.dma_semaphore, #tpu.memory_space<semaphore_mem>>) src(%dma_wait3A_219 : memref<16xi32, #tpu.memory_space<hbm>>) dst(%dma_wait3A_218 : memref<16xi32, #tpu.memory_space<vmem>>)
      tpu.yield
    }) : () -> ()
    %add3A_5 = arith.constant 0 : i32
    %add3A_6 = arith.addi %mul3A_2, %add3A_5 : i32
    %run_scoped3A_7 = arith.constant 0 : i32
    "tpu.region"() ({
      %run_scoped3A_203 = tpu.sem_alloc : memref<!tpu.dma_semaphore, #tpu.memory_space<semaphore_mem>>
      %dma_start3A_204 = arith.constant 0 : i32
      %dma_start3A_205 = tpu.memref_slice %arg7[%run_scoped3A_7, %dma_start3A_204] : memref<4x16xi32, #tpu.memory_space<vmem>> -> memref<1x16xi32, #tpu.memory_space<vmem>>
      %dma_start3A_206 = tpu.memref_squeeze %dma_start3A_205 : memref<1x16xi32, #tpu.memory_space<vmem>> -> memref<16xi32, #tpu.memory_space<vmem>>
      %dma_start3A_207 = tpu.memref_slice %arg4[%add3A_6] : memref<2048xi32, #tpu.memory_space<hbm>> -> memref<16xi32, #tpu.memory_space<hbm>>
      %dma_start3A_208 = arith.constant 0 : i32
      %dma_start3A_209 = tpu.memref_slice %arg7[%run_scoped3A_7, %dma_start3A_208] : memref<4x16xi32, #tpu.memory_space<vmem>> -> memref<1x16xi32, #tpu.memory_space<vmem>>
      %dma_start3A_210 = tpu.memref_squeeze %dma_start3A_209 : memref<1x16xi32, #tpu.memory_space<vmem>> -> memref<16xi32, #tpu.memory_space<vmem>>
      %dma_start3A_211 = tpu.memref_slice %arg4[%add3A_6] : memref<2048xi32, #tpu.memory_space<hbm>> -> memref<16xi32, #tpu.memory_space<hbm>>
      tpu.enqueue_dma source(%dma_start3A_211 : memref<16xi32, #tpu.memory_space<hbm>>) target(%dma_start3A_210 : memref<16xi32, #tpu.memory_space<vmem>>) target_semaphore(%run_scoped3A_203 : memref<!tpu.dma_semaphore, #tpu.memory_space<semaphore_mem>>)
      %dma_wait3A_212 = arith.constant 0 : i32
      %dma_wait3A_213 = tpu.memref_slice %arg7[%run_scoped3A_7, %dma_wait3A_212] : memref<4x16xi32, #tpu.memory_space<vmem>> -> memref<1x16xi32, #tpu.memory_space<vmem>>
      %dma_wait3A_214 = tpu.memref_squeeze %dma_wait3A_213 : memref<1x16xi32, #tpu.memory_space<vmem>> -> memref<16xi32, #tpu.memory_space<vmem>>
      %dma_wait3A_215 = tpu.memref_slice %arg4[%add3A_6] : memref<2048xi32, #tpu.memory_space<hbm>> -> memref<16xi32, #tpu.memory_space<hbm>>
      %dma_wait3A_216 = arith.constant 0 : i32
      %dma_wait3A_217 = tpu.memref_slice %arg7[%run_scoped3A_7, %dma_wait3A_216] : memref<4x16xi32, #tpu.memory_space<vmem>> -> memref<1x16xi32, #tpu.memory_space<vmem>>
      %dma_wait3A_218 = tpu.memref_squeeze %dma_wait3A_217 : memref<1x16xi32, #tpu.memory_space<vmem>> -> memref<16xi32, #tpu.memory_space<vmem>>
      %dma_wait3A_219 = tpu.memref_slice %arg4[%add3A_6] : memref<2048xi32, #tpu.memory_space<hbm>> -> memref<16xi32, #tpu.memory_space<hbm>>
      tpu.wait_dma2 semaphore(%run_scoped3A_203 : memref<!tpu.dma_semaphore, #tpu.memory_space<semaphore_mem>>) src(%dma_wait3A_219 : memref<16xi32, #tpu.memory_space<hbm>>) dst(%dma_wait3A_218 : memref<16xi32, #tpu.memory_space<vmem>>)
      tpu.yield
    }) : () -> ()
    %add3A_8 = arith.constant 16 : i32
    %add3A_9 = arith.addi %mul3A_2, %add3A_8 : i32
    %run_scoped3A_10 = arith.constant 1 : i32
    "tpu.region"() ({
      %run_scoped3A_203 = tpu.sem_alloc : memref<!tpu.dma_semaphore, #tpu.memory_space<semaphore_mem>>
      %dma_start3A_204 = arith.constant 0 : i32
      %dma_start3A_205 = tpu.memref_slice %arg6[%run_scoped3A_10, %dma_start3A_204] : memref<4x16xi32, #tpu.memory_space<vmem>> -> memref<1x16xi32, #tpu.memory_space<vmem>>
      %dma_start3A_206 = tpu.memref_squeeze %dma_start3A_205 : memref<1x16xi32, #tpu.memory_space<vmem>> -> memref<16xi32, #tpu.memory_space<vmem>>
      %dma_start3A_207 = tpu.memref_slice %arg3[%add3A_9] : memref<2048xi32, #tpu.memory_space<hbm>> -> memref<16xi32, #tpu.memory_space<hbm>>
      %dma_start3A_208 = arith.constant 0 : i32
      %dma_start3A_209 = tpu.memref_slice %arg6[%run_scoped3A_10, %dma_start3A_208] : memref<4x16xi32, #tpu.memory_space<vmem>> -> memref<1x16xi32, #tpu.memory_space<vmem>>
      %dma_start3A_210 = tpu.memref_squeeze %dma_start3A_209 : memref<1x16xi32, #tpu.memory_space<vmem>> -> memref<16xi32, #tpu.memory_space<vmem>>
      %dma_start3A_211 = tpu.memref_slice %arg3[%add3A_9] : memref<2048xi32, #tpu.memory_space<hbm>> -> memref<16xi32, #tpu.memory_space<hbm>>
      tpu.enqueue_dma source(%dma_start3A_211 : memref<16xi32, #tpu.memory_space<hbm>>) target(%dma_start3A_210 : memref<16xi32, #tpu.memory_space<vmem>>) target_semaphore(%run_scoped3A_203 : memref<!tpu.dma_semaphore, #tpu.memory_space<semaphore_mem>>)
      %dma_wait3A_212 = arith.constant 0 : i32
      %dma_wait3A_213 = tpu.memref_slice %arg6[%run_scoped3A_10, %dma_wait3A_212] : memref<4x16xi32, #tpu.memory_space<vmem>> -> memref<1x16xi32, #tpu.memory_space<vmem>>
      %dma_wait3A_214 = tpu.memref_squeeze %dma_wait3A_213 : memref<1x16xi32, #tpu.memory_space<vmem>> -> memref<16xi32, #tpu.memory_space<vmem>>
      %dma_wait3A_215 = tpu.memref_slice %arg3[%add3A_9] : memref<2048xi32, #tpu.memory_space<hbm>> -> memref<16xi32, #tpu.memory_space<hbm>>
      %dma_wait3A_216 = arith.constant 0 : i32
      %dma_wait3A_217 = tpu.memref_slice %arg6[%run_scoped3A_10, %dma_wait3A_216] : memref<4x16xi32, #tpu.memory_space<vmem>> -> memref<1x16xi32, #tpu.memory_space<vmem>>
      %dma_wait3A_218 = tpu.memref_squeeze %dma_wait3A_217 : memref<1x16xi32, #tpu.memory_space<vmem>> -> memref<16xi32, #tpu.memory_space<vmem>>
      %dma_wait3A_219 = tpu.memref_slice %arg3[%add3A_9] : memref<2048xi32, #tpu.memory_space<hbm>> -> memref<16xi32, #tpu.memory_space<hbm>>
      tpu.wait_dma2 semaphore(%run_scoped3A_203 : memref<!tpu.dma_semaphore, #tpu.memory_space<semaphore_mem>>) src(%dma_wait3A_219 : memref<16xi32, #tpu.memory_space<hbm>>) dst(%dma_wait3A_218 : memref<16xi32, #tpu.memory_space<vmem>>)
      tpu.yield
    }) : () -> ()
    %add3A_11 = arith.constant 16 : i32
    %add3A_12 = arith.addi %mul3A_2, %add3A_11 : i32
    %run_scoped3A_13 = arith.constant 1 : i32
    "tpu.region"() ({
      %run_scoped3A_203 = tpu.sem_alloc : memref<!tpu.dma_semaphore, #tpu.memory_space<semaphore_mem>>
      %dma_start3A_204 = arith.constant 0 : i32
      %dma_start3A_205 = tpu.memref_slice %arg7[%run_scoped3A_13, %dma_start3A_204] : memref<4x16xi32, #tpu.memory_space<vmem>> -> memref<1x16xi32, #tpu.memory_space<vmem>>
      %dma_start3A_206 = tpu.memref_squeeze %dma_start3A_205 : memref<1x16xi32, #tpu.memory_space<vmem>> -> memref<16xi32, #tpu.memory_space<vmem>>
      %dma_start3A_207 = tpu.memref_slice %arg4[%add3A_12] : memref<2048xi32, #tpu.memory_space<hbm>> -> memref<16xi32, #tpu.memory_space<hbm>>
      %dma_start3A_208 = arith.constant 0 : i32
      %dma_start3A_209 = tpu.memref_slice %arg7[%run_scoped3A_13, %dma_start3A_208] : memref<4x16xi32, #tpu.memory_space<vmem>> -> memref<1x16xi32, #tpu.memory_space<vmem>>
      %dma_start3A_210 = tpu.memref_squeeze %dma_start3A_209 : memref<1x16xi32, #tpu.memory_space<vmem>> -> memref<16xi32, #tpu.memory_space<vmem>>
      %dma_start3A_211 = tpu.memref_slice %arg4[%add3A_12] : memref<2048xi32, #tpu.memory_space<hbm>> -> memref<16xi32, #tpu.memory_space<hbm>>
      tpu.enqueue_dma source(%dma_start3A_211 : memref<16xi32, #tpu.memory_space<hbm>>) target(%dma_start3A_210 : memref<16xi32, #tpu.memory_space<vmem>>) target_semaphore(%run_scoped3A_203 : memref<!tpu.dma_semaphore, #tpu.memory_space<semaphore_mem>>)
      %dma_wait3A_212 = arith.constant 0 : i32
      %dma_wait3A_213 = tpu.memref_slice %arg7[%run_scoped3A_13, %dma_wait3A_212] : memref<4x16xi32, #tpu.memory_space<vmem>> -> memref<1x16xi32, #tpu.memory_space<vmem>>
      %dma_wait3A_214 = tpu.memref_squeeze %dma_wait3A_213 : memref<1x16xi32, #tpu.memory_space<vmem>> -> memref<16xi32, #tpu.memory_space<vmem>>
      %dma_wait3A_215 = tpu.memref_slice %arg4[%add3A_12] : memref<2048xi32, #tpu.memory_space<hbm>> -> memref<16xi32, #tpu.memory_space<hbm>>
      %dma_wait3A_216 = arith.constant 0 : i32
      %dma_wait3A_217 = tpu.memref_slice %arg7[%run_scoped3A_13, %dma_wait3A_216] : memref<4x16xi32, #tpu.memory_space<vmem>> -> memref<1x16xi32, #tpu.memory_space<vmem>>
      %dma_wait3A_218 = tpu.memref_squeeze %dma_wait3A_217 : memref<1x16xi32, #tpu.memory_space<vmem>> -> memref<16xi32, #tpu.memory_space<vmem>>
      %dma_wait3A_219 = tpu.memref_slice %arg4[%add3A_12] : memref<2048xi32, #tpu.memory_space<hbm>> -> memref<16xi32, #tpu.memory_space<hbm>>
      tpu.wait_dma2 semaphore(%run_scoped3A_203 : memref<!tpu.dma_semaphore, #tpu.memory_space<semaphore_mem>>) src(%dma_wait3A_219 : memref<16xi32, #tpu.memory_space<hbm>>) dst(%dma_wait3A_218 : memref<16xi32, #tpu.memory_space<vmem>>)
      tpu.yield
    }) : () -> ()
    %add3A_14 = arith.constant 32 : i32
    %add3A_15 = arith.addi %mul3A_2, %add3A_14 : i32
    %run_scoped3A_16 = arith.constant 2 : i32
    "tpu.region"() ({
      %run_scoped3A_203 = tpu.sem_alloc : memref<!tpu.dma_semaphore, #tpu.memory_space<semaphore_mem>>
      %dma_start3A_204 = arith.constant 0 : i32
      %dma_start3A_205 = tpu.memref_slice %arg6[%run_scoped3A_16, %dma_start3A_204] : memref<4x16xi32, #tpu.memory_space<vmem>> -> memref<1x16xi32, #tpu.memory_space<vmem>>
      %dma_start3A_206 = tpu.memref_squeeze %dma_start3A_205 : memref<1x16xi32, #tpu.memory_space<vmem>> -> memref<16xi32, #tpu.memory_space<vmem>>
      %dma_start3A_207 = tpu.memref_slice %arg3[%add3A_15] : memref<2048xi32, #tpu.memory_space<hbm>> -> memref<16xi32, #tpu.memory_space<hbm>>
      %dma_start3A_208 = arith.constant 0 : i32
      %dma_start3A_209 = tpu.memref_slice %arg6[%run_scoped3A_16, %dma_start3A_208] : memref<4x16xi32, #tpu.memory_space<vmem>> -> memref<1x16xi32, #tpu.memory_space<vmem>>
      %dma_start3A_210 = tpu.memref_squeeze %dma_start3A_209 : memref<1x16xi32, #tpu.memory_space<vmem>> -> memref<16xi32, #tpu.memory_space<vmem>>
      %dma_start3A_211 = tpu.memref_slice %arg3[%add3A_15] : memref<2048xi32, #tpu.memory_space<hbm>> -> memref<16xi32, #tpu.memory_space<hbm>>
      tpu.enqueue_dma source(%dma_start3A_211 : memref<16xi32, #tpu.memory_space<hbm>>) target(%dma_start3A_210 : memref<16xi32, #tpu.memory_space<vmem>>) target_semaphore(%run_scoped3A_203 : memref<!tpu.dma_semaphore, #tpu.memory_space<semaphore_mem>>)
      %dma_wait3A_212 = arith.constant 0 : i32
      %dma_wait3A_213 = tpu.memref_slice %arg6[%run_scoped3A_16, %dma_wait3A_212] : memref<4x16xi32, #tpu.memory_space<vmem>> -> memref<1x16xi32, #tpu.memory_space<vmem>>
      %dma_wait3A_214 = tpu.memref_squeeze %dma_wait3A_213 : memref<1x16xi32, #tpu.memory_space<vmem>> -> memref<16xi32, #tpu.memory_space<vmem>>
      %dma_wait3A_215 = tpu.memref_slice %arg3[%add3A_15] : memref<2048xi32, #tpu.memory_space<hbm>> -> memref<16xi32, #tpu.memory_space<hbm>>
      %dma_wait3A_216 = arith.constant 0 : i32
      %dma_wait3A_217 = tpu.memref_slice %arg6[%run_scoped3A_16, %dma_wait3A_216] : memref<4x16xi32, #tpu.memory_space<vmem>> -> memref<1x16xi32, #tpu.memory_space<vmem>>
      %dma_wait3A_218 = tpu.memref_squeeze %dma_wait3A_217 : memref<1x16xi32, #tpu.memory_space<vmem>> -> memref<16xi32, #tpu.memory_space<vmem>>
      %dma_wait3A_219 = tpu.memref_slice %arg3[%add3A_15] : memref<2048xi32, #tpu.memory_space<hbm>> -> memref<16xi32, #tpu.memory_space<hbm>>
      tpu.wait_dma2 semaphore(%run_scoped3A_203 : memref<!tpu.dma_semaphore, #tpu.memory_space<semaphore_mem>>) src(%dma_wait3A_219 : memref<16xi32, #tpu.memory_space<hbm>>) dst(%dma_wait3A_218 : memref<16xi32, #tpu.memory_space<vmem>>)
      tpu.yield
    }) : () -> ()
    %add3A_17 = arith.constant 32 : i32
    %add3A_18 = arith.addi %mul3A_2, %add3A_17 : i32
    %run_scoped3A_19 = arith.constant 2 : i32
    "tpu.region"() ({
      %run_scoped3A_203 = tpu.sem_alloc : memref<!tpu.dma_semaphore, #tpu.memory_space<semaphore_mem>>
      %dma_start3A_204 = arith.constant 0 : i32
      %dma_start3A_205 = tpu.memref_slice %arg7[%run_scoped3A_19, %dma_start3A_204] : memref<4x16xi32, #tpu.memory_space<vmem>> -> memref<1x16xi32, #tpu.memory_space<vmem>>
      %dma_start3A_206 = tpu.memref_squeeze %dma_start3A_205 : memref<1x16xi32, #tpu.memory_space<vmem>> -> memref<16xi32, #tpu.memory_space<vmem>>
      %dma_start3A_207 = tpu.memref_slice %arg4[%add3A_18] : memref<2048xi32, #tpu.memory_space<hbm>> -> memref<16xi32, #tpu.memory_space<hbm>>
      %dma_start3A_208 = arith.constant 0 : i32
      %dma_start3A_209 = tpu.memref_slice %arg7[%run_scoped3A_19, %dma_start3A_208] : memref<4x16xi32, #tpu.memory_space<vmem>> -> memref<1x16xi32, #tpu.memory_space<vmem>>
      %dma_start3A_210 = tpu.memref_squeeze %dma_start3A_209 : memref<1x16xi32, #tpu.memory_space<vmem>> -> memref<16xi32, #tpu.memory_space<vmem>>
      %dma_start3A_211 = tpu.memref_slice %arg4[%add3A_18] : memref<2048xi32, #tpu.memory_space<hbm>> -> memref<16xi32, #tpu.memory_space<hbm>>
      tpu.enqueue_dma source(%dma_start3A_211 : memref<16xi32, #tpu.memory_space<hbm>>) target(%dma_start3A_210 : memref<16xi32, #tpu.memory_space<vmem>>) target_semaphore(%run_scoped3A_203 : memref<!tpu.dma_semaphore, #tpu.memory_space<semaphore_mem>>)
      %dma_wait3A_212 = arith.constant 0 : i32
      %dma_wait3A_213 = tpu.memref_slice %arg7[%run_scoped3A_19, %dma_wait3A_212] : memref<4x16xi32, #tpu.memory_space<vmem>> -> memref<1x16xi32, #tpu.memory_space<vmem>>
      %dma_wait3A_214 = tpu.memref_squeeze %dma_wait3A_213 : memref<1x16xi32, #tpu.memory_space<vmem>> -> memref<16xi32, #tpu.memory_space<vmem>>
      %dma_wait3A_215 = tpu.memref_slice %arg4[%add3A_18] : memref<2048xi32, #tpu.memory_space<hbm>> -> memref<16xi32, #tpu.memory_space<hbm>>
      %dma_wait3A_216 = arith.constant 0 : i32
      %dma_wait3A_217 = tpu.memref_slice %arg7[%run_scoped3A_19, %dma_wait3A_216] : memref<4x16xi32, #tpu.memory_space<vmem>> -> memref<1x16xi32, #tpu.memory_space<vmem>>
      %dma_wait3A_218 = tpu.memref_squeeze %dma_wait3A_217 : memref<1x16xi32, #tpu.memory_space<vmem>> -> memref<16xi32, #tpu.memory_space<vmem>>
      %dma_wait3A_219 = tpu.memref_slice %arg4[%add3A_18] : memref<2048xi32, #tpu.memory_space<hbm>> -> memref<16xi32, #tpu.memory_space<hbm>>
      tpu.wait_dma2 semaphore(%run_scoped3A_203 : memref<!tpu.dma_semaphore, #tpu.memory_space<semaphore_mem>>) src(%dma_wait3A_219 : memref<16xi32, #tpu.memory_space<hbm>>) dst(%dma_wait3A_218 : memref<16xi32, #tpu.memory_space<vmem>>)
      tpu.yield
    }) : () -> ()
    %add3A_20 = arith.constant 48 : i32
    %add3A_21 = arith.addi %mul3A_2, %add3A_20 : i32
    %run_scoped3A_22 = arith.constant 3 : i32
    "tpu.region"() ({
      %run_scoped3A_203 = tpu.sem_alloc : memref<!tpu.dma_semaphore, #tpu.memory_space<semaphore_mem>>
      %dma_start3A_204 = arith.constant 0 : i32
      %dma_start3A_205 = tpu.memref_slice %arg6[%run_scoped3A_22, %dma_start3A_204] : memref<4x16xi32, #tpu.memory_space<vmem>> -> memref<1x16xi32, #tpu.memory_space<vmem>>
      %dma_start3A_206 = tpu.memref_squeeze %dma_start3A_205 : memref<1x16xi32, #tpu.memory_space<vmem>> -> memref<16xi32, #tpu.memory_space<vmem>>
      %dma_start3A_207 = tpu.memref_slice %arg3[%add3A_21] : memref<2048xi32, #tpu.memory_space<hbm>> -> memref<16xi32, #tpu.memory_space<hbm>>
      %dma_start3A_208 = arith.constant 0 : i32
      %dma_start3A_209 = tpu.memref_slice %arg6[%run_scoped3A_22, %dma_start3A_208] : memref<4x16xi32, #tpu.memory_space<vmem>> -> memref<1x16xi32, #tpu.memory_space<vmem>>
      %dma_start3A_210 = tpu.memref_squeeze %dma_start3A_209 : memref<1x16xi32, #tpu.memory_space<vmem>> -> memref<16xi32, #tpu.memory_space<vmem>>
      %dma_start3A_211 = tpu.memref_slice %arg3[%add3A_21] : memref<2048xi32, #tpu.memory_space<hbm>> -> memref<16xi32, #tpu.memory_space<hbm>>
      tpu.enqueue_dma source(%dma_start3A_211 : memref<16xi32, #tpu.memory_space<hbm>>) target(%dma_start3A_210 : memref<16xi32, #tpu.memory_space<vmem>>) target_semaphore(%run_scoped3A_203 : memref<!tpu.dma_semaphore, #tpu.memory_space<semaphore_mem>>)
      %dma_wait3A_212 = arith.constant 0 : i32
      %dma_wait3A_213 = tpu.memref_slice %arg6[%run_scoped3A_22, %dma_wait3A_212] : memref<4x16xi32, #tpu.memory_space<vmem>> -> memref<1x16xi32, #tpu.memory_space<vmem>>
      %dma_wait3A_214 = tpu.memref_squeeze %dma_wait3A_213 : memref<1x16xi32, #tpu.memory_space<vmem>> -> memref<16xi32, #tpu.memory_space<vmem>>
      %dma_wait3A_215 = tpu.memref_slice %arg3[%add3A_21] : memref<2048xi32, #tpu.memory_space<hbm>> -> memref<16xi32, #tpu.memory_space<hbm>>
      %dma_wait3A_216 = arith.constant 0 : i32
      %dma_wait3A_217 = tpu.memref_slice %arg6[%run_scoped3A_22, %dma_wait3A_216] : memref<4x16xi32, #tpu.memory_space<vmem>> -> memref<1x16xi32, #tpu.memory_space<vmem>>
      %dma_wait3A_218 = tpu.memref_squeeze %dma_wait3A_217 : memref<1x16xi32, #tpu.memory_space<vmem>> -> memref<16xi32, #tpu.memory_space<vmem>>
      %dma_wait3A_219 = tpu.memref_slice %arg3[%add3A_21] : memref<2048xi32, #tpu.memory_space<hbm>> -> memref<16xi32, #tpu.memory_space<hbm>>
      tpu.wait_dma2 semaphore(%run_scoped3A_203 : memref<!tpu.dma_semaphore, #tpu.memory_space<semaphore_mem>>) src(%dma_wait3A_219 : memref<16xi32, #tpu.memory_space<hbm>>) dst(%dma_wait3A_218 : memref<16xi32, #tpu.memory_space<vmem>>)
      tpu.yield
    }) : () -> ()
    %add3A_23 = arith.constant 48 : i32
    %add3A_24 = arith.addi %mul3A_2, %add3A_23 : i32
    %run_scoped3A_25 = arith.constant 3 : i32
    "tpu.region"() ({
      %run_scoped3A_203 = tpu.sem_alloc : memref<!tpu.dma_semaphore, #tpu.memory_space<semaphore_mem>>
      %dma_start3A_204 = arith.constant 0 : i32
      %dma_start3A_205 = tpu.memref_slice %arg7[%run_scoped3A_25, %dma_start3A_204] : memref<4x16xi32, #tpu.memory_space<vmem>> -> memref<1x16xi32, #tpu.memory_space<vmem>>
      %dma_start3A_206 = tpu.memref_squeeze %dma_start3A_205 : memref<1x16xi32, #tpu.memory_space<vmem>> -> memref<16xi32, #tpu.memory_space<vmem>>
      %dma_start3A_207 = tpu.memref_slice %arg4[%add3A_24] : memref<2048xi32, #tpu.memory_space<hbm>> -> memref<16xi32, #tpu.memory_space<hbm>>
      %dma_start3A_208 = arith.constant 0 : i32
      %dma_start3A_209 = tpu.memref_slice %arg7[%run_scoped3A_25, %dma_start3A_208] : memref<4x16xi32, #tpu.memory_space<vmem>> -> memref<1x16xi32, #tpu.memory_space<vmem>>
      %dma_start3A_210 = tpu.memref_squeeze %dma_start3A_209 : memref<1x16xi32, #tpu.memory_space<vmem>> -> memref<16xi32, #tpu.memory_space<vmem>>
      %dma_start3A_211 = tpu.memref_slice %arg4[%add3A_24] : memref<2048xi32, #tpu.memory_space<hbm>> -> memref<16xi32, #tpu.memory_space<hbm>>
      tpu.enqueue_dma source(%dma_start3A_211 : memref<16xi32, #tpu.memory_space<hbm>>) target(%dma_start3A_210 : memref<16xi32, #tpu.memory_space<vmem>>) target_semaphore(%run_scoped3A_203 : memref<!tpu.dma_semaphore, #tpu.memory_space<semaphore_mem>>)
      %dma_wait3A_212 = arith.constant 0 : i32
      %dma_wait3A_213 = tpu.memref_slice %arg7[%run_scoped3A_25, %dma_wait3A_212] : memref<4x16xi32, #tpu.memory_space<vmem>> -> memref<1x16xi32, #tpu.memory_space<vmem>>
      %dma_wait3A_214 = tpu.memref_squeeze %dma_wait3A_213 : memref<1x16xi32, #tpu.memory_space<vmem>> -> memref<16xi32, #tpu.memory_space<vmem>>
      %dma_wait3A_215 = tpu.memref_slice %arg4[%add3A_24] : memref<2048xi32, #tpu.memory_space<hbm>> -> memref<16xi32, #tpu.memory_space<hbm>>
      %dma_wait3A_216 = arith.constant 0 : i32
      %dma_wait3A_217 = tpu.memref_slice %arg7[%run_scoped3A_25, %dma_wait3A_216] : memref<4x16xi32, #tpu.memory_space<vmem>> -> memref<1x16xi32, #tpu.memory_space<vmem>>
      %dma_wait3A_218 = tpu.memref_squeeze %dma_wait3A_217 : memref<1x16xi32, #tpu.memory_space<vmem>> -> memref<16xi32, #tpu.memory_space<vmem>>
      %dma_wait3A_219 = tpu.memref_slice %arg4[%add3A_24] : memref<2048xi32, #tpu.memory_space<hbm>> -> memref<16xi32, #tpu.memory_space<hbm>>
      tpu.wait_dma2 semaphore(%run_scoped3A_203 : memref<!tpu.dma_semaphore, #tpu.memory_space<semaphore_mem>>) src(%dma_wait3A_219 : memref<16xi32, #tpu.memory_space<hbm>>) dst(%dma_wait3A_218 : memref<16xi32, #tpu.memory_space<vmem>>)
      tpu.yield
    }) : () -> ()
    %dma_start3A = arith.constant 0 : i32
    %dma_start3A_26 = arith.constant 0 : i32
    %dma_start3A_27 = tpu.memref_slice %arg6[%dma_start3A, %dma_start3A_26] : memref<4x16xi32, #tpu.memory_space<vmem>> -> memref<1x16xi32, #tpu.memory_space<vmem>>
    %dma_start3A_28 = tpu.memref_squeeze %dma_start3A_27 : memref<1x16xi32, #tpu.memory_space<vmem>> -> memref<16xi32, #tpu.memory_space<vmem>>
    %dma_start3A_29 = arith.constant 0 : i32
    %dma_start3A_30 = arith.constant 0 : i32
    %dma_start3A_31 = tpu.memref_slice %arg2[%dma_start3A_29, %dma_start3A_30] : memref<6144x768xf32, #tpu.memory_space<hbm>> -> memref<6144x768xf32, #tpu.memory_space<hbm>>
    tpu.enqueue_indirect_dma source(%dma_start3A_31 : memref<6144x768xf32, #tpu.memory_space<hbm>>) target(%arg8 : memref<16x768xf32, #tpu.memory_space<vmem>>) offsets(%dma_start3A_28 : memref<16xi32, #tpu.memory_space<vmem>>) semaphore(%arg12 : memref<!tpu.dma_semaphore, #tpu.memory_space<semaphore_mem>>)
    %dma_start3A_32 = arith.constant 0 : i32
    %dma_start3A_33 = arith.constant 0 : i32
    %dma_start3A_34 = tpu.memref_slice %arg7[%dma_start3A_32, %dma_start3A_33] : memref<4x16xi32, #tpu.memory_space<vmem>> -> memref<1x16xi32, #tpu.memory_space<vmem>>
    %dma_start3A_35 = tpu.memref_squeeze %dma_start3A_34 : memref<1x16xi32, #tpu.memory_space<vmem>> -> memref<16xi32, #tpu.memory_space<vmem>>
    %dma_start3A_36 = arith.constant 0 : i32
    %dma_start3A_37 = arith.constant 0 : i32
    %dma_start3A_38 = tpu.memref_slice %arg2[%dma_start3A_36, %dma_start3A_37] : memref<6144x768xf32, #tpu.memory_space<hbm>> -> memref<6144x768xf32, #tpu.memory_space<hbm>>
    tpu.enqueue_indirect_dma source(%dma_start3A_38 : memref<6144x768xf32, #tpu.memory_space<hbm>>) target(%arg10 : memref<16x768xf32, #tpu.memory_space<vmem>>) offsets(%dma_start3A_35 : memref<16xi32, #tpu.memory_space<vmem>>) semaphore(%arg13 : memref<!tpu.dma_semaphore, #tpu.memory_space<semaphore_mem>>)
    %dma_wait3A = arith.constant 0 : i32
    %dma_wait3A_39 = arith.constant 0 : i32
    %dma_wait3A_40 = tpu.memref_slice %arg6[%dma_wait3A, %dma_wait3A_39] : memref<4x16xi32, #tpu.memory_space<vmem>> -> memref<1x16xi32, #tpu.memory_space<vmem>>
    %dma_wait3A_41 = tpu.memref_squeeze %dma_wait3A_40 : memref<1x16xi32, #tpu.memory_space<vmem>> -> memref<16xi32, #tpu.memory_space<vmem>>
    %dma_wait3A_42 = arith.constant 0 : i32
    %dma_wait3A_43 = arith.constant 0 : i32
    %dma_wait3A_44 = tpu.memref_slice %arg2[%dma_wait3A_42, %dma_wait3A_43] : memref<6144x768xf32, #tpu.memory_space<hbm>> -> memref<6144x768xf32, #tpu.memory_space<hbm>>
    tpu.wait_indirect_dma semaphore(%arg12 : memref<!tpu.dma_semaphore, #tpu.memory_space<semaphore_mem>>) src(%dma_wait3A_44 : memref<6144x768xf32, #tpu.memory_space<hbm>>) dst(%arg8 : memref<16x768xf32, #tpu.memory_space<vmem>>)
    %dma_wait3A_45 = arith.constant 0 : i32
    %dma_wait3A_46 = arith.constant 0 : i32
    %dma_wait3A_47 = tpu.memref_slice %arg7[%dma_wait3A_45, %dma_wait3A_46] : memref<4x16xi32, #tpu.memory_space<vmem>> -> memref<1x16xi32, #tpu.memory_space<vmem>>
    %dma_wait3A_48 = tpu.memref_squeeze %dma_wait3A_47 : memref<1x16xi32, #tpu.memory_space<vmem>> -> memref<16xi32, #tpu.memory_space<vmem>>
    %dma_wait3A_49 = arith.constant 0 : i32
    %dma_wait3A_50 = arith.constant 0 : i32
    %dma_wait3A_51 = tpu.memref_slice %arg2[%dma_wait3A_49, %dma_wait3A_50] : memref<6144x768xf32, #tpu.memory_space<hbm>> -> memref<6144x768xf32, #tpu.memory_space<hbm>>
    tpu.wait_indirect_dma semaphore(%arg13 : memref<!tpu.dma_semaphore, #tpu.memory_space<semaphore_mem>>) src(%dma_wait3A_51 : memref<6144x768xf32, #tpu.memory_space<hbm>>) dst(%arg10 : memref<16x768xf32, #tpu.memory_space<vmem>>)
    %dma_start3A_52 = arith.constant 1 : i32
    %dma_start3A_53 = arith.constant 0 : i32
    %dma_start3A_54 = tpu.memref_slice %arg6[%dma_start3A_52, %dma_start3A_53] : memref<4x16xi32, #tpu.memory_space<vmem>> -> memref<1x16xi32, #tpu.memory_space<vmem>>
    %dma_start3A_55 = tpu.memref_squeeze %dma_start3A_54 : memref<1x16xi32, #tpu.memory_space<vmem>> -> memref<16xi32, #tpu.memory_space<vmem>>
    %dma_start3A_56 = arith.constant 0 : i32
    %dma_start3A_57 = arith.constant 0 : i32
    %dma_start3A_58 = tpu.memref_slice %arg2[%dma_start3A_56, %dma_start3A_57] : memref<6144x768xf32, #tpu.memory_space<hbm>> -> memref<6144x768xf32, #tpu.memory_space<hbm>>
    tpu.enqueue_indirect_dma source(%dma_start3A_58 : memref<6144x768xf32, #tpu.memory_space<hbm>>) target(%arg9 : memref<16x768xf32, #tpu.memory_space<vmem>>) offsets(%dma_start3A_55 : memref<16xi32, #tpu.memory_space<vmem>>) semaphore(%arg12 : memref<!tpu.dma_semaphore, #tpu.memory_space<semaphore_mem>>)
    %dma_start3A_59 = arith.constant 1 : i32
    %dma_start3A_60 = arith.constant 0 : i32
    %dma_start3A_61 = tpu.memref_slice %arg7[%dma_start3A_59, %dma_start3A_60] : memref<4x16xi32, #tpu.memory_space<vmem>> -> memref<1x16xi32, #tpu.memory_space<vmem>>
    %dma_start3A_62 = tpu.memref_squeeze %dma_start3A_61 : memref<1x16xi32, #tpu.memory_space<vmem>> -> memref<16xi32, #tpu.memory_space<vmem>>
    %dma_start3A_63 = arith.constant 0 : i32
    %dma_start3A_64 = arith.constant 0 : i32
    %dma_start3A_65 = tpu.memref_slice %arg2[%dma_start3A_63, %dma_start3A_64] : memref<6144x768xf32, #tpu.memory_space<hbm>> -> memref<6144x768xf32, #tpu.memory_space<hbm>>
    tpu.enqueue_indirect_dma source(%dma_start3A_65 : memref<6144x768xf32, #tpu.memory_space<hbm>>) target(%arg11 : memref<16x768xf32, #tpu.memory_space<vmem>>) offsets(%dma_start3A_62 : memref<16xi32, #tpu.memory_space<vmem>>) semaphore(%arg13 : memref<!tpu.dma_semaphore, #tpu.memory_space<semaphore_mem>>)
    %scan3A = arith.constant 0 : i32
    %scan3A_66 = arith.constant 0 : i32
    %scan3A_67 = arith.constant 48 : i32
    %scan3A_68 = arith.addi %scan3A_66, %scan3A_67 : i32
    %scan3A_69 = arith.constant 1 : i32
    %scan3A_70 = scf.for %scan3A_203 = %scan3A_66 to %scan3A_68 step %scan3A_69 iter_args(%scan3A_204 = %scan3A) -> (i32)  : i32 {
      %mul3A_205 = arith.constant 16 : i32
      %mul3A_206 = arith.muli %scan3A_203, %mul3A_205 : i32
      %get3A = arith.constant 0 : i32
      %get3A_207 = arith.index_cast %get3A : i32 to index
      %get3A_208 = arith.index_cast %mul3A_206 : i32 to index
      %get3A_209 = tpu.vector_load %arg8[%get3A_207, %get3A_208] {strides = array<i32>} : memref<16x768xf32, #tpu.memory_space<vmem>>, vector<16xf32>,
      %get3A_210 = arith.constant 0 : i32
      %get3A_211 = arith.index_cast %get3A_210 : i32 to index
      %get3A_212 = arith.index_cast %mul3A_206 : i32 to index
      %get3A_213 = tpu.vector_load %arg10[%get3A_211, %get3A_212] {strides = array<i32>} : memref<16x768xf32, #tpu.memory_space<vmem>>, vector<16xf32>,
      %add3A_214 = arith.addf %get3A_209, %get3A_213 : vector<16xf32>
      %swap3A = arith.constant 0 : i32
      %swap3A_215 = arith.index_cast %swap3A : i32 to index
      %swap3A_216 = arith.index_cast %mul3A_206 : i32 to index
      %swap3A_217 = tpu.vector_load %arg8[%swap3A_215, %swap3A_216] {strides = array<i32>} : memref<16x768xf32, #tpu.memory_space<vmem>>, vector<16xf32>,
      tpu.vector_store %arg8[%swap3A_215, %swap3A_216], %add3A_214 {strides = array<i32>} : memref<16x768xf32, #tpu.memory_space<vmem>>, vector<16xf32>,
      %get3A_218 = arith.constant 1 : i32
      %get3A_219 = arith.index_cast %get3A_218 : i32 to index
      %get3A_220 = arith.index_cast %mul3A_206 : i32 to index
      %get3A_221 = tpu.vector_load %arg8[%get3A_219, %get3A_220] {strides = array<i32>} : memref<16x768xf32, #tpu.memory_space<vmem>>, vector<16xf32>,
      %get3A_222 = arith.constant 1 : i32
      %get3A_223 = arith.index_cast %get3A_222 : i32 to index
      %get3A_224 = arith.index_cast %mul3A_206 : i32 to index
      %get3A_225 = tpu.vector_load %arg10[%get3A_223, %get3A_224] {strides = array<i32>} : memref<16x768xf32, #tpu.memory_space<vmem>>, vector<16xf32>,
      %add3A_226 = arith.addf %get3A_221, %get3A_225 : vector<16xf32>
      %swap3A_227 = arith.constant 1 : i32
      %swap3A_228 = arith.index_cast %swap3A_227 : i32 to index
      %swap3A_229 = arith.index_cast %mul3A_206 : i32 to index
      %swap3A_230 = tpu.vector_load %arg8[%swap3A_228, %swap3A_229] {strides = array<i32>} : memref<16x768xf32, #tpu.memory_space<vmem>>, vector<16xf32>,
      tpu.vector_store %arg8[%swap3A_228, %swap3A_229], %add3A_226 {strides = array<i32>} : memref<16x768xf32, #tpu.memory_space<vmem>>, vector<16xf32>,
      %get3A_231 = arith.constant 2 : i32
      %get3A_232 = arith.index_cast %get3A_231 : i32 to index
      %get3A_233 = arith.index_cast %mul3A_206 : i32 to index
      %get3A_234 = tpu.vector_load %arg8[%get3A_232, %get3A_233] {strides = array<i32>} : memref<16x768xf32, #tpu.memory_space<vmem>>, vector<16xf32>,
      %get3A_235 = arith.constant 2 : i32
      %get3A_236 = arith.index_cast %get3A_235 : i32 to index
      %get3A_237 = arith.index_cast %mul3A_206 : i32 to index
      %get3A_238 = tpu.vector_load %arg10[%get3A_236, %get3A_237] {strides = array<i32>} : memref<16x768xf32, #tpu.memory_space<vmem>>, vector<16xf32>,
      %add3A_239 = arith.addf %get3A_234, %get3A_238 : vector<16xf32>
      %swap3A_240 = arith.constant 2 : i32
      %swap3A_241 = arith.index_cast %swap3A_240 : i32 to index
      %swap3A_242 = arith.index_cast %mul3A_206 : i32 to index
      %swap3A_243 = tpu.vector_load %arg8[%swap3A_241, %swap3A_242] {strides = array<i32>} : memref<16x768xf32, #tpu.memory_space<vmem>>, vector<16xf32>,
      tpu.vector_store %arg8[%swap3A_241, %swap3A_242], %add3A_239 {strides = array<i32>} : memref<16x768xf32, #tpu.memory_space<vmem>>, vector<16xf32>,
      %get3A_244 = arith.constant 3 : i32
      %get3A_245 = arith.index_cast %get3A_244 : i32 to index
      %get3A_246 = arith.index_cast %mul3A_206 : i32 to index
      %get3A_247 = tpu.vector_load %arg8[%get3A_245, %get3A_246] {strides = array<i32>} : memref<16x768xf32, #tpu.memory_space<vmem>>, vector<16xf32>,
      %get3A_248 = arith.constant 3 : i32
      %get3A_249 = arith.index_cast %get3A_248 : i32 to index
      %get3A_250 = arith.index_cast %mul3A_206 : i32 to index
      %get3A_251 = tpu.vector_load %arg10[%get3A_249, %get3A_250] {strides = array<i32>} : memref<16x768xf32, #tpu.memory_space<vmem>>, vector<16xf32>,
      %add3A_252 = arith.addf %get3A_247, %get3A_251 : vector<16xf32>
      %swap3A_253 = arith.constant 3 : i32
      %swap3A_254 = arith.index_cast %swap3A_253 : i32 to index
      %swap3A_255 = arith.index_cast %mul3A_206 : i32 to index
      %swap3A_256 = tpu.vector_load %arg8[%swap3A_254, %swap3A_255] {strides = array<i32>} : memref<16x768xf32, #tpu.memory_space<vmem>>, vector<16xf32>,
      tpu.vector_store %arg8[%swap3A_254, %swap3A_255], %add3A_252 {strides = array<i32>} : memref<16x768xf32, #tpu.memory_space<vmem>>, vector<16xf32>,
      %get3A_257 = arith.constant 4 : i32
      %get3A_258 = arith.index_cast %get3A_257 : i32 to index
      %get3A_259 = arith.index_cast %mul3A_206 : i32 to index
      %get3A_260 = tpu.vector_load %arg8[%get3A_258, %get3A_259] {strides = array<i32>} : memref<16x768xf32, #tpu.memory_space<vmem>>, vector<16xf32>,
      %get3A_261 = arith.constant 4 : i32
      %get3A_262 = arith.index_cast %get3A_261 : i32 to index
      %get3A_263 = arith.index_cast %mul3A_206 : i32 to index
      %get3A_264 = tpu.vector_load %arg10[%get3A_262, %get3A_263] {strides = array<i32>} : memref<16x768xf32, #tpu.memory_space<vmem>>, vector<16xf32>,
      %add3A_265 = arith.addf %get3A_260, %get3A_264 : vector<16xf32>
      %swap3A_266 = arith.constant 4 : i32
      %swap3A_267 = arith.index_cast %swap3A_266 : i32 to index
      %swap3A_268 = arith.index_cast %mul3A_206 : i32 to index
      %swap3A_269 = tpu.vector_load %arg8[%swap3A_267, %swap3A_268] {strides = array<i32>} : memref<16x768xf32, #tpu.memory_space<vmem>>, vector<16xf32>,
      tpu.vector_store %arg8[%swap3A_267, %swap3A_268], %add3A_265 {strides = array<i32>} : memref<16x768xf32, #tpu.memory_space<vmem>>, vector<16xf32>,
      %get3A_270 = arith.constant 5 : i32
      %get3A_271 = arith.index_cast %get3A_270 : i32 to index
      %get3A_272 = arith.index_cast %mul3A_206 : i32 to index
      %get3A_273 = tpu.vector_load %arg8[%get3A_271, %get3A_272] {strides = array<i32>} : memref<16x768xf32, #tpu.memory_space<vmem>>, vector<16xf32>,
      %get3A_274 = arith.constant 5 : i32
      %get3A_275 = arith.index_cast %get3A_274 : i32 to index
      %get3A_276 = arith.index_cast %mul3A_206 : i32 to index
      %get3A_277 = tpu.vector_load %arg10[%get3A_275, %get3A_276] {strides = array<i32>} : memref<16x768xf32, #tpu.memory_space<vmem>>, vector<16xf32>,
      %add3A_278 = arith.addf %get3A_273, %get3A_277 : vector<16xf32>
      %swap3A_279 = arith.constant 5 : i32
      %swap3A_280 = arith.index_cast %swap3A_279 : i32 to index
      %swap3A_281 = arith.index_cast %mul3A_206 : i32 to index
      %swap3A_282 = tpu.vector_load %arg8[%swap3A_280, %swap3A_281] {strides = array<i32>} : memref<16x768xf32, #tpu.memory_space<vmem>>, vector<16xf32>,
      tpu.vector_store %arg8[%swap3A_280, %swap3A_281], %add3A_278 {strides = array<i32>} : memref<16x768xf32, #tpu.memory_space<vmem>>, vector<16xf32>,
      %get3A_283 = arith.constant 6 : i32
      %get3A_284 = arith.index_cast %get3A_283 : i32 to index
      %get3A_285 = arith.index_cast %mul3A_206 : i32 to index
      %get3A_286 = tpu.vector_load %arg8[%get3A_284, %get3A_285] {strides = array<i32>} : memref<16x768xf32, #tpu.memory_space<vmem>>, vector<16xf32>,
      %get3A_287 = arith.constant 6 : i32
      %get3A_288 = arith.index_cast %get3A_287 : i32 to index
      %get3A_289 = arith.index_cast %mul3A_206 : i32 to index
      %get3A_290 = tpu.vector_load %arg10[%get3A_288, %get3A_289] {strides = array<i32>} : memref<16x768xf32, #tpu.memory_space<vmem>>, vector<16xf32>,
      %add3A_291 = arith.addf %get3A_286, %get3A_290 : vector<16xf32>
      %swap3A_292 = arith.constant 6 : i32
      %swap3A_293 = arith.index_cast %swap3A_292 : i32 to index
      %swap3A_294 = arith.index_cast %mul3A_206 : i32 to index
      %swap3A_295 = tpu.vector_load %arg8[%swap3A_293, %swap3A_294] {strides = array<i32>} : memref<16x768xf32, #tpu.memory_space<vmem>>, vector<16xf32>,
      tpu.vector_store %arg8[%swap3A_293, %swap3A_294], %add3A_291 {strides = array<i32>} : memref<16x768xf32, #tpu.memory_space<vmem>>, vector<16xf32>,
      %get3A_296 = arith.constant 7 : i32
      %get3A_297 = arith.index_cast %get3A_296 : i32 to index
      %get3A_298 = arith.index_cast %mul3A_206 : i32 to index
      %get3A_299 = tpu.vector_load %arg8[%get3A_297, %get3A_298] {strides = array<i32>} : memref<16x768xf32, #tpu.memory_space<vmem>>, vector<16xf32>,
      %get3A_300 = arith.constant 7 : i32
      %get3A_301 = arith.index_cast %get3A_300 : i32 to index
      %get3A_302 = arith.index_cast %mul3A_206 : i32 to index
      %get3A_303 = tpu.vector_load %arg10[%get3A_301, %get3A_302] {strides = array<i32>} : memref<16x768xf32, #tpu.memory_space<vmem>>, vector<16xf32>,
      %add3A_304 = arith.addf %get3A_299, %get3A_303 : vector<16xf32>
      %swap3A_305 = arith.constant 7 : i32
      %swap3A_306 = arith.index_cast %swap3A_305 : i32 to index
      %swap3A_307 = arith.index_cast %mul3A_206 : i32 to index
      %swap3A_308 = tpu.vector_load %arg8[%swap3A_306, %swap3A_307] {strides = array<i32>} : memref<16x768xf32, #tpu.memory_space<vmem>>, vector<16xf32>,
      tpu.vector_store %arg8[%swap3A_306, %swap3A_307], %add3A_304 {strides = array<i32>} : memref<16x768xf32, #tpu.memory_space<vmem>>, vector<16xf32>,
      %get3A_309 = arith.constant 8 : i32
      %get3A_310 = arith.index_cast %get3A_309 : i32 to index
      %get3A_311 = arith.index_cast %mul3A_206 : i32 to index
      %get3A_312 = tpu.vector_load %arg8[%get3A_310, %get3A_311] {strides = array<i32>} : memref<16x768xf32, #tpu.memory_space<vmem>>, vector<16xf32>,
      %get3A_313 = arith.constant 8 : i32
      %get3A_314 = arith.index_cast %get3A_313 : i32 to index
      %get3A_315 = arith.index_cast %mul3A_206 : i32 to index
      %get3A_316 = tpu.vector_load %arg10[%get3A_314, %get3A_315] {strides = array<i32>} : memref<16x768xf32, #tpu.memory_space<vmem>>, vector<16xf32>,
      %add3A_317 = arith.addf %get3A_312, %get3A_316 : vector<16xf32>
      %swap3A_318 = arith.constant 8 : i32
      %swap3A_319 = arith.index_cast %swap3A_318 : i32 to index
      %swap3A_320 = arith.index_cast %mul3A_206 : i32 to index
      %swap3A_321 = tpu.vector_load %arg8[%swap3A_319, %swap3A_320] {strides = array<i32>} : memref<16x768xf32, #tpu.memory_space<vmem>>, vector<16xf32>,
      tpu.vector_store %arg8[%swap3A_319, %swap3A_320], %add3A_317 {strides = array<i32>} : memref<16x768xf32, #tpu.memory_space<vmem>>, vector<16xf32>,
      %get3A_322 = arith.constant 9 : i32
      %get3A_323 = arith.index_cast %get3A_322 : i32 to index
      %get3A_324 = arith.index_cast %mul3A_206 : i32 to index
      %get3A_325 = tpu.vector_load %arg8[%get3A_323, %get3A_324] {strides = array<i32>} : memref<16x768xf32, #tpu.memory_space<vmem>>, vector<16xf32>,
      %get3A_326 = arith.constant 9 : i32
      %get3A_327 = arith.index_cast %get3A_326 : i32 to index
      %get3A_328 = arith.index_cast %mul3A_206 : i32 to index
      %get3A_329 = tpu.vector_load %arg10[%get3A_327, %get3A_328] {strides = array<i32>} : memref<16x768xf32, #tpu.memory_space<vmem>>, vector<16xf32>,
      %add3A_330 = arith.addf %get3A_325, %get3A_329 : vector<16xf32>
      %swap3A_331 = arith.constant 9 : i32
      %swap3A_332 = arith.index_cast %swap3A_331 : i32 to index
      %swap3A_333 = arith.index_cast %mul3A_206 : i32 to index
      %swap3A_334 = tpu.vector_load %arg8[%swap3A_332, %swap3A_333] {strides = array<i32>} : memref<16x768xf32, #tpu.memory_space<vmem>>, vector<16xf32>,
      tpu.vector_store %arg8[%swap3A_332, %swap3A_333], %add3A_330 {strides = array<i32>} : memref<16x768xf32, #tpu.memory_space<vmem>>, vector<16xf32>,
      %get3A_335 = arith.constant 10 : i32
      %get3A_336 = arith.index_cast %get3A_335 : i32 to index
      %get3A_337 = arith.index_cast %mul3A_206 : i32 to index
      %get3A_338 = tpu.vector_load %arg8[%get3A_336, %get3A_337] {strides = array<i32>} : memref<16x768xf32, #tpu.memory_space<vmem>>, vector<16xf32>,
      %get3A_339 = arith.constant 10 : i32
      %get3A_340 = arith.index_cast %get3A_339 : i32 to index
      %get3A_341 = arith.index_cast %mul3A_206 : i32 to index
      %get3A_342 = tpu.vector_load %arg10[%get3A_340, %get3A_341] {strides = array<i32>} : memref<16x768xf32, #tpu.memory_space<vmem>>, vector<16xf32>,
      %add3A_343 = arith.addf %get3A_338, %get3A_342 : vector<16xf32>
      %swap3A_344 = arith.constant 10 : i32
      %swap3A_345 = arith.index_cast %swap3A_344 : i32 to index
      %swap3A_346 = arith.index_cast %mul3A_206 : i32 to index
      %swap3A_347 = tpu.vector_load %arg8[%swap3A_345, %swap3A_346] {strides = array<i32>} : memref<16x768xf32, #tpu.memory_space<vmem>>, vector<16xf32>,
      tpu.vector_store %arg8[%swap3A_345, %swap3A_346], %add3A_343 {strides = array<i32>} : memref<16x768xf32, #tpu.memory_space<vmem>>, vector<16xf32>,
      %get3A_348 = arith.constant 11 : i32
      %get3A_349 = arith.index_cast %get3A_348 : i32 to index
      %get3A_350 = arith.index_cast %mul3A_206 : i32 to index
      %get3A_351 = tpu.vector_load %arg8[%get3A_349, %get3A_350] {strides = array<i32>} : memref<16x768xf32, #tpu.memory_space<vmem>>, vector<16xf32>,
      %get3A_352 = arith.constant 11 : i32
      %get3A_353 = arith.index_cast %get3A_352 : i32 to index
      %get3A_354 = arith.index_cast %mul3A_206 : i32 to index
      %get3A_355 = tpu.vector_load %arg10[%get3A_353, %get3A_354] {strides = array<i32>} : memref<16x768xf32, #tpu.memory_space<vmem>>, vector<16xf32>,
      %add3A_356 = arith.addf %get3A_351, %get3A_355 : vector<16xf32>
      %swap3A_357 = arith.constant 11 : i32
      %swap3A_358 = arith.index_cast %swap3A_357 : i32 to index
      %swap3A_359 = arith.index_cast %mul3A_206 : i32 to index
      %swap3A_360 = tpu.vector_load %arg8[%swap3A_358, %swap3A_359] {strides = array<i32>} : memref<16x768xf32, #tpu.memory_space<vmem>>, vector<16xf32>,
      tpu.vector_store %arg8[%swap3A_358, %swap3A_359], %add3A_356 {strides = array<i32>} : memref<16x768xf32, #tpu.memory_space<vmem>>, vector<16xf32>,
      %get3A_361 = arith.constant 12 : i32
      %get3A_362 = arith.index_cast %get3A_361 : i32 to index
      %get3A_363 = arith.index_cast %mul3A_206 : i32 to index
      %get3A_364 = tpu.vector_load %arg8[%get3A_362, %get3A_363] {strides = array<i32>} : memref<16x768xf32, #tpu.memory_space<vmem>>, vector<16xf32>,
      %get3A_365 = arith.constant 12 : i32
      %get3A_366 = arith.index_cast %get3A_365 : i32 to index
      %get3A_367 = arith.index_cast %mul3A_206 : i32 to index
      %get3A_368 = tpu.vector_load %arg10[%get3A_366, %get3A_367] {strides = array<i32>} : memref<16x768xf32, #tpu.memory_space<vmem>>, vector<16xf32>,
      %add3A_369 = arith.addf %get3A_364, %get3A_368 : vector<16xf32>
      %swap3A_370 = arith.constant 12 : i32
      %swap3A_371 = arith.index_cast %swap3A_370 : i32 to index
      %swap3A_372 = arith.index_cast %mul3A_206 : i32 to index
      %swap3A_373 = tpu.vector_load %arg8[%swap3A_371, %swap3A_372] {strides = array<i32>} : memref<16x768xf32, #tpu.memory_space<vmem>>, vector<16xf32>,
      tpu.vector_store %arg8[%swap3A_371, %swap3A_372], %add3A_369 {strides = array<i32>} : memref<16x768xf32, #tpu.memory_space<vmem>>, vector<16xf32>,
      %get3A_374 = arith.constant 13 : i32
      %get3A_375 = arith.index_cast %get3A_374 : i32 to index
      %get3A_376 = arith.index_cast %mul3A_206 : i32 to index
      %get3A_377 = tpu.vector_load %arg8[%get3A_375, %get3A_376] {strides = array<i32>} : memref<16x768xf32, #tpu.memory_space<vmem>>, vector<16xf32>,
      %get3A_378 = arith.constant 13 : i32
      %get3A_379 = arith.index_cast %get3A_378 : i32 to index
      %get3A_380 = arith.index_cast %mul3A_206 : i32 to index
      %get3A_381 = tpu.vector_load %arg10[%get3A_379, %get3A_380] {strides = array<i32>} : memref<16x768xf32, #tpu.memory_space<vmem>>, vector<16xf32>,
      %add3A_382 = arith.addf %get3A_377, %get3A_381 : vector<16xf32>
      %swap3A_383 = arith.constant 13 : i32
      %swap3A_384 = arith.index_cast %swap3A_383 : i32 to index
      %swap3A_385 = arith.index_cast %mul3A_206 : i32 to index
      %swap3A_386 = tpu.vector_load %arg8[%swap3A_384, %swap3A_385] {strides = array<i32>} : memref<16x768xf32, #tpu.memory_space<vmem>>, vector<16xf32>,
      tpu.vector_store %arg8[%swap3A_384, %swap3A_385], %add3A_382 {strides = array<i32>} : memref<16x768xf32, #tpu.memory_space<vmem>>, vector<16xf32>,
      %get3A_387 = arith.constant 14 : i32
      %get3A_388 = arith.index_cast %get3A_387 : i32 to index
      %get3A_389 = arith.index_cast %mul3A_206 : i32 to index
      %get3A_390 = tpu.vector_load %arg8[%get3A_388, %get3A_389] {strides = array<i32>} : memref<16x768xf32, #tpu.memory_space<vmem>>, vector<16xf32>,
      %get3A_391 = arith.constant 14 : i32
      %get3A_392 = arith.index_cast %get3A_391 : i32 to index
      %get3A_393 = arith.index_cast %mul3A_206 : i32 to index
      %get3A_394 = tpu.vector_load %arg10[%get3A_392, %get3A_393] {strides = array<i32>} : memref<16x768xf32, #tpu.memory_space<vmem>>, vector<16xf32>,
      %add3A_395 = arith.addf %get3A_390, %get3A_394 : vector<16xf32>
      %swap3A_396 = arith.constant 14 : i32
      %swap3A_397 = arith.index_cast %swap3A_396 : i32 to index
      %swap3A_398 = arith.index_cast %mul3A_206 : i32 to index
      %swap3A_399 = tpu.vector_load %arg8[%swap3A_397, %swap3A_398] {strides = array<i32>} : memref<16x768xf32, #tpu.memory_space<vmem>>, vector<16xf32>,
      tpu.vector_store %arg8[%swap3A_397, %swap3A_398], %add3A_395 {strides = array<i32>} : memref<16x768xf32, #tpu.memory_space<vmem>>, vector<16xf32>,
      %get3A_400 = arith.constant 15 : i32
      %get3A_401 = arith.index_cast %get3A_400 : i32 to index
      %get3A_402 = arith.index_cast %mul3A_206 : i32 to index
      %get3A_403 = tpu.vector_load %arg8[%get3A_401, %get3A_402] {strides = array<i32>} : memref<16x768xf32, #tpu.memory_space<vmem>>, vector<16xf32>,
      %get3A_404 = arith.constant 15 : i32
      %get3A_405 = arith.index_cast %get3A_404 : i32 to index
      %get3A_406 = arith.index_cast %mul3A_206 : i32 to index
      %get3A_407 = tpu.vector_load %arg10[%get3A_405, %get3A_406] {strides = array<i32>} : memref<16x768xf32, #tpu.memory_space<vmem>>, vector<16xf32>,
      %add3A_408 = arith.addf %get3A_403, %get3A_407 : vector<16xf32>
      %swap3A_409 = arith.constant 15 : i32
      %swap3A_410 = arith.index_cast %swap3A_409 : i32 to index
      %swap3A_411 = arith.index_cast %mul3A_206 : i32 to index
      %swap3A_412 = tpu.vector_load %arg8[%swap3A_410, %swap3A_411] {strides = array<i32>} : memref<16x768xf32, #tpu.memory_space<vmem>>, vector<16xf32>,
      tpu.vector_store %arg8[%swap3A_410, %swap3A_411], %add3A_408 {strides = array<i32>} : memref<16x768xf32, #tpu.memory_space<vmem>>, vector<16xf32>,
      %scan3A_413 = arith.constant 0 : i32
      scf.yield %scan3A_413 : i32
    }
    %scan3A_71 = arith.constant 48 : i32
    %add3A_72 = arith.constant 0 : i32
    %add3A_73 = arith.addi %mul3A_2, %add3A_72 : i32
    %dma_start3A_74 = arith.constant 0 : i32
    %dma_start3A_75 = tpu.memref_slice %arg5[%add3A_73, %dma_start3A_74] : memref<2048x768xf32, #tpu.memory_space<hbm>> -> memref<16x768xf32, #tpu.memory_space<hbm>>
    %dma_start3A_76 = arith.constant 0 : i32
    %dma_start3A_77 = tpu.memref_slice %arg5[%add3A_73, %dma_start3A_76] : memref<2048x768xf32, #tpu.memory_space<hbm>> -> memref<16x768xf32, #tpu.memory_space<hbm>>
    tpu.enqueue_dma source(%arg8 : memref<16x768xf32, #tpu.memory_space<vmem>>) target(%dma_start3A_77 : memref<16x768xf32, #tpu.memory_space<hbm>>) target_semaphore(%arg14 : memref<!tpu.dma_semaphore, #tpu.memory_space<semaphore_mem>>)
    %dma_wait3A_78 = arith.constant 1 : i32
    %dma_wait3A_79 = arith.constant 0 : i32
    %dma_wait3A_80 = tpu.memref_slice %arg6[%dma_wait3A_78, %dma_wait3A_79] : memref<4x16xi32, #tpu.memory_space<vmem>> -> memref<1x16xi32, #tpu.memory_space<vmem>>
    %dma_wait3A_81 = tpu.memref_squeeze %dma_wait3A_80 : memref<1x16xi32, #tpu.memory_space<vmem>> -> memref<16xi32, #tpu.memory_space<vmem>>
    %dma_wait3A_82 = arith.constant 0 : i32
    %dma_wait3A_83 = arith.constant 0 : i32
    %dma_wait3A_84 = tpu.memref_slice %arg2[%dma_wait3A_82, %dma_wait3A_83] : memref<6144x768xf32, #tpu.memory_space<hbm>> -> memref<6144x768xf32, #tpu.memory_space<hbm>>
    tpu.wait_indirect_dma semaphore(%arg12 : memref<!tpu.dma_semaphore, #tpu.memory_space<semaphore_mem>>) src(%dma_wait3A_84 : memref<6144x768xf32, #tpu.memory_space<hbm>>) dst(%arg9 : memref<16x768xf32, #tpu.memory_space<vmem>>)
    %dma_wait3A_85 = arith.constant 1 : i32
    %dma_wait3A_86 = arith.constant 0 : i32
    %dma_wait3A_87 = tpu.memref_slice %arg7[%dma_wait3A_85, %dma_wait3A_86] : memref<4x16xi32, #tpu.memory_space<vmem>> -> memref<1x16xi32, #tpu.memory_space<vmem>>
    %dma_wait3A_88 = tpu.memref_squeeze %dma_wait3A_87 : memref<1x16xi32, #tpu.memory_space<vmem>> -> memref<16xi32, #tpu.memory_space<vmem>>
    %dma_wait3A_89 = arith.constant 0 : i32
    %dma_wait3A_90 = arith.constant 0 : i32
    %dma_wait3A_91 = tpu.memref_slice %arg2[%dma_wait3A_89, %dma_wait3A_90] : memref<6144x768xf32, #tpu.memory_space<hbm>> -> memref<6144x768xf32, #tpu.memory_space<hbm>>
    tpu.wait_indirect_dma semaphore(%arg13 : memref<!tpu.dma_semaphore, #tpu.memory_space<semaphore_mem>>) src(%dma_wait3A_91 : memref<6144x768xf32, #tpu.memory_space<hbm>>) dst(%arg11 : memref<16x768xf32, #tpu.memory_space<vmem>>)
    %dma_wait3A_92 = arith.constant 0 : i32
    %dma_wait3A_93 = tpu.memref_slice %arg5[%add3A_73, %dma_wait3A_92] : memref<2048x768xf32, #tpu.memory_space<hbm>> -> memref<16x768xf32, #tpu.memory_space<hbm>>
    %dma_wait3A_94 = arith.constant 0 : i32
    %dma_wait3A_95 = tpu.memref_slice %arg5[%add3A_73, %dma_wait3A_94] : memref<2048x768xf32, #tpu.memory_space<hbm>> -> memref<16x768xf32, #tpu.memory_space<hbm>>
    tpu.wait_dma2 semaphore(%arg14 : memref<!tpu.dma_semaphore, #tpu.memory_space<semaphore_mem>>) src(%arg8 : memref<16x768xf32, #tpu.memory_space<vmem>>) dst(%dma_wait3A_95 : memref<16x768xf32, #tpu.memory_space<hbm>>)
    %dma_start3A_96 = arith.constant 2 : i32
    %dma_start3A_97 = arith.constant 0 : i32
    %dma_start3A_98 = tpu.memref_slice %arg6[%dma_start3A_96, %dma_start3A_97] : memref<4x16xi32, #tpu.memory_space<vmem>> -> memref<1x16xi32, #tpu.memory_space<vmem>>
    %dma_start3A_99 = tpu.memref_squeeze %dma_start3A_98 : memref<1x16xi32, #tpu.memory_space<vmem>> -> memref<16xi32, #tpu.memory_space<vmem>>
    %dma_start3A_100 = arith.constant 0 : i32
    %dma_start3A_101 = arith.constant 0 : i32
    %dma_start3A_102 = tpu.memref_slice %arg2[%dma_start3A_100, %dma_start3A_101] : memref<6144x768xf32, #tpu.memory_space<hbm>> -> memref<6144x768xf32, #tpu.memory_space<hbm>>
    tpu.enqueue_indirect_dma source(%dma_start3A_102 : memref<6144x768xf32, #tpu.memory_space<hbm>>) target(%arg8 : memref<16x768xf32, #tpu.memory_space<vmem>>) offsets(%dma_start3A_99 : memref<16xi32, #tpu.memory_space<vmem>>) semaphore(%arg12 : memref<!tpu.dma_semaphore, #tpu.memory_space<semaphore_mem>>)
    %dma_start3A_103 = arith.constant 2 : i32
    %dma_start3A_104 = arith.constant 0 : i32
    %dma_start3A_105 = tpu.memref_slice %arg7[%dma_start3A_103, %dma_start3A_104] : memref<4x16xi32, #tpu.memory_space<vmem>> -> memref<1x16xi32, #tpu.memory_space<vmem>>
    %dma_start3A_106 = tpu.memref_squeeze %dma_start3A_105 : memref<1x16xi32, #tpu.memory_space<vmem>> -> memref<16xi32, #tpu.memory_space<vmem>>
    %dma_start3A_107 = arith.constant 0 : i32
    %dma_start3A_108 = arith.constant 0 : i32
    %dma_start3A_109 = tpu.memref_slice %arg2[%dma_start3A_107, %dma_start3A_108] : memref<6144x768xf32, #tpu.memory_space<hbm>> -> memref<6144x768xf32, #tpu.memory_space<hbm>>
    tpu.enqueue_indirect_dma source(%dma_start3A_109 : memref<6144x768xf32, #tpu.memory_space<hbm>>) target(%arg10 : memref<16x768xf32, #tpu.memory_space<vmem>>) offsets(%dma_start3A_106 : memref<16xi32, #tpu.memory_space<vmem>>) semaphore(%arg13 : memref<!tpu.dma_semaphore, #tpu.memory_space<semaphore_mem>>)
    %scan3A_110 = arith.constant 0 : i32
    %scan3A_111 = arith.constant 0 : i32
    %scan3A_112 = arith.constant 48 : i32
    %scan3A_113 = arith.addi %scan3A_111, %scan3A_112 : i32
    %scan3A_114 = arith.constant 1 : i32
    %scan3A_115 = scf.for %scan3A_203 = %scan3A_111 to %scan3A_113 step %scan3A_114 iter_args(%scan3A_204 = %scan3A_110) -> (i32)  : i32 {
      %mul3A_205 = arith.constant 16 : i32
      %mul3A_206 = arith.muli %scan3A_203, %mul3A_205 : i32
      %get3A = arith.constant 0 : i32
      %get3A_207 = arith.index_cast %get3A : i32 to index
      %get3A_208 = arith.index_cast %mul3A_206 : i32 to index
      %get3A_209 = tpu.vector_load %arg9[%get3A_207, %get3A_208] {strides = array<i32>} : memref<16x768xf32, #tpu.memory_space<vmem>>, vector<16xf32>,
      %get3A_210 = arith.constant 0 : i32
      %get3A_211 = arith.index_cast %get3A_210 : i32 to index
      %get3A_212 = arith.index_cast %mul3A_206 : i32 to index
      %get3A_213 = tpu.vector_load %arg11[%get3A_211, %get3A_212] {strides = array<i32>} : memref<16x768xf32, #tpu.memory_space<vmem>>, vector<16xf32>,
      %add3A_214 = arith.addf %get3A_209, %get3A_213 : vector<16xf32>
      %swap3A = arith.constant 0 : i32
      %swap3A_215 = arith.index_cast %swap3A : i32 to index
      %swap3A_216 = arith.index_cast %mul3A_206 : i32 to index
      %swap3A_217 = tpu.vector_load %arg9[%swap3A_215, %swap3A_216] {strides = array<i32>} : memref<16x768xf32, #tpu.memory_space<vmem>>, vector<16xf32>,
      tpu.vector_store %arg9[%swap3A_215, %swap3A_216], %add3A_214 {strides = array<i32>} : memref<16x768xf32, #tpu.memory_space<vmem>>, vector<16xf32>,
      %get3A_218 = arith.constant 1 : i32
      %get3A_219 = arith.index_cast %get3A_218 : i32 to index
      %get3A_220 = arith.index_cast %mul3A_206 : i32 to index
      %get3A_221 = tpu.vector_load %arg9[%get3A_219, %get3A_220] {strides = array<i32>} : memref<16x768xf32, #tpu.memory_space<vmem>>, vector<16xf32>,
      %get3A_222 = arith.constant 1 : i32
      %get3A_223 = arith.index_cast %get3A_222 : i32 to index
      %get3A_224 = arith.index_cast %mul3A_206 : i32 to index
      %get3A_225 = tpu.vector_load %arg11[%get3A_223, %get3A_224] {strides = array<i32>} : memref<16x768xf32, #tpu.memory_space<vmem>>, vector<16xf32>,
      %add3A_226 = arith.addf %get3A_221, %get3A_225 : vector<16xf32>
      %swap3A_227 = arith.constant 1 : i32
      %swap3A_228 = arith.index_cast %swap3A_227 : i32 to index
      %swap3A_229 = arith.index_cast %mul3A_206 : i32 to index
      %swap3A_230 = tpu.vector_load %arg9[%swap3A_228, %swap3A_229] {strides = array<i32>} : memref<16x768xf32, #tpu.memory_space<vmem>>, vector<16xf32>,
      tpu.vector_store %arg9[%swap3A_228, %swap3A_229], %add3A_226 {strides = array<i32>} : memref<16x768xf32, #tpu.memory_space<vmem>>, vector<16xf32>,
      %get3A_231 = arith.constant 2 : i32
      %get3A_232 = arith.index_cast %get3A_231 : i32 to index
      %get3A_233 = arith.index_cast %mul3A_206 : i32 to index
      %get3A_234 = tpu.vector_load %arg9[%get3A_232, %get3A_233] {strides = array<i32>} : memref<16x768xf32, #tpu.memory_space<vmem>>, vector<16xf32>,
      %get3A_235 = arith.constant 2 : i32
      %get3A_236 = arith.index_cast %get3A_235 : i32 to index
      %get3A_237 = arith.index_cast %mul3A_206 : i32 to index
      %get3A_238 = tpu.vector_load %arg11[%get3A_236, %get3A_237] {strides = array<i32>} : memref<16x768xf32, #tpu.memory_space<vmem>>, vector<16xf32>,
      %add3A_239 = arith.addf %get3A_234, %get3A_238 : vector<16xf32>
      %swap3A_240 = arith.constant 2 : i32
      %swap3A_241 = arith.index_cast %swap3A_240 : i32 to index
      %swap3A_242 = arith.index_cast %mul3A_206 : i32 to index
      %swap3A_243 = tpu.vector_load %arg9[%swap3A_241, %swap3A_242] {strides = array<i32>} : memref<16x768xf32, #tpu.memory_space<vmem>>, vector<16xf32>,
      tpu.vector_store %arg9[%swap3A_241, %swap3A_242], %add3A_239 {strides = array<i32>} : memref<16x768xf32, #tpu.memory_space<vmem>>, vector<16xf32>,
      %get3A_244 = arith.constant 3 : i32
      %get3A_245 = arith.index_cast %get3A_244 : i32 to index
      %get3A_246 = arith.index_cast %mul3A_206 : i32 to index
      %get3A_247 = tpu.vector_load %arg9[%get3A_245, %get3A_246] {strides = array<i32>} : memref<16x768xf32, #tpu.memory_space<vmem>>, vector<16xf32>,
      %get3A_248 = arith.constant 3 : i32
      %get3A_249 = arith.index_cast %get3A_248 : i32 to index
      %get3A_250 = arith.index_cast %mul3A_206 : i32 to index
      %get3A_251 = tpu.vector_load %arg11[%get3A_249, %get3A_250] {strides = array<i32>} : memref<16x768xf32, #tpu.memory_space<vmem>>, vector<16xf32>,
      %add3A_252 = arith.addf %get3A_247, %get3A_251 : vector<16xf32>
      %swap3A_253 = arith.constant 3 : i32
      %swap3A_254 = arith.index_cast %swap3A_253 : i32 to index
      %swap3A_255 = arith.index_cast %mul3A_206 : i32 to index
      %swap3A_256 = tpu.vector_load %arg9[%swap3A_254, %swap3A_255] {strides = array<i32>} : memref<16x768xf32, #tpu.memory_space<vmem>>, vector<16xf32>,
      tpu.vector_store %arg9[%swap3A_254, %swap3A_255], %add3A_252 {strides = array<i32>} : memref<16x768xf32, #tpu.memory_space<vmem>>, vector<16xf32>,
      %get3A_257 = arith.constant 4 : i32
      %get3A_258 = arith.index_cast %get3A_257 : i32 to index
      %get3A_259 = arith.index_cast %mul3A_206 : i32 to index
      %get3A_260 = tpu.vector_load %arg9[%get3A_258, %get3A_259] {strides = array<i32>} : memref<16x768xf32, #tpu.memory_space<vmem>>, vector<16xf32>,
      %get3A_261 = arith.constant 4 : i32
      %get3A_262 = arith.index_cast %get3A_261 : i32 to index
      %get3A_263 = arith.index_cast %mul3A_206 : i32 to index
      %get3A_264 = tpu.vector_load %arg11[%get3A_262, %get3A_263] {strides = array<i32>} : memref<16x768xf32, #tpu.memory_space<vmem>>, vector<16xf32>,
      %add3A_265 = arith.addf %get3A_260, %get3A_264 : vector<16xf32>
      %swap3A_266 = arith.constant 4 : i32
      %swap3A_267 = arith.index_cast %swap3A_266 : i32 to index
      %swap3A_268 = arith.index_cast %mul3A_206 : i32 to index
      %swap3A_269 = tpu.vector_load %arg9[%swap3A_267, %swap3A_268] {strides = array<i32>} : memref<16x768xf32, #tpu.memory_space<vmem>>, vector<16xf32>,
      tpu.vector_store %arg9[%swap3A_267, %swap3A_268], %add3A_265 {strides = array<i32>} : memref<16x768xf32, #tpu.memory_space<vmem>>, vector<16xf32>,
      %get3A_270 = arith.constant 5 : i32
      %get3A_271 = arith.index_cast %get3A_270 : i32 to index
      %get3A_272 = arith.index_cast %mul3A_206 : i32 to index
      %get3A_273 = tpu.vector_load %arg9[%get3A_271, %get3A_272] {strides = array<i32>} : memref<16x768xf32, #tpu.memory_space<vmem>>, vector<16xf32>,
      %get3A_274 = arith.constant 5 : i32
      %get3A_275 = arith.index_cast %get3A_274 : i32 to index
      %get3A_276 = arith.index_cast %mul3A_206 : i32 to index
      %get3A_277 = tpu.vector_load %arg11[%get3A_275, %get3A_276] {strides = array<i32>} : memref<16x768xf32, #tpu.memory_space<vmem>>, vector<16xf32>,
      %add3A_278 = arith.addf %get3A_273, %get3A_277 : vector<16xf32>
      %swap3A_279 = arith.constant 5 : i32
      %swap3A_280 = arith.index_cast %swap3A_279 : i32 to index
      %swap3A_281 = arith.index_cast %mul3A_206 : i32 to index
      %swap3A_282 = tpu.vector_load %arg9[%swap3A_280, %swap3A_281] {strides = array<i32>} : memref<16x768xf32, #tpu.memory_space<vmem>>, vector<16xf32>,
      tpu.vector_store %arg9[%swap3A_280, %swap3A_281], %add3A_278 {strides = array<i32>} : memref<16x768xf32, #tpu.memory_space<vmem>>, vector<16xf32>,
      %get3A_283 = arith.constant 6 : i32
      %get3A_284 = arith.index_cast %get3A_283 : i32 to index
      %get3A_285 = arith.index_cast %mul3A_206 : i32 to index
      %get3A_286 = tpu.vector_load %arg9[%get3A_284, %get3A_285] {strides = array<i32>} : memref<16x768xf32, #tpu.memory_space<vmem>>, vector<16xf32>,
      %get3A_287 = arith.constant 6 : i32
      %get3A_288 = arith.index_cast %get3A_287 : i32 to index
      %get3A_289 = arith.index_cast %mul3A_206 : i32 to index
      %get3A_290 = tpu.vector_load %arg11[%get3A_288, %get3A_289] {strides = array<i32>} : memref<16x768xf32, #tpu.memory_space<vmem>>, vector<16xf32>,
      %add3A_291 = arith.addf %get3A_286, %get3A_290 : vector<16xf32>
      %swap3A_292 = arith.constant 6 : i32
      %swap3A_293 = arith.index_cast %swap3A_292 : i32 to index
      %swap3A_294 = arith.index_cast %mul3A_206 : i32 to index
      %swap3A_295 = tpu.vector_load %arg9[%swap3A_293, %swap3A_294] {strides = array<i32>} : memref<16x768xf32, #tpu.memory_space<vmem>>, vector<16xf32>,
      tpu.vector_store %arg9[%swap3A_293, %swap3A_294], %add3A_291 {strides = array<i32>} : memref<16x768xf32, #tpu.memory_space<vmem>>, vector<16xf32>,
      %get3A_296 = arith.constant 7 : i32
      %get3A_297 = arith.index_cast %get3A_296 : i32 to index
      %get3A_298 = arith.index_cast %mul3A_206 : i32 to index
      %get3A_299 = tpu.vector_load %arg9[%get3A_297, %get3A_298] {strides = array<i32>} : memref<16x768xf32, #tpu.memory_space<vmem>>, vector<16xf32>,
      %get3A_300 = arith.constant 7 : i32
      %get3A_301 = arith.index_cast %get3A_300 : i32 to index
      %get3A_302 = arith.index_cast %mul3A_206 : i32 to index
      %get3A_303 = tpu.vector_load %arg11[%get3A_301, %get3A_302] {strides = array<i32>} : memref<16x768xf32, #tpu.memory_space<vmem>>, vector<16xf32>,
      %add3A_304 = arith.addf %get3A_299, %get3A_303 : vector<16xf32>
      %swap3A_305 = arith.constant 7 : i32
      %swap3A_306 = arith.index_cast %swap3A_305 : i32 to index
      %swap3A_307 = arith.index_cast %mul3A_206 : i32 to index
      %swap3A_308 = tpu.vector_load %arg9[%swap3A_306, %swap3A_307] {strides = array<i32>} : memref<16x768xf32, #tpu.memory_space<vmem>>, vector<16xf32>,
      tpu.vector_store %arg9[%swap3A_306, %swap3A_307], %add3A_304 {strides = array<i32>} : memref<16x768xf32, #tpu.memory_space<vmem>>, vector<16xf32>,
      %get3A_309 = arith.constant 8 : i32
      %get3A_310 = arith.index_cast %get3A_309 : i32 to index
      %get3A_311 = arith.index_cast %mul3A_206 : i32 to index
      %get3A_312 = tpu.vector_load %arg9[%get3A_310, %get3A_311] {strides = array<i32>} : memref<16x768xf32, #tpu.memory_space<vmem>>, vector<16xf32>,
      %get3A_313 = arith.constant 8 : i32
      %get3A_314 = arith.index_cast %get3A_313 : i32 to index
      %get3A_315 = arith.index_cast %mul3A_206 : i32 to index
      %get3A_316 = tpu.vector_load %arg11[%get3A_314, %get3A_315] {strides = array<i32>} : memref<16x768xf32, #tpu.memory_space<vmem>>, vector<16xf32>,
      %add3A_317 = arith.addf %get3A_312, %get3A_316 : vector<16xf32>
      %swap3A_318 = arith.constant 8 : i32
      %swap3A_319 = arith.index_cast %swap3A_318 : i32 to index
      %swap3A_320 = arith.index_cast %mul3A_206 : i32 to index
      %swap3A_321 = tpu.vector_load %arg9[%swap3A_319, %swap3A_320] {strides = array<i32>} : memref<16x768xf32, #tpu.memory_space<vmem>>, vector<16xf32>,
      tpu.vector_store %arg9[%swap3A_319, %swap3A_320], %add3A_317 {strides = array<i32>} : memref<16x768xf32, #tpu.memory_space<vmem>>, vector<16xf32>,
      %get3A_322 = arith.constant 9 : i32
      %get3A_323 = arith.index_cast %get3A_322 : i32 to index
      %get3A_324 = arith.index_cast %mul3A_206 : i32 to index
      %get3A_325 = tpu.vector_load %arg9[%get3A_323, %get3A_324] {strides = array<i32>} : memref<16x768xf32, #tpu.memory_space<vmem>>, vector<16xf32>,
      %get3A_326 = arith.constant 9 : i32
      %get3A_327 = arith.index_cast %get3A_326 : i32 to index
      %get3A_328 = arith.index_cast %mul3A_206 : i32 to index
      %get3A_329 = tpu.vector_load %arg11[%get3A_327, %get3A_328] {strides = array<i32>} : memref<16x768xf32, #tpu.memory_space<vmem>>, vector<16xf32>,
      %add3A_330 = arith.addf %get3A_325, %get3A_329 : vector<16xf32>
      %swap3A_331 = arith.constant 9 : i32
      %swap3A_332 = arith.index_cast %swap3A_331 : i32 to index
      %swap3A_333 = arith.index_cast %mul3A_206 : i32 to index
      %swap3A_334 = tpu.vector_load %arg9[%swap3A_332, %swap3A_333] {strides = array<i32>} : memref<16x768xf32, #tpu.memory_space<vmem>>, vector<16xf32>,
      tpu.vector_store %arg9[%swap3A_332, %swap3A_333], %add3A_330 {strides = array<i32>} : memref<16x768xf32, #tpu.memory_space<vmem>>, vector<16xf32>,
      %get3A_335 = arith.constant 10 : i32
      %get3A_336 = arith.index_cast %get3A_335 : i32 to index
      %get3A_337 = arith.index_cast %mul3A_206 : i32 to index
      %get3A_338 = tpu.vector_load %arg9[%get3A_336, %get3A_337] {strides = array<i32>} : memref<16x768xf32, #tpu.memory_space<vmem>>, vector<16xf32>,
      %get3A_339 = arith.constant 10 : i32
      %get3A_340 = arith.index_cast %get3A_339 : i32 to index
      %get3A_341 = arith.index_cast %mul3A_206 : i32 to index
      %get3A_342 = tpu.vector_load %arg11[%get3A_340, %get3A_341] {strides = array<i32>} : memref<16x768xf32, #tpu.memory_space<vmem>>, vector<16xf32>,
      %add3A_343 = arith.addf %get3A_338, %get3A_342 : vector<16xf32>
      %swap3A_344 = arith.constant 10 : i32
      %swap3A_345 = arith.index_cast %swap3A_344 : i32 to index
      %swap3A_346 = arith.index_cast %mul3A_206 : i32 to index
      %swap3A_347 = tpu.vector_load %arg9[%swap3A_345, %swap3A_346] {strides = array<i32>} : memref<16x768xf32, #tpu.memory_space<vmem>>, vector<16xf32>,
      tpu.vector_store %arg9[%swap3A_345, %swap3A_346], %add3A_343 {strides = array<i32>} : memref<16x768xf32, #tpu.memory_space<vmem>>, vector<16xf32>,
      %get3A_348 = arith.constant 11 : i32
      %get3A_349 = arith.index_cast %get3A_348 : i32 to index
      %get3A_350 = arith.index_cast %mul3A_206 : i32 to index
      %get3A_351 = tpu.vector_load %arg9[%get3A_349, %get3A_350] {strides = array<i32>} : memref<16x768xf32, #tpu.memory_space<vmem>>, vector<16xf32>,
      %get3A_352 = arith.constant 11 : i32
      %get3A_353 = arith.index_cast %get3A_352 : i32 to index
      %get3A_354 = arith.index_cast %mul3A_206 : i32 to index
      %get3A_355 = tpu.vector_load %arg11[%get3A_353, %get3A_354] {strides = array<i32>} : memref<16x768xf32, #tpu.memory_space<vmem>>, vector<16xf32>,
      %add3A_356 = arith.addf %get3A_351, %get3A_355 : vector<16xf32>
      %swap3A_357 = arith.constant 11 : i32
      %swap3A_358 = arith.index_cast %swap3A_357 : i32 to index
      %swap3A_359 = arith.index_cast %mul3A_206 : i32 to index
      %swap3A_360 = tpu.vector_load %arg9[%swap3A_358, %swap3A_359] {strides = array<i32>} : memref<16x768xf32, #tpu.memory_space<vmem>>, vector<16xf32>,
      tpu.vector_store %arg9[%swap3A_358, %swap3A_359], %add3A_356 {strides = array<i32>} : memref<16x768xf32, #tpu.memory_space<vmem>>, vector<16xf32>,
      %get3A_361 = arith.constant 12 : i32
      %get3A_362 = arith.index_cast %get3A_361 : i32 to index
      %get3A_363 = arith.index_cast %mul3A_206 : i32 to index
      %get3A_364 = tpu.vector_load %arg9[%get3A_362, %get3A_363] {strides = array<i32>} : memref<16x768xf32, #tpu.memory_space<vmem>>, vector<16xf32>,
      %get3A_365 = arith.constant 12 : i32
      %get3A_366 = arith.index_cast %get3A_365 : i32 to index
      %get3A_367 = arith.index_cast %mul3A_206 : i32 to index
      %get3A_368 = tpu.vector_load %arg11[%get3A_366, %get3A_367] {strides = array<i32>} : memref<16x768xf32, #tpu.memory_space<vmem>>, vector<16xf32>,
      %add3A_369 = arith.addf %get3A_364, %get3A_368 : vector<16xf32>
      %swap3A_370 = arith.constant 12 : i32
      %swap3A_371 = arith.index_cast %swap3A_370 : i32 to index
      %swap3A_372 = arith.index_cast %mul3A_206 : i32 to index
      %swap3A_373 = tpu.vector_load %arg9[%swap3A_371, %swap3A_372] {strides = array<i32>} : memref<16x768xf32, #tpu.memory_space<vmem>>, vector<16xf32>,
      tpu.vector_store %arg9[%swap3A_371, %swap3A_372], %add3A_369 {strides = array<i32>} : memref<16x768xf32, #tpu.memory_space<vmem>>, vector<16xf32>,
      %get3A_374 = arith.constant 13 : i32
      %get3A_375 = arith.index_cast %get3A_374 : i32 to index
      %get3A_376 = arith.index_cast %mul3A_206 : i32 to index
      %get3A_377 = tpu.vector_load %arg9[%get3A_375, %get3A_376] {strides = array<i32>} : memref<16x768xf32, #tpu.memory_space<vmem>>, vector<16xf32>,
      %get3A_378 = arith.constant 13 : i32
      %get3A_379 = arith.index_cast %get3A_378 : i32 to index
      %get3A_380 = arith.index_cast %mul3A_206 : i32 to index
      %get3A_381 = tpu.vector_load %arg11[%get3A_379, %get3A_380] {strides = array<i32>} : memref<16x768xf32, #tpu.memory_space<vmem>>, vector<16xf32>,
      %add3A_382 = arith.addf %get3A_377, %get3A_381 : vector<16xf32>
      %swap3A_383 = arith.constant 13 : i32
      %swap3A_384 = arith.index_cast %swap3A_383 : i32 to index
      %swap3A_385 = arith.index_cast %mul3A_206 : i32 to index
      %swap3A_386 = tpu.vector_load %arg9[%swap3A_384, %swap3A_385] {strides = array<i32>} : memref<16x768xf32, #tpu.memory_space<vmem>>, vector<16xf32>,
      tpu.vector_store %arg9[%swap3A_384, %swap3A_385], %add3A_382 {strides = array<i32>} : memref<16x768xf32, #tpu.memory_space<vmem>>, vector<16xf32>,
      %get3A_387 = arith.constant 14 : i32
      %get3A_388 = arith.index_cast %get3A_387 : i32 to index
      %get3A_389 = arith.index_cast %mul3A_206 : i32 to index
      %get3A_390 = tpu.vector_load %arg9[%get3A_388, %get3A_389] {strides = array<i32>} : memref<16x768xf32, #tpu.memory_space<vmem>>, vector<16xf32>,
      %get3A_391 = arith.constant 14 : i32
      %get3A_392 = arith.index_cast %get3A_391 : i32 to index
      %get3A_393 = arith.index_cast %mul3A_206 : i32 to index
      %get3A_394 = tpu.vector_load %arg11[%get3A_392, %get3A_393] {strides = array<i32>} : memref<16x768xf32, #tpu.memory_space<vmem>>, vector<16xf32>,
      %add3A_395 = arith.addf %get3A_390, %get3A_394 : vector<16xf32>
      %swap3A_396 = arith.constant 14 : i32
      %swap3A_397 = arith.index_cast %swap3A_396 : i32 to index
      %swap3A_398 = arith.index_cast %mul3A_206 : i32 to index
      %swap3A_399 = tpu.vector_load %arg9[%swap3A_397, %swap3A_398] {strides = array<i32>} : memref<16x768xf32, #tpu.memory_space<vmem>>, vector<16xf32>,
      tpu.vector_store %arg9[%swap3A_397, %swap3A_398], %add3A_395 {strides = array<i32>} : memref<16x768xf32, #tpu.memory_space<vmem>>, vector<16xf32>,
      %get3A_400 = arith.constant 15 : i32
      %get3A_401 = arith.index_cast %get3A_400 : i32 to index
      %get3A_402 = arith.index_cast %mul3A_206 : i32 to index
      %get3A_403 = tpu.vector_load %arg9[%get3A_401, %get3A_402] {strides = array<i32>} : memref<16x768xf32, #tpu.memory_space<vmem>>, vector<16xf32>,
      %get3A_404 = arith.constant 15 : i32
      %get3A_405 = arith.index_cast %get3A_404 : i32 to index
      %get3A_406 = arith.index_cast %mul3A_206 : i32 to index
      %get3A_407 = tpu.vector_load %arg11[%get3A_405, %get3A_406] {strides = array<i32>} : memref<16x768xf32, #tpu.memory_space<vmem>>, vector<16xf32>,
      %add3A_408 = arith.addf %get3A_403, %get3A_407 : vector<16xf32>
      %swap3A_409 = arith.constant 15 : i32
      %swap3A_410 = arith.index_cast %swap3A_409 : i32 to index
      %swap3A_411 = arith.index_cast %mul3A_206 : i32 to index
      %swap3A_412 = tpu.vector_load %arg9[%swap3A_410, %swap3A_411] {strides = array<i32>} : memref<16x768xf32, #tpu.memory_space<vmem>>, vector<16xf32>,
      tpu.vector_store %arg9[%swap3A_410, %swap3A_411], %add3A_408 {strides = array<i32>} : memref<16x768xf32, #tpu.memory_space<vmem>>, vector<16xf32>,
      %scan3A_413 = arith.constant 0 : i32
      scf.yield %scan3A_413 : i32
    }
    %scan3A_116 = arith.constant 48 : i32
    %add3A_117 = arith.constant 16 : i32
    %add3A_118 = arith.addi %mul3A_2, %add3A_117 : i32
    %dma_start3A_119 = arith.constant 0 : i32
    %dma_start3A_120 = tpu.memref_slice %arg5[%add3A_118, %dma_start3A_119] : memref<2048x768xf32, #tpu.memory_space<hbm>> -> memref<16x768xf32, #tpu.memory_space<hbm>>
    %dma_start3A_121 = arith.constant 0 : i32
    %dma_start3A_122 = tpu.memref_slice %arg5[%add3A_118, %dma_start3A_121] : memref<2048x768xf32, #tpu.memory_space<hbm>> -> memref<16x768xf32, #tpu.memory_space<hbm>>
    tpu.enqueue_dma source(%arg9 : memref<16x768xf32, #tpu.memory_space<vmem>>) target(%dma_start3A_122 : memref<16x768xf32, #tpu.memory_space<hbm>>) target_semaphore(%arg14 : memref<!tpu.dma_semaphore, #tpu.memory_space<semaphore_mem>>)
    %dma_wait3A_123 = arith.constant 2 : i32
    %dma_wait3A_124 = arith.constant 0 : i32
    %dma_wait3A_125 = tpu.memref_slice %arg6[%dma_wait3A_123, %dma_wait3A_124] : memref<4x16xi32, #tpu.memory_space<vmem>> -> memref<1x16xi32, #tpu.memory_space<vmem>>
    %dma_wait3A_126 = tpu.memref_squeeze %dma_wait3A_125 : memref<1x16xi32, #tpu.memory_space<vmem>> -> memref<16xi32, #tpu.memory_space<vmem>>
    %dma_wait3A_127 = arith.constant 0 : i32
    %dma_wait3A_128 = arith.constant 0 : i32
    %dma_wait3A_129 = tpu.memref_slice %arg2[%dma_wait3A_127, %dma_wait3A_128] : memref<6144x768xf32, #tpu.memory_space<hbm>> -> memref<6144x768xf32, #tpu.memory_space<hbm>>
    tpu.wait_indirect_dma semaphore(%arg12 : memref<!tpu.dma_semaphore, #tpu.memory_space<semaphore_mem>>) src(%dma_wait3A_129 : memref<6144x768xf32, #tpu.memory_space<hbm>>) dst(%arg8 : memref<16x768xf32, #tpu.memory_space<vmem>>)
    %dma_wait3A_130 = arith.constant 2 : i32
    %dma_wait3A_131 = arith.constant 0 : i32
    %dma_wait3A_132 = tpu.memref_slice %arg7[%dma_wait3A_130, %dma_wait3A_131] : memref<4x16xi32, #tpu.memory_space<vmem>> -> memref<1x16xi32, #tpu.memory_space<vmem>>
    %dma_wait3A_133 = tpu.memref_squeeze %dma_wait3A_132 : memref<1x16xi32, #tpu.memory_space<vmem>> -> memref<16xi32, #tpu.memory_space<vmem>>
    %dma_wait3A_134 = arith.constant 0 : i32
    %dma_wait3A_135 = arith.constant 0 : i32
    %dma_wait3A_136 = tpu.memref_slice %arg2[%dma_wait3A_134, %dma_wait3A_135] : memref<6144x768xf32, #tpu.memory_space<hbm>> -> memref<6144x768xf32, #tpu.memory_space<hbm>>
    tpu.wait_indirect_dma semaphore(%arg13 : memref<!tpu.dma_semaphore, #tpu.memory_space<semaphore_mem>>) src(%dma_wait3A_136 : memref<6144x768xf32, #tpu.memory_space<hbm>>) dst(%arg10 : memref<16x768xf32, #tpu.memory_space<vmem>>)
    %dma_wait3A_137 = arith.constant 0 : i32
    %dma_wait3A_138 = tpu.memref_slice %arg5[%add3A_118, %dma_wait3A_137] : memref<2048x768xf32, #tpu.memory_space<hbm>> -> memref<16x768xf32, #tpu.memory_space<hbm>>
    %dma_wait3A_139 = arith.constant 0 : i32
    %dma_wait3A_140 = tpu.memref_slice %arg5[%add3A_118, %dma_wait3A_139] : memref<2048x768xf32, #tpu.memory_space<hbm>> -> memref<16x768xf32, #tpu.memory_space<hbm>>
    tpu.wait_dma2 semaphore(%arg14 : memref<!tpu.dma_semaphore, #tpu.memory_space<semaphore_mem>>) src(%arg9 : memref<16x768xf32, #tpu.memory_space<vmem>>) dst(%dma_wait3A_140 : memref<16x768xf32, #tpu.memory_space<hbm>>)
    %dma_start3A_141 = arith.constant 3 : i32
    %dma_start3A_142 = arith.constant 0 : i32
    %dma_start3A_143 = tpu.memref_slice %arg6[%dma_start3A_141, %dma_start3A_142] : memref<4x16xi32, #tpu.memory_space<vmem>> -> memref<1x16xi32, #tpu.memory_space<vmem>>
    %dma_start3A_144 = tpu.memref_squeeze %dma_start3A_143 : memref<1x16xi32, #tpu.memory_space<vmem>> -> memref<16xi32, #tpu.memory_space<vmem>>
    %dma_start3A_145 = arith.constant 0 : i32
    %dma_start3A_146 = arith.constant 0 : i32
    %dma_start3A_147 = tpu.memref_slice %arg2[%dma_start3A_145, %dma_start3A_146] : memref<6144x768xf32, #tpu.memory_space<hbm>> -> memref<6144x768xf32, #tpu.memory_space<hbm>>
    tpu.enqueue_indirect_dma source(%dma_start3A_147 : memref<6144x768xf32, #tpu.memory_space<hbm>>) target(%arg9 : memref<16x768xf32, #tpu.memory_space<vmem>>) offsets(%dma_start3A_144 : memref<16xi32, #tpu.memory_space<vmem>>) semaphore(%arg12 : memref<!tpu.dma_semaphore, #tpu.memory_space<semaphore_mem>>)
    %dma_start3A_148 = arith.constant 3 : i32
    %dma_start3A_149 = arith.constant 0 : i32
    %dma_start3A_150 = tpu.memref_slice %arg7[%dma_start3A_148, %dma_start3A_149] : memref<4x16xi32, #tpu.memory_space<vmem>> -> memref<1x16xi32, #tpu.memory_space<vmem>>
    %dma_start3A_151 = tpu.memref_squeeze %dma_start3A_150 : memref<1x16xi32, #tpu.memory_space<vmem>> -> memref<16xi32, #tpu.memory_space<vmem>>
    %dma_start3A_152 = arith.constant 0 : i32
    %dma_start3A_153 = arith.constant 0 : i32
    %dma_start3A_154 = tpu.memref_slice %arg2[%dma_start3A_152, %dma_start3A_153] : memref<6144x768xf32, #tpu.memory_space<hbm>> -> memref<6144x768xf32, #tpu.memory_space<hbm>>
    tpu.enqueue_indirect_dma source(%dma_start3A_154 : memref<6144x768xf32, #tpu.memory_space<hbm>>) target(%arg11 : memref<16x768xf32, #tpu.memory_space<vmem>>) offsets(%dma_start3A_151 : memref<16xi32, #tpu.memory_space<vmem>>) semaphore(%arg13 : memref<!tpu.dma_semaphore, #tpu.memory_space<semaphore_mem>>)
    %scan3A_155 = arith.constant 0 : i32
    %scan3A_156 = arith.constant 0 : i32
    %scan3A_157 = arith.constant 48 : i32
    %scan3A_158 = arith.addi %scan3A_156, %scan3A_157 : i32
    %scan3A_159 = arith.constant 1 : i32
    %scan3A_160 = scf.for %scan3A_203 = %scan3A_156 to %scan3A_158 step %scan3A_159 iter_args(%scan3A_204 = %scan3A_155) -> (i32)  : i32 {
      %mul3A_205 = arith.constant 16 : i32
      %mul3A_206 = arith.muli %scan3A_203, %mul3A_205 : i32
      %get3A = arith.constant 0 : i32
      %get3A_207 = arith.index_cast %get3A : i32 to index
      %get3A_208 = arith.index_cast %mul3A_206 : i32 to index
      %get3A_209 = tpu.vector_load %arg8[%get3A_207, %get3A_208] {strides = array<i32>} : memref<16x768xf32, #tpu.memory_space<vmem>>, vector<16xf32>,
      %get3A_210 = arith.constant 0 : i32
      %get3A_211 = arith.index_cast %get3A_210 : i32 to index
      %get3A_212 = arith.index_cast %mul3A_206 : i32 to index
      %get3A_213 = tpu.vector_load %arg10[%get3A_211, %get3A_212] {strides = array<i32>} : memref<16x768xf32, #tpu.memory_space<vmem>>, vector<16xf32>,
      %add3A_214 = arith.addf %get3A_209, %get3A_213 : vector<16xf32>
      %swap3A = arith.constant 0 : i32
      %swap3A_215 = arith.index_cast %swap3A : i32 to index
      %swap3A_216 = arith.index_cast %mul3A_206 : i32 to index
      %swap3A_217 = tpu.vector_load %arg8[%swap3A_215, %swap3A_216] {strides = array<i32>} : memref<16x768xf32, #tpu.memory_space<vmem>>, vector<16xf32>,
      tpu.vector_store %arg8[%swap3A_215, %swap3A_216], %add3A_214 {strides = array<i32>} : memref<16x768xf32, #tpu.memory_space<vmem>>, vector<16xf32>,
      %get3A_218 = arith.constant 1 : i32
      %get3A_219 = arith.index_cast %get3A_218 : i32 to index
      %get3A_220 = arith.index_cast %mul3A_206 : i32 to index
      %get3A_221 = tpu.vector_load %arg8[%get3A_219, %get3A_220] {strides = array<i32>} : memref<16x768xf32, #tpu.memory_space<vmem>>, vector<16xf32>,
      %get3A_222 = arith.constant 1 : i32
      %get3A_223 = arith.index_cast %get3A_222 : i32 to index
      %get3A_224 = arith.index_cast %mul3A_206 : i32 to index
      %get3A_225 = tpu.vector_load %arg10[%get3A_223, %get3A_224] {strides = array<i32>} : memref<16x768xf32, #tpu.memory_space<vmem>>, vector<16xf32>,
      %add3A_226 = arith.addf %get3A_221, %get3A_225 : vector<16xf32>
      %swap3A_227 = arith.constant 1 : i32
      %swap3A_228 = arith.index_cast %swap3A_227 : i32 to index
      %swap3A_229 = arith.index_cast %mul3A_206 : i32 to index
      %swap3A_230 = tpu.vector_load %arg8[%swap3A_228, %swap3A_229] {strides = array<i32>} : memref<16x768xf32, #tpu.memory_space<vmem>>, vector<16xf32>,
      tpu.vector_store %arg8[%swap3A_228, %swap3A_229], %add3A_226 {strides = array<i32>} : memref<16x768xf32, #tpu.memory_space<vmem>>, vector<16xf32>,
      %get3A_231 = arith.constant 2 : i32
      %get3A_232 = arith.index_cast %get3A_231 : i32 to index
      %get3A_233 = arith.index_cast %mul3A_206 : i32 to index
      %get3A_234 = tpu.vector_load %arg8[%get3A_232, %get3A_233] {strides = array<i32>} : memref<16x768xf32, #tpu.memory_space<vmem>>, vector<16xf32>,
      %get3A_235 = arith.constant 2 : i32
      %get3A_236 = arith.index_cast %get3A_235 : i32 to index
      %get3A_237 = arith.index_cast %mul3A_206 : i32 to index
      %get3A_238 = tpu.vector_load %arg10[%get3A_236, %get3A_237] {strides = array<i32>} : memref<16x768xf32, #tpu.memory_space<vmem>>, vector<16xf32>,
      %add3A_239 = arith.addf %get3A_234, %get3A_238 : vector<16xf32>
      %swap3A_240 = arith.constant 2 : i32
      %swap3A_241 = arith.index_cast %swap3A_240 : i32 to index
      %swap3A_242 = arith.index_cast %mul3A_206 : i32 to index
      %swap3A_243 = tpu.vector_load %arg8[%swap3A_241, %swap3A_242] {strides = array<i32>} : memref<16x768xf32, #tpu.memory_space<vmem>>, vector<16xf32>,
      tpu.vector_store %arg8[%swap3A_241, %swap3A_242], %add3A_239 {strides = array<i32>} : memref<16x768xf32, #tpu.memory_space<vmem>>, vector<16xf32>,
      %get3A_244 = arith.constant 3 : i32
      %get3A_245 = arith.index_cast %get3A_244 : i32 to index
      %get3A_246 = arith.index_cast %mul3A_206 : i32 to index
      %get3A_247 = tpu.vector_load %arg8[%get3A_245, %get3A_246] {strides = array<i32>} : memref<16x768xf32, #tpu.memory_space<vmem>>, vector<16xf32>,
      %get3A_248 = arith.constant 3 : i32
      %get3A_249 = arith.index_cast %get3A_248 : i32 to index
      %get3A_250 = arith.index_cast %mul3A_206 : i32 to index
      %get3A_251 = tpu.vector_load %arg10[%get3A_249, %get3A_250] {strides = array<i32>} : memref<16x768xf32, #tpu.memory_space<vmem>>, vector<16xf32>,
      %add3A_252 = arith.addf %get3A_247, %get3A_251 : vector<16xf32>
      %swap3A_253 = arith.constant 3 : i32
      %swap3A_254 = arith.index_cast %swap3A_253 : i32 to index
      %swap3A_255 = arith.index_cast %mul3A_206 : i32 to index
      %swap3A_256 = tpu.vector_load %arg8[%swap3A_254, %swap3A_255] {strides = array<i32>} : memref<16x768xf32, #tpu.memory_space<vmem>>, vector<16xf32>,
      tpu.vector_store %arg8[%swap3A_254, %swap3A_255], %add3A_252 {strides = array<i32>} : memref<16x768xf32, #tpu.memory_space<vmem>>, vector<16xf32>,
      %get3A_257 = arith.constant 4 : i32
      %get3A_258 = arith.index_cast %get3A_257 : i32 to index
      %get3A_259 = arith.index_cast %mul3A_206 : i32 to index
      %get3A_260 = tpu.vector_load %arg8[%get3A_258, %get3A_259] {strides = array<i32>} : memref<16x768xf32, #tpu.memory_space<vmem>>, vector<16xf32>,
      %get3A_261 = arith.constant 4 : i32
      %get3A_262 = arith.index_cast %get3A_261 : i32 to index
      %get3A_263 = arith.index_cast %mul3A_206 : i32 to index
      %get3A_264 = tpu.vector_load %arg10[%get3A_262, %get3A_263] {strides = array<i32>} : memref<16x768xf32, #tpu.memory_space<vmem>>, vector<16xf32>,
      %add3A_265 = arith.addf %get3A_260, %get3A_264 : vector<16xf32>
      %swap3A_266 = arith.constant 4 : i32
      %swap3A_267 = arith.index_cast %swap3A_266 : i32 to index
      %swap3A_268 = arith.index_cast %mul3A_206 : i32 to index
      %swap3A_269 = tpu.vector_load %arg8[%swap3A_267, %swap3A_268] {strides = array<i32>} : memref<16x768xf32, #tpu.memory_space<vmem>>, vector<16xf32>,
      tpu.vector_store %arg8[%swap3A_267, %swap3A_268], %add3A_265 {strides = array<i32>} : memref<16x768xf32, #tpu.memory_space<vmem>>, vector<16xf32>,
      %get3A_270 = arith.constant 5 : i32
      %get3A_271 = arith.index_cast %get3A_270 : i32 to index
      %get3A_272 = arith.index_cast %mul3A_206 : i32 to index
      %get3A_273 = tpu.vector_load %arg8[%get3A_271, %get3A_272] {strides = array<i32>} : memref<16x768xf32, #tpu.memory_space<vmem>>, vector<16xf32>,
      %get3A_274 = arith.constant 5 : i32
      %get3A_275 = arith.index_cast %get3A_274 : i32 to index
      %get3A_276 = arith.index_cast %mul3A_206 : i32 to index
      %get3A_277 = tpu.vector_load %arg10[%get3A_275, %get3A_276] {strides = array<i32>} : memref<16x768xf32, #tpu.memory_space<vmem>>, vector<16xf32>,
      %add3A_278 = arith.addf %get3A_273, %get3A_277 : vector<16xf32>
      %swap3A_279 = arith.constant 5 : i32
      %swap3A_280 = arith.index_cast %swap3A_279 : i32 to index
      %swap3A_281 = arith.index_cast %mul3A_206 : i32 to index
      %swap3A_282 = tpu.vector_load %arg8[%swap3A_280, %swap3A_281] {strides = array<i32>} : memref<16x768xf32, #tpu.memory_space<vmem>>, vector<16xf32>,
      tpu.vector_store %arg8[%swap3A_280, %swap3A_281], %add3A_278 {strides = array<i32>} : memref<16x768xf32, #tpu.memory_space<vmem>>, vector<16xf32>,
      %get3A_283 = arith.constant 6 : i32
      %get3A_284 = arith.index_cast %get3A_283 : i32 to index
      %get3A_285 = arith.index_cast %mul3A_206 : i32 to index
      %get3A_286 = tpu.vector_load %arg8[%get3A_284, %get3A_285] {strides = array<i32>} : memref<16x768xf32, #tpu.memory_space<vmem>>, vector<16xf32>,
      %get3A_287 = arith.constant 6 : i32
      %get3A_288 = arith.index_cast %get3A_287 : i32 to index
      %get3A_289 = arith.index_cast %mul3A_206 : i32 to index
      %get3A_290 = tpu.vector_load %arg10[%get3A_288, %get3A_289] {strides = array<i32>} : memref<16x768xf32, #tpu.memory_space<vmem>>, vector<16xf32>,
      %add3A_291 = arith.addf %get3A_286, %get3A_290 : vector<16xf32>
      %swap3A_292 = arith.constant 6 : i32
      %swap3A_293 = arith.index_cast %swap3A_292 : i32 to index
      %swap3A_294 = arith.index_cast %mul3A_206 : i32 to index
      %swap3A_295 = tpu.vector_load %arg8[%swap3A_293, %swap3A_294] {strides = array<i32>} : memref<16x768xf32, #tpu.memory_space<vmem>>, vector<16xf32>,
      tpu.vector_store %arg8[%swap3A_293, %swap3A_294], %add3A_291 {strides = array<i32>} : memref<16x768xf32, #tpu.memory_space<vmem>>, vector<16xf32>,
      %get3A_296 = arith.constant 7 : i32
      %get3A_297 = arith.index_cast %get3A_296 : i32 to index
      %get3A_298 = arith.index_cast %mul3A_206 : i32 to index
      %get3A_299 = tpu.vector_load %arg8[%get3A_297, %get3A_298] {strides = array<i32>} : memref<16x768xf32, #tpu.memory_space<vmem>>, vector<16xf32>,
      %get3A_300 = arith.constant 7 : i32
      %get3A_301 = arith.index_cast %get3A_300 : i32 to index
      %get3A_302 = arith.index_cast %mul3A_206 : i32 to index
      %get3A_303 = tpu.vector_load %arg10[%get3A_301, %get3A_302] {strides = array<i32>} : memref<16x768xf32, #tpu.memory_space<vmem>>, vector<16xf32>,
      %add3A_304 = arith.addf %get3A_299, %get3A_303 : vector<16xf32>
      %swap3A_305 = arith.constant 7 : i32
      %swap3A_306 = arith.index_cast %swap3A_305 : i32 to index
      %swap3A_307 = arith.index_cast %mul3A_206 : i32 to index
      %swap3A_308 = tpu.vector_load %arg8[%swap3A_306, %swap3A_307] {strides = array<i32>} : memref<16x768xf32, #tpu.memory_space<vmem>>, vector<16xf32>,
      tpu.vector_store %arg8[%swap3A_306, %swap3A_307], %add3A_304 {strides = array<i32>} : memref<16x768xf32, #tpu.memory_space<vmem>>, vector<16xf32>,
      %get3A_309 = arith.constant 8 : i32
      %get3A_310 = arith.index_cast %get3A_309 : i32 to index
      %get3A_311 = arith.index_cast %mul3A_206 : i32 to index
      %get3A_312 = tpu.vector_load %arg8[%get3A_310, %get3A_311] {strides = array<i32>} : memref<16x768xf32, #tpu.memory_space<vmem>>, vector<16xf32>,
      %get3A_313 = arith.constant 8 : i32
      %get3A_314 = arith.index_cast %get3A_313 : i32 to index
      %get3A_315 = arith.index_cast %mul3A_206 : i32 to index
      %get3A_316 = tpu.vector_load %arg10[%get3A_314, %get3A_315] {strides = array<i32>} : memref<16x768xf32, #tpu.memory_space<vmem>>, vector<16xf32>,
      %add3A_317 = arith.addf %get3A_312, %get3A_316 : vector<16xf32>
      %swap3A_318 = arith.constant 8 : i32
      %swap3A_319 = arith.index_cast %swap3A_318 : i32 to index
      %swap3A_320 = arith.index_cast %mul3A_206 : i32 to index
      %swap3A_321 = tpu.vector_load %arg8[%swap3A_319, %swap3A_320] {strides = array<i32>} : memref<16x768xf32, #tpu.memory_space<vmem>>, vector<16xf32>,
      tpu.vector_store %arg8[%swap3A_319, %swap3A_320], %add3A_317 {strides = array<i32>} : memref<16x768xf32, #tpu.memory_space<vmem>>, vector<16xf32>,
      %get3A_322 = arith.constant 9 : i32
      %get3A_323 = arith.index_cast %get3A_322 : i32 to index
      %get3A_324 = arith.index_cast %mul3A_206 : i32 to index
      %get3A_325 = tpu.vector_load %arg8[%get3A_323, %get3A_324] {strides = array<i32>} : memref<16x768xf32, #tpu.memory_space<vmem>>, vector<16xf32>,
      %get3A_326 = arith.constant 9 : i32
      %get3A_327 = arith.index_cast %get3A_326 : i32 to index
      %get3A_328 = arith.index_cast %mul3A_206 : i32 to index
      %get3A_329 = tpu.vector_load %arg10[%get3A_327, %get3A_328] {strides = array<i32>} : memref<16x768xf32, #tpu.memory_space<vmem>>, vector<16xf32>,
      %add3A_330 = arith.addf %get3A_325, %get3A_329 : vector<16xf32>
      %swap3A_331 = arith.constant 9 : i32
      %swap3A_332 = arith.index_cast %swap3A_331 : i32 to index
      %swap3A_333 = arith.index_cast %mul3A_206 : i32 to index
      %swap3A_334 = tpu.vector_load %arg8[%swap3A_332, %swap3A_333] {strides = array<i32>} : memref<16x768xf32, #tpu.memory_space<vmem>>, vector<16xf32>,
      tpu.vector_store %arg8[%swap3A_332, %swap3A_333], %add3A_330 {strides = array<i32>} : memref<16x768xf32, #tpu.memory_space<vmem>>, vector<16xf32>,
      %get3A_335 = arith.constant 10 : i32
      %get3A_336 = arith.index_cast %get3A_335 : i32 to index
      %get3A_337 = arith.index_cast %mul3A_206 : i32 to index
      %get3A_338 = tpu.vector_load %arg8[%get3A_336, %get3A_337] {strides = array<i32>} : memref<16x768xf32, #tpu.memory_space<vmem>>, vector<16xf32>,
      %get3A_339 = arith.constant 10 : i32
      %get3A_340 = arith.index_cast %get3A_339 : i32 to index
      %get3A_341 = arith.index_cast %mul3A_206 : i32 to index
      %get3A_342 = tpu.vector_load %arg10[%get3A_340, %get3A_341] {strides = array<i32>} : memref<16x768xf32, #tpu.memory_space<vmem>>, vector<16xf32>,
      %add3A_343 = arith.addf %get3A_338, %get3A_342 : vector<16xf32>
      %swap3A_344 = arith.constant 10 : i32
      %swap3A_345 = arith.index_cast %swap3A_344 : i32 to index
      %swap3A_346 = arith.index_cast %mul3A_206 : i32 to index
      %swap3A_347 = tpu.vector_load %arg8[%swap3A_345, %swap3A_346] {strides = array<i32>} : memref<16x768xf32, #tpu.memory_space<vmem>>, vector<16xf32>,
      tpu.vector_store %arg8[%swap3A_345, %swap3A_346], %add3A_343 {strides = array<i32>} : memref<16x768xf32, #tpu.memory_space<vmem>>, vector<16xf32>,
      %get3A_348 = arith.constant 11 : i32
      %get3A_349 = arith.index_cast %get3A_348 : i32 to index
      %get3A_350 = arith.index_cast %mul3A_206 : i32 to index
      %get3A_351 = tpu.vector_load %arg8[%get3A_349, %get3A_350] {strides = array<i32>} : memref<16x768xf32, #tpu.memory_space<vmem>>, vector<16xf32>,
      %get3A_352 = arith.constant 11 : i32
      %get3A_353 = arith.index_cast %get3A_352 : i32 to index
      %get3A_354 = arith.index_cast %mul3A_206 : i32 to index
      %get3A_355 = tpu.vector_load %arg10[%get3A_353, %get3A_354] {strides = array<i32>} : memref<16x768xf32, #tpu.memory_space<vmem>>, vector<16xf32>,
      %add3A_356 = arith.addf %get3A_351, %get3A_355 : vector<16xf32>
      %swap3A_357 = arith.constant 11 : i32
      %swap3A_358 = arith.index_cast %swap3A_357 : i32 to index
      %swap3A_359 = arith.index_cast %mul3A_206 : i32 to index
      %swap3A_360 = tpu.vector_load %arg8[%swap3A_358, %swap3A_359] {strides = array<i32>} : memref<16x768xf32, #tpu.memory_space<vmem>>, vector<16xf32>,
      tpu.vector_store %arg8[%swap3A_358, %swap3A_359], %add3A_356 {strides = array<i32>} : memref<16x768xf32, #tpu.memory_space<vmem>>, vector<16xf32>,
      %get3A_361 = arith.constant 12 : i32
      %get3A_362 = arith.index_cast %get3A_361 : i32 to index
      %get3A_363 = arith.index_cast %mul3A_206 : i32 to index
      %get3A_364 = tpu.vector_load %arg8[%get3A_362, %get3A_363] {strides = array<i32>} : memref<16x768xf32, #tpu.memory_space<vmem>>, vector<16xf32>,
      %get3A_365 = arith.constant 12 : i32
      %get3A_366 = arith.index_cast %get3A_365 : i32 to index
      %get3A_367 = arith.index_cast %mul3A_206 : i32 to index
      %get3A_368 = tpu.vector_load %arg10[%get3A_366, %get3A_367] {strides = array<i32>} : memref<16x768xf32, #tpu.memory_space<vmem>>, vector<16xf32>,
      %add3A_369 = arith.addf %get3A_364, %get3A_368 : vector<16xf32>
      %swap3A_370 = arith.constant 12 : i32
      %swap3A_371 = arith.index_cast %swap3A_370 : i32 to index
      %swap3A_372 = arith.index_cast %mul3A_206 : i32 to index
      %swap3A_373 = tpu.vector_load %arg8[%swap3A_371, %swap3A_372] {strides = array<i32>} : memref<16x768xf32, #tpu.memory_space<vmem>>, vector<16xf32>,
      tpu.vector_store %arg8[%swap3A_371, %swap3A_372], %add3A_369 {strides = array<i32>} : memref<16x768xf32, #tpu.memory_space<vmem>>, vector<16xf32>,
      %get3A_374 = arith.constant 13 : i32
      %get3A_375 = arith.index_cast %get3A_374 : i32 to index
      %get3A_376 = arith.index_cast %mul3A_206 : i32 to index
      %get3A_377 = tpu.vector_load %arg8[%get3A_375, %get3A_376] {strides = array<i32>} : memref<16x768xf32, #tpu.memory_space<vmem>>, vector<16xf32>,
      %get3A_378 = arith.constant 13 : i32
      %get3A_379 = arith.index_cast %get3A_378 : i32 to index
      %get3A_380 = arith.index_cast %mul3A_206 : i32 to index
      %get3A_381 = tpu.vector_load %arg10[%get3A_379, %get3A_380] {strides = array<i32>} : memref<16x768xf32, #tpu.memory_space<vmem>>, vector<16xf32>,
      %add3A_382 = arith.addf %get3A_377, %get3A_381 : vector<16xf32>
      %swap3A_383 = arith.constant 13 : i32
      %swap3A_384 = arith.index_cast %swap3A_383 : i32 to index
      %swap3A_385 = arith.index_cast %mul3A_206 : i32 to index
      %swap3A_386 = tpu.vector_load %arg8[%swap3A_384, %swap3A_385] {strides = array<i32>} : memref<16x768xf32, #tpu.memory_space<vmem>>, vector<16xf32>,
      tpu.vector_store %arg8[%swap3A_384, %swap3A_385], %add3A_382 {strides = array<i32>} : memref<16x768xf32, #tpu.memory_space<vmem>>, vector<16xf32>,
      %get3A_387 = arith.constant 14 : i32
      %get3A_388 = arith.index_cast %get3A_387 : i32 to index
      %get3A_389 = arith.index_cast %mul3A_206 : i32 to index
      %get3A_390 = tpu.vector_load %arg8[%get3A_388, %get3A_389] {strides = array<i32>} : memref<16x768xf32, #tpu.memory_space<vmem>>, vector<16xf32>,
      %get3A_391 = arith.constant 14 : i32
      %get3A_392 = arith.index_cast %get3A_391 : i32 to index
      %get3A_393 = arith.index_cast %mul3A_206 : i32 to index
      %get3A_394 = tpu.vector_load %arg10[%get3A_392, %get3A_393] {strides = array<i32>} : memref<16x768xf32, #tpu.memory_space<vmem>>, vector<16xf32>,
      %add3A_395 = arith.addf %get3A_390, %get3A_394 : vector<16xf32>
      %swap3A_396 = arith.constant 14 : i32
      %swap3A_397 = arith.index_cast %swap3A_396 : i32 to index
      %swap3A_398 = arith.index_cast %mul3A_206 : i32 to index
      %swap3A_399 = tpu.vector_load %arg8[%swap3A_397, %swap3A_398] {strides = array<i32>} : memref<16x768xf32, #tpu.memory_space<vmem>>, vector<16xf32>,
      tpu.vector_store %arg8[%swap3A_397, %swap3A_398], %add3A_395 {strides = array<i32>} : memref<16x768xf32, #tpu.memory_space<vmem>>, vector<16xf32>,
      %get3A_400 = arith.constant 15 : i32
      %get3A_401 = arith.index_cast %get3A_400 : i32 to index
      %get3A_402 = arith.index_cast %mul3A_206 : i32 to index
      %get3A_403 = tpu.vector_load %arg8[%get3A_401, %get3A_402] {strides = array<i32>} : memref<16x768xf32, #tpu.memory_space<vmem>>, vector<16xf32>,
      %get3A_404 = arith.constant 15 : i32
      %get3A_405 = arith.index_cast %get3A_404 : i32 to index
      %get3A_406 = arith.index_cast %mul3A_206 : i32 to index
      %get3A_407 = tpu.vector_load %arg10[%get3A_405, %get3A_406] {strides = array<i32>} : memref<16x768xf32, #tpu.memory_space<vmem>>, vector<16xf32>,
      %add3A_408 = arith.addf %get3A_403, %get3A_407 : vector<16xf32>
      %swap3A_409 = arith.constant 15 : i32
      %swap3A_410 = arith.index_cast %swap3A_409 : i32 to index
      %swap3A_411 = arith.index_cast %mul3A_206 : i32 to index
      %swap3A_412 = tpu.vector_load %arg8[%swap3A_410, %swap3A_411] {strides = array<i32>} : memref<16x768xf32, #tpu.memory_space<vmem>>, vector<16xf32>,
      tpu.vector_store %arg8[%swap3A_410, %swap3A_411], %add3A_408 {strides = array<i32>} : memref<16x768xf32, #tpu.memory_space<vmem>>, vector<16xf32>,
      %scan3A_413 = arith.constant 0 : i32
      scf.yield %scan3A_413 : i32
    }
    %scan3A_161 = arith.constant 48 : i32
    %add3A_162 = arith.constant 32 : i32
    %add3A_163 = arith.addi %mul3A_2, %add3A_162 : i32
    %dma_start3A_164 = arith.constant 0 : i32
    %dma_start3A_165 = tpu.memref_slice %arg5[%add3A_163, %dma_start3A_164] : memref<2048x768xf32, #tpu.memory_space<hbm>> -> memref<16x768xf32, #tpu.memory_space<hbm>>
    %dma_start3A_166 = arith.constant 0 : i32
    %dma_start3A_167 = tpu.memref_slice %arg5[%add3A_163, %dma_start3A_166] : memref<2048x768xf32, #tpu.memory_space<hbm>> -> memref<16x768xf32, #tpu.memory_space<hbm>>
    tpu.enqueue_dma source(%arg8 : memref<16x768xf32, #tpu.memory_space<vmem>>) target(%dma_start3A_167 : memref<16x768xf32, #tpu.memory_space<hbm>>) target_semaphore(%arg14 : memref<!tpu.dma_semaphore, #tpu.memory_space<semaphore_mem>>)
    %dma_wait3A_168 = arith.constant 3 : i32
    %dma_wait3A_169 = arith.constant 0 : i32
    %dma_wait3A_170 = tpu.memref_slice %arg6[%dma_wait3A_168, %dma_wait3A_169] : memref<4x16xi32, #tpu.memory_space<vmem>> -> memref<1x16xi32, #tpu.memory_space<vmem>>
    %dma_wait3A_171 = tpu.memref_squeeze %dma_wait3A_170 : memref<1x16xi32, #tpu.memory_space<vmem>> -> memref<16xi32, #tpu.memory_space<vmem>>
    %dma_wait3A_172 = arith.constant 0 : i32
    %dma_wait3A_173 = arith.constant 0 : i32
    %dma_wait3A_174 = tpu.memref_slice %arg2[%dma_wait3A_172, %dma_wait3A_173] : memref<6144x768xf32, #tpu.memory_space<hbm>> -> memref<6144x768xf32, #tpu.memory_space<hbm>>
    tpu.wait_indirect_dma semaphore(%arg12 : memref<!tpu.dma_semaphore, #tpu.memory_space<semaphore_mem>>) src(%dma_wait3A_174 : memref<6144x768xf32, #tpu.memory_space<hbm>>) dst(%arg9 : memref<16x768xf32, #tpu.memory_space<vmem>>)
    %dma_wait3A_175 = arith.constant 3 : i32
    %dma_wait3A_176 = arith.constant 0 : i32
    %dma_wait3A_177 = tpu.memref_slice %arg7[%dma_wait3A_175, %dma_wait3A_176] : memref<4x16xi32, #tpu.memory_space<vmem>> -> memref<1x16xi32, #tpu.memory_space<vmem>>
    %dma_wait3A_178 = tpu.memref_squeeze %dma_wait3A_177 : memref<1x16xi32, #tpu.memory_space<vmem>> -> memref<16xi32, #tpu.memory_space<vmem>>
    %dma_wait3A_179 = arith.constant 0 : i32
    %dma_wait3A_180 = arith.constant 0 : i32
    %dma_wait3A_181 = tpu.memref_slice %arg2[%dma_wait3A_179, %dma_wait3A_180] : memref<6144x768xf32, #tpu.memory_space<hbm>> -> memref<6144x768xf32, #tpu.memory_space<hbm>>
    tpu.wait_indirect_dma semaphore(%arg13 : memref<!tpu.dma_semaphore, #tpu.memory_space<semaphore_mem>>) src(%dma_wait3A_181 : memref<6144x768xf32, #tpu.memory_space<hbm>>) dst(%arg11 : memref<16x768xf32, #tpu.memory_space<vmem>>)
    %scan3A_182 = arith.constant 0 : i32
    %scan3A_183 = arith.constant 0 : i32
    %scan3A_184 = arith.constant 48 : i32
    %scan3A_185 = arith.addi %scan3A_183, %scan3A_184 : i32
    %scan3A_186 = arith.constant 1 : i32
    %scan3A_187 = scf.for %scan3A_203 = %scan3A_183 to %scan3A_185 step %scan3A_186 iter_args(%scan3A_204 = %scan3A_182) -> (i32)  : i32 {
      %mul3A_205 = arith.constant 16 : i32
      %mul3A_206 = arith.muli %scan3A_203, %mul3A_205 : i32
      %get3A = arith.constant 0 : i32
      %get3A_207 = arith.index_cast %get3A : i32 to index
      %get3A_208 = arith.index_cast %mul3A_206 : i32 to index
      %get3A_209 = tpu.vector_load %arg9[%get3A_207, %get3A_208] {strides = array<i32>} : memref<16x768xf32, #tpu.memory_space<vmem>>, vector<16xf32>,
      %get3A_210 = arith.constant 0 : i32
      %get3A_211 = arith.index_cast %get3A_210 : i32 to index
      %get3A_212 = arith.index_cast %mul3A_206 : i32 to index
      %get3A_213 = tpu.vector_load %arg11[%get3A_211, %get3A_212] {strides = array<i32>} : memref<16x768xf32, #tpu.memory_space<vmem>>, vector<16xf32>,
      %add3A_214 = arith.addf %get3A_209, %get3A_213 : vector<16xf32>
      %swap3A = arith.constant 0 : i32
      %swap3A_215 = arith.index_cast %swap3A : i32 to index
      %swap3A_216 = arith.index_cast %mul3A_206 : i32 to index
      %swap3A_217 = tpu.vector_load %arg9[%swap3A_215, %swap3A_216] {strides = array<i32>} : memref<16x768xf32, #tpu.memory_space<vmem>>, vector<16xf32>,
      tpu.vector_store %arg9[%swap3A_215, %swap3A_216], %add3A_214 {strides = array<i32>} : memref<16x768xf32, #tpu.memory_space<vmem>>, vector<16xf32>,
      %get3A_218 = arith.constant 1 : i32
      %get3A_219 = arith.index_cast %get3A_218 : i32 to index
      %get3A_220 = arith.index_cast %mul3A_206 : i32 to index
      %get3A_221 = tpu.vector_load %arg9[%get3A_219, %get3A_220] {strides = array<i32>} : memref<16x768xf32, #tpu.memory_space<vmem>>, vector<16xf32>,
      %get3A_222 = arith.constant 1 : i32
      %get3A_223 = arith.index_cast %get3A_222 : i32 to index
      %get3A_224 = arith.index_cast %mul3A_206 : i32 to index
      %get3A_225 = tpu.vector_load %arg11[%get3A_223, %get3A_224] {strides = array<i32>} : memref<16x768xf32, #tpu.memory_space<vmem>>, vector<16xf32>,
      %add3A_226 = arith.addf %get3A_221, %get3A_225 : vector<16xf32>
      %swap3A_227 = arith.constant 1 : i32
      %swap3A_228 = arith.index_cast %swap3A_227 : i32 to index
      %swap3A_229 = arith.index_cast %mul3A_206 : i32 to index
      %swap3A_230 = tpu.vector_load %arg9[%swap3A_228, %swap3A_229] {strides = array<i32>} : memref<16x768xf32, #tpu.memory_space<vmem>>, vector<16xf32>,
      tpu.vector_store %arg9[%swap3A_228, %swap3A_229], %add3A_226 {strides = array<i32>} : memref<16x768xf32, #tpu.memory_space<vmem>>, vector<16xf32>,
      %get3A_231 = arith.constant 2 : i32
      %get3A_232 = arith.index_cast %get3A_231 : i32 to index
      %get3A_233 = arith.index_cast %mul3A_206 : i32 to index
      %get3A_234 = tpu.vector_load %arg9[%get3A_232, %get3A_233] {strides = array<i32>} : memref<16x768xf32, #tpu.memory_space<vmem>>, vector<16xf32>,
      %get3A_235 = arith.constant 2 : i32
      %get3A_236 = arith.index_cast %get3A_235 : i32 to index
      %get3A_237 = arith.index_cast %mul3A_206 : i32 to index
      %get3A_238 = tpu.vector_load %arg11[%get3A_236, %get3A_237] {strides = array<i32>} : memref<16x768xf32, #tpu.memory_space<vmem>>, vector<16xf32>,
      %add3A_239 = arith.addf %get3A_234, %get3A_238 : vector<16xf32>
      %swap3A_240 = arith.constant 2 : i32
      %swap3A_241 = arith.index_cast %swap3A_240 : i32 to index
      %swap3A_242 = arith.index_cast %mul3A_206 : i32 to index
      %swap3A_243 = tpu.vector_load %arg9[%swap3A_241, %swap3A_242] {strides = array<i32>} : memref<16x768xf32, #tpu.memory_space<vmem>>, vector<16xf32>,
      tpu.vector_store %arg9[%swap3A_241, %swap3A_242], %add3A_239 {strides = array<i32>} : memref<16x768xf32, #tpu.memory_space<vmem>>, vector<16xf32>,
      %get3A_244 = arith.constant 3 : i32
      %get3A_245 = arith.index_cast %get3A_244 : i32 to index
      %get3A_246 = arith.index_cast %mul3A_206 : i32 to index
      %get3A_247 = tpu.vector_load %arg9[%get3A_245, %get3A_246] {strides = array<i32>} : memref<16x768xf32, #tpu.memory_space<vmem>>, vector<16xf32>,
      %get3A_248 = arith.constant 3 : i32
      %get3A_249 = arith.index_cast %get3A_248 : i32 to index
      %get3A_250 = arith.index_cast %mul3A_206 : i32 to index
      %get3A_251 = tpu.vector_load %arg11[%get3A_249, %get3A_250] {strides = array<i32>} : memref<16x768xf32, #tpu.memory_space<vmem>>, vector<16xf32>,
      %add3A_252 = arith.addf %get3A_247, %get3A_251 : vector<16xf32>
      %swap3A_253 = arith.constant 3 : i32
      %swap3A_254 = arith.index_cast %swap3A_253 : i32 to index
      %swap3A_255 = arith.index_cast %mul3A_206 : i32 to index
      %swap3A_256 = tpu.vector_load %arg9[%swap3A_254, %swap3A_255] {strides = array<i32>} : memref<16x768xf32, #tpu.memory_space<vmem>>, vector<16xf32>,
      tpu.vector_store %arg9[%swap3A_254, %swap3A_255], %add3A_252 {strides = array<i32>} : memref<16x768xf32, #tpu.memory_space<vmem>>, vector<16xf32>,
      %get3A_257 = arith.constant 4 : i32
      %get3A_258 = arith.index_cast %get3A_257 : i32 to index
      %get3A_259 = arith.index_cast %mul3A_206 : i32 to index
      %get3A_260 = tpu.vector_load %arg9[%get3A_258, %get3A_259] {strides = array<i32>} : memref<16x768xf32, #tpu.memory_space<vmem>>, vector<16xf32>,
      %get3A_261 = arith.constant 4 : i32
      %get3A_262 = arith.index_cast %get3A_261 : i32 to index
      %get3A_263 = arith.index_cast %mul3A_206 : i32 to index
      %get3A_264 = tpu.vector_load %arg11[%get3A_262, %get3A_263] {strides = array<i32>} : memref<16x768xf32, #tpu.memory_space<vmem>>, vector<16xf32>,
      %add3A_265 = arith.addf %get3A_260, %get3A_264 : vector<16xf32>
      %swap3A_266 = arith.constant 4 : i32
      %swap3A_267 = arith.index_cast %swap3A_266 : i32 to index
      %swap3A_268 = arith.index_cast %mul3A_206 : i32 to index
      %swap3A_269 = tpu.vector_load %arg9[%swap3A_267, %swap3A_268] {strides = array<i32>} : memref<16x768xf32, #tpu.memory_space<vmem>>, vector<16xf32>,
      tpu.vector_store %arg9[%swap3A_267, %swap3A_268], %add3A_265 {strides = array<i32>} : memref<16x768xf32, #tpu.memory_space<vmem>>, vector<16xf32>,
      %get3A_270 = arith.constant 5 : i32
      %get3A_271 = arith.index_cast %get3A_270 : i32 to index
      %get3A_272 = arith.index_cast %mul3A_206 : i32 to index
      %get3A_273 = tpu.vector_load %arg9[%get3A_271, %get3A_272] {strides = array<i32>} : memref<16x768xf32, #tpu.memory_space<vmem>>, vector<16xf32>,
      %get3A_274 = arith.constant 5 : i32
      %get3A_275 = arith.index_cast %get3A_274 : i32 to index
      %get3A_276 = arith.index_cast %mul3A_206 : i32 to index
      %get3A_277 = tpu.vector_load %arg11[%get3A_275, %get3A_276] {strides = array<i32>} : memref<16x768xf32, #tpu.memory_space<vmem>>, vector<16xf32>,
      %add3A_278 = arith.addf %get3A_273, %get3A_277 : vector<16xf32>
      %swap3A_279 = arith.constant 5 : i32
      %swap3A_280 = arith.index_cast %swap3A_279 : i32 to index
      %swap3A_281 = arith.index_cast %mul3A_206 : i32 to index
      %swap3A_282 = tpu.vector_load %arg9[%swap3A_280, %swap3A_281] {strides = array<i32>} : memref<16x768xf32, #tpu.memory_space<vmem>>, vector<16xf32>,
      tpu.vector_store %arg9[%swap3A_280, %swap3A_281], %add3A_278 {strides = array<i32>} : memref<16x768xf32, #tpu.memory_space<vmem>>, vector<16xf32>,
      %get3A_283 = arith.constant 6 : i32
      %get3A_284 = arith.index_cast %get3A_283 : i32 to index
      %get3A_285 = arith.index_cast %mul3A_206 : i32 to index
      %get3A_286 = tpu.vector_load %arg9[%get3A_284, %get3A_285] {strides = array<i32>} : memref<16x768xf32, #tpu.memory_space<vmem>>, vector<16xf32>,
      %get3A_287 = arith.constant 6 : i32
      %get3A_288 = arith.index_cast %get3A_287 : i32 to index
      %get3A_289 = arith.index_cast %mul3A_206 : i32 to index
      %get3A_290 = tpu.vector_load %arg11[%get3A_288, %get3A_289] {strides = array<i32>} : memref<16x768xf32, #tpu.memory_space<vmem>>, vector<16xf32>,
      %add3A_291 = arith.addf %get3A_286, %get3A_290 : vector<16xf32>
      %swap3A_292 = arith.constant 6 : i32
      %swap3A_293 = arith.index_cast %swap3A_292 : i32 to index
      %swap3A_294 = arith.index_cast %mul3A_206 : i32 to index
      %swap3A_295 = tpu.vector_load %arg9[%swap3A_293, %swap3A_294] {strides = array<i32>} : memref<16x768xf32, #tpu.memory_space<vmem>>, vector<16xf32>,
      tpu.vector_store %arg9[%swap3A_293, %swap3A_294], %add3A_291 {strides = array<i32>} : memref<16x768xf32, #tpu.memory_space<vmem>>, vector<16xf32>,
      %get3A_296 = arith.constant 7 : i32
      %get3A_297 = arith.index_cast %get3A_296 : i32 to index
      %get3A_298 = arith.index_cast %mul3A_206 : i32 to index
      %get3A_299 = tpu.vector_load %arg9[%get3A_297, %get3A_298] {strides = array<i32>} : memref<16x768xf32, #tpu.memory_space<vmem>>, vector<16xf32>,
      %get3A_300 = arith.constant 7 : i32
      %get3A_301 = arith.index_cast %get3A_300 : i32 to index
      %get3A_302 = arith.index_cast %mul3A_206 : i32 to index
      %get3A_303 = tpu.vector_load %arg11[%get3A_301, %get3A_302] {strides = array<i32>} : memref<16x768xf32, #tpu.memory_space<vmem>>, vector<16xf32>,
      %add3A_304 = arith.addf %get3A_299, %get3A_303 : vector<16xf32>
      %swap3A_305 = arith.constant 7 : i32
      %swap3A_306 = arith.index_cast %swap3A_305 : i32 to index
      %swap3A_307 = arith.index_cast %mul3A_206 : i32 to index
      %swap3A_308 = tpu.vector_load %arg9[%swap3A_306, %swap3A_307] {strides = array<i32>} : memref<16x768xf32, #tpu.memory_space<vmem>>, vector<16xf32>,
      tpu.vector_store %arg9[%swap3A_306, %swap3A_307], %add3A_304 {strides = array<i32>} : memref<16x768xf32, #tpu.memory_space<vmem>>, vector<16xf32>,
      %get3A_309 = arith.constant 8 : i32
      %get3A_310 = arith.index_cast %get3A_309 : i32 to index
      %get3A_311 = arith.index_cast %mul3A_206 : i32 to index
      %get3A_312 = tpu.vector_load %arg9[%get3A_310, %get3A_311] {strides = array<i32>} : memref<16x768xf32, #tpu.memory_space<vmem>>, vector<16xf32>,
      %get3A_313 = arith.constant 8 : i32
      %get3A_314 = arith.index_cast %get3A_313 : i32 to index
      %get3A_315 = arith.index_cast %mul3A_206 : i32 to index
      %get3A_316 = tpu.vector_load %arg11[%get3A_314, %get3A_315] {strides = array<i32>} : memref<16x768xf32, #tpu.memory_space<vmem>>, vector<16xf32>,
      %add3A_317 = arith.addf %get3A_312, %get3A_316 : vector<16xf32>
      %swap3A_318 = arith.constant 8 : i32
      %swap3A_319 = arith.index_cast %swap3A_318 : i32 to index
      %swap3A_320 = arith.index_cast %mul3A_206 : i32 to index
      %swap3A_321 = tpu.vector_load %arg9[%swap3A_319, %swap3A_320] {strides = array<i32>} : memref<16x768xf32, #tpu.memory_space<vmem>>, vector<16xf32>,
      tpu.vector_store %arg9[%swap3A_319, %swap3A_320], %add3A_317 {strides = array<i32>} : memref<16x768xf32, #tpu.memory_space<vmem>>, vector<16xf32>,
      %get3A_322 = arith.constant 9 : i32
      %get3A_323 = arith.index_cast %get3A_322 : i32 to index
      %get3A_324 = arith.index_cast %mul3A_206 : i32 to index
      %get3A_325 = tpu.vector_load %arg9[%get3A_323, %get3A_324] {strides = array<i32>} : memref<16x768xf32, #tpu.memory_space<vmem>>, vector<16xf32>,
      %get3A_326 = arith.constant 9 : i32
      %get3A_327 = arith.index_cast %get3A_326 : i32 to index
      %get3A_328 = arith.index_cast %mul3A_206 : i32 to index
      %get3A_329 = tpu.vector_load %arg11[%get3A_327, %get3A_328] {strides = array<i32>} : memref<16x768xf32, #tpu.memory_space<vmem>>, vector<16xf32>,
      %add3A_330 = arith.addf %get3A_325, %get3A_329 : vector<16xf32>
      %swap3A_331 = arith.constant 9 : i32
      %swap3A_332 = arith.index_cast %swap3A_331 : i32 to index
      %swap3A_333 = arith.index_cast %mul3A_206 : i32 to index
      %swap3A_334 = tpu.vector_load %arg9[%swap3A_332, %swap3A_333] {strides = array<i32>} : memref<16x768xf32, #tpu.memory_space<vmem>>, vector<16xf32>,
      tpu.vector_store %arg9[%swap3A_332, %swap3A_333], %add3A_330 {strides = array<i32>} : memref<16x768xf32, #tpu.memory_space<vmem>>, vector<16xf32>,
      %get3A_335 = arith.constant 10 : i32
      %get3A_336 = arith.index_cast %get3A_335 : i32 to index
      %get3A_337 = arith.index_cast %mul3A_206 : i32 to index
      %get3A_338 = tpu.vector_load %arg9[%get3A_336, %get3A_337] {strides = array<i32>} : memref<16x768xf32, #tpu.memory_space<vmem>>, vector<16xf32>,
      %get3A_339 = arith.constant 10 : i32
      %get3A_340 = arith.index_cast %get3A_339 : i32 to index
      %get3A_341 = arith.index_cast %mul3A_206 : i32 to index
      %get3A_342 = tpu.vector_load %arg11[%get3A_340, %get3A_341] {strides = array<i32>} : memref<16x768xf32, #tpu.memory_space<vmem>>, vector<16xf32>,
      %add3A_343 = arith.addf %get3A_338, %get3A_342 : vector<16xf32>
      %swap3A_344 = arith.constant 10 : i32
      %swap3A_345 = arith.index_cast %swap3A_344 : i32 to index
      %swap3A_346 = arith.index_cast %mul3A_206 : i32 to index
      %swap3A_347 = tpu.vector_load %arg9[%swap3A_345, %swap3A_346] {strides = array<i32>} : memref<16x768xf32, #tpu.memory_space<vmem>>, vector<16xf32>,
      tpu.vector_store %arg9[%swap3A_345, %swap3A_346], %add3A_343 {strides = array<i32>} : memref<16x768xf32, #tpu.memory_space<vmem>>, vector<16xf32>,
      %get3A_348 = arith.constant 11 : i32
      %get3A_349 = arith.index_cast %get3A_348 : i32 to index
      %get3A_350 = arith.index_cast %mul3A_206 : i32 to index
      %get3A_351 = tpu.vector_load %arg9[%get3A_349, %get3A_350] {strides = array<i32>} : memref<16x768xf32, #tpu.memory_space<vmem>>, vector<16xf32>,
      %get3A_352 = arith.constant 11 : i32
      %get3A_353 = arith.index_cast %get3A_352 : i32 to index
      %get3A_354 = arith.index_cast %mul3A_206 : i32 to index
      %get3A_355 = tpu.vector_load %arg11[%get3A_353, %get3A_354] {strides = array<i32>} : memref<16x768xf32, #tpu.memory_space<vmem>>, vector<16xf32>,
      %add3A_356 = arith.addf %get3A_351, %get3A_355 : vector<16xf32>
      %swap3A_357 = arith.constant 11 : i32
      %swap3A_358 = arith.index_cast %swap3A_357 : i32 to index
      %swap3A_359 = arith.index_cast %mul3A_206 : i32 to index
      %swap3A_360 = tpu.vector_load %arg9[%swap3A_358, %swap3A_359] {strides = array<i32>} : memref<16x768xf32, #tpu.memory_space<vmem>>, vector<16xf32>,
      tpu.vector_store %arg9[%swap3A_358, %swap3A_359], %add3A_356 {strides = array<i32>} : memref<16x768xf32, #tpu.memory_space<vmem>>, vector<16xf32>,
      %get3A_361 = arith.constant 12 : i32
      %get3A_362 = arith.index_cast %get3A_361 : i32 to index
      %get3A_363 = arith.index_cast %mul3A_206 : i32 to index
      %get3A_364 = tpu.vector_load %arg9[%get3A_362, %get3A_363] {strides = array<i32>} : memref<16x768xf32, #tpu.memory_space<vmem>>, vector<16xf32>,
      %get3A_365 = arith.constant 12 : i32
      %get3A_366 = arith.index_cast %get3A_365 : i32 to index
      %get3A_367 = arith.index_cast %mul3A_206 : i32 to index
      %get3A_368 = tpu.vector_load %arg11[%get3A_366, %get3A_367] {strides = array<i32>} : memref<16x768xf32, #tpu.memory_space<vmem>>, vector<16xf32>,
      %add3A_369 = arith.addf %get3A_364, %get3A_368 : vector<16xf32>
      %swap3A_370 = arith.constant 12 : i32
      %swap3A_371 = arith.index_cast %swap3A_370 : i32 to index
      %swap3A_372 = arith.index_cast %mul3A_206 : i32 to index
      %swap3A_373 = tpu.vector_load %arg9[%swap3A_371, %swap3A_372] {strides = array<i32>} : memref<16x768xf32, #tpu.memory_space<vmem>>, vector<16xf32>,
      tpu.vector_store %arg9[%swap3A_371, %swap3A_372], %add3A_369 {strides = array<i32>} : memref<16x768xf32, #tpu.memory_space<vmem>>, vector<16xf32>,
      %get3A_374 = arith.constant 13 : i32
      %get3A_375 = arith.index_cast %get3A_374 : i32 to index
      %get3A_376 = arith.index_cast %mul3A_206 : i32 to index
      %get3A_377 = tpu.vector_load %arg9[%get3A_375, %get3A_376] {strides = array<i32>} : memref<16x768xf32, #tpu.memory_space<vmem>>, vector<16xf32>,
      %get3A_378 = arith.constant 13 : i32
      %get3A_379 = arith.index_cast %get3A_378 : i32 to index
      %get3A_380 = arith.index_cast %mul3A_206 : i32 to index
      %get3A_381 = tpu.vector_load %arg11[%get3A_379, %get3A_380] {strides = array<i32>} : memref<16x768xf32, #tpu.memory_space<vmem>>, vector<16xf32>,
      %add3A_382 = arith.addf %get3A_377, %get3A_381 : vector<16xf32>
      %swap3A_383 = arith.constant 13 : i32
      %swap3A_384 = arith.index_cast %swap3A_383 : i32 to index
      %swap3A_385 = arith.index_cast %mul3A_206 : i32 to index
      %swap3A_386 = tpu.vector_load %arg9[%swap3A_384, %swap3A_385] {strides = array<i32>} : memref<16x768xf32, #tpu.memory_space<vmem>>, vector<16xf32>,
      tpu.vector_store %arg9[%swap3A_384, %swap3A_385], %add3A_382 {strides = array<i32>} : memref<16x768xf32, #tpu.memory_space<vmem>>, vector<16xf32>,
      %get3A_387 = arith.constant 14 : i32
      %get3A_388 = arith.index_cast %get3A_387 : i32 to index
      %get3A_389 = arith.index_cast %mul3A_206 : i32 to index
      %get3A_390 = tpu.vector_load %arg9[%get3A_388, %get3A_389] {strides = array<i32>} : memref<16x768xf32, #tpu.memory_space<vmem>>, vector<16xf32>,
      %get3A_391 = arith.constant 14 : i32
      %get3A_392 = arith.index_cast %get3A_391 : i32 to index
      %get3A_393 = arith.index_cast %mul3A_206 : i32 to index
      %get3A_394 = tpu.vector_load %arg11[%get3A_392, %get3A_393] {strides = array<i32>} : memref<16x768xf32, #tpu.memory_space<vmem>>, vector<16xf32>,
      %add3A_395 = arith.addf %get3A_390, %get3A_394 : vector<16xf32>
      %swap3A_396 = arith.constant 14 : i32
      %swap3A_397 = arith.index_cast %swap3A_396 : i32 to index
      %swap3A_398 = arith.index_cast %mul3A_206 : i32 to index
      %swap3A_399 = tpu.vector_load %arg9[%swap3A_397, %swap3A_398] {strides = array<i32>} : memref<16x768xf32, #tpu.memory_space<vmem>>, vector<16xf32>,
      tpu.vector_store %arg9[%swap3A_397, %swap3A_398], %add3A_395 {strides = array<i32>} : memref<16x768xf32, #tpu.memory_space<vmem>>, vector<16xf32>,
      %get3A_400 = arith.constant 15 : i32
      %get3A_401 = arith.index_cast %get3A_400 : i32 to index
      %get3A_402 = arith.index_cast %mul3A_206 : i32 to index
      %get3A_403 = tpu.vector_load %arg9[%get3A_401, %get3A_402] {strides = array<i32>} : memref<16x768xf32, #tpu.memory_space<vmem>>, vector<16xf32>,
      %get3A_404 = arith.constant 15 : i32
      %get3A_405 = arith.index_cast %get3A_404 : i32 to index
      %get3A_406 = arith.index_cast %mul3A_206 : i32 to index
      %get3A_407 = tpu.vector_load %arg11[%get3A_405, %get3A_406] {strides = array<i32>} : memref<16x768xf32, #tpu.memory_space<vmem>>, vector<16xf32>,
      %add3A_408 = arith.addf %get3A_403, %get3A_407 : vector<16xf32>
      %swap3A_409 = arith.constant 15 : i32
      %swap3A_410 = arith.index_cast %swap3A_409 : i32 to index
      %swap3A_411 = arith.index_cast %mul3A_206 : i32 to index
      %swap3A_412 = tpu.vector_load %arg9[%swap3A_410, %swap3A_411] {strides = array<i32>} : memref<16x768xf32, #tpu.memory_space<vmem>>, vector<16xf32>,
      tpu.vector_store %arg9[%swap3A_410, %swap3A_411], %add3A_408 {strides = array<i32>} : memref<16x768xf32, #tpu.memory_space<vmem>>, vector<16xf32>,
      %scan3A_413 = arith.constant 0 : i32
      scf.yield %scan3A_413 : i32
    }
    %scan3A_188 = arith.constant 48 : i32
    %add3A_189 = arith.constant 48 : i32
    %add3A_190 = arith.addi %mul3A_2, %add3A_189 : i32
    %dma_start3A_191 = arith.constant 0 : i32
    %dma_start3A_192 = tpu.memref_slice %arg5[%add3A_190, %dma_start3A_191] : memref<2048x768xf32, #tpu.memory_space<hbm>> -> memref<16x768xf32, #tpu.memory_space<hbm>>
    %dma_start3A_193 = arith.constant 0 : i32
    %dma_start3A_194 = tpu.memref_slice %arg5[%add3A_190, %dma_start3A_193] : memref<2048x768xf32, #tpu.memory_space<hbm>> -> memref<16x768xf32, #tpu.memory_space<hbm>>
    tpu.enqueue_dma source(%arg9 : memref<16x768xf32, #tpu.memory_space<vmem>>) target(%dma_start3A_194 : memref<16x768xf32, #tpu.memory_space<hbm>>) target_semaphore(%arg14 : memref<!tpu.dma_semaphore, #tpu.memory_space<semaphore_mem>>)
    %dma_wait3A_195 = arith.constant 0 : i32
    %dma_wait3A_196 = tpu.memref_slice %arg5[%add3A_163, %dma_wait3A_195] : memref<2048x768xf32, #tpu.memory_space<hbm>> -> memref<16x768xf32, #tpu.memory_space<hbm>>
    %dma_wait3A_197 = arith.constant 0 : i32
    %dma_wait3A_198 = tpu.memref_slice %arg5[%add3A_163, %dma_wait3A_197] : memref<2048x768xf32, #tpu.memory_space<hbm>> -> memref<16x768xf32, #tpu.memory_space<hbm>>
    tpu.wait_dma2 semaphore(%arg14 : memref<!tpu.dma_semaphore, #tpu.memory_space<semaphore_mem>>) src(%arg8 : memref<16x768xf32, #tpu.memory_space<vmem>>) dst(%dma_wait3A_198 : memref<16x768xf32, #tpu.memory_space<hbm>>)
    %dma_wait3A_199 = arith.constant 0 : i32
    %dma_wait3A_200 = tpu.memref_slice %arg5[%add3A_190, %dma_wait3A_199] : memref<2048x768xf32, #tpu.memory_space<hbm>> -> memref<16x768xf32, #tpu.memory_space<hbm>>
    %dma_wait3A_201 = arith.constant 0 : i32
    %dma_wait3A_202 = tpu.memref_slice %arg5[%add3A_190, %dma_wait3A_201] : memref<2048x768xf32, #tpu.memory_space<hbm>> -> memref<16x768xf32, #tpu.memory_space<hbm>>
    tpu.wait_dma2 semaphore(%arg14 : memref<!tpu.dma_semaphore, #tpu.memory_space<semaphore_mem>>) src(%arg9 : memref<16x768xf32, #tpu.memory_space<vmem>>) dst(%dma_wait3A_202 : memref<16x768xf32, #tpu.memory_space<hbm>>)
    return
  }
}

module attributes {stable_mosaic.version = 14 : i64} {
  func.func @_ffn_body(%arg0: i32, %arg1: memref<32xi32, #tpu.memory_space<smem>>, %arg2: memref<16xi32, #tpu.memory_space<smem>>, %arg3: memref<256x768xf32, #tpu.memory_space<vmem>>, %arg4: memref<256x1xf32, #tpu.memory_space<vmem>>, %arg5: memref<1x1536x768xf32, #tpu.memory_space<vmem>>, %arg6: memref<1x1536x768xf32, #tpu.memory_space<vmem>>, %arg7: memref<1x768x1536xf32, #tpu.memory_space<vmem>>, %arg8: memref<256x768xf32, #tpu.memory_space<vmem>>) attributes {dimension_semantics = [#tpu.dimension_semantics<arbitrary>], iteration_bounds = array<i64: 24>, scalar_prefetch = 2 : i64, scratch_operands = 0 : i64, tpu.core_type = #tpu.core_type<tc>, window_params = [{transform_indices = @transform_0, window_bounds = array<i64: 256, 768>}, {transform_indices = @transform_1, window_bounds = array<i64: 256, 1>}, {transform_indices = @transform_2, window_bounds = array<i64: 1, 1536, 768>}, {transform_indices = @transform_3, window_bounds = array<i64: 1, 1536, 768>}, {transform_indices = @transform_4, window_bounds = array<i64: 1, 768, 1536>}, {transform_indices = @transform_5, window_bounds = array<i64: 256, 768>}]} {
    %get3A = arith.constant 0 : index
    %get3A_0 = memref.load %arg2[%get3A] : memref<16xi32, #tpu.memory_space<smem>>
    %lt3A = arith.cmpi slt, %arg0, %get3A_0 : i32
    %convert_element_type3A = arith.extui %lt3A : i1 to i32
    %cond3A = arith.constant 0 : i32
    %cond3A_1 = arith.cmpi ne, %convert_element_type3A, %cond3A : i32
    scf.if %cond3A_1 {
      %get3A_2 = arith.constant 0 : index
      %get3A_3 = arith.constant 0 : index
      %get3A_4 = vector.load %arg3[%get3A_2, %get3A_3] : memref<256x768xf32, #tpu.memory_space<vmem>>, vector<256x768xf32>
      %get3A_5 = arith.constant 0 : index
      %get3A_6 = arith.constant 0 : index
      %get3A_7 = arith.constant 0 : index
      %get3A_8 = vector.load %arg5[%get3A_5, %get3A_6, %get3A_7] : memref<1x1536x768xf32, #tpu.memory_space<vmem>>, vector<1x1536x768xf32>
      %get3A_9 = vector.shape_cast %get3A_8 : vector<1x1536x768xf32> to vector<1536x768xf32>
      %dot_general3A = arith.constant dense<0.000000e+00> : vector<256x1536xf32>
      %dot_general3A_10 = tpu.matmul %get3A_4, %get3A_9, %dot_general3A {dimension_numbers = #tpu.dot_dimension_numbers<[1], [1], [0], [0], [0, 0, 1, 0], [], []>, transpose_lhs_hint = false} : vector<256x768xf32>, vector<1536x768xf32>, vector<256x1536xf32> -> vector<256x1536xf32>
      %get3A_11 = arith.constant 0 : index
      %get3A_12 = arith.constant 0 : index
      %get3A_13 = arith.constant 0 : index
      %get3A_14 = vector.load %arg6[%get3A_11, %get3A_12, %get3A_13] : memref<1x1536x768xf32, #tpu.memory_space<vmem>>, vector<1x1536x768xf32>
      %get3A_15 = vector.shape_cast %get3A_14 : vector<1x1536x768xf32> to vector<1536x768xf32>
      %dot_general3A_16 = arith.constant dense<0.000000e+00> : vector<256x1536xf32>
      %dot_general3A_17 = tpu.matmul %get3A_4, %get3A_15, %dot_general3A_16 {dimension_numbers = #tpu.dot_dimension_numbers<[1], [1], [0], [0], [0, 0, 1, 0], [], []>, transpose_lhs_hint = false} : vector<256x768xf32>, vector<1536x768xf32>, vector<256x1536xf32> -> vector<256x1536xf32>
      %logistic3A = arith.negf %dot_general3A_10 : vector<256x1536xf32>
      %logistic3A_18 = math.exp %logistic3A : vector<256x1536xf32>
      %logistic3A_19 = arith.constant 1.000000e+00 : f32
      %logistic3A_20 = vector.broadcast %logistic3A_19 : f32 to vector<256x1536xf32>
      %logistic3A_21 = arith.addf %logistic3A_20, %logistic3A_18 : vector<256x1536xf32>
      %logistic3A_22 = arith.divf %logistic3A_20, %logistic3A_21 : vector<256x1536xf32>
      %mul3A = arith.mulf %dot_general3A_10, %logistic3A_22 : vector<256x1536xf32>
      %mul3A_23 = arith.mulf %mul3A, %dot_general3A_17 : vector<256x1536xf32>
      %get3A_24 = arith.constant 0 : index
      %get3A_25 = arith.constant 0 : index
      %get3A_26 = arith.constant 0 : index
      %get3A_27 = vector.load %arg7[%get3A_24, %get3A_25, %get3A_26] : memref<1x768x1536xf32, #tpu.memory_space<vmem>>, vector<1x768x1536xf32>
      %get3A_28 = vector.shape_cast %get3A_27 : vector<1x768x1536xf32> to vector<768x1536xf32>
      %dot_general3A_29 = arith.constant dense<0.000000e+00> : vector<256x768xf32>
      %dot_general3A_30 = tpu.matmul %mul3A_23, %get3A_28, %dot_general3A_29 {dimension_numbers = #tpu.dot_dimension_numbers<[1], [1], [0], [0], [0, 0, 1, 0], [], []>, transpose_lhs_hint = false} : vector<256x1536xf32>, vector<768x1536xf32>, vector<256x768xf32> -> vector<256x768xf32>
      %get3A_31 = arith.constant 0 : index
      %get3A_32 = arith.constant 0 : index
      %get3A_33 = vector.load %arg4[%get3A_31, %get3A_32] : memref<256x1xf32, #tpu.memory_space<vmem>>, vector<256x1xf32>
      %mul3A_34 = vector.broadcast %get3A_33 : vector<256x1xf32> to vector<256x768xf32>
      %mul3A_35 = arith.mulf %dot_general3A_30, %mul3A_34 : vector<256x768xf32>
      %swap3A = arith.constant 0 : index
      %swap3A_36 = arith.constant 0 : index
      %swap3A_37 = vector.load %arg8[%swap3A, %swap3A_36] : memref<256x768xf32, #tpu.memory_space<vmem>>, vector<256x768xf32>
      tpu.vector_store %arg8[%swap3A, %swap3A_36], %mul3A_35 {strides = array<i32>} : memref<256x768xf32, #tpu.memory_space<vmem>>, vector<256x768xf32>,
    } else {
    }
    return
  }
  func.func @transform_0(%arg0: i32, %arg1: memref<32xi32, #tpu.memory_space<smem>>, %arg2: memref<16xi32, #tpu.memory_space<smem>>) -> (i32, i32) {
    %c0_i32 = arith.constant 0 : i32
    %c0_i32_0 = arith.constant 0 : i32
    return %arg0, %c0_i32 : i32, i32
  }
  func.func @transform_1(%arg0: i32, %arg1: memref<32xi32, #tpu.memory_space<smem>>, %arg2: memref<16xi32, #tpu.memory_space<smem>>) -> (i32, i32) {
    %c0_i32 = arith.constant 0 : i32
    %c0_i32_0 = arith.constant 0 : i32
    return %arg0, %c0_i32 : i32, i32
  }
  func.func @transform_2(%arg0: i32, %arg1: memref<32xi32, #tpu.memory_space<smem>>, %arg2: memref<16xi32, #tpu.memory_space<smem>>) -> (i32, i32, i32) {
    %get3A = arith.index_cast %arg0 : i32 to index
    %get3A_0 = memref.load %arg1[%get3A] : memref<32xi32, #tpu.memory_space<smem>>
    %c0_i32 = arith.constant 0 : i32
    %c0_i32_1 = arith.constant 0 : i32
    %c0_i32_2 = arith.constant 0 : i32
    return %get3A_0, %c0_i32, %c0_i32_1 : i32, i32, i32
  }
  func.func @transform_3(%arg0: i32, %arg1: memref<32xi32, #tpu.memory_space<smem>>, %arg2: memref<16xi32, #tpu.memory_space<smem>>) -> (i32, i32, i32) {
    %get3A = arith.index_cast %arg0 : i32 to index
    %get3A_0 = memref.load %arg1[%get3A] : memref<32xi32, #tpu.memory_space<smem>>
    %c0_i32 = arith.constant 0 : i32
    %c0_i32_1 = arith.constant 0 : i32
    %c0_i32_2 = arith.constant 0 : i32
    return %get3A_0, %c0_i32, %c0_i32_1 : i32, i32, i32
  }
  func.func @transform_4(%arg0: i32, %arg1: memref<32xi32, #tpu.memory_space<smem>>, %arg2: memref<16xi32, #tpu.memory_space<smem>>) -> (i32, i32, i32) {
    %get3A = arith.index_cast %arg0 : i32 to index
    %get3A_0 = memref.load %arg1[%get3A] : memref<32xi32, #tpu.memory_space<smem>>
    %c0_i32 = arith.constant 0 : i32
    %c0_i32_1 = arith.constant 0 : i32
    %c0_i32_2 = arith.constant 0 : i32
    return %get3A_0, %c0_i32, %c0_i32_1 : i32, i32, i32
  }
  func.func @transform_5(%arg0: i32, %arg1: memref<32xi32, #tpu.memory_space<smem>>, %arg2: memref<16xi32, #tpu.memory_space<smem>>) -> (i32, i32) {
    %c0_i32 = arith.constant 0 : i32
    %c0_i32_0 = arith.constant 0 : i32
    return %arg0, %c0_i32 : i32, i32
  }
}

module attributes {stable_mosaic.version = 14 : i64} {
  func.func @_router_body(%arg0: i32, %arg1: memref<256x768xf32, #tpu.memory_space<vmem>>, %arg2: memref<8x768xf32, #tpu.memory_space<vmem>>, %arg3: memref<256x8xf32, #tpu.memory_space<vmem>>, %arg4: memref<8x256xf32, #tpu.memory_space<vmem>>) attributes {dimension_semantics = [#tpu.dimension_semantics<arbitrary>], iteration_bounds = array<i64: 8>, scalar_prefetch = 0 : i64, scratch_operands = 0 : i64, tpu.core_type = #tpu.core_type<tc>, window_params = [{transform_indices = @transform_0, window_bounds = array<i64: 256, 768>}, {pipeline_mode = #tpu.pipeline_mode<synchronous>, transform_indices = @transform_1, window_bounds = array<i64: 8, 768>}, {transform_indices = @transform_2, window_bounds = array<i64: 256, 8>}, {transform_indices = @transform_3, window_bounds = array<i64: 8, 256>}]} {
    %get3A = arith.constant 0 : index
    %get3A_0 = arith.constant 0 : index
    %get3A_1 = vector.load %arg1[%get3A, %get3A_0] : memref<256x768xf32, #tpu.memory_space<vmem>>, vector<256x768xf32>
    %get3A_2 = arith.constant 0 : index
    %get3A_3 = arith.constant 0 : index
    %get3A_4 = vector.load %arg2[%get3A_2, %get3A_3] : memref<8x768xf32, #tpu.memory_space<vmem>>, vector<8x768xf32>
    %dot_general3A = arith.constant dense<0.000000e+00> : vector<256x8xf32>
    %dot_general3A_5 = tpu.matmul %get3A_1, %get3A_4, %dot_general3A {dimension_numbers = #tpu.dot_dimension_numbers<[1], [1], [0], [0], [0, 0, 1, 0], [], []>, transpose_lhs_hint = false} : vector<256x768xf32>, vector<8x768xf32>, vector<256x8xf32> -> vector<256x8xf32>
    %swap3A = arith.constant 0 : index
    %swap3A_6 = arith.constant 0 : index
    %swap3A_7 = vector.load %arg3[%swap3A, %swap3A_6] : memref<256x8xf32, #tpu.memory_space<vmem>>, vector<256x8xf32>
    tpu.vector_store %arg3[%swap3A, %swap3A_6], %dot_general3A_5 {strides = array<i32>} : memref<256x8xf32, #tpu.memory_space<vmem>>, vector<256x8xf32>,
    %iota3A = tpu.iota {dimensions = array<i32: 1>} : vector<256x8xi32>
    %reduce_max3A = arith.constant dense<0xFF800000> : vector<256xf32>
    %reduce_max3A_8 = vector.multi_reduction <maximumf>, %dot_general3A_5, %reduce_max3A [1] : vector<256x8xf32> to vector<256xf32>
    %broadcast_in_dim3A = vector.shape_cast %reduce_max3A_8 : vector<256xf32> to vector<256x1xf32>
    %eq3A = vector.broadcast %broadcast_in_dim3A : vector<256x1xf32> to vector<256x8xf32>
    %eq3A_9 = arith.cmpf oeq, %dot_general3A_5, %eq3A : vector<256x8xf32>
    %jit3A = arith.constant 8 : i32
    %broadcast_in_dim3A_10 = vector.broadcast %jit3A : i32 to vector<256x8xi32>
    %select_n3A = arith.select %eq3A_9, %iota3A, %broadcast_in_dim3A_10 : vector<256x8xi1>, vector<256x8xi32>
    %reduce_min3A = arith.constant dense<2147483647> : vector<256xi32>
    %reduce_min3A_11 = vector.multi_reduction <minsi>, %select_n3A, %reduce_min3A [1] : vector<256x8xi32> to vector<256xi32>
    %broadcast_in_dim3A_12 = vector.shape_cast %reduce_min3A_11 : vector<256xi32> to vector<256x1xi32>
    %eq3A_13 = vector.broadcast %broadcast_in_dim3A_12 : vector<256x1xi32> to vector<256x8xi32>
    %eq3A_14 = arith.cmpi eq, %iota3A, %eq3A_13 : vector<256x8xi32>
    %abs3A = math.absf %dot_general3A_5 : vector<256x8xf32>
    %max3A = vector.broadcast %broadcast_in_dim3A : vector<256x1xf32> to vector<256x8xf32>
    %max3A_15 = arith.maximumf %abs3A, %max3A : vector<256x8xf32>
    %sub3A = vector.broadcast %broadcast_in_dim3A : vector<256x1xf32> to vector<256x8xf32>
    %sub3A_16 = arith.subf %sub3A, %dot_general3A_5 : vector<256x8xf32>
    %div3A = arith.divf %sub3A_16, %max3A_15 : vector<256x8xf32>
    %gt3A = arith.constant 2.000000e-02 : f32
    %gt3A_17 = vector.broadcast %gt3A : f32 to vector<256x8xf32>
    %gt3A_18 = arith.cmpf ogt, %div3A, %gt3A_17 : vector<256x8xf32>
    %jit3A_19 = arith.constant 0xFF800000 : f32
    %broadcast_in_dim3A_20 = vector.broadcast %jit3A_19 : f32 to vector<256x8xf32>
    %select_n3A_21 = arith.select %gt3A_18, %broadcast_in_dim3A_20, %dot_general3A_5 : vector<256x8xi1>, vector<256x8xf32>
    %sub3A_22 = vector.broadcast %broadcast_in_dim3A : vector<256x1xf32> to vector<256x8xf32>
    %sub3A_23 = arith.subf %select_n3A_21, %sub3A_22 : vector<256x8xf32>
    %exp3A = math.exp %sub3A_23 : vector<256x8xf32>
    %jit3A_24 = arith.constant 0.000000e+00 : f32
    %broadcast_in_dim3A_25 = vector.broadcast %jit3A_24 : f32 to vector<256x8xf32>
    %select_n3A_26 = arith.select %eq3A_14, %exp3A, %broadcast_in_dim3A_25 : vector<256x8xi1>, vector<256x8xf32>
    %reduce_sum3A = arith.constant dense<0.000000e+00> : vector<256xf32>
    %reduce_sum3A_27 = vector.multi_reduction <add>, %select_n3A_26, %reduce_sum3A [1] : vector<256x8xf32> to vector<256xf32>
    %broadcast_in_dim3A_28 = vector.shape_cast %reduce_sum3A_27 : vector<256xf32> to vector<256x1xf32>
    %reduce_sum3A_29 = arith.constant dense<0.000000e+00> : vector<256xf32>
    %reduce_sum3A_30 = vector.multi_reduction <add>, %exp3A, %reduce_sum3A_29 [1] : vector<256x8xf32> to vector<256xf32>
    %broadcast_in_dim3A_31 = vector.shape_cast %reduce_sum3A_30 : vector<256xf32> to vector<256x1xf32>
    %div3A_32 = arith.divf %broadcast_in_dim3A_28, %broadcast_in_dim3A_31 : vector<256x1xf32>
    %jit3A_33 = arith.constant 0xFF800000 : f32
    %broadcast_in_dim3A_34 = vector.broadcast %jit3A_33 : f32 to vector<256x8xf32>
    %select_n3A_35 = arith.select %eq3A_14, %broadcast_in_dim3A_34, %dot_general3A_5 : vector<256x8xi1>, vector<256x8xf32>
    %reduce_max3A_36 = arith.constant dense<0xFF800000> : vector<256xf32>
    %reduce_max3A_37 = vector.multi_reduction <maximumf>, %select_n3A_35, %reduce_max3A_36 [1] : vector<256x8xf32> to vector<256xf32>
    %broadcast_in_dim3A_38 = vector.shape_cast %reduce_max3A_37 : vector<256xf32> to vector<256x1xf32>
    %eq3A_39 = vector.broadcast %broadcast_in_dim3A_38 : vector<256x1xf32> to vector<256x8xf32>
    %eq3A_40 = arith.cmpf oeq, %select_n3A_35, %eq3A_39 : vector<256x8xf32>
    %jit3A_41 = arith.constant 8 : i32
    %broadcast_in_dim3A_42 = vector.broadcast %jit3A_41 : i32 to vector<256x8xi32>
    %select_n3A_43 = arith.select %eq3A_40, %iota3A, %broadcast_in_dim3A_42 : vector<256x8xi1>, vector<256x8xi32>
    %reduce_min3A_44 = arith.constant dense<2147483647> : vector<256xi32>
    %reduce_min3A_45 = vector.multi_reduction <minsi>, %select_n3A_43, %reduce_min3A_44 [1] : vector<256x8xi32> to vector<256xi32>
    %broadcast_in_dim3A_46 = vector.shape_cast %reduce_min3A_45 : vector<256xi32> to vector<256x1xi32>
    %eq3A_47 = vector.broadcast %broadcast_in_dim3A_46 : vector<256x1xi32> to vector<256x8xi32>
    %eq3A_48 = arith.cmpi eq, %iota3A, %eq3A_47 : vector<256x8xi32>
    %abs3A_49 = math.absf %dot_general3A_5 : vector<256x8xf32>
    %max3A_50 = vector.broadcast %broadcast_in_dim3A_38 : vector<256x1xf32> to vector<256x8xf32>
    %max3A_51 = arith.maximumf %abs3A_49, %max3A_50 : vector<256x8xf32>
    %sub3A_52 = vector.broadcast %broadcast_in_dim3A_38 : vector<256x1xf32> to vector<256x8xf32>
    %sub3A_53 = arith.subf %sub3A_52, %dot_general3A_5 : vector<256x8xf32>
    %div3A_54 = arith.divf %sub3A_53, %max3A_51 : vector<256x8xf32>
    %gt3A_55 = arith.constant 2.000000e-02 : f32
    %gt3A_56 = vector.broadcast %gt3A_55 : f32 to vector<256x8xf32>
    %gt3A_57 = arith.cmpf ogt, %div3A_54, %gt3A_56 : vector<256x8xf32>
    %jit3A_58 = arith.constant 0xFF800000 : f32
    %broadcast_in_dim3A_59 = vector.broadcast %jit3A_58 : f32 to vector<256x8xf32>
    %select_n3A_60 = arith.select %gt3A_57, %broadcast_in_dim3A_59, %select_n3A_35 : vector<256x8xi1>, vector<256x8xf32>
    %sub3A_61 = vector.broadcast %broadcast_in_dim3A_38 : vector<256x1xf32> to vector<256x8xf32>
    %sub3A_62 = arith.subf %select_n3A_60, %sub3A_61 : vector<256x8xf32>
    %exp3A_63 = math.exp %sub3A_62 : vector<256x8xf32>
    %jit3A_64 = arith.constant 0.000000e+00 : f32
    %broadcast_in_dim3A_65 = vector.broadcast %jit3A_64 : f32 to vector<256x8xf32>
    %select_n3A_66 = arith.select %eq3A_48, %exp3A_63, %broadcast_in_dim3A_65 : vector<256x8xi1>, vector<256x8xf32>
    %reduce_sum3A_67 = arith.constant dense<0.000000e+00> : vector<256xf32>
    %reduce_sum3A_68 = vector.multi_reduction <add>, %select_n3A_66, %reduce_sum3A_67 [1] : vector<256x8xf32> to vector<256xf32>
    %broadcast_in_dim3A_69 = vector.shape_cast %reduce_sum3A_68 : vector<256xf32> to vector<256x1xf32>
    %reduce_sum3A_70 = arith.constant dense<0.000000e+00> : vector<256xf32>
    %reduce_sum3A_71 = vector.multi_reduction <add>, %exp3A_63, %reduce_sum3A_70 [1] : vector<256x8xf32> to vector<256xf32>
    %broadcast_in_dim3A_72 = vector.shape_cast %reduce_sum3A_71 : vector<256xf32> to vector<256x1xf32>
    %div3A_73 = arith.divf %broadcast_in_dim3A_69, %broadcast_in_dim3A_72 : vector<256x1xf32>
    %jit3A_74 = arith.constant 0.000000e+00 : f32
    %broadcast_in_dim3A_75 = vector.shape_cast %div3A_32 : vector<256x1xf32> to vector<256x1xf32>
    %broadcast_in_dim3A_76 = vector.broadcast %broadcast_in_dim3A_75 : vector<256x1xf32> to vector<256x8xf32>
    %broadcast_in_dim3A_77 = vector.broadcast %jit3A_74 : f32 to vector<256x8xf32>
    %select_n3A_78 = arith.select %eq3A_14, %broadcast_in_dim3A_76, %broadcast_in_dim3A_77 : vector<256x8xi1>, vector<256x8xf32>
    %jit3A_79 = arith.constant 0.000000e+00 : f32
    %broadcast_in_dim3A_80 = vector.shape_cast %div3A_73 : vector<256x1xf32> to vector<256x1xf32>
    %broadcast_in_dim3A_81 = vector.broadcast %broadcast_in_dim3A_80 : vector<256x1xf32> to vector<256x8xf32>
    %broadcast_in_dim3A_82 = vector.broadcast %jit3A_79 : f32 to vector<256x8xf32>
    %select_n3A_83 = arith.select %eq3A_48, %broadcast_in_dim3A_81, %broadcast_in_dim3A_82 : vector<256x8xi1>, vector<256x8xf32>
    %add3A = arith.addf %select_n3A_78, %select_n3A_83 : vector<256x8xf32>
    %iota3A_84 = tpu.iota {dimensions = array<i32: 0>} : vector<8x8xi32>
    %iota3A_85 = tpu.iota {dimensions = array<i32: 1>} : vector<8x8xi32>
    %eq3A_86 = arith.cmpi eq, %iota3A_84, %iota3A_85 : vector<8x8xi32>
    %convert_element_type3A = arith.extui %eq3A_86 : vector<8x8xi1> to vector<8x8xi32>
    %convert_element_type3A_87 = arith.sitofp %convert_element_type3A : vector<8x8xi32> to vector<8x8xf32>
    %dot_general3A_88 = arith.constant dense<0.000000e+00> : vector<8x256xf32>
    %dot_general3A_89 = tpu.matmul %convert_element_type3A_87, %add3A, %dot_general3A_88 {dimension_numbers = #tpu.dot_dimension_numbers<[1], [1], [0], [0], [0, 0, 1, 0], [], []>, transpose_lhs_hint = false} : vector<8x8xf32>, vector<256x8xf32>, vector<8x256xf32> -> vector<8x256xf32>
    %swap3A_90 = arith.constant 0 : index
    %swap3A_91 = arith.constant 0 : index
    %swap3A_92 = vector.load %arg4[%swap3A_90, %swap3A_91] : memref<8x256xf32, #tpu.memory_space<vmem>>, vector<8x256xf32>
    tpu.vector_store %arg4[%swap3A_90, %swap3A_91], %dot_general3A_89 {strides = array<i32>} : memref<8x256xf32, #tpu.memory_space<vmem>>, vector<8x256xf32>,
    return
  }
  func.func @transform_0(%arg0: i32) -> (i32, i32) {
    %c0_i32 = arith.constant 0 : i32
    %c0_i32_0 = arith.constant 0 : i32
    return %arg0, %c0_i32 : i32, i32
  }
  func.func @transform_1(%arg0: i32) -> (i32, i32) {
    %c0_i32 = arith.constant 0 : i32
    %c0_i32_0 = arith.constant 0 : i32
    %c0_i32_1 = arith.constant 0 : i32
    return %c0_i32, %c0_i32_0 : i32, i32
  }
  func.func @transform_2(%arg0: i32) -> (i32, i32) {
    %c0_i32 = arith.constant 0 : i32
    %c0_i32_0 = arith.constant 0 : i32
    return %arg0, %c0_i32 : i32, i32
  }
  func.func @transform_3(%arg0: i32) -> (i32, i32) {
    %c0_i32 = arith.constant 0 : i32
    %c0_i32_0 = arith.constant 0 : i32
    return %c0_i32, %arg0 : i32, i32
  }
}

</mosaic_0001>

<sc_bundles>
// kernel: kernel.10.cloned.1.call-start
scs
__scs_entry_jumppad:
0x0: {  	(pc) =	sbr.rel $0x88, $3  }
0x1: {  	(tag) =	ssettag $0x0;
	lr =	simm.s32 $0x1  }
0x2: {  	[smem:$0x3F9C] =	sst lr;
	_ =	strace $0xD0000000  }
0x3: {  	_ = 	snop  }
0x4: {  	_ = 	snop  }
0x5: {  	_ = 	snop  }
0x6: {  	_ = 	snop  }
0x7: {  	_ = 	snop  }
__scs_overlays_trampoline_lowered:
0x8: {  	[smem:$0x3FAB] =	sst s0  }
0x9: {  	[smem:$0x3FAC] =	sst s1  }
0xa: {  	[smem:$0x3FAD] =	sst s2  }
0xb: {  	[smem:$0x3FAE] =	sst s3  }
0xc: {  	[smem:$0x3FAF] =	sst s4  }
0xd: {  	[smem:$0x3FB0] =	sst s5  }
0xe: {  	[smem:$0x3FB1] =	sst s6  }
0xf: {  	[smem:$0x3FB2] =	sst s7  }
0x10: {  	[smem:$0x3FB3] =	sst s8  }
0x11: {  	[smem:$0x3FB4] =	sst s9;
	s0 =	simm.s32 @!p0 $0x0  }
0x12: {  	s1 =	sld [smem:$0x3F9A];
	s0 =	simm.s32 @p0 $0x1  }
0x13: {  	[smem:$0x3FB5] =	sst s0;
	s0 =	simm.s32 @!p1 $0x0  }
0x14: {  	s2 =	sld [smem:$0x3F99];
	s0 =	simm.s32 @p1 $0x1  }
0x15: {  	[smem:$0x3FB6] =	sst s0;
	s0 =	simm.s32 @!p2 $0x0  }
0x16: {  	s3 =	sld [smem:$0x3FDB];
	s0 =	simm.s32 @p2 $0x1  }
0x17: {  	s4 =	simm.s32 $0x1BF5;
	[smem:$0x3FB8] =	sst s0  }
0x18: {  	s0 =	sld [smem:$0x3F9B];
	_ =	swait.ge [sflag:s4], $0x0  }
0x19: {  	s7 =	sld [smem:$0x3F9C]  }
0x1a: {  	s8 =	sadd.s32 $0xFFFFE003, lr  }
0x1b: {  	s9 =	sadd.s32 $0xFFFFFEF7, lr;
	s5 =	simm.s32 $0xFFFFFFFF;
	p2 =	slt.u32 s8, $0xFFFFF086  }
0x1c: {  	p1 =	slt.u32 s9, $0xF7A;
	s5 =	simm.s32 @!p2 $0x0  }
0x1d: {  	s5 =	simm.s32 @p1 $0x1;
	p0 =	seq.s32 s7, s2  }
0x1e: {  	s7 =	smul.u32 @!p0 $0xF7A, s2;
	p2 =	seq.s32 @!p0 s5, $0x0  }
0x1f: {  	s9 =	smul.u32 $0xF7A, s1;
	s8 =	simm.s32 @!p0 $0x1BF5;
	p2 =	por !p2, p0  }
0x20: {  	[sflag:s8] =	ssyncset.s32 @!p0 $0xFFFFF086;
	s6 =	sadd.s32 @!p0 s3, s7;
	s7 =	simm.s32 @!p0 $0x108  }
0x21: {  	s3 =	sadd.s32 s3, s9;
	s6 =	sadd.s32 @!p0 $0x88, s6;
	s7 =	simm.s32 @p2 $0x1082  }
0x22: {  	[simem:s7], [sflag:s8] =	dma.local @!p0 [hbm:s6], $0xF7A  }
0x23: {  	s9 =	sor.u32 $0xD0000000, s2;
	s6 =	simm.s32 $0x108;
	_ =	swait.ge @!p0 [sflag:s8], $0x0  }
0x24: {  	s3 =	sadd.s32 $0x88, s3;
	s6 =	simm.s32 @!p1 $0x1082;
	[sflag:s4] =	ssyncset.s32 $0xFFFFF086  }
0x25: {  	[simem:s6], [sflag:s4] =	dma.local [hbm:s3], $0xF7A  }
0x26: {  	[smem:$0x3F9C] =	sst s1;
	(tag) =	ssettag s2;
	_ =	strace s9  }
0x27: {  	s1 =	sld [smem:$0x3FAC]  }
0x28: {  	s2 =	sld [smem:$0x3FAD]  }
0x29: {  	s4 =	sld [smem:$0x3FAF]  }
0x2a: {  	p0 =	seq.s32 s5, $0x0;
	s5 =	sld [smem:$0x3FB0]  }
0x2b: {  	s6 =	sld [smem:$0x3FB1]  }
0x2c: {  	s7 =	sld [smem:$0x3FB2]  }
0x2d: {  	s3 =	simm.s32 $0x108;
	s8 =	sld [smem:$0x3FB3]  }
0x2e: {  	s3 =	simm.s32 @!p0 $0x1082;
	s9 =	sld [smem:$0x3FB4]  }
0x2f: {  	lr =	sadd.s32 s0, s3;
	s0 =	sld [smem:$0x3FAB]  }
0x30: {  	s3 =	sld [smem:$0x3FAE]  }
0x31: {  	[smem:$0x3FB7] =	sst s10  }
0x32: {  	s10 =	sld [smem:$0x3FB5];
	_ =	sdelay $0x3  }
0x33: {  	p0 =	seq.s32 s10, $0x1;
	s10 =	sld [smem:$0x3FB7];
	_ =	sdelay $0x3  }
0x34: {  	[smem:$0x3FB7] =	sst s10  }
0x35: {  	s10 =	sld [smem:$0x3FB6];
	_ =	sdelay $0x3  }
0x36: {  	p1 =	seq.s32 s10, $0x1;
	s10 =	sld [smem:$0x3FB7];
	_ =	sdelay $0x3  }
0x37: {  	[smem:$0x3FB7] =	sst s10  }
0x38: {  	s10 =	sld [smem:$0x3FB8]  }
0x39: {  	_ = 	snop;
	(pc) =	sbr.ind lr, $3  }
0x3a: {  	_ = 	snop  }
0x3b: {  	_ = 	snop  }
0x3c: {  	p2 =	seq.s32 s10, $0x1;
	s10 =	sld [smem:$0x3FB7]  }
0x3d: {  	_ =	shalt  }
0x3e: {  	_ =	shalt  }
0x3f: {  	_ =	shalt  }
0x40: {  	_ =	shalt  }
0x41: {  	_ =	shalt  }
0x42: {  	_ =	shalt  }
0x43: {  	_ =	shalt  }
0x44: {  	_ =	shalt  }
0x45: {  	_ =	shalt  }
0x46: {  	_ =	shalt  }
0x47: {  	_ =	shalt  }
0x48: {  	_ =	shalt  }
0x49: {  	_ =	shalt  }
0x4a: {  	_ =	shalt  }
0x4b: {  	_ =	shalt  }
0x4c: {  	_ =	shalt  }
0x4d: {  	_ =	shalt  }
0x4e: {  	_ =	shalt  }
0x4f: {  	_ =	shalt  }
0x50: {  	_ =	shalt  }
0x51: {  	_ =	shalt  }
0x52: {  	_ =	shalt  }
0x53: {  	_ =	shalt  }
0x54: {  	_ =	shalt  }
0x55: {  	_ =	shalt  }
0x56: {  	_ =	shalt  }
0x57: {  	_ =	shalt  }
0x58: {  	_ =	shalt  }
0x59: {  	_ =	shalt  }
0x5a: {  	_ =	shalt  }
0x5b: {  	_ =	shalt  }
0x5c: {  	_ =	shalt  }
0x5d: {  	_ =	shalt  }
0x5e: {  	_ =	shalt  }
0x5f: {  	_ =	shalt  }
0x60: {  	_ =	shalt  }
0x61: {  	_ =	shalt  }
0x62: {  	_ =	shalt  }
0x63: {  	_ =	shalt  }
0x64: {  	_ =	shalt  }
0x65: {  	_ =	shalt  }
0x66: {  	_ =	shalt  }
0x67: {  	_ =	shalt  }
0x68: {  	_ =	shalt  }
0x69: {  	_ =	shalt  }
0x6a: {  	_ =	shalt  }
0x6b: {  	_ =	shalt  }
0x6c: {  	_ =	shalt  }
0x6d: {  	_ =	shalt  }
0x6e: {  	_ =	shalt  }
0x6f: {  	_ =	shalt  }
0x70: {  	_ =	shalt  }
0x71: {  	_ =	shalt  }
0x72: {  	_ =	shalt  }
0x73: {  	_ =	shalt  }
0x74: {  	_ =	shalt  }
0x75: {  	_ =	shalt  }
0x76: {  	_ =	shalt  }
0x77: {  	_ =	shalt  }
0x78: {  	_ =	shalt  }
0x79: {  	_ =	shalt  }
0x7a: {  	_ =	shalt  }
0x7b: {  	_ =	shalt  }
0x7c: {  	_ =	shalt  }
0x7d: {  	_ =	shalt  }
0x7e: {  	_ =	shalt  }
0x7f: {  	_ =	shalt  }
0x80: {  	_ =	shalt  }
0x81: {  	_ =	shalt  }
0x82: {  	_ =	shalt  }
0x83: {  	_ =	shalt  }
0x84: {  	_ =	shalt  }
0x85: {  	_ =	shalt  }
0x86: {  	_ =	shalt  }
0x87: {  	_ =	shalt  }
.Lfunc_end0:
.L_simem_size_0:
called_computation.1_lowered:
.L_overlay_start_0:
0x88: {  	s2 =	sld [smem:$0x3FD9]  }
0x89: {  	s3 =	sld [smem:$0x3FFE];
	_ =	sdelay $0x1  }
0x8a: {  	s1 =	srdreg.scid  }
0x8b: {  	s0 =	sand.u32 $0x1, s1  }
0x8c: {  	s17 =	sshll.u32 s0, $0xA;
	s2 =	sadd.s32 s3, s2  }
0x8d: {  	s2 =	sadd.s32 s2, s17  }
0x8e: {  	[smem:$0x3FC3] =	sst s2  }
0x8f: {  	_ = 	snop  }
0x90: {  	s2 =	sld [smem:$0x3FC9];
	(tm) =	ssettm $0x1  }
0x91: {  	s18 =	sld [smem:$0x3FFB];
	_ =	sdelay $0x3  }
0x92: {  	_ =	strace s18  }
0x93: {  	s3 =	sld [smem:$0x3FFC];
	_ =	sdelay $0x3  }
0x94: {  	_ =	strace s3  }
0x95: {  	s3 =	sld [smem:$0x3FFD];
	_ =	sdelay $0x3  }
0x96: {  	_ =	strace s3  }
0x97: {  	_ =	strace $0x8FFFFFFF  }
0x98: {  	s19 =	sld [smem:$0x3FDB];
	_ =	sdelay $0x1  }
0x99: {  	s4 =	simm.s32 $_scs_section_size  }
0x9a: {  	s5 =	simm.s32 $_size__tile_overlayer_lowered;
	s6 =	simm.s32 $_tile_overlayer_lowered  }
0x9b: {  	s22 =	simm.s32 $0x1BFF;
	s21 =	sshll.u32 s6, $0x1;
	s3 =	sadd.s32 s4, s19  }
0x9c: {  	s7 =	simm.s32 $0x0;
	s20 =	sshll.u32 s5, $0x1;
	s5 =	sadd.s32 s21, s3  }
0x9d: {  	[timem:s7], [sflag:s22] =	dma.local [hbm:s5], s20  }
0x9e: {  	_ =	swait.ge [sflag:s22], s20  }
0x9f: {  	s4 =	ssub.s32 $0x0, s20;
	[sflag:s22] =	ssyncset.done $0x0  }
0xa0: {  	[sflag:s22] =	ssyncadd.s32 s4;
	_ =	sdelay $0x1  }
0xa1: {  	s23 =	simm.s32 $0x1B8B  }
0xa2: {  	_ =	swait.ge [sflag:s23], $0x1  }
0xa3: {  	[sflag:s23] =	ssyncset.done $0x0  }
0xa4: {  	s25 =	simm.s32 $0x1B8E;
	s24 =	sld [smem:$0x3FFE];
	[sflag:s23] =	ssyncadd.s32 $0xFFFFFFFF  }
0xa5: {  	s26 =	simm.s32 $execute0_lowered;
	[smem:$0x3FD2] =	sst s25  }
0xa6: {  	s5 =	sshll.u32 s26, $0x1;
	_ =	strace $0x80000049;
	[dreg:$0x1] =	wrdreg $0xFFFFFFFF  }
0xa7: {  	s28 =	simm.s32 $_size_execute0_lowered;
	s3 =	sadd.s32 s3, s5;
	[dreg:$0x0] =	wrdreg $0x0  }
0xa8: {  	s5 =	sshll.u32 s28, $0x1;
	[dreg:$0x2] =	wrdreg s3  }
0xa9: {  	[dreg:$0x3] =	wrdreg s5  }
0xaa: {  	[dreg:$0x4] =	wrdreg $0xC0  }
0xab: {  	_ =	task [dreg:s7], $0x5FFFF  }
0xac: {  	[dreg:$0x1] =	wrdreg $0xFFFFFFFF  }
0xad: {  	[dreg:$0x0] =	wrdreg $0x60  }
0xae: {  	[dreg:$0x2] =	wrdreg s2  }
0xaf: {  	[dreg:$0x3] =	wrdreg s24  }
0xb0: {  	[dreg:$0x4] =	wrdreg $0x9  }
0xb1: {  	_ =	task.clear_ibuf [dreg:s7], $0x5FFFF;
	_ =	strace $0x90000049  }
0xb2: {  	s29 =	simm.s32 $0x9;
	_ =	strace $0x8000004B  }
0xb3: {  	_ =	swait.ge [sflag:s29], $0x1  }
0xb4: {  	[sflag:s29] =	ssyncadd.s32 $0xFFFFFFFF  }
0xb5: {  	_ =	strace $0x9000004B  }
0xb6: {  	_ =	sfence  }
0xb7: {  	s30 =	sld [smem:$0x0];
	_ =	sdelay $0x2  }
0xb8: {  	s31 =	sshll.u32 s1, $0xD;
	s1 =	sshrl.u32 s1, $0x2  }
0xb9: {  	s3 =	sand.u32 $0x4000, s31;
	s1 =	sadd.s32 s1, s30  }
0xba: {  	s0 =	sor.u32 s3, s0;
	s1 =	sshll.u32 s1, $0x11  }
0xbb: {  	s0 =	sor.u32 s1, s0  }
0xbc: {  	s0 =	sadd.s32 $0x8F2B, s0  }
0xbd: {  	[sflag:s0] =	ssyncadd.remote.s32 $0x1  }
0xbe: {  	_ =	sfence.sel $0xFFFF  }
0xbf: {  	[dreg:$0x0] =	wrdreg $0xFFFFFFFF;
	(pc) =	sbr.abs _section_cstart, $3  }
0xc0: {  	[dreg:$0x1] =	wrdreg $0xFFFFFFFF  }
0xc1: {  	_ =	task.clear_ibuf [dreg:s7], $0x2FFFF;
	_ =	strace $0x9FFFFFFF  }
0xc2: {  	(tm) =	ssettm $0x7FFFFFFF  }
0xc3: {  	_ =	shalt  }
tec
execute0_lowered:
.L_overlay_start_1:
0x0: {  	(tag) =	ssettag $0x1  }
0x1: {  	s0 =	rddreg [dreg:$0x0]  }
0x2: {  	s5 =	rddreg [dreg:$0x1];
	s3 =	srdreg.scid  }
0x3: {  	s2 =	simm.s32 $0x0;
	s1 =	stileid.u32;
	s14 =	simm.s32 $0x300  }
0x4: {  	s28 =	simm.s32 $0x3C00;
	s29 =	simm.s32 $0x4400;
	s30 =	simm.s32 $0x4C00  }
0x5: {  	s31 =	simm.s32 $0x5400;
	s4 =	sand.u32 $0x1, s3;
	[smem:$0x7FF] =	sst s2  }
0x6: {  	s15 =	sshll.u32 s1, $0x4;
	s7 =	sadd.s32 $0x2400, s5;
	s8 =	sadd.s32 $0x2600, s5  }
0x7: {  	s3 =	sadd.s32 $0x2800, s5;
	s6 =	sshll.u32 s4, $0x3;
	s4 =	ssub.s32 $0x2, s4  }
0x8: {  	_ =	strace $0x8000004A;
	s6 =	sor.u32 s6, s15;
	s12 =	sshrl.u32 s4, $0x1  }
0x9: {  	s15 =	simm.s32 $0x180;
	s9 =	sadd.s32 s7, s6;
	s16 =	sadd.s32 s8, s6  }
0xa: {  	s10 =	sor.u32 $0x2, s6;
	s11 =	sor.u32 $0x4, s6;
	s13 =	sor.u32 $0x6, s6  }
0xb: {  	s6 =	smul.u32 $0x300, s6;
	s26 =	ssub.s32 s4, s12;
	s4 =	sadd.s32 $0x2900, s5  }
0xc: {  	s5 =	sadd.s32 $0x2A00, s5;
	s12 =	simm.s32 $0x280;
	[dreg:$0x3] =	wrdreg s9  }
0xd: {  	[dreg:$0x4] =	wrdreg s16;
	s17 =	sadd.s32 s7, s10;
	s18 =	sadd.s32 s8, s10  }
0xe: {  	s19 =	sadd.s32 s7, s11;
	s20 =	sadd.s32 s8, s11;
	s22 =	smul.u32 $0x300, s10  }
0xf: {  	s7 =	sadd.s32 s7, s13;
	s23 =	smul.u32 $0x300, s11;
	[dreg:$0x5] =	wrdreg s17  }
0x10: {  	s21 =	sadd.s32 s8, s13;
	s25 =	smul.u32 $0x300, s13;
	[dreg:$0x6] =	wrdreg s18  }
0x11: {  	s8 =	smax.u32 s26, $0x1;
	s9 =	simm.s32 $0x4;
	[dreg:$0x7] =	wrdreg s19  }
0x12: {  	s10 =	simm.s32 $0x200;
	s11 =	simm.s32 $0x80;
	[dreg:$0x8] =	wrdreg s20  }
0x13: {  	s13 =	simm.s32 $0x100;
	s16 =	simm.s32 $0x380;
	[dreg:$0x9] =	wrdreg s7  }
0x14: {  	s26 =	simm.s32 $0x3;
	[dreg:$0xa] =	wrdreg s21;
	s6 =	sadd.s32 s0, s6  }
0x15: {  	s17 =	simm.s32 $0x400;
	s18 =	simm.s32 $0x1;
	s19 =	simm.s32 $0x3400  }
0x16: {  	s20 =	simm.s32 $0xC00;
	s21 =	simm.s32 $0x1400;
	[dreg:$0xb] =	wrdreg s6  }
0x17: {  	v2 =	vlaneseq.u32;
	s24 =	sadd.s32 s0, s22;
	s6 =	sadd.s32 s0, s23;
	s7 =	sadd.s32 s0, s25  }
0x18: {  	vm0 =	vmmov $0xffff;
	v1 =	vshrl.u32 v2, $0x3;
	s22 =	simm.s32 $0x1C00;
	s23 =	simm.s32 $0x2400;
	s25 =	simm.s32 $0x2  }
0x19: {  	v0 =	vand.u32 $0x7, v2;
	v2 =	vor.u32 $0x8, v2;
	v1 =	vmul.u32 $0x8, v1;
	s0 =	simm.s32 $0x5C00;
	[dreg:$0xc] =	wrdreg s24;
	s24 =	simm.s32 $0x2C00  }
.LBB2_1:
0x1a: {  	s1 =	rddreg [dreg:$0x3]  }
0x1b: {  	[tilespmem:s2], [sflag:$0x4] =	stream.linear.gather [hbm4b:s1+s2], $0x10, $0x38;
	[tilespmem:$0x6400] =	vst v63  }
0x1c: {  	_ =	swait.ge [sflag:s9], $0x10  }
0x1d: {  	[sflag:s9] =	ssyncset.done $0x0  }
0x1e: {  	s1 =	rddreg [dreg:$0x4];
	[sflag:s9] =	ssyncadd.s32 $0xFFFFFFF0  }
0x1f: {  	[tilespmem:s10], [sflag:$0x4] =	stream.linear.gather [hbm4b:s1+s2], $0x10, $0x38;
	[tilespmem:$0x6400] =	vst v63  }
0x20: {  	_ =	swait.ge [sflag:s9], $0x10  }
0x21: {  	[sflag:s9] =	ssyncset.done $0x0  }
0x22: {  	s1 =	rddreg [dreg:$0x5];
	[sflag:s9] =	ssyncadd.s32 $0xFFFFFFF0  }
0x23: {  	[tilespmem:s11], [sflag:$0x4] =	stream.linear.gather [hbm4b:s1+s2], $0x10, $0x38;
	[tilespmem:$0x6400] =	vst v63  }
0x24: {  	_ =	swait.ge [sflag:s9], $0x10  }
0x25: {  	[sflag:s9] =	ssyncset.done $0x0  }
0x26: {  	s1 =	rddreg [dreg:$0x6];
	[sflag:s9] =	ssyncadd.s32 $0xFFFFFFF0  }
0x27: {  	[tilespmem:s12], [sflag:$0x4] =	stream.linear.gather [hbm4b:s1+s2], $0x10, $0x38;
	[tilespmem:$0x6400] =	vst v63  }
0x28: {  	_ =	swait.ge [sflag:s9], $0x10  }
0x29: {  	[sflag:s9] =	ssyncset.done $0x0  }
0x2a: {  	s1 =	rddreg [dreg:$0x7];
	[sflag:s9] =	ssyncadd.s32 $0xFFFFFFF0  }
0x2b: {  	[tilespmem:s13], [sflag:$0x4] =	stream.linear.gather [hbm4b:s1+s2], $0x10, $0x38;
	[tilespmem:$0x6400] =	vst v63  }
0x2c: {  	_ =	swait.ge [sflag:s9], $0x10  }
0x2d: {  	[sflag:s9] =	ssyncset.done $0x0  }
0x2e: {  	s1 =	rddreg [dreg:$0x8];
	[sflag:s9] =	ssyncadd.s32 $0xFFFFFFF0  }
0x2f: {  	[tilespmem:s14], [sflag:$0x4] =	stream.linear.gather [hbm4b:s1+s2], $0x10, $0x38;
	[tilespmem:$0x6400] =	vst v63  }
0x30: {  	_ =	swait.ge [sflag:s9], $0x10  }
0x31: {  	[sflag:s9] =	ssyncset.done $0x0  }
0x32: {  	s1 =	rddreg [dreg:$0x9];
	[sflag:s9] =	ssyncadd.s32 $0xFFFFFFF0  }
0x33: {  	[tilespmem:s15], [sflag:$0x4] =	stream.linear.gather [hbm4b:s1+s2], $0x10, $0x38;
	[tilespmem:$0x6400] =	vst v63  }
0x34: {  	_ =	swait.ge [sflag:s9], $0x10  }
0x35: {  	[sflag:s9] =	ssyncset.done $0x0  }
0x36: {  	s1 =	rddreg [dreg:$0xa];
	[sflag:s9] =	ssyncadd.s32 $0xFFFFFFF0  }
0x37: {  	[tilespmem:s16], [sflag:$0x4] =	stream.linear.gather [hbm4b:s1+s2], $0x10, $0x38;
	[tilespmem:$0x6400] =	vst v63  }
0x38: {  	_ =	swait.ge [sflag:s9], $0x10  }
0x39: {  	[sflag:s9] =	ssyncset.done $0x0  }
0x3a: {  	s1 =	rddreg [dreg:$0xb];
	[sflag:s9] =	ssyncadd.s32 $0xFFFFFFF0  }
0x3b: {  	[tilespmem:s17], [sflag:$0x1] =	stream.linear.gather [hbm4b:s1+s2], $0x3000, $0x38;
	[tilespmem:$0x6400] =	vst v63  }
0x3c: {  	_ =	swait.ge [sflag:s18], $0x3000  }
0x3d: {  	[sflag:s18] =	ssyncset.done $0x0  }
0x3e: {  	s1 =	rddreg [dreg:$0xc];
	[sflag:s18] =	ssyncadd.s32 $0xFFFFD000  }
0x3f: {  	[tilespmem:s19], [sflag:$0x1] =	stream.linear.gather [hbm4b:s1+s2], $0x3000, $0x38;
	[tilespmem:$0x6400] =	vst v63  }
0x40: {  	v3 =	vld [tilespmem:$0x0];
	_ =	sdelay $0x4  }
0x41: {  	v4 =	vshrl.u32 v3, $0x3  }
0x42: {  	v4 =	vmul.u32 $0x30, v4  }
0x43: {  	v3 =	vand.u32 $0x7, v3  }
0x44: {  	v3 =	vor.u32 v3, v4  }
0x45: {  	v4 =	vperm.xlane v3, v0;
	_ =	sdelay $0x1  }
0x46: {  	v4 =	vadd.s32 v1, v4;
	_ =	sdelay $0x3  }
0x47: {  	v3 =	vperm.xlane v3, v2  }
0x48: {  	[hbm4b:s3+s2] =	stream.indirect_vreg.scatter [tilespmem:s17], [sflag:$0x2], $0x80, v4, vm0, $0xb8;
	[tilespmem:$0x6400] =	vst v63  }
0x49: {  	v3 =	vadd.s32 v1, v3  }
0x4a: {  	[hbm4b:s4+s2] =	stream.indirect_vreg.scatter [tilespmem:s20], [sflag:$0x2], $0x80, v4, vm0, $0xb8;
	[tilespmem:$0x6400] =	vst v63  }
0x4b: {  	_ = 	snop  }
0x4c: {  	[hbm4b:s5+s2] =	stream.indirect_vreg.scatter [tilespmem:s21], [sflag:$0x2], $0x80, v4, vm0, $0xb8;
	[tilespmem:$0x6400] =	vst v63  }
0x4d: {  	_ = 	snop  }
0x4e: {  	[hbm4b:s3+s2] =	stream.indirect_vreg.scatter [tilespmem:s22], [sflag:$0x2], $0x80, v3, vm0, $0xb8;
	[tilespmem:$0x6400] =	vst v63  }
0x4f: {  	_ = 	snop  }
0x50: {  	[hbm4b:s4+s2] =	stream.indirect_vreg.scatter [tilespmem:s23], [sflag:$0x2], $0x80, v3, vm0, $0xb8;
	[tilespmem:$0x6400] =	vst v63  }
0x51: {  	_ = 	snop  }
0x52: {  	[hbm4b:s5+s2] =	stream.indirect_vreg.scatter [tilespmem:s24], [sflag:$0x2], $0x80, v3, vm0, $0xb8;
	[tilespmem:$0x6400] =	vst v63  }
0x53: {  	v3 =	vld [tilespmem:$0x200];
	_ =	sdelay $0x4  }
0x54: {  	v57 =	vshrl.u32 v3, $0x3  }
0x55: {  	v4 =	vmul.u32 $0x30, v57  }
0x56: {  	v3 =	vand.u32 $0x7, v3  }
0x57: {  	v3 =	vor.u32 v3, v4  }
0x58: {  	v4 =	vperm.xlane v3, v0;
	_ =	sdelay $0x1  }
0x59: {  	v4 =	vadd.s32 v1, v4;
	_ =	sdelay $0x3  }
0x5a: {  	v3 =	vperm.xlane v3, v2  }
0x5b: {  	[hbm4b:s3+s2] =	stream.indirect_vreg.scatter [tilespmem:s17], [sflag:$0x3], $0x80, v4, vm0, $0xb8;
	[tilespmem:$0x6400] =	vst v63  }
0x5c: {  	v3 =	vadd.s32 v1, v3  }
0x5d: {  	[hbm4b:s4+s2] =	stream.indirect_vreg.scatter [tilespmem:s20], [sflag:$0x3], $0x80, v4, vm0, $0xb8;
	[tilespmem:$0x6400] =	vst v63  }
0x5e: {  	_ = 	snop  }
0x5f: {  	[hbm4b:s5+s2] =	stream.indirect_vreg.scatter [tilespmem:s21], [sflag:$0x3], $0x80, v4, vm0, $0xb8;
	[tilespmem:$0x6400] =	vst v63  }
0x60: {  	_ = 	snop  }
0x61: {  	[hbm4b:s3+s2] =	stream.indirect_vreg.scatter [tilespmem:s22], [sflag:$0x3], $0x80, v3, vm0, $0xb8;
	[tilespmem:$0x6400] =	vst v63  }
0x62: {  	_ = 	snop  }
0x63: {  	[hbm4b:s4+s2] =	stream.indirect_vreg.scatter [tilespmem:s23], [sflag:$0x3], $0x80, v3, vm0, $0xb8;
	[tilespmem:$0x6400] =	vst v63  }
0x64: {  	_ = 	snop  }
0x65: {  	[hbm4b:s5+s2] =	stream.indirect_vreg.scatter [tilespmem:s24], [sflag:$0x3], $0x80, v3, vm0, $0xb8;
	[tilespmem:$0x6400] =	vst v63  }
0x66: {  	_ =	swait.ge [sflag:s18], $0x3000  }
0x67: {  	[sflag:s18] =	ssyncset.done $0x0  }
0x68: {  	[sflag:s18] =	ssyncadd.s32 $0xFFFFD000  }
0x69: {  	_ =	swait.ge [sflag:s25], $0x3000  }
0x6a: {  	[sflag:s25] =	ssyncset.done $0x0  }
0x6b: {  	[sflag:s25] =	ssyncadd.s32 $0xFFFFD000  }
0x6c: {  	_ =	swait.ge [sflag:s26], $0x3000  }
0x6d: {  	[sflag:s26] =	ssyncset.done $0x0  }
0x6e: {  	[sflag:s26] =	ssyncadd.s32 $0xFFFFD000  }
0x6f: {  	[tilespmem:s17], [sflag:$0x1] =	stream.linear.gather [hbm4b:s6+s2], $0x3000, $0x38;
	[tilespmem:$0x6400] =	vst v63  }
0x70: {  	v3 =	vld [tilespmem:$0x80];
	_ =	sdelay $0x4  }
0x71: {  	v58 =	vshrl.u32 v3, $0x3  }
0x72: {  	v4 =	vmul.u32 $0x30, v58  }
0x73: {  	v3 =	vand.u32 $0x7, v3  }
0x74: {  	v3 =	vor.u32 v3, v4  }
0x75: {  	v4 =	vperm.xlane v3, v0;
	_ =	sdelay $0x1  }
0x76: {  	v4 =	vadd.s32 v1, v4;
	_ =	sdelay $0x3  }
0x77: {  	v3 =	vperm.xlane v3, v2  }
0x78: {  	[hbm4b:s3+s2] =	stream.indirect_vreg.scatter [tilespmem:s19], [sflag:$0x2], $0x80, v4, vm0, $0xb8;
	[tilespmem:$0x6400] =	vst v63  }
0x79: {  	v3 =	vadd.s32 v1, v3  }
0x7a: {  	[hbm4b:s4+s2] =	stream.indirect_vreg.scatter [tilespmem:s28], [sflag:$0x2], $0x80, v4, vm0, $0xb8;
	[tilespmem:$0x6400] =	vst v63  }
0x7b: {  	_ = 	snop  }
0x7c: {  	[hbm4b:s5+s2] =	stream.indirect_vreg.scatter [tilespmem:s29], [sflag:$0x2], $0x80, v4, vm0, $0xb8;
	[tilespmem:$0x6400] =	vst v63  }
0x7d: {  	_ = 	snop  }
0x7e: {  	[hbm4b:s3+s2] =	stream.indirect_vreg.scatter [tilespmem:s30], [sflag:$0x2], $0x80, v3, vm0, $0xb8;
	[tilespmem:$0x6400] =	vst v63  }
0x7f: {  	_ = 	snop  }
0x80: {  	[hbm4b:s4+s2] =	stream.indirect_vreg.scatter [tilespmem:s31], [sflag:$0x2], $0x80, v3, vm0, $0xb8;
	[tilespmem:$0x6400] =	vst v63  }
0x81: {  	_ = 	snop  }
0x82: {  	[hbm4b:s5+s2] =	stream.indirect_vreg.scatter [tilespmem:s0], [sflag:$0x2], $0x80, v3, vm0, $0xb8;
	[tilespmem:$0x6400] =	vst v63  }
0x83: {  	v3 =	vld [tilespmem:$0x280];
	_ =	sdelay $0x4  }
0x84: {  	v59 =	vshrl.u32 v3, $0x3  }
0x85: {  	v4 =	vmul.u32 $0x30, v59  }
0x86: {  	v3 =	vand.u32 $0x7, v3  }
0x87: {  	v3 =	vor.u32 v3, v4  }
0x88: {  	v4 =	vperm.xlane v3, v0;
	_ =	sdelay $0x1  }
0x89: {  	v4 =	vadd.s32 v1, v4;
	_ =	sdelay $0x3  }
0x8a: {  	v3 =	vperm.xlane v3, v2  }
0x8b: {  	[hbm4b:s3+s2] =	stream.indirect_vreg.scatter [tilespmem:s19], [sflag:$0x3], $0x80, v4, vm0, $0xb8;
	[tilespmem:$0x6400] =	vst v63  }
0x8c: {  	v3 =	vadd.s32 v1, v3  }
0x8d: {  	[hbm4b:s4+s2] =	stream.indirect_vreg.scatter [tilespmem:s28], [sflag:$0x3], $0x80, v4, vm0, $0xb8;
	[tilespmem:$0x6400] =	vst v63  }
0x8e: {  	_ = 	snop  }
0x8f: {  	[hbm4b:s5+s2] =	stream.indirect_vreg.scatter [tilespmem:s29], [sflag:$0x3], $0x80, v4, vm0, $0xb8;
	[tilespmem:$0x6400] =	vst v63  }
0x90: {  	_ = 	snop  }
0x91: {  	[hbm4b:s3+s2] =	stream.indirect_vreg.scatter [tilespmem:s30], [sflag:$0x3], $0x80, v3, vm0, $0xb8;
	[tilespmem:$0x6400] =	vst v63  }
0x92: {  	_ = 	snop  }
0x93: {  	[hbm4b:s4+s2] =	stream.indirect_vreg.scatter [tilespmem:s31], [sflag:$0x3], $0x80, v3, vm0, $0xb8;
	[tilespmem:$0x6400] =	vst v63  }
0x94: {  	_ = 	snop  }
0x95: {  	[hbm4b:s5+s2] =	stream.indirect_vreg.scatter [tilespmem:s0], [sflag:$0x3], $0x80, v3, vm0, $0xb8;
	[tilespmem:$0x6400] =	vst v63  }
0x96: {  	_ =	swait.ge [sflag:s18], $0x3000  }
0x97: {  	[sflag:s18] =	ssyncset.done $0x0  }
0x98: {  	[sflag:s18] =	ssyncadd.s32 $0xFFFFD000  }
0x99: {  	_ =	swait.ge [sflag:s25], $0x3000  }
0x9a: {  	[sflag:s25] =	ssyncset.done $0x0  }
0x9b: {  	[sflag:s25] =	ssyncadd.s32 $0xFFFFD000  }
0x9c: {  	_ =	swait.ge [sflag:s26], $0x3000  }
0x9d: {  	[sflag:s26] =	ssyncset.done $0x0  }
0x9e: {  	[sflag:s26] =	ssyncadd.s32 $0xFFFFD000  }
0x9f: {  	[tilespmem:s19], [sflag:$0x1] =	stream.linear.gather [hbm4b:s7+s2], $0x3000, $0x38;
	[tilespmem:$0x6400] =	vst v63  }
0xa0: {  	v3 =	vld [tilespmem:$0x100];
	_ =	sdelay $0x4  }
0xa1: {  	v60 =	vshrl.u32 v3, $0x3  }
0xa2: {  	v4 =	vmul.u32 $0x30, v60  }
0xa3: {  	v3 =	vand.u32 $0x7, v3  }
0xa4: {  	v3 =	vor.u32 v3, v4  }
0xa5: {  	v4 =	vperm.xlane v3, v0;
	_ =	sdelay $0x1  }
0xa6: {  	v4 =	vadd.s32 v1, v4;
	_ =	sdelay $0x3  }
0xa7: {  	v3 =	vperm.xlane v3, v2  }
0xa8: {  	[hbm4b:s3+s2] =	stream.indirect_vreg.scatter [tilespmem:s17], [sflag:$0x2], $0x80, v4, vm0, $0xb8;
	[tilespmem:$0x6400] =	vst v63  }
0xa9: {  	v3 =	vadd.s32 v1, v3  }
0xaa: {  	[hbm4b:s4+s2] =	stream.indirect_vreg.scatter [tilespmem:s20], [sflag:$0x2], $0x80, v4, vm0, $0xb8;
	[tilespmem:$0x6400] =	vst v63  }
0xab: {  	_ = 	snop  }
0xac: {  	[hbm4b:s5+s2] =	stream.indirect_vreg.scatter [tilespmem:s21], [sflag:$0x2], $0x80, v4, vm0, $0xb8;
	[tilespmem:$0x6400] =	vst v63  }
0xad: {  	_ = 	snop  }
0xae: {  	[hbm4b:s3+s2] =	stream.indirect_vreg.scatter [tilespmem:s22], [sflag:$0x2], $0x80, v3, vm0, $0xb8;
	[tilespmem:$0x6400] =	vst v63  }
0xaf: {  	_ = 	snop  }
0xb0: {  	[hbm4b:s4+s2] =	stream.indirect_vreg.scatter [tilespmem:s23], [sflag:$0x2], $0x80, v3, vm0, $0xb8;
	[tilespmem:$0x6400] =	vst v63  }
0xb1: {  	_ = 	snop  }
0xb2: {  	[hbm4b:s5+s2] =	stream.indirect_vreg.scatter [tilespmem:s24], [sflag:$0x2], $0x80, v3, vm0, $0xb8;
	[tilespmem:$0x6400] =	vst v63  }
0xb3: {  	v3 =	vld [tilespmem:$0x300];
	_ =	sdelay $0x4  }
0xb4: {  	v61 =	vshrl.u32 v3, $0x3  }
0xb5: {  	v4 =	vmul.u32 $0x30, v61  }
0xb6: {  	v3 =	vand.u32 $0x7, v3  }
0xb7: {  	v3 =	vor.u32 v3, v4  }
0xb8: {  	v4 =	vperm.xlane v3, v0;
	_ =	sdelay $0x1  }
0xb9: {  	v4 =	vadd.s32 v1, v4;
	_ =	sdelay $0x3  }
0xba: {  	v3 =	vperm.xlane v3, v2  }
0xbb: {  	[hbm4b:s3+s2] =	stream.indirect_vreg.scatter [tilespmem:s17], [sflag:$0x3], $0x80, v4, vm0, $0xb8;
	[tilespmem:$0x6400] =	vst v63  }
0xbc: {  	v3 =	vadd.s32 v1, v3  }
0xbd: {  	[hbm4b:s4+s2] =	stream.indirect_vreg.scatter [tilespmem:s20], [sflag:$0x3], $0x80, v4, vm0, $0xb8;
	[tilespmem:$0x6400] =	vst v63  }
0xbe: {  	_ = 	snop  }
0xbf: {  	[hbm4b:s5+s2] =	stream.indirect_vreg.scatter [tilespmem:s21], [sflag:$0x3], $0x80, v4, vm0, $0xb8;
	[tilespmem:$0x6400] =	vst v63  }
0xc0: {  	_ = 	snop  }
0xc1: {  	[hbm4b:s3+s2] =	stream.indirect_vreg.scatter [tilespmem:s22], [sflag:$0x3], $0x80, v3, vm0, $0xb8;
	[tilespmem:$0x6400] =	vst v63  }
0xc2: {  	_ = 	snop  }
0xc3: {  	[hbm4b:s4+s2] =	stream.indirect_vreg.scatter [tilespmem:s23], [sflag:$0x3], $0x80, v3, vm0, $0xb8;
	[tilespmem:$0x6400] =	vst v63  }
0xc4: {  	_ = 	snop  }
0xc5: {  	[hbm4b:s5+s2] =	stream.indirect_vreg.scatter [tilespmem:s24], [sflag:$0x3], $0x80, v3, vm0, $0xb8;
	[tilespmem:$0x6400] =	vst v63  }
0xc6: {  	_ =	swait.ge [sflag:s18], $0x3000  }
0xc7: {  	[sflag:s18] =	ssyncset.done $0x0  }
0xc8: {  	[sflag:s18] =	ssyncadd.s32 $0xFFFFD000  }
0xc9: {  	v3 =	vld [tilespmem:$0x180];
	_ =	sdelay $0x4  }
0xca: {  	v62 =	vshrl.u32 v3, $0x3  }
0xcb: {  	v4 =	vmul.u32 $0x30, v62  }
0xcc: {  	v3 =	vand.u32 $0x7, v3  }
0xcd: {  	v3 =	vor.u32 v3, v4  }
0xce: {  	v4 =	vperm.xlane v3, v0;
	_ =	sdelay $0x1  }
0xcf: {  	v4 =	vadd.s32 v1, v4;
	_ =	sdelay $0x3  }
0xd0: {  	v3 =	vperm.xlane v3, v2  }
0xd1: {  	[hbm4b:s3+s2] =	stream.indirect_vreg.scatter [tilespmem:s19], [sflag:$0x2], $0x80, v4, vm0, $0xb8;
	[tilespmem:$0x6400] =	vst v63  }
0xd2: {  	v3 =	vadd.s32 v1, v3  }
0xd3: {  	[hbm4b:s4+s2] =	stream.indirect_vreg.scatter [tilespmem:s28], [sflag:$0x2], $0x80, v4, vm0, $0xb8;
	[tilespmem:$0x6400] =	vst v63  }
0xd4: {  	_ = 	snop  }
0xd5: {  	[hbm4b:s5+s2] =	stream.indirect_vreg.scatter [tilespmem:s29], [sflag:$0x2], $0x80, v4, vm0, $0xb8;
	[tilespmem:$0x6400] =	vst v63  }
0xd6: {  	_ = 	snop  }
0xd7: {  	[hbm4b:s3+s2] =	stream.indirect_vreg.scatter [tilespmem:s30], [sflag:$0x2], $0x80, v3, vm0, $0xb8;
	[tilespmem:$0x6400] =	vst v63  }
0xd8: {  	_ = 	snop  }
0xd9: {  	[hbm4b:s4+s2] =	stream.indirect_vreg.scatter [tilespmem:s31], [sflag:$0x2], $0x80, v3, vm0, $0xb8;
	[tilespmem:$0x6400] =	vst v63  }
0xda: {  	_ = 	snop  }
0xdb: {  	[hbm4b:s5+s2] =	stream.indirect_vreg.scatter [tilespmem:s0], [sflag:$0x2], $0x80, v3, vm0, $0xb8;
	[tilespmem:$0x6400] =	vst v63  }
0xdc: {  	v3 =	vld [tilespmem:$0x380];
	_ =	sdelay $0x4  }
0xdd: {  	v63 =	vshrl.u32 v3, $0x3  }
0xde: {  	v4 =	vmul.u32 $0x30, v63  }
0xdf: {  	v3 =	vand.u32 $0x7, v3  }
0xe0: {  	v3 =	vor.u32 v3, v4  }
0xe1: {  	v4 =	vperm.xlane v3, v0;
	_ =	sdelay $0x1  }
0xe2: {  	v4 =	vadd.s32 v1, v4;
	_ =	sdelay $0x3  }
0xe3: {  	v3 =	vperm.xlane v3, v2  }
0xe4: {  	[hbm4b:s3+s2] =	stream.indirect_vreg.scatter [tilespmem:s19], [sflag:$0x3], $0x80, v4, vm0, $0xb8;
	[tilespmem:$0x6400] =	vst v63  }
0xe5: {  	v3 =	vadd.s32 v1, v3  }
0xe6: {  	[hbm4b:s4+s2] =	stream.indirect_vreg.scatter [tilespmem:s28], [sflag:$0x3], $0x80, v4, vm0, $0xb8;
	[tilespmem:$0x6400] =	vst v63  }
0xe7: {  	_ = 	snop  }
0xe8: {  	[hbm4b:s5+s2] =	stream.indirect_vreg.scatter [tilespmem:s29], [sflag:$0x3], $0x80, v4, vm0, $0xb8;
	[tilespmem:$0x6400] =	vst v63  }
0xe9: {  	_ = 	snop  }
0xea: {  	[hbm4b:s3+s2] =	stream.indirect_vreg.scatter [tilespmem:s30], [sflag:$0x3], $0x80, v3, vm0, $0xb8;
	[tilespmem:$0x6400] =	vst v63  }
0xeb: {  	_ = 	snop  }
0xec: {  	[hbm4b:s4+s2] =	stream.indirect_vreg.scatter [tilespmem:s31], [sflag:$0x3], $0x80, v3, vm0, $0xb8;
	[tilespmem:$0x6400] =	vst v63  }
0xed: {  	_ = 	snop  }
0xee: {  	[hbm4b:s5+s2] =	stream.indirect_vreg.scatter [tilespmem:s0], [sflag:$0x3], $0x80, v3, vm0, $0xb8;
	[tilespmem:$0x6400] =	vst v63  }
0xef: {  	_ =	swait.ge [sflag:s25], $0x3000  }
0xf0: {  	[sflag:s25] =	ssyncset.done $0x0  }
0xf1: {  	[sflag:s25] =	ssyncadd.s32 $0xFFFFD000  }
0xf2: {  	_ =	swait.ge [sflag:s26], $0x3000  }
0xf3: {  	[sflag:s26] =	ssyncset.done $0x0  }
0xf4: {  	[sflag:s26] =	ssyncadd.s32 $0xFFFFD000  }
0xf5: {  	p0 =	sne.s32 s8, $0x1;
	_ =	swait.ge [sflag:s25], $0x3000  }
.Ltmp0:
0xf6: {  	[sflag:s25] =	ssyncset.done $0x0;
	(pc) =	sbr.rel @p0 .LBB2_1-.Ltmp0, $4  }
0xf7: {  	[sflag:s25] =	ssyncadd.s32 $0xFFFFD000  }
0xf8: {  	_ =	swait.ge [sflag:s26], $0x3000  }
0xf9: {  	[sflag:s26] =	ssyncset.done $0x0  }
0xfa: {  	s8 =	sadd.s32 $0xFFFFFFFF, s8;
	[sflag:s26] =	ssyncadd.s32 $0xFFFFD000  }
0xfb: {  	_ =	sfence.sel $0x180000  }
0xfc: {  	[bflag:$0x0] =	sbarrier.arrive $0xFFFF  }
0xfd: {  	_ =	strace $0x9000004A  }
0xfe: {  	s0 =	stileid.u32;
	[bflag:$0x2] =	sbarrier.arrive $0xFFFF  }
0xff: {  	p0 =	sne.s32 s0, $0x0;
	s0 =	rddreg [dreg:$0x2]  }
0x100: {  	s0 =	sadd.s32 @!p0 $0x100000, s0  }
0x101: {  	[sflag:s0] =	ssyncadd.tile.s32 @!p0 $0x1;
	_ =	shalt  }
.Lfunc_end2:
_tile_overlayer_lowered:
.L_overlay_start_2:
0x102: {  	(tag) =	ssettag $0x2  }
0x103: {  	s0 =	rddreg [dreg:$0x0];
	s2 =	stileid.u32  }
0x104: {  	s1 =	rddreg [dreg:$0x1];
	p0 =	sne.s32 s2, $0x0  }
0x105: {  	s3 =	rddreg [dreg:$0x2];
	[bflag:$0x3] =	sbarrier.arrive $0xFFFF;
	s2 =	simm.s32 @!p0 $0x1C04  }
0x106: {  	[timem:s3], [sflag:s2] =	dma.local @!p0 [hbm:s0], s1  }
0x107: {  	s0 =	simm.s32 @!p0 $0x4  }
0x108: {  	_ =	swait.ge @!p0 [sflag:s0], s1  }
0x109: {  	s1 =	ssub.s32 @!p0 $0x0, s1;
	[sflag:s0] =	ssyncset.done @!p0 $0x0  }
0x10a: {  	[sflag:s0] =	ssyncadd.s32 @!p0 s1  }
0x10b: {  	[bflag:$0x3] =	sbarrier.arrive $0xFFFF  }
0x10c: {  	_ =	shalt  }

// kernel: kernel.13.cloned.1.call-start
scs
__scs_entry_jumppad:
0x0: {  	(pc) =	sbr.rel $0x88, $3  }
0x1: {  	(tag) =	ssettag $0x0;
	lr =	simm.s32 $0x1  }
0x2: {  	[smem:$0x3F9C] =	sst lr;
	_ =	strace $0xD0000000  }
0x3: {  	_ = 	snop  }
0x4: {  	_ = 	snop  }
0x5: {  	_ = 	snop  }
0x6: {  	_ = 	snop  }
0x7: {  	_ = 	snop  }
__scs_overlays_trampoline_lowered:
0x8: {  	[smem:$0x3FAB] =	sst s0  }
0x9: {  	[smem:$0x3FAC] =	sst s1  }
0xa: {  	[smem:$0x3FAD] =	sst s2  }
0xb: {  	[smem:$0x3FAE] =	sst s3  }
0xc: {  	[smem:$0x3FAF] =	sst s4  }
0xd: {  	[smem:$0x3FB0] =	sst s5  }
0xe: {  	[smem:$0x3FB1] =	sst s6  }
0xf: {  	[smem:$0x3FB2] =	sst s7  }
0x10: {  	[smem:$0x3FB3] =	sst s8  }
0x11: {  	[smem:$0x3FB4] =	sst s9;
	s0 =	simm.s32 @!p0 $0x0  }
0x12: {  	s1 =	sld [smem:$0x3F9A];
	s0 =	simm.s32 @p0 $0x1  }
0x13: {  	[smem:$0x3FB5] =	sst s0;
	s0 =	simm.s32 @!p1 $0x0  }
0x14: {  	s2 =	sld [smem:$0x3F99];
	s0 =	simm.s32 @p1 $0x1  }
0x15: {  	[smem:$0x3FB6] =	sst s0;
	s0 =	simm.s32 @!p2 $0x0  }
0x16: {  	s3 =	sld [smem:$0x3FDB];
	s0 =	simm.s32 @p2 $0x1  }
0x17: {  	s4 =	simm.s32 $0x1BF5;
	[smem:$0x3FB8] =	sst s0  }
0x18: {  	s0 =	sld [smem:$0x3F9B];
	_ =	swait.ge [sflag:s4], $0x0  }
0x19: {  	s7 =	sld [smem:$0x3F9C]  }
0x1a: {  	s8 =	sadd.s32 $0xFFFFE003, lr  }
0x1b: {  	s9 =	sadd.s32 $0xFFFFFEF7, lr;
	s5 =	simm.s32 $0xFFFFFFFF;
	p2 =	slt.u32 s8, $0xFFFFF086  }
0x1c: {  	p1 =	slt.u32 s9, $0xF7A;
	s5 =	simm.s32 @!p2 $0x0  }
0x1d: {  	s5 =	simm.s32 @p1 $0x1;
	p0 =	seq.s32 s7, s2  }
0x1e: {  	s7 =	smul.u32 @!p0 $0xF7A, s2;
	p2 =	seq.s32 @!p0 s5, $0x0  }
0x1f: {  	s9 =	smul.u32 $0xF7A, s1;
	s8 =	simm.s32 @!p0 $0x1BF5;
	p2 =	por !p2, p0  }
0x20: {  	[sflag:s8] =	ssyncset.s32 @!p0 $0xFFFFF086;
	s6 =	sadd.s32 @!p0 s3, s7;
	s7 =	simm.s32 @!p0 $0x108  }
0x21: {  	s3 =	sadd.s32 s3, s9;
	s6 =	sadd.s32 @!p0 $0x88, s6;
	s7 =	simm.s32 @p2 $0x1082  }
0x22: {  	[simem:s7], [sflag:s8] =	dma.local @!p0 [hbm:s6], $0xF7A  }
0x23: {  	s9 =	sor.u32 $0xD0000000, s2;
	s6 =	simm.s32 $0x108;
	_ =	swait.ge @!p0 [sflag:s8], $0x0  }
0x24: {  	s3 =	sadd.s32 $0x88, s3;
	s6 =	simm.s32 @!p1 $0x1082;
	[sflag:s4] =	ssyncset.s32 $0xFFFFF086  }
0x25: {  	[simem:s6], [sflag:s4] =	dma.local [hbm:s3], $0xF7A  }
0x26: {  	[smem:$0x3F9C] =	sst s1;
	(tag) =	ssettag s2;
	_ =	strace s9  }
0x27: {  	s1 =	sld [smem:$0x3FAC]  }
0x28: {  	s2 =	sld [smem:$0x3FAD]  }
0x29: {  	s4 =	sld [smem:$0x3FAF]  }
0x2a: {  	p0 =	seq.s32 s5, $0x0;
	s5 =	sld [smem:$0x3FB0]  }
0x2b: {  	s6 =	sld [smem:$0x3FB1]  }
0x2c: {  	s7 =	sld [smem:$0x3FB2]  }
0x2d: {  	s3 =	simm.s32 $0x108;
	s8 =	sld [smem:$0x3FB3]  }
0x2e: {  	s3 =	simm.s32 @!p0 $0x1082;
	s9 =	sld [smem:$0x3FB4]  }
0x2f: {  	lr =	sadd.s32 s0, s3;
	s0 =	sld [smem:$0x3FAB]  }
0x30: {  	s3 =	sld [smem:$0x3FAE]  }
0x31: {  	[smem:$0x3FB7] =	sst s10  }
0x32: {  	s10 =	sld [smem:$0x3FB5];
	_ =	sdelay $0x3  }
0x33: {  	p0 =	seq.s32 s10, $0x1;
	s10 =	sld [smem:$0x3FB7];
	_ =	sdelay $0x3  }
0x34: {  	[smem:$0x3FB7] =	sst s10  }
0x35: {  	s10 =	sld [smem:$0x3FB6];
	_ =	sdelay $0x3  }
0x36: {  	p1 =	seq.s32 s10, $0x1;
	s10 =	sld [smem:$0x3FB7];
	_ =	sdelay $0x3  }
0x37: {  	[smem:$0x3FB7] =	sst s10  }
0x38: {  	s10 =	sld [smem:$0x3FB8]  }
0x39: {  	_ = 	snop;
	(pc) =	sbr.ind lr, $3  }
0x3a: {  	_ = 	snop  }
0x3b: {  	_ = 	snop  }
0x3c: {  	p2 =	seq.s32 s10, $0x1;
	s10 =	sld [smem:$0x3FB7]  }
0x3d: {  	_ =	shalt  }
0x3e: {  	_ =	shalt  }
0x3f: {  	_ =	shalt  }
0x40: {  	_ =	shalt  }
0x41: {  	_ =	shalt  }
0x42: {  	_ =	shalt  }
0x43: {  	_ =	shalt  }
0x44: {  	_ =	shalt  }
0x45: {  	_ =	shalt  }
0x46: {  	_ =	shalt  }
0x47: {  	_ =	shalt  }
0x48: {  	_ =	shalt  }
0x49: {  	_ =	shalt  }
0x4a: {  	_ =	shalt  }
0x4b: {  	_ =	shalt  }
0x4c: {  	_ =	shalt  }
0x4d: {  	_ =	shalt  }
0x4e: {  	_ =	shalt  }
0x4f: {  	_ =	shalt  }
0x50: {  	_ =	shalt  }
0x51: {  	_ =	shalt  }
0x52: {  	_ =	shalt  }
0x53: {  	_ =	shalt  }
0x54: {  	_ =	shalt  }
0x55: {  	_ =	shalt  }
0x56: {  	_ =	shalt  }
0x57: {  	_ =	shalt  }
0x58: {  	_ =	shalt  }
0x59: {  	_ =	shalt  }
0x5a: {  	_ =	shalt  }
0x5b: {  	_ =	shalt  }
0x5c: {  	_ =	shalt  }
0x5d: {  	_ =	shalt  }
0x5e: {  	_ =	shalt  }
0x5f: {  	_ =	shalt  }
0x60: {  	_ =	shalt  }
0x61: {  	_ =	shalt  }
0x62: {  	_ =	shalt  }
0x63: {  	_ =	shalt  }
0x64: {  	_ =	shalt  }
0x65: {  	_ =	shalt  }
0x66: {  	_ =	shalt  }
0x67: {  	_ =	shalt  }
0x68: {  	_ =	shalt  }
0x69: {  	_ =	shalt  }
0x6a: {  	_ =	shalt  }
0x6b: {  	_ =	shalt  }
0x6c: {  	_ =	shalt  }
0x6d: {  	_ =	shalt  }
0x6e: {  	_ =	shalt  }
0x6f: {  	_ =	shalt  }
0x70: {  	_ =	shalt  }
0x71: {  	_ =	shalt  }
0x72: {  	_ =	shalt  }
0x73: {  	_ =	shalt  }
0x74: {  	_ =	shalt  }
0x75: {  	_ =	shalt  }
0x76: {  	_ =	shalt  }
0x77: {  	_ =	shalt  }
0x78: {  	_ =	shalt  }
0x79: {  	_ =	shalt  }
0x7a: {  	_ =	shalt  }
0x7b: {  	_ =	shalt  }
0x7c: {  	_ =	shalt  }
0x7d: {  	_ =	shalt  }
0x7e: {  	_ =	shalt  }
0x7f: {  	_ =	shalt  }
0x80: {  	_ =	shalt  }
0x81: {  	_ =	shalt  }
0x82: {  	_ =	shalt  }
0x83: {  	_ =	shalt  }
0x84: {  	_ =	shalt  }
0x85: {  	_ =	shalt  }
0x86: {  	_ =	shalt  }
0x87: {  	_ =	shalt  }
.Lfunc_end0:
.L_simem_size_0:
called_computation.2_lowered:
.L_overlay_start_0:
0x88: {  	s2 =	sld [smem:$0x3FD9]  }
0x89: {  	s3 =	sld [smem:$0x3FFE];
	_ =	sdelay $0x1  }
0x8a: {  	s1 =	srdreg.scid  }
0x8b: {  	s0 =	sand.u32 $0x1, s1  }
0x8c: {  	s14 =	sshll.u32 s0, $0xA;
	s2 =	sadd.s32 s3, s2  }
0x8d: {  	s2 =	sadd.s32 s2, s14  }
0x8e: {  	[smem:$0x3FC3] =	sst s2  }
0x8f: {  	_ = 	snop  }
0x90: {  	s2 =	sld [smem:$0x3FD0];
	_ =	sdelay $0x2  }
0x91: {  	s15 =	simm.s32 $0xA;
	s4 =	simm.s32 $0x10  }
0x92: {  	[smem:s4], [sflag:s15] =	dma.local [hbm:s2], $0x1  }
0x93: {  	_ =	swait.eq [sflag:s15], $0x1  }
0x94: {  	[sflag:s15] =	ssyncset.done $0x0  }
0x95: {  	[sflag:s15] =	ssyncadd.s32 $0xFFFFFFFF  }
0x96: {  	s16 =	sld [smem:$0x10];
	(tm) =	ssettm $0x1  }
0x97: {  	s17 =	sld [smem:$0x3FFB];
	_ =	sdelay $0x3  }
0x98: {  	_ =	strace s17  }
0x99: {  	s3 =	sld [smem:$0x3FFC];
	_ =	sdelay $0x3  }
0x9a: {  	_ =	strace s3  }
0x9b: {  	s3 =	sld [smem:$0x3FFD];
	_ =	sdelay $0x3  }
0x9c: {  	_ =	strace s3  }
0x9d: {  	_ =	strace $0x8FFFFFFF  }
0x9e: {  	s18 =	sld [smem:$0x3FDB];
	_ =	sdelay $0x1  }
0x9f: {  	s19 =	simm.s32 $_scs_section_size  }
0xa0: {  	s5 =	simm.s32 $_size__tile_overlayer_lowered;
	s6 =	simm.s32 $_tile_overlayer_lowered  }
0xa1: {  	s22 =	simm.s32 $0x1BFF;
	s21 =	sshll.u32 s6, $0x1;
	s3 =	sadd.s32 s19, s18  }
0xa2: {  	s7 =	simm.s32 $0x0;
	s20 =	sshll.u32 s5, $0x1;
	s5 =	sadd.s32 s21, s3  }
0xa3: {  	[timem:s7], [sflag:s22] =	dma.local [hbm:s5], s20  }
0xa4: {  	_ =	swait.ge [sflag:s22], s20  }
0xa5: {  	s4 =	ssub.s32 $0x0, s20;
	[sflag:s22] =	ssyncset.done $0x0  }
0xa6: {  	[sflag:s22] =	ssyncadd.s32 s4;
	_ =	sdelay $0x1  }
0xa7: {  	s23 =	simm.s32 $0x1B8B  }
0xa8: {  	_ =	swait.ge [sflag:s23], $0x1  }
0xa9: {  	[sflag:s23] =	ssyncset.done $0x0  }
0xaa: {  	s25 =	simm.s32 $0x1B8E;
	s24 =	sld [smem:$0x3FFE];
	[sflag:s23] =	ssyncadd.s32 $0xFFFFFFFF  }
0xab: {  	s26 =	simm.s32 $execute0_lowered;
	[smem:$0x3FD2] =	sst s25  }
0xac: {  	s5 =	sshll.u32 s26, $0x1;
	_ =	strace $0x8000004C;
	[dreg:$0x1] =	wrdreg $0xFFFFFFFF  }
0xad: {  	s28 =	simm.s32 $_size_execute0_lowered;
	s3 =	sadd.s32 s3, s5;
	[dreg:$0x0] =	wrdreg $0x0  }
0xae: {  	s5 =	sshll.u32 s28, $0x1;
	[dreg:$0x2] =	wrdreg s3  }
0xaf: {  	[dreg:$0x3] =	wrdreg s5  }
0xb0: {  	[dreg:$0x4] =	wrdreg $0xC0  }
0xb1: {  	_ =	task [dreg:s7], $0x5FFFF  }
0xb2: {  	[dreg:$0x1] =	wrdreg $0xFFFFFFFF  }
0xb3: {  	[dreg:$0x0] =	wrdreg $0x60  }
0xb4: {  	[dreg:$0x2] =	wrdreg s24  }
0xb5: {  	[dreg:$0x3] =	wrdreg s16  }
0xb6: {  	[dreg:$0x4] =	wrdreg $0x9  }
0xb7: {  	_ =	task.clear_ibuf [dreg:s7], $0x5FFFF;
	_ =	strace $0x9000004C  }
0xb8: {  	s29 =	simm.s32 $0x9;
	_ =	strace $0x8000004E  }
0xb9: {  	_ =	swait.ge [sflag:s29], $0x1  }
0xba: {  	[sflag:s29] =	ssyncadd.s32 $0xFFFFFFFF  }
0xbb: {  	_ =	strace $0x9000004E  }
0xbc: {  	_ =	sfence  }
0xbd: {  	s30 =	sld [smem:$0x0];
	_ =	sdelay $0x2  }
0xbe: {  	s31 =	sshll.u32 s1, $0xD;
	s1 =	sshrl.u32 s1, $0x2  }
0xbf: {  	s3 =	sand.u32 $0x4000, s31;
	s1 =	sadd.s32 s1, s30  }
0xc0: {  	s0 =	sor.u32 s3, s0;
	s1 =	sshll.u32 s1, $0x11  }
0xc1: {  	s0 =	sor.u32 s1, s0  }
0xc2: {  	s0 =	sadd.s32 $0x8F2B, s0  }
0xc3: {  	[sflag:s0] =	ssyncadd.remote.s32 $0x1  }
0xc4: {  	_ =	sfence.sel $0xFFFF  }
0xc5: {  	[dreg:$0x0] =	wrdreg $0xFFFFFFFF;
	(pc) =	sbr.abs _section_cstart, $3  }
0xc6: {  	[dreg:$0x1] =	wrdreg $0xFFFFFFFF  }
0xc7: {  	_ =	task.clear_ibuf [dreg:s7], $0x2FFFF;
	_ =	strace $0x9FFFFFFF  }
0xc8: {  	(tm) =	ssettm $0x7FFFFFFF  }
0xc9: {  	_ =	shalt  }
tec
execute0_lowered:
.L_overlay_start_1:
0x0: {  	(tag) =	ssettag $0x1  }
0x1: {  	s0 =	rddreg [dreg:$0x0]  }
0x2: {  	s2 =	rddreg [dreg:$0x1];
	s1 =	simm.s32 $0x0;
	s4 =	srdreg.scid  }
0x3: {  	s6 =	stileid.u32;
	s28 =	simm.s32 $0x400;
	s29 =	simm.s32 $0x9C00  }
0x4: {  	s30 =	simm.s32 $0xA400;
	s31 =	simm.s32 $0xB400;
	[smem:$0x7FF] =	sst s1  }
0x5: {  	s3 =	sadd.s32 $0x2800, s0;
	s4 =	sand.u32 $0x1, s4;
	s6 =	sshll.u32 s6, $0x4  }
0x6: {  	s7 =	sadd.s32 $0x2400, s0;
	s14 =	sadd.s32 $0x2600, s0;
	s12 =	sadd.s32 $0x2900, s0  }
0x7: {  	s13 =	sadd.s32 $0x2A00, s0;
	s5 =	ssub.s32 $0x2, s4;
	s4 =	sshll.u32 s4, $0x3  }
0x8: {  	s0 =	simm.s32 $0x3;
	s8 =	sshrl.u32 s5, $0x1;
	s4 =	sor.u32 s4, s6  }
0x9: {  	_ =	strace $0x8000004D;
	s5 =	ssub.s32 s5, s8;
	s15 =	sor.u32 $0x2, s4  }
0xa: {  	s9 =	sadd.s32 s7, s4;
	s16 =	sadd.s32 s14, s4;
	s19 =	sor.u32 $0x4, s4  }
0xb: {  	s10 =	smul.u32 $0x300, s4;
	s4 =	sor.u32 $0x6, s4;
	[dreg:$0x3] =	wrdreg s9  }
0xc: {  	[dreg:$0x4] =	wrdreg s16;
	s17 =	sadd.s32 s7, s15;
	s18 =	sadd.s32 s14, s15  }
0xd: {  	s11 =	sadd.s32 s7, s19;
	s8 =	smul.u32 $0x300, s15;
	s20 =	sadd.s32 s14, s19  }
0xe: {  	s7 =	sadd.s32 s7, s4;
	s21 =	smul.u32 $0x300, s19;
	[dreg:$0x5] =	wrdreg s17  }
0xf: {  	s6 =	sadd.s32 s14, s4;
	s4 =	smul.u32 $0x300, s4;
	[dreg:$0x6] =	wrdreg s18  }
0x10: {  	s26 =	smax.u32 s5, $0x1;
	s19 =	simm.s32 $0x4;
	[dreg:$0x7] =	wrdreg s11  }
0x11: {  	s5 =	simm.s32 $0x3400;
	s9 =	simm.s32 $0x5400;
	[dreg:$0x8] =	wrdreg s20  }
0x12: {  	s14 =	simm.s32 $0xAC00;
	s15 =	simm.s32 $0xBC00;
	[dreg:$0x9] =	wrdreg s7  }
0x13: {  	s16 =	simm.s32 $0x0;
	[dreg:$0xa] =	wrdreg s6;
	s22 =	sadd.s32 s2, s10  }
0x14: {  	[dreg:$0xf] =	wrdreg s26;
	s26 =	simm.s32 $0x1;
	s6 =	simm.s32 $0x3C00  }
0x15: {  	s7 =	simm.s32 $0x4400;
	[dreg:$0xb] =	wrdreg s22;
	s23 =	sadd.s32 s2, s8  }
0x16: {  	s10 =	simm.s32 $0x5C00;
	s24 =	sadd.s32 s2, s21;
	[dreg:$0xc] =	wrdreg s23  }
0x17: {  	v2 =	vlaneseq.u32;
	s11 =	simm.s32 $0x9400;
	s25 =	sadd.s32 s2, s4;
	[dreg:$0xd] =	wrdreg s24  }
0x18: {  	vm0 =	vmmov $0xffff;
	v1 =	vshrl.u32 v2, $0x3;
	s4 =	simm.s32 $0x2;
	s8 =	simm.s32 $0x4C00;
	[dreg:$0xe] =	wrdreg s25  }
0x19: {  	v0 =	vand.u32 $0x7, v2;
	v2 =	vor.u32 $0x8, v2;
	v1 =	vmul.u32 $0x8, v1;
	s23 =	simm.s32 $0x7C00;
	s24 =	simm.s32 $0x8400;
	s25 =	simm.s32 $0x8C00  }
.LBB2_1:
0x1a: {  	s2 =	rddreg [dreg:$0x3]  }
0x1b: {  	[tilespmem:s1], [sflag:$0x4] =	stream.linear.gather [hbm4b:s2+s1], $0x10, $0x38;
	[tilespmem:$0xC400] =	vst v63  }
0x1c: {  	_ =	swait.ge [sflag:s19], $0x10  }
0x1d: {  	[sflag:s19] =	ssyncset.done $0x0  }
0x1e: {  	s17 =	simm.s32 $0x200;
	s22 =	rddreg [dreg:$0x4];
	[sflag:s19] =	ssyncadd.s32 $0xFFFFFFF0  }
0x1f: {  	[tilespmem:s17], [sflag:$0x4] =	stream.linear.gather [hbm4b:s22+s1], $0x10, $0x38;
	[tilespmem:$0xC400] =	vst v63  }
0x20: {  	_ =	swait.ge [sflag:s19], $0x10  }
0x21: {  	[sflag:s19] =	ssyncset.done $0x0  }
0x22: {  	s20 =	simm.s32 $0x80;
	s18 =	rddreg [dreg:$0x5];
	[sflag:s19] =	ssyncadd.s32 $0xFFFFFFF0  }
0x23: {  	[tilespmem:s20], [sflag:$0x4] =	stream.linear.gather [hbm4b:s18+s1], $0x10, $0x38;
	[tilespmem:$0xC400] =	vst v63  }
0x24: {  	_ =	swait.ge [sflag:s19], $0x10  }
0x25: {  	[sflag:s19] =	ssyncset.done $0x0  }
0x26: {  	s22 =	simm.s32 $0x280;
	s21 =	rddreg [dreg:$0x6];
	[sflag:s19] =	ssyncadd.s32 $0xFFFFFFF0  }
0x27: {  	[tilespmem:s22], [sflag:$0x4] =	stream.linear.gather [hbm4b:s21+s1], $0x10, $0x38;
	[tilespmem:$0xC400] =	vst v63  }
0x28: {  	_ =	swait.ge [sflag:s19], $0x10  }
0x29: {  	[sflag:s19] =	ssyncset.done $0x0  }
0x2a: {  	s20 =	simm.s32 $0x100;
	s18 =	rddreg [dreg:$0x7];
	[sflag:s19] =	ssyncadd.s32 $0xFFFFFFF0  }
0x2b: {  	[tilespmem:s20], [sflag:$0x4] =	stream.linear.gather [hbm4b:s18+s1], $0x10, $0x38;
	[tilespmem:$0xC400] =	vst v63  }
0x2c: {  	_ =	swait.ge [sflag:s19], $0x10  }
0x2d: {  	[sflag:s19] =	ssyncset.done $0x0  }
0x2e: {  	s22 =	simm.s32 $0x300;
	s21 =	rddreg [dreg:$0x8];
	[sflag:s19] =	ssyncadd.s32 $0xFFFFFFF0  }
0x2f: {  	[tilespmem:s22], [sflag:$0x4] =	stream.linear.gather [hbm4b:s21+s1], $0x10, $0x38;
	[tilespmem:$0xC400] =	vst v63  }
0x30: {  	_ =	swait.ge [sflag:s19], $0x10  }
0x31: {  	[sflag:s19] =	ssyncset.done $0x0  }
0x32: {  	s18 =	simm.s32 $0x180;
	s17 =	rddreg [dreg:$0x9];
	[sflag:s19] =	ssyncadd.s32 $0xFFFFFFF0  }
0x33: {  	[tilespmem:s18], [sflag:$0x4] =	stream.linear.gather [hbm4b:s17+s1], $0x10, $0x38;
	[tilespmem:$0xC400] =	vst v63  }
0x34: {  	_ =	swait.ge [sflag:s19], $0x10  }
0x35: {  	[sflag:s19] =	ssyncset.done $0x0  }
0x36: {  	s21 =	simm.s32 $0x380;
	s20 =	rddreg [dreg:$0xa];
	[sflag:s19] =	ssyncadd.s32 $0xFFFFFFF0  }
0x37: {  	[tilespmem:s21], [sflag:$0x4] =	stream.linear.gather [hbm4b:s20+s1], $0x10, $0x38;
	[tilespmem:$0xC400] =	vst v63  }
0x38: {  	_ =	swait.ge [sflag:s19], $0x10  }
0x39: {  	[sflag:s19] =	ssyncset.done $0x0  }
0x3a: {  	[sflag:s19] =	ssyncadd.s32 $0xFFFFFFF0  }
0x3b: {  	v3 =	vld [tilespmem:$0x0];
	_ =	sdelay $0x4  }
0x3c: {  	v4 =	vshrl.u32 v3, $0x3  }
0x3d: {  	v4 =	vmul.u32 $0x30, v4  }
0x3e: {  	v3 =	vand.u32 $0x7, v3  }
0x3f: {  	v3 =	vor.u32 v3, v4  }
0x40: {  	v4 =	vperm.xlane v3, v0;
	_ =	sdelay $0x1  }
0x41: {  	v4 =	vadd.s32 v1, v4;
	_ =	sdelay $0x3  }
0x42: {  	v3 =	vperm.xlane v3, v2  }
0x43: {  	[tilespmem:s28], [sflag:$0x1] =	stream.indirect_vreg.gather [hbm4b:s3+s1], $0x80, v4, vm0, $0xb8;
	[tilespmem:$0xC400] =	vst v63  }
0x44: {  	s22 =	simm.s32 $0xC00;
	v3 =	vadd.s32 v1, v3  }
0x45: {  	[tilespmem:s22], [sflag:$0x1] =	stream.indirect_vreg.gather [hbm4b:s12+s1], $0x80, v4, vm0, $0xb8;
	[tilespmem:$0xC400] =	vst v63  }
0x46: {  	s17 =	simm.s32 $0x1400  }
0x47: {  	[tilespmem:s17], [sflag:$0x1] =	stream.indirect_vreg.gather [hbm4b:s13+s1], $0x80, v4, vm0, $0xb8;
	[tilespmem:$0xC400] =	vst v63  }
0x48: {  	s18 =	simm.s32 $0x1C00  }
0x49: {  	[tilespmem:s18], [sflag:$0x1] =	stream.indirect_vreg.gather [hbm4b:s3+s1], $0x80, v3, vm0, $0xb8;
	[tilespmem:$0xC400] =	vst v63  }
0x4a: {  	s20 =	simm.s32 $0x2400  }
0x4b: {  	[tilespmem:s20], [sflag:$0x1] =	stream.indirect_vreg.gather [hbm4b:s12+s1], $0x80, v3, vm0, $0xb8;
	[tilespmem:$0xC400] =	vst v63  }
0x4c: {  	s21 =	simm.s32 $0x2C00  }
0x4d: {  	[tilespmem:s21], [sflag:$0x1] =	stream.indirect_vreg.gather [hbm4b:s13+s1], $0x80, v3, vm0, $0xb8;
	[tilespmem:$0xC400] =	vst v63  }
0x4e: {  	v3 =	vld [tilespmem:$0x200];
	_ =	sdelay $0x4  }
0x4f: {  	v4 =	vshrl.u32 v3, $0x3  }
0x50: {  	v4 =	vmul.u32 $0x30, v4  }
0x51: {  	v3 =	vand.u32 $0x7, v3  }
0x52: {  	v3 =	vor.u32 v3, v4  }
0x53: {  	v4 =	vperm.xlane v3, v0;
	_ =	sdelay $0x1  }
0x54: {  	v4 =	vadd.s32 v1, v4;
	_ =	sdelay $0x3  }
0x55: {  	s22 =	simm.s32 $0x6400;
	v3 =	vperm.xlane v3, v2  }
0x56: {  	[tilespmem:s22], [sflag:$0x2] =	stream.indirect_vreg.gather [hbm4b:s3+s1], $0x80, v4, vm0, $0xb8;
	[tilespmem:$0xC400] =	vst v63  }
0x57: {  	s17 =	simm.s32 $0x6C00;
	v3 =	vadd.s32 v1, v3  }
0x58: {  	[tilespmem:s17], [sflag:$0x2] =	stream.indirect_vreg.gather [hbm4b:s12+s1], $0x80, v4, vm0, $0xb8;
	[tilespmem:$0xC400] =	vst v63  }
0x59: {  	s18 =	simm.s32 $0x7400  }
0x5a: {  	[tilespmem:s18], [sflag:$0x2] =	stream.indirect_vreg.gather [hbm4b:s13+s1], $0x80, v4, vm0, $0xb8;
	[tilespmem:$0xC400] =	vst v63  }
0x5b: {  	_ = 	snop  }
0x5c: {  	[tilespmem:s23], [sflag:$0x2] =	stream.indirect_vreg.gather [hbm4b:s3+s1], $0x80, v3, vm0, $0xb8;
	[tilespmem:$0xC400] =	vst v63  }
0x5d: {  	_ = 	snop  }
0x5e: {  	[tilespmem:s24], [sflag:$0x2] =	stream.indirect_vreg.gather [hbm4b:s12+s1], $0x80, v3, vm0, $0xb8;
	[tilespmem:$0xC400] =	vst v63  }
0x5f: {  	_ = 	snop  }
0x60: {  	[tilespmem:s25], [sflag:$0x2] =	stream.indirect_vreg.gather [hbm4b:s13+s1], $0x80, v3, vm0, $0xb8;
	[tilespmem:$0xC400] =	vst v63  }
0x61: {  	_ =	swait.ge [sflag:s26], $0x3000  }
0x62: {  	[sflag:s26] =	ssyncset.done $0x0  }
0x63: {  	[sflag:s26] =	ssyncadd.s32 $0xFFFFD000  }
0x64: {  	_ =	swait.ge [sflag:s4], $0x3000  }
0x65: {  	[sflag:s4] =	ssyncset.done $0x0  }
0x66: {  	[sflag:s4] =	ssyncadd.s32 $0xFFFFD000  }
0x67: {  	v3 =	vld [tilespmem:$0x80];
	_ =	sdelay $0x4  }
0x68: {  	v4 =	vshrl.u32 v3, $0x3  }
0x69: {  	v4 =	vmul.u32 $0x30, v4  }
0x6a: {  	v3 =	vand.u32 $0x7, v3  }
0x6b: {  	v3 =	vor.u32 v3, v4  }
0x6c: {  	v4 =	vperm.xlane v3, v0;
	_ =	sdelay $0x1  }
0x6d: {  	v4 =	vadd.s32 v1, v4;
	_ =	sdelay $0x3  }
0x6e: {  	v3 =	vperm.xlane v3, v2  }
0x6f: {  	[tilespmem:s5], [sflag:$0x1] =	stream.indirect_vreg.gather [hbm4b:s3+s1], $0x80, v4, vm0, $0xb8;
	[tilespmem:$0xC400] =	vst v63  }
0x70: {  	v3 =	vadd.s32 v1, v3  }
0x71: {  	[tilespmem:s6], [sflag:$0x1] =	stream.indirect_vreg.gather [hbm4b:s12+s1], $0x80, v4, vm0, $0xb8;
	[tilespmem:$0xC400] =	vst v63  }
0x72: {  	_ = 	snop  }
0x73: {  	[tilespmem:s7], [sflag:$0x1] =	stream.indirect_vreg.gather [hbm4b:s13+s1], $0x80, v4, vm0, $0xb8;
	[tilespmem:$0xC400] =	vst v63  }
0x74: {  	_ = 	snop  }
0x75: {  	[tilespmem:s8], [sflag:$0x1] =	stream.indirect_vreg.gather [hbm4b:s3+s1], $0x80, v3, vm0, $0xb8;
	[tilespmem:$0xC400] =	vst v63  }
0x76: {  	_ = 	snop  }
0x77: {  	[tilespmem:s9], [sflag:$0x1] =	stream.indirect_vreg.gather [hbm4b:s12+s1], $0x80, v3, vm0, $0xb8;
	[tilespmem:$0xC400] =	vst v63  }
0x78: {  	_ = 	snop  }
0x79: {  	[tilespmem:s10], [sflag:$0x1] =	stream.indirect_vreg.gather [hbm4b:s13+s1], $0x80, v3, vm0, $0xb8;
	[tilespmem:$0xC400] =	vst v63  }
0x7a: {  	v3 =	vld [tilespmem:$0x280];
	_ =	sdelay $0x4  }
0x7b: {  	v4 =	vshrl.u32 v3, $0x3  }
0x7c: {  	v4 =	vmul.u32 $0x30, v4  }
0x7d: {  	v3 =	vand.u32 $0x7, v3  }
0x7e: {  	v3 =	vor.u32 v3, v4  }
0x7f: {  	v4 =	vperm.xlane v3, v0;
	_ =	sdelay $0x1  }
0x80: {  	v4 =	vadd.s32 v1, v4;
	_ =	sdelay $0x3  }
0x81: {  	v3 =	vperm.xlane v3, v2  }
0x82: {  	[tilespmem:s11], [sflag:$0x2] =	stream.indirect_vreg.gather [hbm4b:s3+s1], $0x80, v4, vm0, $0xb8;
	[tilespmem:$0xC400] =	vst v63  }
0x83: {  	v3 =	vadd.s32 v1, v3  }
0x84: {  	[tilespmem:s29], [sflag:$0x2] =	stream.indirect_vreg.gather [hbm4b:s12+s1], $0x80, v4, vm0, $0xb8;
	[tilespmem:$0xC400] =	vst v63  }
0x85: {  	_ = 	snop  }
0x86: {  	[tilespmem:s30], [sflag:$0x2] =	stream.indirect_vreg.gather [hbm4b:s13+s1], $0x80, v4, vm0, $0xb8;
	[tilespmem:$0xC400] =	vst v63  }
0x87: {  	_ = 	snop  }
0x88: {  	[tilespmem:s14], [sflag:$0x2] =	stream.indirect_vreg.gather [hbm4b:s3+s1], $0x80, v3, vm0, $0xb8;
	[tilespmem:$0xC400] =	vst v63  }
0x89: {  	s20 =	sand.u32 $0x70, s1;
	s21 =	sand.u32 $0x1C00, s1  }
0x8a: {  	[tilespmem:s31], [sflag:$0x2] =	stream.indirect_vreg.gather [hbm4b:s12+s1], $0x80, v3, vm0, $0xb8;
	[tilespmem:$0xC400] =	vst v63  }
0x8b: {  	s2 =	sor.u32 s20, s21  }
0x8c: {  	[tilespmem:s15], [sflag:$0x2] =	stream.indirect_vreg.gather [hbm4b:s13+s1], $0x80, v3, vm0, $0xb8;
	[tilespmem:$0xC400] =	vst v63  }
0x8d: {  	v3 =	vld [tilespmem:s2+$0x6700]  }
0x8e: {  	v4 =	vld [tilespmem:s2+$0x6580]  }
0x8f: {  	v5 =	vld [tilespmem:s2+$0x6680]  }
0x90: {  	v6 =	vld [tilespmem:s2+$0x580]  }
0x91: {  	v7 =	vld [tilespmem:s2+$0x680]  }
0x92: {  	v8 =	vld [tilespmem:s2+$0x6480]  }
0x93: {  	v9 =	vld [tilespmem:s2+$0x6600]  }
0x94: {  	v10 =	vld [tilespmem:s2+$0x480]  }
0x95: {  	v11 =	vld [tilespmem:s2+$0x6400]  }
0x96: {  	v12 =	vld [tilespmem:s2+$0x500]  }
0x97: {  	v13 =	vld [tilespmem:s2+$0x6500]  }
0x98: {  	v14 =	vld [tilespmem:s2+$0x700]  }
0x99: {  	v63 =	vld [tilespmem:s2+$0x600];
	v8 =	vadd.f32 v8, v10  }
0x9a: {  	v4 =	vadd.f32 v4, v6;
	v6 =	vld [tilespmem:s2+$0x400]  }
0x9b: {  	v5 =	vadd.f32 v5, v7;
	[tilespmem:s2+$0x480] =	vst v8  }
0x9c: {  	v7 =	vadd.f32 v13, v12;
	[tilespmem:s2+$0x580] =	vst v4  }
0x9d: {  	v3 =	vadd.f32 v3, v14;
	[tilespmem:s2+$0x680] =	vst v5  }
0x9e: {  	[tilespmem:s2+$0x500] =	vst v7;
	v4 =	vadd.f32 v9, v63  }
0x9f: {  	[tilespmem:s2+$0x700] =	vst v3;
	v5 =	vadd.f32 v11, v6  }
0xa0: {  	s22 =	sor.u32 s1, s1;
	[tilespmem:s2+$0x600] =	vst v4  }
0xa1: {  	s21 =	sor.u32 $0x380, s22;
	[tilespmem:s2+$0x400] =	vst v5  }
0xa2: {  	v3 =	vld [tilespmem:s21+$0x400]  }
0xa3: {  	s20 =	simm.s32 $0x0;
	s17 =	simm.s32 $0x10;
	v4 =	vld [tilespmem:s21+$0x6400]  }
.LBB2_2:
0xa4: {  	p0 =	sne.s32 s17, $0x2F0  }
0xa5: {  	s20 =	sadd.s32 $0x80, s20;
	s18 =	smov.u32 s17;
	s17 =	sadd.s32 $0x10, s17  }
0xa6: {  	_ =	sdelay $0x2  }
0xa7: {  	v3 =	vadd.f32 v4, v3;
	_ =	sdelay $0x1  }
0xa8: {  	[tilespmem:s21+$0x400] =	vst v3  }
0xa9: {  	v3 =	vld [tilespmem:s2+$0x1C00]  }
0xaa: {  	v4 =	vld [tilespmem:s2+$0x7C00]  }
0xab: {  	v5 =	vld [tilespmem:s2+$0x1C80]  }
0xac: {  	v6 =	vld [tilespmem:s2+$0x7C80]  }
0xad: {  	v7 =	vld [tilespmem:s2+$0x1D00]  }
0xae: {  	v8 =	vld [tilespmem:s2+$0x7F80]  }
0xaf: {  	v3 =	vadd.f32 v4, v3;
	v4 =	vld [tilespmem:s2+$0x7F00]  }
0xb0: {  	v9 =	vld [tilespmem:s2+$0x7E80]  }
0xb1: {  	[tilespmem:s2+$0x1C00] =	vst v3;
	v3 =	vadd.f32 v6, v5;
	v5 =	vld [tilespmem:s2+$0x7D80]  }
0xb2: {  	v6 =	vld [tilespmem:s2+$0x7E00]  }
0xb3: {  	[tilespmem:s2+$0x1C80] =	vst v3;
	v3 =	vld [tilespmem:s2+$0x7D00]  }
0xb4: {  	v10 =	vld [tilespmem:s2+$0x1D80]  }
0xb5: {  	v11 =	vld [tilespmem:s2+$0x1F80]  }
0xb6: {  	v12 =	vld [tilespmem:s2+$0x1F00]  }
0xb7: {  	s22 =	sand.u32 $0x1C00, s20;
	s21 =	sand.u32 $0x70, s18;
	v13 =	vld [tilespmem:s2+$0x1E00]  }
0xb8: {  	s21 =	sor.u32 s21, s22;
	v3 =	vadd.f32 v3, v7;
	v7 =	vld [tilespmem:s2+$0x1E80]  }
0xb9: {  	v14 =	vld [tilespmem:s21+$0x6700];
	v5 =	vadd.f32 v5, v10  }
0xba: {  	v10 =	vld [tilespmem:s21+$0x6580];
	[tilespmem:s2+$0x1D00] =	vst v3  }
0xbb: {  	v3 =	vld [tilespmem:s21+$0x6680];
	[tilespmem:s2+$0x1D80] =	vst v5;
	v4 =	vadd.f32 v4, v12  }
0xbc: {  	v8 =	vadd.f32 v8, v11;
	v5 =	vld [tilespmem:s21+$0x580];
	v6 =	vadd.f32 v6, v13  }
0xbd: {  	v11 =	vld [tilespmem:s21+$0x680];
	v7 =	vadd.f32 v9, v7;
	[tilespmem:s2+$0x1F00] =	vst v4  }
0xbe: {  	v4 =	vld [tilespmem:s21+$0x6480];
	[tilespmem:s2+$0x1F80] =	vst v8  }
0xbf: {  	v8 =	vld [tilespmem:s21+$0x6600];
	[tilespmem:s2+$0x1E80] =	vst v7  }
0xc0: {  	v7 =	vld [tilespmem:s21+$0x480];
	[tilespmem:s2+$0x1E00] =	vst v6;
	s2 =	smov.u32 s21  }
0xc1: {  	v6 =	vld [tilespmem:s2+$0x6400]  }
0xc2: {  	v9 =	vld [tilespmem:s2+$0x500];
	v3 =	vadd.f32 v3, v11  }
0xc3: {  	v11 =	vld [tilespmem:s2+$0x6500]  }
0xc4: {  	v12 =	vld [tilespmem:s2+$0x700]  }
0xc5: {  	v4 =	vadd.f32 v4, v7;
	v7 =	vld [tilespmem:s2+$0x600]  }
0xc6: {  	v5 =	vadd.f32 v10, v5;
	v13 =	vld [tilespmem:s2+$0x400]  }
0xc7: {  	[tilespmem:s2+$0x480] =	vst v4  }
0xc8: {  	v4 =	vadd.f32 v11, v9;
	[tilespmem:s2+$0x580] =	vst v5  }
0xc9: {  	[tilespmem:s2+$0x680] =	vst v3;
	v3 =	vadd.f32 v14, v12  }
0xca: {  	[tilespmem:s2+$0x500] =	vst v4;
	v4 =	vadd.f32 v8, v7  }
.Ltmp0:
0xcb: {  	v5 =	vadd.f32 v6, v13;
	[tilespmem:s2+$0x700] =	vst v3;
	(pc) =	sbr.rel @p0 .LBB2_2-.Ltmp0, $4  }
0xcc: {  	s18 =	sor.u32 s20, s18;
	[tilespmem:s2+$0x600] =	vst v4  }
0xcd: {  	s21 =	sor.u32 $0x380, s18;
	[tilespmem:s2+$0x400] =	vst v5  }
0xce: {  	v3 =	vld [tilespmem:s21+$0x400]  }
0xcf: {  	v4 =	vld [tilespmem:s21+$0x6400]  }
0xd0: {  	_ =	sdelay $0x3  }
0xd1: {  	v3 =	vadd.f32 v4, v3;
	_ =	sdelay $0x1  }
0xd2: {  	[tilespmem:s21+$0x400] =	vst v3  }
0xd3: {  	v3 =	vld [tilespmem:s2+$0x1C00]  }
0xd4: {  	v4 =	vld [tilespmem:s2+$0x7C00]  }
0xd5: {  	v5 =	vld [tilespmem:s2+$0x1C80]  }
0xd6: {  	v6 =	vld [tilespmem:s2+$0x7C80]  }
0xd7: {  	v7 =	vld [tilespmem:s2+$0x1D00]  }
0xd8: {  	v8 =	vld [tilespmem:s2+$0x7F80]  }
0xd9: {  	v9 =	vld [tilespmem:s2+$0x7E80]  }
0xda: {  	v10 =	vld [tilespmem:s2+$0x1D80];
	v3 =	vadd.f32 v4, v3  }
0xdb: {  	v11 =	vld [tilespmem:s2+$0x1F00]  }
0xdc: {  	v12 =	vld [tilespmem:s2+$0x1F80];
	[tilespmem:s2+$0x1C00] =	vst v3;
	v3 =	vadd.f32 v6, v5  }
0xdd: {  	v5 =	vld [tilespmem:s2+$0x7D80]  }
0xde: {  	[tilespmem:s2+$0x1C80] =	vst v3;
	v3 =	vld [tilespmem:s2+$0x7D00]  }
0xdf: {  	v13 =	vld [tilespmem:s2+$0x1E80]  }
0xe0: {  	v4 =	vld [tilespmem:s2+$0x7F00]  }
0xe1: {  	v14 =	vld [tilespmem:s2+$0x1E00]  }
0xe2: {  	v6 =	vld [tilespmem:s2+$0x7E00];
	v5 =	vadd.f32 v5, v10  }
0xe3: {  	v3 =	vadd.f32 v3, v7  }
0xe4: {  	[tilespmem:s2+$0x1D80] =	vst v5;
	v5 =	vadd.f32 v9, v13  }
0xe5: {  	[tilespmem:s2+$0x1D00] =	vst v3;
	v3 =	vadd.f32 v4, v11  }
0xe6: {  	v4 =	vadd.f32 v8, v12;
	[tilespmem:s2+$0x1E80] =	vst v5  }
0xe7: {  	[tilespmem:s2+$0x1F00] =	vst v3;
	v3 =	vadd.f32 v6, v14  }
0xe8: {  	[tilespmem:s2+$0x1F80] =	vst v4  }
0xe9: {  	s17 =	rddreg [dreg:$0xb];
	[tilespmem:s2+$0x1E00] =	vst v3;
	s2 =	simm.s32 $0x0  }
0xea: {  	[hbm4b:s17+s2] =	stream.linear.scatter [tilespmem:s28], [sflag:$0x3], $0x3000, $0x38;
	[tilespmem:$0xC400] =	vst v63  }
0xeb: {  	_ =	swait.ge [sflag:s26], $0x3000  }
0xec: {  	[sflag:s26] =	ssyncset.done $0x0  }
0xed: {  	[sflag:s26] =	ssyncadd.s32 $0xFFFFD000  }
0xee: {  	_ =	swait.ge [sflag:s4], $0x3000  }
0xef: {  	[sflag:s4] =	ssyncset.done $0x0  }
0xf0: {  	[sflag:s4] =	ssyncadd.s32 $0xFFFFD000  }
0xf1: {  	_ =	swait.ge [sflag:s0], $0x3000  }
0xf2: {  	[sflag:s0] =	ssyncset.done $0x0  }
0xf3: {  	[sflag:s0] =	ssyncadd.s32 $0xFFFFD000  }
0xf4: {  	v3 =	vld [tilespmem:$0x100];
	_ =	sdelay $0x4  }
0xf5: {  	v4 =	vshrl.u32 v3, $0x3  }
0xf6: {  	v4 =	vmul.u32 $0x30, v4  }
0xf7: {  	v3 =	vand.u32 $0x7, v3  }
0xf8: {  	v3 =	vor.u32 v3, v4  }
0xf9: {  	v4 =	vperm.xlane v3, v0;
	_ =	sdelay $0x1  }
0xfa: {  	v4 =	vadd.s32 v1, v4;
	_ =	sdelay $0x3  }
0xfb: {  	v3 =	vperm.xlane v3, v2  }
0xfc: {  	[tilespmem:s28], [sflag:$0x1] =	stream.indirect_vreg.gather [hbm4b:s3+s2], $0x80, v4, vm0, $0xb8;
	[tilespmem:$0xC400] =	vst v63  }
0xfd: {  	s21 =	simm.s32 $0xC00;
	v3 =	vadd.s32 v1, v3  }
0xfe: {  	[tilespmem:s21], [sflag:$0x1] =	stream.indirect_vreg.gather [hbm4b:s12+s2], $0x80, v4, vm0, $0xb8;
	[tilespmem:$0xC400] =	vst v63  }
0xff: {  	s22 =	simm.s32 $0x1400  }
0x100: {  	[tilespmem:s22], [sflag:$0x1] =	stream.indirect_vreg.gather [hbm4b:s13+s2], $0x80, v4, vm0, $0xb8;
	[tilespmem:$0xC400] =	vst v63  }
0x101: {  	s18 =	simm.s32 $0x1C00  }
0x102: {  	[tilespmem:s18], [sflag:$0x1] =	stream.indirect_vreg.gather [hbm4b:s3+s2], $0x80, v3, vm0, $0xb8;
	[tilespmem:$0xC400] =	vst v63  }
0x103: {  	s20 =	simm.s32 $0x2400  }
0x104: {  	[tilespmem:s20], [sflag:$0x1] =	stream.indirect_vreg.gather [hbm4b:s12+s2], $0x80, v3, vm0, $0xb8;
	[tilespmem:$0xC400] =	vst v63  }
0x105: {  	s21 =	simm.s32 $0x2C00  }
0x106: {  	[tilespmem:s21], [sflag:$0x1] =	stream.indirect_vreg.gather [hbm4b:s13+s2], $0x80, v3, vm0, $0xb8;
	[tilespmem:$0xC400] =	vst v63  }
0x107: {  	v3 =	vld [tilespmem:$0x300];
	_ =	sdelay $0x4  }
0x108: {  	v4 =	vshrl.u32 v3, $0x3  }
0x109: {  	v4 =	vmul.u32 $0x30, v4  }
0x10a: {  	v3 =	vand.u32 $0x7, v3  }
0x10b: {  	v3 =	vor.u32 v3, v4  }
0x10c: {  	v4 =	vperm.xlane v3, v0;
	_ =	sdelay $0x1  }
0x10d: {  	v4 =	vadd.s32 v1, v4;
	_ =	sdelay $0x3  }
0x10e: {  	s22 =	simm.s32 $0x6400;
	v3 =	vperm.xlane v3, v2  }
0x10f: {  	[tilespmem:s22], [sflag:$0x2] =	stream.indirect_vreg.gather [hbm4b:s3+s2], $0x80, v4, vm0, $0xb8;
	[tilespmem:$0xC400] =	vst v63  }
0x110: {  	s18 =	simm.s32 $0x6C00;
	v3 =	vadd.s32 v1, v3  }
0x111: {  	[tilespmem:s18], [sflag:$0x2] =	stream.indirect_vreg.gather [hbm4b:s12+s2], $0x80, v4, vm0, $0xb8;
	[tilespmem:$0xC400] =	vst v63  }
0x112: {  	s20 =	simm.s32 $0x7400  }
0x113: {  	[tilespmem:s20], [sflag:$0x2] =	stream.indirect_vreg.gather [hbm4b:s13+s2], $0x80, v4, vm0, $0xb8;
	[tilespmem:$0xC400] =	vst v63  }
0x114: {  	_ = 	snop  }
0x115: {  	[tilespmem:s23], [sflag:$0x2] =	stream.indirect_vreg.gather [hbm4b:s3+s2], $0x80, v3, vm0, $0xb8;
	[tilespmem:$0xC400] =	vst v63  }
0x116: {  	s21 =	sand.u32 $0x70, s2;
	s18 =	sand.u32 $0x1C00, s2  }
0x117: {  	[tilespmem:s24], [sflag:$0x2] =	stream.indirect_vreg.gather [hbm4b:s12+s2], $0x80, v3, vm0, $0xb8;
	[tilespmem:$0xC400] =	vst v63  }
0x118: {  	s17 =	sor.u32 s21, s18  }
0x119: {  	[tilespmem:s25], [sflag:$0x2] =	stream.indirect_vreg.gather [hbm4b:s13+s2], $0x80, v3, vm0, $0xb8;
	[tilespmem:$0xC400] =	vst v63  }
0x11a: {  	v3 =	vld [tilespmem:s17+$0x9700]  }
0x11b: {  	v4 =	vld [tilespmem:s17+$0x9580]  }
0x11c: {  	v5 =	vld [tilespmem:s17+$0x9680]  }
0x11d: {  	v6 =	vld [tilespmem:s17+$0x3580]  }
0x11e: {  	v7 =	vld [tilespmem:s17+$0x3680]  }
0x11f: {  	v56 =	vld [tilespmem:s17+$0x9480]  }
0x120: {  	v57 =	vld [tilespmem:s17+$0x9600]  }
0x121: {  	v58 =	vld [tilespmem:s17+$0x3480]  }
0x122: {  	v59 =	vld [tilespmem:s17+$0x9400]  }
0x123: {  	v60 =	vld [tilespmem:s17+$0x3500]  }
0x124: {  	v61 =	vld [tilespmem:s17+$0x9500]  }
0x125: {  	v62 =	vld [tilespmem:s17+$0x3700]  }
0x126: {  	v63 =	vld [tilespmem:s17+$0x3600];
	v8 =	vadd.f32 v56, v58  }
0x127: {  	v4 =	vadd.f32 v4, v6;
	v6 =	vld [tilespmem:s17+$0x3400]  }
0x128: {  	v5 =	vadd.f32 v5, v7;
	[tilespmem:s17+$0x3480] =	vst v8  }
0x129: {  	v7 =	vadd.f32 v61, v60;
	[tilespmem:s17+$0x3580] =	vst v4  }
0x12a: {  	v3 =	vadd.f32 v3, v62;
	[tilespmem:s17+$0x3680] =	vst v5  }
0x12b: {  	[tilespmem:s17+$0x3500] =	vst v7;
	v4 =	vadd.f32 v57, v63  }
0x12c: {  	[tilespmem:s17+$0x3700] =	vst v3;
	v5 =	vadd.f32 v59, v6  }
0x12d: {  	s22 =	sor.u32 s2, s2;
	[tilespmem:s17+$0x3600] =	vst v4  }
0x12e: {  	s21 =	sor.u32 $0x380, s22;
	[tilespmem:s17+$0x3400] =	vst v5  }
0x12f: {  	v3 =	vld [tilespmem:s21+$0x3400]  }
0x130: {  	s20 =	simm.s32 $0x10;
	v4 =	vld [tilespmem:s21+$0x9400]  }
.LBB2_4:
0x131: {  	p0 =	sne.s32 s20, $0x2F0  }
0x132: {  	s2 =	sadd.s32 $0x80, s2;
	s18 =	smov.u32 s20;
	s20 =	sadd.s32 $0x10, s20  }
0x133: {  	_ =	sdelay $0x2  }
0x134: {  	v3 =	vadd.f32 v4, v3;
	_ =	sdelay $0x1  }
0x135: {  	[tilespmem:s21+$0x3400] =	vst v3  }
0x136: {  	v3 =	vld [tilespmem:s17+$0x4C00]  }
0x137: {  	v4 =	vld [tilespmem:s17+$0xAC00]  }
0x138: {  	v5 =	vld [tilespmem:s17+$0x4C80]  }
0x139: {  	v6 =	vld [tilespmem:s17+$0xAC80]  }
0x13a: {  	v7 =	vld [tilespmem:s17+$0x4D00]  }
0x13b: {  	v8 =	vld [tilespmem:s17+$0xAF80]  }
0x13c: {  	v3 =	vadd.f32 v4, v3;
	v4 =	vld [tilespmem:s17+$0xAF00]  }
0x13d: {  	v9 =	vld [tilespmem:s17+$0xAE80]  }
0x13e: {  	[tilespmem:s17+$0x4C00] =	vst v3;
	v3 =	vadd.f32 v6, v5;
	v5 =	vld [tilespmem:s17+$0xAD80]  }
0x13f: {  	v6 =	vld [tilespmem:s17+$0xAE00]  }
0x140: {  	[tilespmem:s17+$0x4C80] =	vst v3;
	v3 =	vld [tilespmem:s17+$0xAD00]  }
0x141: {  	v10 =	vld [tilespmem:s17+$0x4D80]  }
0x142: {  	v11 =	vld [tilespmem:s17+$0x4F80]  }
0x143: {  	v12 =	vld [tilespmem:s17+$0x4F00]  }
0x144: {  	s22 =	sand.u32 $0x1C00, s2;
	s21 =	sand.u32 $0x70, s18;
	v13 =	vld [tilespmem:s17+$0x4E00]  }
0x145: {  	s21 =	sor.u32 s21, s22;
	v3 =	vadd.f32 v3, v7;
	v7 =	vld [tilespmem:s17+$0x4E80]  }
0x146: {  	v14 =	vld [tilespmem:s21+$0x9700];
	v5 =	vadd.f32 v5, v10  }
0x147: {  	v10 =	vld [tilespmem:s21+$0x9580];
	[tilespmem:s17+$0x4D00] =	vst v3  }
0x148: {  	v3 =	vld [tilespmem:s21+$0x9680];
	[tilespmem:s17+$0x4D80] =	vst v5;
	v4 =	vadd.f32 v4, v12  }
0x149: {  	v8 =	vadd.f32 v8, v11;
	v5 =	vld [tilespmem:s21+$0x3580];
	v6 =	vadd.f32 v6, v13  }
0x14a: {  	v11 =	vld [tilespmem:s21+$0x3680];
	v7 =	vadd.f32 v9, v7;
	[tilespmem:s17+$0x4F00] =	vst v4  }
0x14b: {  	v4 =	vld [tilespmem:s21+$0x9480];
	[tilespmem:s17+$0x4F80] =	vst v8  }
0x14c: {  	v8 =	vld [tilespmem:s21+$0x9600];
	[tilespmem:s17+$0x4E80] =	vst v7  }
0x14d: {  	v7 =	vld [tilespmem:s21+$0x3480];
	[tilespmem:s17+$0x4E00] =	vst v6;
	s17 =	smov.u32 s21  }
0x14e: {  	v6 =	vld [tilespmem:s17+$0x9400]  }
0x14f: {  	v9 =	vld [tilespmem:s17+$0x3500];
	v3 =	vadd.f32 v3, v11  }
0x150: {  	v11 =	vld [tilespmem:s17+$0x9500]  }
0x151: {  	v12 =	vld [tilespmem:s17+$0x3700]  }
0x152: {  	v4 =	vadd.f32 v4, v7;
	v7 =	vld [tilespmem:s17+$0x3600]  }
0x153: {  	v5 =	vadd.f32 v10, v5;
	v13 =	vld [tilespmem:s17+$0x3400]  }
0x154: {  	[tilespmem:s17+$0x3480] =	vst v4  }
0x155: {  	v4 =	vadd.f32 v11, v9;
	[tilespmem:s17+$0x3580] =	vst v5  }
0x156: {  	[tilespmem:s17+$0x3680] =	vst v3;
	v3 =	vadd.f32 v14, v12  }
0x157: {  	[tilespmem:s17+$0x3500] =	vst v4;
	v4 =	vadd.f32 v8, v7  }
.Ltmp1:
0x158: {  	v5 =	vadd.f32 v6, v13;
	[tilespmem:s17+$0x3700] =	vst v3;
	(pc) =	sbr.rel @p0 .LBB2_4-.Ltmp1, $4  }
0x159: {  	s18 =	sor.u32 s2, s18;
	[tilespmem:s17+$0x3600] =	vst v4  }
0x15a: {  	s21 =	sor.u32 $0x380, s18;
	[tilespmem:s17+$0x3400] =	vst v5  }
0x15b: {  	v3 =	vld [tilespmem:s21+$0x3400]  }
0x15c: {  	v4 =	vld [tilespmem:s21+$0x9400]  }
0x15d: {  	_ =	sdelay $0x3  }
0x15e: {  	v3 =	vadd.f32 v4, v3;
	_ =	sdelay $0x1  }
0x15f: {  	[tilespmem:s21+$0x3400] =	vst v3  }
0x160: {  	v3 =	vld [tilespmem:s17+$0x4C00]  }
0x161: {  	v4 =	vld [tilespmem:s17+$0xAC00]  }
0x162: {  	v5 =	vld [tilespmem:s17+$0x4C80]  }
0x163: {  	v6 =	vld [tilespmem:s17+$0xAC80]  }
0x164: {  	v7 =	vld [tilespmem:s17+$0x4D00]  }
0x165: {  	v8 =	vld [tilespmem:s17+$0xAF80]  }
0x166: {  	v9 =	vld [tilespmem:s17+$0xAE80]  }
0x167: {  	v10 =	vld [tilespmem:s17+$0x4D80];
	v3 =	vadd.f32 v4, v3  }
0x168: {  	v11 =	vld [tilespmem:s17+$0x4F00]  }
0x169: {  	v12 =	vld [tilespmem:s17+$0x4F80];
	[tilespmem:s17+$0x4C00] =	vst v3;
	v3 =	vadd.f32 v6, v5  }
0x16a: {  	v5 =	vld [tilespmem:s17+$0xAD80]  }
0x16b: {  	[tilespmem:s17+$0x4C80] =	vst v3;
	v3 =	vld [tilespmem:s17+$0xAD00]  }
0x16c: {  	v13 =	vld [tilespmem:s17+$0x4E80]  }
0x16d: {  	v4 =	vld [tilespmem:s17+$0xAF00]  }
0x16e: {  	v14 =	vld [tilespmem:s17+$0x4E00]  }
0x16f: {  	v6 =	vld [tilespmem:s17+$0xAE00];
	v5 =	vadd.f32 v5, v10  }
0x170: {  	v3 =	vadd.f32 v3, v7  }
0x171: {  	[tilespmem:s17+$0x4D80] =	vst v5;
	v5 =	vadd.f32 v9, v13  }
0x172: {  	[tilespmem:s17+$0x4D00] =	vst v3;
	v3 =	vadd.f32 v4, v11  }
0x173: {  	v4 =	vadd.f32 v8, v12;
	[tilespmem:s17+$0x4E80] =	vst v5  }
0x174: {  	[tilespmem:s17+$0x4F00] =	vst v3;
	v3 =	vadd.f32 v6, v14  }
0x175: {  	[tilespmem:s17+$0x4F80] =	vst v4  }
0x176: {  	s2 =	simm.s32 $0x0;
	s20 =	rddreg [dreg:$0xc];
	[tilespmem:s17+$0x4E00] =	vst v3  }
0x177: {  	[hbm4b:s20+s2] =	stream.linear.scatter [tilespmem:s5], [sflag:$0x3], $0x3000, $0x38;
	[tilespmem:$0xC400] =	vst v63  }
0x178: {  	_ =	swait.ge [sflag:s26], $0x3000  }
0x179: {  	[sflag:s26] =	ssyncset.done $0x0  }
0x17a: {  	[sflag:s26] =	ssyncadd.s32 $0xFFFFD000  }
0x17b: {  	_ =	swait.ge [sflag:s4], $0x3000  }
0x17c: {  	[sflag:s4] =	ssyncset.done $0x0  }
0x17d: {  	[sflag:s4] =	ssyncadd.s32 $0xFFFFD000  }
0x17e: {  	_ =	swait.ge [sflag:s0], $0x3000  }
0x17f: {  	[sflag:s0] =	ssyncset.done $0x0  }
0x180: {  	[sflag:s0] =	ssyncadd.s32 $0xFFFFD000  }
0x181: {  	v3 =	vld [tilespmem:$0x180];
	_ =	sdelay $0x4  }
0x182: {  	v4 =	vshrl.u32 v3, $0x3  }
0x183: {  	v4 =	vmul.u32 $0x30, v4  }
0x184: {  	v3 =	vand.u32 $0x7, v3  }
0x185: {  	v3 =	vor.u32 v3, v4  }
0x186: {  	v4 =	vperm.xlane v3, v0;
	_ =	sdelay $0x1  }
0x187: {  	v4 =	vadd.s32 v1, v4;
	_ =	sdelay $0x3  }
0x188: {  	v3 =	vperm.xlane v3, v2  }
0x189: {  	[tilespmem:s5], [sflag:$0x1] =	stream.indirect_vreg.gather [hbm4b:s3+s2], $0x80, v4, vm0, $0xb8;
	[tilespmem:$0xC400] =	vst v63  }
0x18a: {  	v3 =	vadd.s32 v1, v3  }
0x18b: {  	[tilespmem:s6], [sflag:$0x1] =	stream.indirect_vreg.gather [hbm4b:s12+s2], $0x80, v4, vm0, $0xb8;
	[tilespmem:$0xC400] =	vst v63  }
0x18c: {  	_ = 	snop  }
0x18d: {  	[tilespmem:s7], [sflag:$0x1] =	stream.indirect_vreg.gather [hbm4b:s13+s2], $0x80, v4, vm0, $0xb8;
	[tilespmem:$0xC400] =	vst v63  }
0x18e: {  	_ = 	snop  }
0x18f: {  	[tilespmem:s8], [sflag:$0x1] =	stream.indirect_vreg.gather [hbm4b:s3+s2], $0x80, v3, vm0, $0xb8;
	[tilespmem:$0xC400] =	vst v63  }
0x190: {  	_ = 	snop  }
0x191: {  	[tilespmem:s9], [sflag:$0x1] =	stream.indirect_vreg.gather [hbm4b:s12+s2], $0x80, v3, vm0, $0xb8;
	[tilespmem:$0xC400] =	vst v63  }
0x192: {  	_ = 	snop  }
0x193: {  	[tilespmem:s10], [sflag:$0x1] =	stream.indirect_vreg.gather [hbm4b:s13+s2], $0x80, v3, vm0, $0xb8;
	[tilespmem:$0xC400] =	vst v63  }
0x194: {  	v3 =	vld [tilespmem:$0x380];
	_ =	sdelay $0x4  }
0x195: {  	v4 =	vshrl.u32 v3, $0x3  }
0x196: {  	v4 =	vmul.u32 $0x30, v4  }
0x197: {  	v3 =	vand.u32 $0x7, v3  }
0x198: {  	v3 =	vor.u32 v3, v4  }
0x199: {  	v4 =	vperm.xlane v3, v0;
	_ =	sdelay $0x1  }
0x19a: {  	v4 =	vadd.s32 v1, v4;
	_ =	sdelay $0x3  }
0x19b: {  	v3 =	vperm.xlane v3, v2  }
0x19c: {  	[tilespmem:s11], [sflag:$0x2] =	stream.indirect_vreg.gather [hbm4b:s3+s2], $0x80, v4, vm0, $0xb8;
	[tilespmem:$0xC400] =	vst v63  }
0x19d: {  	v3 =	vadd.s32 v1, v3  }
0x19e: {  	[tilespmem:s29], [sflag:$0x2] =	stream.indirect_vreg.gather [hbm4b:s12+s2], $0x80, v4, vm0, $0xb8;
	[tilespmem:$0xC400] =	vst v63  }
0x19f: {  	_ = 	snop  }
0x1a0: {  	[tilespmem:s30], [sflag:$0x2] =	stream.indirect_vreg.gather [hbm4b:s13+s2], $0x80, v4, vm0, $0xb8;
	[tilespmem:$0xC400] =	vst v63  }
0x1a1: {  	_ = 	snop  }
0x1a2: {  	[tilespmem:s14], [sflag:$0x2] =	stream.indirect_vreg.gather [hbm4b:s3+s2], $0x80, v3, vm0, $0xb8;
	[tilespmem:$0xC400] =	vst v63  }
0x1a3: {  	s18 =	sand.u32 $0x1C00, s2;
	s21 =	sand.u32 $0x70, s2  }
0x1a4: {  	[tilespmem:s31], [sflag:$0x2] =	stream.indirect_vreg.gather [hbm4b:s12+s2], $0x80, v3, vm0, $0xb8;
	[tilespmem:$0xC400] =	vst v63  }
0x1a5: {  	s17 =	sor.u32 s21, s18  }
0x1a6: {  	[tilespmem:s15], [sflag:$0x2] =	stream.indirect_vreg.gather [hbm4b:s13+s2], $0x80, v3, vm0, $0xb8;
	[tilespmem:$0xC400] =	vst v63  }
0x1a7: {  	v3 =	vld [tilespmem:s17+$0x6700]  }
0x1a8: {  	v4 =	vld [tilespmem:s17+$0x6580]  }
0x1a9: {  	v5 =	vld [tilespmem:s17+$0x6680]  }
0x1aa: {  	v6 =	vld [tilespmem:s17+$0x580]  }
0x1ab: {  	v7 =	vld [tilespmem:s17+$0x680]  }
0x1ac: {  	v56 =	vld [tilespmem:s17+$0x6480]  }
0x1ad: {  	v57 =	vld [tilespmem:s17+$0x6600]  }
0x1ae: {  	v58 =	vld [tilespmem:s17+$0x480]  }
0x1af: {  	v59 =	vld [tilespmem:s17+$0x6400]  }
0x1b0: {  	v60 =	vld [tilespmem:s17+$0x500]  }
0x1b1: {  	v61 =	vld [tilespmem:s17+$0x6500]  }
0x1b2: {  	v62 =	vld [tilespmem:s17+$0x700]  }
0x1b3: {  	v63 =	vld [tilespmem:s17+$0x600];
	v8 =	vadd.f32 v56, v58  }
0x1b4: {  	v4 =	vadd.f32 v4, v6;
	v6 =	vld [tilespmem:s17+$0x400]  }
0x1b5: {  	v5 =	vadd.f32 v5, v7;
	[tilespmem:s17+$0x480] =	vst v8  }
0x1b6: {  	v7 =	vadd.f32 v61, v60;
	[tilespmem:s17+$0x580] =	vst v4  }
0x1b7: {  	v3 =	vadd.f32 v3, v62;
	[tilespmem:s17+$0x680] =	vst v5  }
0x1b8: {  	[tilespmem:s17+$0x500] =	vst v7;
	v4 =	vadd.f32 v57, v63  }
0x1b9: {  	[tilespmem:s17+$0x700] =	vst v3;
	v5 =	vadd.f32 v59, v6  }
0x1ba: {  	s22 =	sor.u32 s2, s2;
	[tilespmem:s17+$0x600] =	vst v4  }
0x1bb: {  	s21 =	sor.u32 $0x380, s22;
	[tilespmem:s17+$0x400] =	vst v5  }
0x1bc: {  	v3 =	vld [tilespmem:s21+$0x400]  }
0x1bd: {  	s20 =	simm.s32 $0x10;
	v4 =	vld [tilespmem:s21+$0x6400]  }
.LBB2_6:
0x1be: {  	p0 =	sne.s32 s20, $0x2F0  }
0x1bf: {  	s2 =	sadd.s32 $0x80, s2;
	s18 =	smov.u32 s20;
	s20 =	sadd.s32 $0x10, s20  }
0x1c0: {  	_ =	sdelay $0x2  }
0x1c1: {  	v3 =	vadd.f32 v4, v3;
	_ =	sdelay $0x1  }
0x1c2: {  	[tilespmem:s21+$0x400] =	vst v3  }
0x1c3: {  	v3 =	vld [tilespmem:s17+$0x1C00]  }
0x1c4: {  	v4 =	vld [tilespmem:s17+$0x7C00]  }
0x1c5: {  	v5 =	vld [tilespmem:s17+$0x1C80]  }
0x1c6: {  	v6 =	vld [tilespmem:s17+$0x7C80]  }
0x1c7: {  	v7 =	vld [tilespmem:s17+$0x1D00]  }
0x1c8: {  	v8 =	vld [tilespmem:s17+$0x7F80]  }
0x1c9: {  	v3 =	vadd.f32 v4, v3;
	v4 =	vld [tilespmem:s17+$0x7F00]  }
0x1ca: {  	v9 =	vld [tilespmem:s17+$0x7E80]  }
0x1cb: {  	[tilespmem:s17+$0x1C00] =	vst v3;
	v3 =	vadd.f32 v6, v5;
	v5 =	vld [tilespmem:s17+$0x7D80]  }
0x1cc: {  	v6 =	vld [tilespmem:s17+$0x7E00]  }
0x1cd: {  	[tilespmem:s17+$0x1C80] =	vst v3;
	v3 =	vld [tilespmem:s17+$0x7D00]  }
0x1ce: {  	v10 =	vld [tilespmem:s17+$0x1D80]  }
0x1cf: {  	v11 =	vld [tilespmem:s17+$0x1F80]  }
0x1d0: {  	v12 =	vld [tilespmem:s17+$0x1F00]  }
0x1d1: {  	s22 =	sand.u32 $0x1C00, s2;
	s21 =	sand.u32 $0x70, s18;
	v13 =	vld [tilespmem:s17+$0x1E00]  }
0x1d2: {  	s21 =	sor.u32 s21, s22;
	v3 =	vadd.f32 v3, v7;
	v7 =	vld [tilespmem:s17+$0x1E80]  }
0x1d3: {  	v14 =	vld [tilespmem:s21+$0x6700];
	v5 =	vadd.f32 v5, v10  }
0x1d4: {  	v10 =	vld [tilespmem:s21+$0x6580];
	[tilespmem:s17+$0x1D00] =	vst v3  }
0x1d5: {  	v3 =	vld [tilespmem:s21+$0x6680];
	[tilespmem:s17+$0x1D80] =	vst v5;
	v4 =	vadd.f32 v4, v12  }
0x1d6: {  	v8 =	vadd.f32 v8, v11;
	v5 =	vld [tilespmem:s21+$0x580];
	v6 =	vadd.f32 v6, v13  }
0x1d7: {  	v11 =	vld [tilespmem:s21+$0x680];
	v7 =	vadd.f32 v9, v7;
	[tilespmem:s17+$0x1F00] =	vst v4  }
0x1d8: {  	v4 =	vld [tilespmem:s21+$0x6480];
	[tilespmem:s17+$0x1F80] =	vst v8  }
0x1d9: {  	v8 =	vld [tilespmem:s21+$0x6600];
	[tilespmem:s17+$0x1E80] =	vst v7  }
0x1da: {  	v7 =	vld [tilespmem:s21+$0x480];
	[tilespmem:s17+$0x1E00] =	vst v6;
	s17 =	smov.u32 s21  }
0x1db: {  	v6 =	vld [tilespmem:s17+$0x6400]  }
0x1dc: {  	v9 =	vld [tilespmem:s17+$0x500];
	v3 =	vadd.f32 v3, v11  }
0x1dd: {  	v11 =	vld [tilespmem:s17+$0x6500]  }
0x1de: {  	v12 =	vld [tilespmem:s17+$0x700]  }
0x1df: {  	v4 =	vadd.f32 v4, v7;
	v7 =	vld [tilespmem:s17+$0x600]  }
0x1e0: {  	v5 =	vadd.f32 v10, v5;
	v13 =	vld [tilespmem:s17+$0x400]  }
0x1e1: {  	[tilespmem:s17+$0x480] =	vst v4  }
0x1e2: {  	v4 =	vadd.f32 v11, v9;
	[tilespmem:s17+$0x580] =	vst v5  }
0x1e3: {  	[tilespmem:s17+$0x680] =	vst v3;
	v3 =	vadd.f32 v14, v12  }
0x1e4: {  	[tilespmem:s17+$0x500] =	vst v4;
	v4 =	vadd.f32 v8, v7  }
.Ltmp2:
0x1e5: {  	v5 =	vadd.f32 v6, v13;
	[tilespmem:s17+$0x700] =	vst v3;
	(pc) =	sbr.rel @p0 .LBB2_6-.Ltmp2, $4  }
0x1e6: {  	s18 =	sor.u32 s2, s18;
	[tilespmem:s17+$0x600] =	vst v4  }
0x1e7: {  	s21 =	sor.u32 $0x380, s18;
	[tilespmem:s17+$0x400] =	vst v5  }
0x1e8: {  	v3 =	vld [tilespmem:s21+$0x400]  }
0x1e9: {  	v4 =	vld [tilespmem:s21+$0x6400]  }
0x1ea: {  	_ =	sdelay $0x3  }
0x1eb: {  	v3 =	vadd.f32 v4, v3;
	_ =	sdelay $0x1  }
0x1ec: {  	[tilespmem:s21+$0x400] =	vst v3  }
0x1ed: {  	v3 =	vld [tilespmem:s17+$0x1C00]  }
0x1ee: {  	v4 =	vld [tilespmem:s17+$0x7C00]  }
0x1ef: {  	v5 =	vld [tilespmem:s17+$0x1C80]  }
0x1f0: {  	v6 =	vld [tilespmem:s17+$0x7C80]  }
0x1f1: {  	v7 =	vld [tilespmem:s17+$0x1D00]  }
0x1f2: {  	v8 =	vld [tilespmem:s17+$0x7F80]  }
0x1f3: {  	v9 =	vld [tilespmem:s17+$0x7E80]  }
0x1f4: {  	v10 =	vld [tilespmem:s17+$0x1D80];
	v3 =	vadd.f32 v4, v3  }
0x1f5: {  	v11 =	vld [tilespmem:s17+$0x1F00]  }
0x1f6: {  	v12 =	vld [tilespmem:s17+$0x1F80];
	[tilespmem:s17+$0x1C00] =	vst v3;
	v3 =	vadd.f32 v6, v5  }
0x1f7: {  	v5 =	vld [tilespmem:s17+$0x7D80]  }
0x1f8: {  	[tilespmem:s17+$0x1C80] =	vst v3;
	v3 =	vld [tilespmem:s17+$0x7D00]  }
0x1f9: {  	v13 =	vld [tilespmem:s17+$0x1E80]  }
0x1fa: {  	v4 =	vld [tilespmem:s17+$0x7F00]  }
0x1fb: {  	v14 =	vld [tilespmem:s17+$0x1E00]  }
0x1fc: {  	v6 =	vld [tilespmem:s17+$0x7E00];
	v5 =	vadd.f32 v5, v10  }
0x1fd: {  	v3 =	vadd.f32 v3, v7  }
0x1fe: {  	[tilespmem:s17+$0x1D80] =	vst v5;
	v5 =	vadd.f32 v9, v13  }
0x1ff: {  	[tilespmem:s17+$0x1D00] =	vst v3;
	v3 =	vadd.f32 v4, v11  }
0x200: {  	v4 =	vadd.f32 v8, v12;
	[tilespmem:s17+$0x1E80] =	vst v5  }
0x201: {  	[tilespmem:s17+$0x1F00] =	vst v3;
	v3 =	vadd.f32 v6, v14  }
0x202: {  	[tilespmem:s17+$0x1F80] =	vst v4  }
0x203: {  	s2 =	rddreg [dreg:$0xd];
	[tilespmem:s17+$0x1E00] =	vst v3;
	s17 =	simm.s32 $0x0  }
0x204: {  	[hbm4b:s2+s17] =	stream.linear.scatter [tilespmem:s28], [sflag:$0x3], $0x3000, $0x38;
	[tilespmem:$0xC400] =	vst v63  }
0x205: {  	_ =	swait.ge [sflag:s26], $0x3000  }
0x206: {  	[sflag:s26] =	ssyncset.done $0x0  }
0x207: {  	[sflag:s26] =	ssyncadd.s32 $0xFFFFD000  }
0x208: {  	_ =	swait.ge [sflag:s4], $0x3000  }
0x209: {  	s21 =	sand.u32 $0x70, s17;
	s18 =	sand.u32 $0x1C00, s17;
	[sflag:s4] =	ssyncset.done $0x0  }
0x20a: {  	s2 =	sor.u32 s21, s18;
	[sflag:s4] =	ssyncadd.s32 $0xFFFFD000  }
0x20b: {  	v3 =	vld [tilespmem:s2+$0x9700]  }
0x20c: {  	v4 =	vld [tilespmem:s2+$0x9580]  }
0x20d: {  	v5 =	vld [tilespmem:s2+$0x9680]  }
0x20e: {  	v6 =	vld [tilespmem:s2+$0x3580]  }
0x20f: {  	v7 =	vld [tilespmem:s2+$0x3680]  }
0x210: {  	v56 =	vld [tilespmem:s2+$0x9480]  }
0x211: {  	v57 =	vld [tilespmem:s2+$0x9600]  }
0x212: {  	v58 =	vld [tilespmem:s2+$0x3480]  }
0x213: {  	v59 =	vld [tilespmem:s2+$0x9400]  }
0x214: {  	v60 =	vld [tilespmem:s2+$0x3500]  }
0x215: {  	v61 =	vld [tilespmem:s2+$0x9500]  }
0x216: {  	v62 =	vld [tilespmem:s2+$0x3700]  }
0x217: {  	v63 =	vld [tilespmem:s2+$0x3600];
	v8 =	vadd.f32 v56, v58  }
0x218: {  	v4 =	vadd.f32 v4, v6;
	v6 =	vld [tilespmem:s2+$0x3400]  }
0x219: {  	v5 =	vadd.f32 v5, v7;
	[tilespmem:s2+$0x3480] =	vst v8  }
0x21a: {  	v7 =	vadd.f32 v61, v60;
	[tilespmem:s2+$0x3580] =	vst v4  }
0x21b: {  	v3 =	vadd.f32 v3, v62;
	[tilespmem:s2+$0x3680] =	vst v5  }
0x21c: {  	[tilespmem:s2+$0x3500] =	vst v7;
	v4 =	vadd.f32 v57, v63  }
0x21d: {  	[tilespmem:s2+$0x3700] =	vst v3;
	v5 =	vadd.f32 v59, v6  }
0x21e: {  	s22 =	sor.u32 s17, s17;
	[tilespmem:s2+$0x3600] =	vst v4  }
0x21f: {  	s21 =	sor.u32 $0x380, s22;
	[tilespmem:s2+$0x3400] =	vst v5  }
0x220: {  	v3 =	vld [tilespmem:s21+$0x3400]  }
0x221: {  	s20 =	simm.s32 $0x10;
	v4 =	vld [tilespmem:s21+$0x9400]  }
.LBB2_8:
0x222: {  	p0 =	sne.s32 s20, $0x2F0  }
0x223: {  	s17 =	sadd.s32 $0x80, s17;
	s18 =	smov.u32 s20;
	s20 =	sadd.s32 $0x10, s20  }
0x224: {  	_ =	sdelay $0x2  }
0x225: {  	v3 =	vadd.f32 v4, v3;
	_ =	sdelay $0x1  }
0x226: {  	[tilespmem:s21+$0x3400] =	vst v3  }
0x227: {  	v3 =	vld [tilespmem:s2+$0x4C00]  }
0x228: {  	v4 =	vld [tilespmem:s2+$0xAC00]  }
0x229: {  	v5 =	vld [tilespmem:s2+$0x4C80]  }
0x22a: {  	v6 =	vld [tilespmem:s2+$0xAC80]  }
0x22b: {  	v7 =	vld [tilespmem:s2+$0x4D00]  }
0x22c: {  	v8 =	vld [tilespmem:s2+$0xAF80]  }
0x22d: {  	v3 =	vadd.f32 v4, v3;
	v4 =	vld [tilespmem:s2+$0xAF00]  }
0x22e: {  	v9 =	vld [tilespmem:s2+$0xAE80]  }
0x22f: {  	[tilespmem:s2+$0x4C00] =	vst v3;
	v3 =	vadd.f32 v6, v5;
	v5 =	vld [tilespmem:s2+$0xAD80]  }
0x230: {  	v6 =	vld [tilespmem:s2+$0xAE00]  }
0x231: {  	[tilespmem:s2+$0x4C80] =	vst v3;
	v3 =	vld [tilespmem:s2+$0xAD00]  }
0x232: {  	v10 =	vld [tilespmem:s2+$0x4D80]  }
0x233: {  	v11 =	vld [tilespmem:s2+$0x4F80]  }
0x234: {  	v12 =	vld [tilespmem:s2+$0x4F00]  }
0x235: {  	s22 =	sand.u32 $0x1C00, s17;
	s21 =	sand.u32 $0x70, s18;
	v13 =	vld [tilespmem:s2+$0x4E00]  }
0x236: {  	s21 =	sor.u32 s21, s22;
	v3 =	vadd.f32 v3, v7;
	v7 =	vld [tilespmem:s2+$0x4E80]  }
0x237: {  	v14 =	vld [tilespmem:s21+$0x9700];
	v5 =	vadd.f32 v5, v10  }
0x238: {  	v10 =	vld [tilespmem:s21+$0x9580];
	[tilespmem:s2+$0x4D00] =	vst v3  }
0x239: {  	v3 =	vld [tilespmem:s21+$0x9680];
	[tilespmem:s2+$0x4D80] =	vst v5;
	v4 =	vadd.f32 v4, v12  }
0x23a: {  	v8 =	vadd.f32 v8, v11;
	v5 =	vld [tilespmem:s21+$0x3580];
	v6 =	vadd.f32 v6, v13  }
0x23b: {  	v11 =	vld [tilespmem:s21+$0x3680];
	v7 =	vadd.f32 v9, v7;
	[tilespmem:s2+$0x4F00] =	vst v4  }
0x23c: {  	v4 =	vld [tilespmem:s21+$0x9480];
	[tilespmem:s2+$0x4F80] =	vst v8  }
0x23d: {  	v8 =	vld [tilespmem:s21+$0x9600];
	[tilespmem:s2+$0x4E80] =	vst v7  }
0x23e: {  	v7 =	vld [tilespmem:s21+$0x3480];
	[tilespmem:s2+$0x4E00] =	vst v6;
	s2 =	smov.u32 s21  }
0x23f: {  	v6 =	vld [tilespmem:s2+$0x9400]  }
0x240: {  	v9 =	vld [tilespmem:s2+$0x3500];
	v3 =	vadd.f32 v3, v11  }
0x241: {  	v11 =	vld [tilespmem:s2+$0x9500]  }
0x242: {  	v12 =	vld [tilespmem:s2+$0x3700]  }
0x243: {  	v4 =	vadd.f32 v4, v7;
	v7 =	vld [tilespmem:s2+$0x3600]  }
0x244: {  	v5 =	vadd.f32 v10, v5;
	v13 =	vld [tilespmem:s2+$0x3400]  }
0x245: {  	[tilespmem:s2+$0x3480] =	vst v4  }
0x246: {  	v4 =	vadd.f32 v11, v9;
	[tilespmem:s2+$0x3580] =	vst v5  }
0x247: {  	[tilespmem:s2+$0x3680] =	vst v3;
	v3 =	vadd.f32 v14, v12  }
0x248: {  	[tilespmem:s2+$0x3500] =	vst v4;
	v4 =	vadd.f32 v8, v7  }
.Ltmp3:
0x249: {  	v5 =	vadd.f32 v6, v13;
	[tilespmem:s2+$0x3700] =	vst v3;
	(pc) =	sbr.rel @p0 .LBB2_8-.Ltmp3, $4  }
0x24a: {  	s18 =	sor.u32 s17, s18;
	[tilespmem:s2+$0x3600] =	vst v4  }
0x24b: {  	s21 =	sor.u32 $0x380, s18;
	[tilespmem:s2+$0x3400] =	vst v5  }
0x24c: {  	v3 =	vld [tilespmem:s21+$0x3400]  }
0x24d: {  	v4 =	vld [tilespmem:s21+$0x9400]  }
0x24e: {  	_ =	sdelay $0x3  }
0x24f: {  	v3 =	vadd.f32 v4, v3;
	_ =	sdelay $0x1  }
0x250: {  	[tilespmem:s21+$0x3400] =	vst v3  }
0x251: {  	v3 =	vld [tilespmem:s2+$0x4C00]  }
0x252: {  	v57 =	vld [tilespmem:s2+$0xAC00]  }
0x253: {  	v5 =	vld [tilespmem:s2+$0x4C80]  }
0x254: {  	v6 =	vld [tilespmem:s2+$0xAC80]  }
0x255: {  	v7 =	vld [tilespmem:s2+$0x4D00]  }
0x256: {  	v8 =	vld [tilespmem:s2+$0xAF80]  }
0x257: {  	v58 =	vld [tilespmem:s2+$0xAF00]  }
0x258: {  	v9 =	vld [tilespmem:s2+$0xAE80];
	v3 =	vadd.f32 v57, v3  }
0x259: {  	v59 =	vld [tilespmem:s2+$0xAD80]  }
0x25a: {  	v60 =	vld [tilespmem:s2+$0xAE00];
	[tilespmem:s2+$0x4C00] =	vst v3;
	v3 =	vadd.f32 v6, v5  }
0x25b: {  	v12 =	vld [tilespmem:s2+$0x4F80]  }
0x25c: {  	[tilespmem:s2+$0x4C80] =	vst v3;
	v3 =	vld [tilespmem:s2+$0xAD00]  }
0x25d: {  	v13 =	vld [tilespmem:s2+$0x4E80]  }
0x25e: {  	v11 =	vld [tilespmem:s2+$0x4F00]  }
0x25f: {  	v10 =	vld [tilespmem:s2+$0x4D80]  }
0x260: {  	v61 =	vld [tilespmem:s2+$0x4E00];
	v62 =	vadd.f32 v8, v12  }
0x261: {  	v3 =	vadd.f32 v3, v7  }
0x262: {  	v63 =	vadd.f32 v9, v13;
	[tilespmem:s2+$0x4F80] =	vst v62  }
0x263: {  	[tilespmem:s2+$0x4D00] =	vst v3;
	v3 =	vadd.f32 v58, v11  }
0x264: {  	v5 =	vadd.f32 v59, v10;
	[tilespmem:s2+$0x4E80] =	vst v63  }
0x265: {  	[tilespmem:s2+$0x4F00] =	vst v3;
	v3 =	vadd.f32 v60, v61  }
0x266: {  	[tilespmem:s2+$0x4D80] =	vst v5  }
0x267: {  	s21 =	rddreg [dreg:$0xe];
	[tilespmem:s2+$0x4E00] =	vst v3  }
0x268: {  	[hbm4b:s21+s1] =	stream.linear.scatter [tilespmem:s5], [sflag:$0x3], $0x3000, $0x38;
	[tilespmem:$0xC400] =	vst v63  }
0x269: {  	_ =	swait.ge [sflag:s0], $0x3000  }
0x26a: {  	[sflag:s0] =	ssyncset.done $0x0  }
0x26b: {  	[sflag:s0] =	ssyncadd.s32 $0xFFFFD000  }
0x26c: {  	_ =	swait.ge [sflag:s0], $0x3000  }
0x26d: {  	s16 =	sadd.s32 $0x1, s16;
	s22 =	rddreg [dreg:$0xf]  }
0x26e: {  	p0 =	sne.s32 s16, s22  }
.Ltmp4:
0x26f: {  	_ = 	snop;
	(pc) =	sbr.rel @p0 .LBB2_1-.Ltmp4, $3  }
0x270: {  	_ =	sdelay $0x1  }
0x271: {  	[sflag:s0] =	ssyncset.done $0x0  }
0x272: {  	[sflag:s0] =	ssyncadd.s32 $0xFFFFD000  }
0x273: {  	_ =	sfence.sel $0x180000  }
0x274: {  	[bflag:$0x0] =	sbarrier.arrive $0xFFFF  }
0x275: {  	_ =	strace $0x9000004D  }
0x276: {  	s0 =	stileid.u32;
	[bflag:$0x2] =	sbarrier.arrive $0xFFFF  }
0x277: {  	p0 =	sne.s32 s0, $0x0;
	s0 =	rddreg [dreg:$0x2]  }
0x278: {  	s0 =	sadd.s32 @!p0 $0x100000, s0  }
0x279: {  	[sflag:s0] =	ssyncadd.tile.s32 @!p0 $0x1;
	_ =	shalt  }
.Lfunc_end2:
_tile_overlayer_lowered:
.L_overlay_start_2:
0x27a: {  	(tag) =	ssettag $0x2  }
0x27b: {  	s0 =	rddreg [dreg:$0x0];
	s2 =	stileid.u32  }
0x27c: {  	s1 =	rddreg [dreg:$0x1];
	p0 =	sne.s32 s2, $0x0  }
0x27d: {  	s3 =	rddreg [dreg:$0x2];
	[bflag:$0x3] =	sbarrier.arrive $0xFFFF;
	s2 =	simm.s32 @!p0 $0x1C04  }
0x27e: {  	[timem:s3], [sflag:s2] =	dma.local @!p0 [hbm:s0], s1  }
0x27f: {  	s0 =	simm.s32 @!p0 $0x4  }
0x280: {  	_ =	swait.ge @!p0 [sflag:s0], s1  }
0x281: {  	s1 =	ssub.s32 @!p0 $0x0, s1;
	[sflag:s0] =	ssyncset.done @!p0 $0x0  }
0x282: {  	[sflag:s0] =	ssyncadd.s32 @!p0 s1  }
0x283: {  	[bflag:$0x3] =	sbarrier.arrive $0xFFFF  }
0x284: {  	_ =	shalt  }

// kernel: kernel.7.cloned.1.call-start
scs
__scs_entry_jumppad:
0x0: {  	(pc) =	sbr.rel $0x88, $3  }
0x1: {  	(tag) =	ssettag $0x0;
	lr =	simm.s32 $0x1  }
0x2: {  	[smem:$0x3F9C] =	sst lr;
	_ =	strace $0xD0000000  }
0x3: {  	_ = 	snop  }
0x4: {  	_ = 	snop  }
0x5: {  	_ = 	snop  }
0x6: {  	_ = 	snop  }
0x7: {  	_ = 	snop  }
__scs_overlays_trampoline_lowered:
0x8: {  	[smem:$0x3FAB] =	sst s0  }
0x9: {  	[smem:$0x3FAC] =	sst s1  }
0xa: {  	[smem:$0x3FAD] =	sst s2  }
0xb: {  	[smem:$0x3FAE] =	sst s3  }
0xc: {  	[smem:$0x3FAF] =	sst s4  }
0xd: {  	[smem:$0x3FB0] =	sst s5  }
0xe: {  	[smem:$0x3FB1] =	sst s6  }
0xf: {  	[smem:$0x3FB2] =	sst s7  }
0x10: {  	[smem:$0x3FB3] =	sst s8  }
0x11: {  	[smem:$0x3FB4] =	sst s9;
	s0 =	simm.s32 @!p0 $0x0  }
0x12: {  	s1 =	sld [smem:$0x3F9A];
	s0 =	simm.s32 @p0 $0x1  }
0x13: {  	[smem:$0x3FB5] =	sst s0;
	s0 =	simm.s32 @!p1 $0x0  }
0x14: {  	s2 =	sld [smem:$0x3F99];
	s0 =	simm.s32 @p1 $0x1  }
0x15: {  	[smem:$0x3FB6] =	sst s0;
	s0 =	simm.s32 @!p2 $0x0  }
0x16: {  	s3 =	sld [smem:$0x3FDB];
	s0 =	simm.s32 @p2 $0x1  }
0x17: {  	s4 =	simm.s32 $0x1BF5;
	[smem:$0x3FB8] =	sst s0  }
0x18: {  	s0 =	sld [smem:$0x3F9B];
	_ =	swait.ge [sflag:s4], $0x0  }
0x19: {  	s7 =	sld [smem:$0x3F9C]  }
0x1a: {  	s8 =	sadd.s32 $0xFFFFE003, lr  }
0x1b: {  	s9 =	sadd.s32 $0xFFFFFEF7, lr;
	s5 =	simm.s32 $0xFFFFFFFF;
	p2 =	slt.u32 s8, $0xFFFFF086  }
0x1c: {  	p1 =	slt.u32 s9, $0xF7A;
	s5 =	simm.s32 @!p2 $0x0  }
0x1d: {  	s5 =	simm.s32 @p1 $0x1;
	p0 =	seq.s32 s7, s2  }
0x1e: {  	s7 =	smul.u32 @!p0 $0xF7A, s2;
	p2 =	seq.s32 @!p0 s5, $0x0  }
0x1f: {  	s9 =	smul.u32 $0xF7A, s1;
	s8 =	simm.s32 @!p0 $0x1BF5;
	p2 =	por !p2, p0  }
0x20: {  	[sflag:s8] =	ssyncset.s32 @!p0 $0xFFFFF086;
	s6 =	sadd.s32 @!p0 s3, s7;
	s7 =	simm.s32 @!p0 $0x108  }
0x21: {  	s3 =	sadd.s32 s3, s9;
	s6 =	sadd.s32 @!p0 $0x88, s6;
	s7 =	simm.s32 @p2 $0x1082  }
0x22: {  	[simem:s7], [sflag:s8] =	dma.local @!p0 [hbm:s6], $0xF7A  }
0x23: {  	s9 =	sor.u32 $0xD0000000, s2;
	s6 =	simm.s32 $0x108;
	_ =	swait.ge @!p0 [sflag:s8], $0x0  }
0x24: {  	s3 =	sadd.s32 $0x88, s3;
	s6 =	simm.s32 @!p1 $0x1082;
	[sflag:s4] =	ssyncset.s32 $0xFFFFF086  }
0x25: {  	[simem:s6], [sflag:s4] =	dma.local [hbm:s3], $0xF7A  }
0x26: {  	[smem:$0x3F9C] =	sst s1;
	(tag) =	ssettag s2;
	_ =	strace s9  }
0x27: {  	s1 =	sld [smem:$0x3FAC]  }
0x28: {  	s2 =	sld [smem:$0x3FAD]  }
0x29: {  	s4 =	sld [smem:$0x3FAF]  }
0x2a: {  	p0 =	seq.s32 s5, $0x0;
	s5 =	sld [smem:$0x3FB0]  }
0x2b: {  	s6 =	sld [smem:$0x3FB1]  }
0x2c: {  	s7 =	sld [smem:$0x3FB2]  }
0x2d: {  	s3 =	simm.s32 $0x108;
	s8 =	sld [smem:$0x3FB3]  }
0x2e: {  	s3 =	simm.s32 @!p0 $0x1082;
	s9 =	sld [smem:$0x3FB4]  }
0x2f: {  	lr =	sadd.s32 s0, s3;
	s0 =	sld [smem:$0x3FAB]  }
0x30: {  	s3 =	sld [smem:$0x3FAE]  }
0x31: {  	[smem:$0x3FB7] =	sst s10  }
0x32: {  	s10 =	sld [smem:$0x3FB5];
	_ =	sdelay $0x3  }
0x33: {  	p0 =	seq.s32 s10, $0x1;
	s10 =	sld [smem:$0x3FB7];
	_ =	sdelay $0x3  }
0x34: {  	[smem:$0x3FB7] =	sst s10  }
0x35: {  	s10 =	sld [smem:$0x3FB6];
	_ =	sdelay $0x3  }
0x36: {  	p1 =	seq.s32 s10, $0x1;
	s10 =	sld [smem:$0x3FB7];
	_ =	sdelay $0x3  }
0x37: {  	[smem:$0x3FB7] =	sst s10  }
0x38: {  	s10 =	sld [smem:$0x3FB8]  }
0x39: {  	_ = 	snop;
	(pc) =	sbr.ind lr, $3  }
0x3a: {  	_ = 	snop  }
0x3b: {  	_ = 	snop  }
0x3c: {  	p2 =	seq.s32 s10, $0x1;
	s10 =	sld [smem:$0x3FB7]  }
0x3d: {  	_ =	shalt  }
0x3e: {  	_ =	shalt  }
0x3f: {  	_ =	shalt  }
0x40: {  	_ =	shalt  }
0x41: {  	_ =	shalt  }
0x42: {  	_ =	shalt  }
0x43: {  	_ =	shalt  }
0x44: {  	_ =	shalt  }
0x45: {  	_ =	shalt  }
0x46: {  	_ =	shalt  }
0x47: {  	_ =	shalt  }
0x48: {  	_ =	shalt  }
0x49: {  	_ =	shalt  }
0x4a: {  	_ =	shalt  }
0x4b: {  	_ =	shalt  }
0x4c: {  	_ =	shalt  }
0x4d: {  	_ =	shalt  }
0x4e: {  	_ =	shalt  }
0x4f: {  	_ =	shalt  }
0x50: {  	_ =	shalt  }
0x51: {  	_ =	shalt  }
0x52: {  	_ =	shalt  }
0x53: {  	_ =	shalt  }
0x54: {  	_ =	shalt  }
0x55: {  	_ =	shalt  }
0x56: {  	_ =	shalt  }
0x57: {  	_ =	shalt  }
0x58: {  	_ =	shalt  }
0x59: {  	_ =	shalt  }
0x5a: {  	_ =	shalt  }
0x5b: {  	_ =	shalt  }
0x5c: {  	_ =	shalt  }
0x5d: {  	_ =	shalt  }
0x5e: {  	_ =	shalt  }
0x5f: {  	_ =	shalt  }
0x60: {  	_ =	shalt  }
0x61: {  	_ =	shalt  }
0x62: {  	_ =	shalt  }
0x63: {  	_ =	shalt  }
0x64: {  	_ =	shalt  }
0x65: {  	_ =	shalt  }
0x66: {  	_ =	shalt  }
0x67: {  	_ =	shalt  }
0x68: {  	_ =	shalt  }
0x69: {  	_ =	shalt  }
0x6a: {  	_ =	shalt  }
0x6b: {  	_ =	shalt  }
0x6c: {  	_ =	shalt  }
0x6d: {  	_ =	shalt  }
0x6e: {  	_ =	shalt  }
0x6f: {  	_ =	shalt  }
0x70: {  	_ =	shalt  }
0x71: {  	_ =	shalt  }
0x72: {  	_ =	shalt  }
0x73: {  	_ =	shalt  }
0x74: {  	_ =	shalt  }
0x75: {  	_ =	shalt  }
0x76: {  	_ =	shalt  }
0x77: {  	_ =	shalt  }
0x78: {  	_ =	shalt  }
0x79: {  	_ =	shalt  }
0x7a: {  	_ =	shalt  }
0x7b: {  	_ =	shalt  }
0x7c: {  	_ =	shalt  }
0x7d: {  	_ =	shalt  }
0x7e: {  	_ =	shalt  }
0x7f: {  	_ =	shalt  }
0x80: {  	_ =	shalt  }
0x81: {  	_ =	shalt  }
0x82: {  	_ =	shalt  }
0x83: {  	_ =	shalt  }
0x84: {  	_ =	shalt  }
0x85: {  	_ =	shalt  }
0x86: {  	_ =	shalt  }
0x87: {  	_ =	shalt  }
.Lfunc_end0:
.L_simem_size_0:
called_computation_lowered:
.L_overlay_start_0:
0x88: {  	s2 =	sld [smem:$0x3FD9]  }
0x89: {  	s3 =	sld [smem:$0x3FFE];
	_ =	sdelay $0x1  }
0x8a: {  	s1 =	srdreg.scid  }
0x8b: {  	s0 =	sand.u32 $0x1, s1  }
0x8c: {  	s14 =	sshll.u32 s0, $0xA;
	s2 =	sadd.s32 s3, s2  }
0x8d: {  	s2 =	sadd.s32 s2, s14  }
0x8e: {  	[smem:$0x3FC3] =	sst s2  }
0x8f: {  	_ = 	snop  }
0x90: {  	s2 =	sld [smem:$0x3FD0];
	_ =	sdelay $0x2  }
0x91: {  	s15 =	simm.s32 $0xA;
	s4 =	simm.s32 $0x10  }
0x92: {  	[smem:s4], [sflag:s15] =	dma.local [hbm:s2], $0x1  }
0x93: {  	_ =	swait.eq [sflag:s15], $0x1  }
0x94: {  	[sflag:s15] =	ssyncset.done $0x0  }
0x95: {  	s16 =	sld [smem:$0x10];
	[sflag:s15] =	ssyncadd.s32 $0xFFFFFFFF  }
0x96: {  	s17 =	sld [smem:$0x11];
	(tm) =	ssettm $0x1  }
0x97: {  	s18 =	sld [smem:$0x3FFB];
	_ =	sdelay $0x3  }
0x98: {  	_ =	strace s18  }
0x99: {  	s4 =	sld [smem:$0x3FFC];
	_ =	sdelay $0x3  }
0x9a: {  	_ =	strace s4  }
0x9b: {  	s4 =	sld [smem:$0x3FFD];
	_ =	sdelay $0x3  }
0x9c: {  	_ =	strace s4  }
0x9d: {  	_ =	strace $0x8FFFFFFF  }
0x9e: {  	s19 =	sld [smem:$0x3FDB];
	_ =	sdelay $0x1  }
0x9f: {  	s5 =	simm.s32 $_scs_section_size  }
0xa0: {  	s6 =	simm.s32 $_size__tile_overlayer_lowered;
	s7 =	simm.s32 $_tile_overlayer_lowered  }
0xa1: {  	s22 =	simm.s32 $0x1BFF;
	s21 =	sshll.u32 s7, $0x1;
	s4 =	sadd.s32 s5, s19  }
0xa2: {  	s8 =	simm.s32 $0x0;
	s20 =	sshll.u32 s6, $0x1;
	s6 =	sadd.s32 s21, s4  }
0xa3: {  	[timem:s8], [sflag:s22] =	dma.local [hbm:s6], s20  }
0xa4: {  	_ =	swait.ge [sflag:s22], s20  }
0xa5: {  	s5 =	ssub.s32 $0x0, s20;
	[sflag:s22] =	ssyncset.done $0x0  }
0xa6: {  	[sflag:s22] =	ssyncadd.s32 s5;
	_ =	sdelay $0x1  }
0xa7: {  	s23 =	simm.s32 $0x1B8B  }
0xa8: {  	_ =	swait.ge [sflag:s23], $0x1  }
0xa9: {  	[sflag:s23] =	ssyncset.done $0x0  }
0xaa: {  	s25 =	simm.s32 $0x1B8E;
	s24 =	sld [smem:$0x3FFE];
	[sflag:s23] =	ssyncadd.s32 $0xFFFFFFFF  }
0xab: {  	s26 =	simm.s32 $execute0_lowered;
	[smem:$0x3FD2] =	sst s25  }
0xac: {  	s6 =	sshll.u32 s26, $0x1;
	_ =	strace $0x80000046;
	[dreg:$0x1] =	wrdreg $0xFFFFFFFF  }
0xad: {  	s28 =	simm.s32 $_size_execute0_lowered;
	s4 =	sadd.s32 s4, s6;
	[dreg:$0x0] =	wrdreg $0x0  }
0xae: {  	s6 =	sshll.u32 s28, $0x1;
	[dreg:$0x2] =	wrdreg s4  }
0xaf: {  	[dreg:$0x3] =	wrdreg s6  }
0xb0: {  	[dreg:$0x4] =	wrdreg $0xC0  }
0xb1: {  	_ =	task [dreg:s8], $0x5FFFF  }
0xb2: {  	[dreg:$0x1] =	wrdreg $0xFFFFFFFF  }
0xb3: {  	[dreg:$0x0] =	wrdreg $0x60  }
0xb4: {  	[dreg:$0x2] =	wrdreg s17  }
0xb5: {  	[dreg:$0x3] =	wrdreg s16  }
0xb6: {  	[dreg:$0x4] =	wrdreg s24  }
0xb7: {  	[dreg:$0x5] =	wrdreg $0x9  }
0xb8: {  	_ =	task.clear_ibuf [dreg:s8], $0x6FFFF;
	_ =	strace $0x90000046  }
0xb9: {  	s29 =	simm.s32 $0x9;
	_ =	strace $0x80000048  }
0xba: {  	_ =	swait.ge [sflag:s29], $0x1  }
0xbb: {  	[sflag:s29] =	ssyncadd.s32 $0xFFFFFFFF  }
0xbc: {  	_ =	strace $0x90000048  }
0xbd: {  	_ =	sfence  }
0xbe: {  	s30 =	sld [smem:$0x0];
	_ =	sdelay $0x2  }
0xbf: {  	s31 =	sshll.u32 s1, $0xD;
	s1 =	sshrl.u32 s1, $0x2  }
0xc0: {  	s3 =	sand.u32 $0x4000, s31;
	s1 =	sadd.s32 s1, s30  }
0xc1: {  	s0 =	sor.u32 s3, s0;
	s1 =	sshll.u32 s1, $0x11  }
0xc2: {  	s0 =	sor.u32 s1, s0  }
0xc3: {  	s0 =	sadd.s32 $0x8F2B, s0  }
0xc4: {  	[sflag:s0] =	ssyncadd.remote.s32 $0x1  }
0xc5: {  	_ =	sfence.sel $0xFFFF  }
0xc6: {  	[dreg:$0x0] =	wrdreg $0xFFFFFFFF;
	(pc) =	sbr.abs _section_cstart, $3  }
0xc7: {  	[dreg:$0x1] =	wrdreg $0xFFFFFFFF  }
0xc8: {  	_ =	task.clear_ibuf [dreg:s8], $0x2FFFF;
	_ =	strace $0x9FFFFFFF  }
0xc9: {  	(tm) =	ssettm $0x7FFFFFFF  }
tec
execute0_lowered:
.L_overlay_start_1:
0x0: {  	(tag) =	ssettag $0x1  }
0x1: {  	s0 =	srdreg.scid  }
0x2: {  	s4 =	stileid.u32;
	s2 =	sand.u32 $0x1, s0  }
0x3: {  	s4 =	sor.u32 s4, s2  }
0x4: {  	p0 =	sne.s32 s4, $0x0  }
.Ltmp0:
0x5: {  	_ = 	snop;
	(pc) =	sbr.rel @p0 .LBB2_37-.Ltmp0, $4  }
0x6: {  	_ = 	snop  }
0x7: {  	s1 =	rddreg [dreg:$0x0]  }
0x8: {  	s3 =	rddreg [dreg:$0x1]  }
0x9: {  	s0 =	rddreg [dreg:$0x2];
	_ =	strace $0x80000047  }
0xa: {  	s4 =	sadd.s32 $0x2400, s0;
	s5 =	sadd.s32 $0x2600, s0  }
0xb: {  	s2 =	ssub.s32 $0x2, s2;
	s6 =	sadd.s32 $0x2000, s0;
	s7 =	sadd.s32 $0x2200, s0  }
0xc: {  	s9 =	simm.s32 $0x0;
	s10 =	simm.s32 $0x1;
	s11 =	simm.s32 $0x4000  }
0xd: {  	v0 =	vlaneseq.u32;
	s13 =	simm.s32 $0x6000;
	s14 =	simm.s32 $0x7000;
	s31 =	sshrl.u32 s2, $0x1  }
0xe: {  	v1 =	vimm.s32 $0x0;
	s15 =	simm.s32 $0x7080;
	s16 =	simm.s32 $0x0;
	v2 =	vor.u32 $0x10, v0;
	s8 =	ssub.s32 s2, s31  }
.LBB2_2:
0xf: {  	[tilespmem:s9], [sflag:$0x1] =	stream.linear.gather [hbm4b:s1+s9], $0x4000, $0x38;
	[tilespmem:$0x7100] =	vst v63  }
0x10: {  	_ =	swait.ge [sflag:s10], $0x4000  }
0x11: {  	[sflag:s10] =	ssyncset.done $0x0  }
0x12: {  	s0 =	simm.s32 $0x40;
	s2 =	simm.s32 $0x0;
	[sflag:s10] =	ssyncadd.s32 $0xFFFFC000  }
.LBB2_3:
0x13: {  	p0 =	sne.s32 s0, $0x1FC0;
	[tilespmem:s2+$0x6800] =	vst v1;
	s2 =	smov.u32 s0;
	s0 =	sadd.s32 $0x40, s0  }
.Ltmp1:
0x14: {  	(pc) =	sbr.rel @p0 .LBB2_3-.Ltmp1, $2  }
0x15: {  	_ =	sdelay $0x2  }
0x16: {  	s2 =	sshra.s32 s2, $0x2  }
0x17: {  	s18 =	simm.s32 $0x0  }
0x18: {  	s0 =	sand.u32 $0x70, s18;
	s12 =	sand.u32 $0x3C00, s18  }
0x19: {  	s19 =	simm.s32 $0x10;
	[tilespmem:s2+$0x6800] =	vst v1;
	s22 =	simm.s32 $0x80;
	s17 =	sor.u32 s0, s12  }
0x1a: {  	s21 =	sand.u32 $0x70, s19;
	s2 =	sand.u32 $0x3C00, s22;
	v3 =	vld [tilespmem:s17+$0x0]  }
0x1b: {  	s20 =	sor.u32 s21, s2  }
0x1c: {  	v4 =	vld [tilespmem:s20+$0x0];
	_ =	sdelay $0x2  }
0x1d: {  	vm0 =	vlt.f32 v3, $0.0e+00;
	vm1 =	vgt.f32 v3, $0.0e+00  }
0x1e: {  	s28 =	simm.s32 $0x30;
	s29 =	simm.s32 $0x180;
	vm0 =	vmor vm1, vm0  }
0x1f: {  	s0 =	sand.u32 $0x70, s28;
	s2 =	sand.u32 $0x3C00, s29;
	vm9 =	vlt.f32 v4, $0.0e+00;
	vm2 =	vgt.f32 v4, $0.0e+00;
	v3 =	vsel vm0, $0x1, v1  }
0x20: {  	s22 =	sor.u32 s0, s2;
	vm10 =	vmor vm2, vm9;
	(xrf0) =	vadd.scan.msk.s32 $0xffff, v3  }
0x21: {  	s23 =	simm.s32 $0x20;
	s24 =	simm.s32 $0x100;
	v4 =	vsel vm10, $0x1, v1;
	v3 =	vld [tilespmem:s22+$0x0]  }
0x22: {  	s25 =	sand.u32 $0x70, s23;
	s26 =	sand.u32 $0x3C00, s24;
	(xrf0) =	vadd.scan.msk.s32 $0xffff, v4  }
0x23: {  	s21 =	sor.u32 s25, s26  }
0x24: {  	v5 =	vld [tilespmem:s21+$0x0];
	_ =	sdelay $0x1  }
0x25: {  	vm14 =	vlt.f32 v3, $0.0e+00;
	vm15 =	vgt.f32 v3, $0.0e+00;
	v3, _, _ =	vpop (xrf0)  }
0x26: {  	(v2sf) =	vpush v3, $0xF  }
0x27: {  	v3, _, _ =	vpop (xrf0)  }
0x28: {  	vm11 =	vlt.f32 v5, $0.0e+00;
	vm12 =	vgt.f32 v5, $0.0e+00;
	(v2sf) =	vpush v3, $0xF  }
0x29: {  	vm13 =	vmor vm12, vm11  }
0x2a: {  	v4 =	vsel vm13, $0x1, v1  }
0x2b: {  	(xrf0) =	vadd.scan.msk.s32 $0xffff, v4  }
0x2c: {  	s30 =	simm.s32 $0x40;
	s23 =	simm.s32 $0x200  }
0x2d: {  	s19 =	sand.u32 $0x70, s30;
	s31 =	sand.u32 $0x3C00, s23;
	vm0 =	vmor vm15, vm14  }
0x2e: {  	s0 =	sor.u32 s19, s31;
	v4 =	vsel vm0, $0x1, v1  }
0x2f: {  	v3 =	vld [tilespmem:s0+$0x0];
	_ =	sdelay $0x1  }
0x30: {  	s24 =	simm.s32 $0x50;
	s2 =	simm.s32 $0x0;
	(xrf0) =	vadd.scan.msk.s32 $0xffff, v4;
	v4, _, _ =	vpop (xrf0)  }
.LBB2_5:
0x31: {  	s0 =	sand.u32 $0x70, s24;
	s23 =	sadd.s32 $0x80, s23;
	(v2sf) =	vpush v4, $0xF;
	p0 =	sne.s32 s24, $0x7F0  }
.Ltmp2:
0x32: {  	s24 =	sadd.s32 $0x10, s24;
	s12 =	sand.u32 $0x3C00, s23;
	(pc) =	sbr.rel @p0 .LBB2_5-.Ltmp2, $4  }
0x33: {  	s0 =	sor.u32 s0, s12;
	vm0 =	vlt.f32 v3, $0.0e+00;
	vm1 =	vgt.f32 v3, $0.0e+00  }
0x34: {  	v3 =	vld [tilespmem:s0+$0x0];
	vm0 =	vmor vm1, vm0;
	s0 =	spop (v2sf)  }
0x35: {  	v5 =	vsel vm0, $0x1, v1;
	s2 =	sadd.s32 s2, s0  }
0x36: {  	(xrf0) =	vadd.scan.msk.s32 $0xffff, v5;
	v4, _, _ =	vpop (xrf0)  }
0x37: {  	_ =	sdelay $0x1  }
0x38: {  	vm0 =	vlt.f32 v3, $0.0e+00;
	vm1 =	vgt.f32 v3, $0.0e+00  }
0x39: {  	vm0 =	vmor vm1, vm0  }
0x3a: {  	v3 =	vsel vm0, $0x1, v1  }
0x3b: {  	(xrf0) =	vadd.scan.msk.s32 $0xffff, v3;
	_ =	sdelay $0x4  }
0x3c: {  	(v2sf) =	vpush v4, $0xF;
	v4 =	vld [tilespmem:s17+$0x80];
	v3, _, _ =	vpop (xrf0)  }
0x3d: {  	(v2sf) =	vpush v3, $0xF;
	v3, _, _ =	vpop (xrf0)  }
0x3e: {  	(v2sf) =	vpush v3, $0xF;
	v3 =	vld [tilespmem:s20+$0x80];
	_ =	sdelay $0x2  }
0x3f: {  	vm7 =	vlt.f32 v4, $0.0e+00;
	vm8 =	vgt.f32 v4, $0.0e+00  }
0x40: {  	vm0 =	vmor vm8, vm7  }
0x41: {  	vm9 =	vlt.f32 v3, $0.0e+00;
	vm2 =	vgt.f32 v3, $0.0e+00;
	v3 =	vsel vm0, $0x1, v1  }
0x42: {  	vm10 =	vmor vm2, vm9;
	(xrf0) =	vadd.scan.msk.s32 $0xffff, v3  }
0x43: {  	v3 =	vld [tilespmem:s22+$0x80];
	v4 =	vsel vm10, $0x1, v1  }
0x44: {  	(xrf0) =	vadd.scan.msk.s32 $0xffff, v4;
	_ =	sdelay $0x1  }
0x45: {  	v5 =	vld [tilespmem:s21+$0x80];
	_ =	sdelay $0x1  }
0x46: {  	vm14 =	vlt.f32 v3, $0.0e+00;
	vm15 =	vgt.f32 v3, $0.0e+00;
	v3, _, _ =	vpop (xrf0)  }
0x47: {  	s0 =	spop (v2sf);
	(v2sf) =	vpush v3, $0xF  }
0x48: {  	v3, _, _ =	vpop (xrf0)  }
0x49: {  	vm11 =	vlt.f32 v5, $0.0e+00;
	vm12 =	vgt.f32 v5, $0.0e+00;
	s12 =	spop (v2sf);
	(v2sf) =	vpush v3, $0xF  }
0x4a: {  	vm13 =	vmor vm12, vm11  }
0x4b: {  	v4 =	vsel vm13, $0x1, v1  }
0x4c: {  	(xrf0) =	vadd.scan.msk.s32 $0xffff, v4  }
0x4d: {  	s0 =	sadd.s32 s2, s0;
	s2 =	simm.s32 $0x200  }
0x4e: {  	s29 =	sand.u32 $0x3C00, s2;
	vm0 =	vmor vm15, vm14  }
0x4f: {  	s31 =	sor.u32 s19, s29;
	s0 =	sadd.s32 s0, s12;
	s26 =	spop (v2sf);
	v4 =	vsel vm0, $0x1, v1  }
0x50: {  	s0 =	sadd.s32 s0, s26;
	s28 =	spop (v2sf);
	v3 =	vld [tilespmem:s31+$0x80]  }
0x51: {  	s0 =	sadd.s32 s0, s28;
	s30 =	spop (v2sf)  }
0x52: {  	s19 =	simm.s32 $0x50;
	(xrf0) =	vadd.scan.msk.s32 $0xffff, v4;
	s17 =	sadd.s32 s0, s30;
	v4, _, _ =	vpop (xrf0)  }
.LBB2_7:
0x53: {  	s0 =	sand.u32 $0x70, s19;
	s2 =	sadd.s32 $0x80, s2;
	(v2sf) =	vpush v4, $0xF;
	p0 =	sne.s32 s19, $0x7F0  }
.Ltmp3:
0x54: {  	s19 =	sadd.s32 $0x10, s19;
	s12 =	sand.u32 $0x3C00, s2;
	(pc) =	sbr.rel @p0 .LBB2_7-.Ltmp3, $4  }
0x55: {  	s0 =	sor.u32 s0, s12;
	vm0 =	vlt.f32 v3, $0.0e+00;
	vm1 =	vgt.f32 v3, $0.0e+00  }
0x56: {  	v3 =	vld [tilespmem:s0+$0x80];
	vm0 =	vmor vm1, vm0;
	s0 =	spop (v2sf)  }
0x57: {  	v5 =	vsel vm0, $0x1, v1;
	s18 =	sadd.s32 s18, s0  }
0x58: {  	(xrf0) =	vadd.scan.msk.s32 $0xffff, v5;
	v4, _, _ =	vpop (xrf0)  }
0x59: {  	_ =	sdelay $0x1  }
0x5a: {  	vm0 =	vlt.f32 v3, $0.0e+00;
	vm1 =	vgt.f32 v3, $0.0e+00  }
0x5b: {  	vm0 =	vmor vm1, vm0  }
0x5c: {  	v3 =	vsel vm0, $0x1, v1  }
0x5d: {  	(xrf0) =	vadd.scan.msk.s32 $0xffff, v3;
	_ =	sdelay $0x1  }
0x5e: {  	s20 =	simm.s32 $0x0  }
0x5f: {  	s0 =	sand.u32 $0x70, s20;
	s2 =	sand.u32 $0x3C00, s20  }
0x60: {  	s12 =	simm.s32 $0x10;
	s28 =	simm.s32 $0x80;
	s19 =	sor.u32 s0, s2  }
0x61: {  	(v2sf) =	vpush v4, $0xF;
	s26 =	sand.u32 $0x70, s12;
	s2 =	sand.u32 $0x3C00, s28;
	v4 =	vld [tilespmem:s19+$0x100];
	v3, _, _ =	vpop (xrf0)  }
0x62: {  	s21 =	sor.u32 s26, s2;
	(v2sf) =	vpush v3, $0xF;
	v3, _, _ =	vpop (xrf0)  }
0x63: {  	(v2sf) =	vpush v3, $0xF;
	v3 =	vld [tilespmem:s21+$0x100];
	_ =	sdelay $0x2  }
0x64: {  	vm7 =	vlt.f32 v4, $0.0e+00;
	vm8 =	vgt.f32 v4, $0.0e+00  }
0x65: {  	s23 =	simm.s32 $0x180;
	s12 =	simm.s32 $0x30;
	vm0 =	vmor vm8, vm7  }
0x66: {  	s0 =	sand.u32 $0x70, s12;
	s2 =	sand.u32 $0x3C00, s23;
	vm9 =	vlt.f32 v3, $0.0e+00;
	vm2 =	vgt.f32 v3, $0.0e+00;
	v3 =	vsel vm0, $0x1, v1  }
0x67: {  	s23 =	sor.u32 s0, s2;
	vm10 =	vmor vm2, vm9;
	(xrf0) =	vadd.scan.msk.s32 $0xffff, v3  }
0x68: {  	s29 =	simm.s32 $0x20;
	s22 =	simm.s32 $0x100;
	v3 =	vld [tilespmem:s23+$0x100];
	v4 =	vsel vm10, $0x1, v1  }
0x69: {  	s30 =	sand.u32 $0x70, s29;
	s31 =	sand.u32 $0x3C00, s22;
	(xrf0) =	vadd.scan.msk.s32 $0xffff, v4  }
0x6a: {  	s22 =	sor.u32 s30, s31  }
0x6b: {  	v5 =	vld [tilespmem:s22+$0x100];
	_ =	sdelay $0x1  }
0x6c: {  	vm14 =	vlt.f32 v3, $0.0e+00;
	vm15 =	vgt.f32 v3, $0.0e+00;
	v3, _, _ =	vpop (xrf0)  }
0x6d: {  	s24 =	spop (v2sf);
	(v2sf) =	vpush v3, $0xF  }
0x6e: {  	v3, _, _ =	vpop (xrf0)  }
0x6f: {  	vm11 =	vlt.f32 v5, $0.0e+00;
	vm12 =	vgt.f32 v5, $0.0e+00;
	s25 =	spop (v2sf);
	(v2sf) =	vpush v3, $0xF  }
0x70: {  	vm13 =	vmor vm12, vm11  }
0x71: {  	v4 =	vsel vm13, $0x1, v1  }
0x72: {  	s0 =	sadd.s32 s18, s24;
	(xrf0) =	vadd.scan.msk.s32 $0xffff, v4  }
0x73: {  	s28 =	simm.s32 $0x40;
	s0 =	sadd.s32 s0, s25;
	s25 =	simm.s32 $0x200  }
0x74: {  	s24 =	sand.u32 $0x70, s28;
	s30 =	sand.u32 $0x3C00, s25;
	vm0 =	vmor vm15, vm14  }
0x75: {  	s2 =	sor.u32 s24, s30;
	s26 =	spop (v2sf);
	v4 =	vsel vm0, $0x1, v1  }
0x76: {  	s0 =	sadd.s32 s0, s26;
	s29 =	spop (v2sf);
	v3 =	vld [tilespmem:s2+$0x100]  }
0x77: {  	s0 =	sadd.s32 s0, s29;
	s31 =	spop (v2sf)  }
0x78: {  	s26 =	simm.s32 $0x50;
	(xrf0) =	vadd.scan.msk.s32 $0xffff, v4;
	s2 =	simm.s32 $0x0;
	s18 =	sadd.s32 s0, s31;
	v4, _, _ =	vpop (xrf0)  }
.LBB2_9:
0x79: {  	s0 =	sand.u32 $0x70, s26;
	s25 =	sadd.s32 $0x80, s25;
	(v2sf) =	vpush v4, $0xF;
	p0 =	sne.s32 s26, $0x7F0  }
.Ltmp4:
0x7a: {  	s26 =	sadd.s32 $0x10, s26;
	s12 =	sand.u32 $0x3C00, s25;
	(pc) =	sbr.rel @p0 .LBB2_9-.Ltmp4, $4  }
0x7b: {  	s0 =	sor.u32 s0, s12;
	vm0 =	vlt.f32 v3, $0.0e+00;
	vm1 =	vgt.f32 v3, $0.0e+00  }
0x7c: {  	v3 =	vld [tilespmem:s0+$0x100];
	vm0 =	vmor vm1, vm0;
	s0 =	spop (v2sf)  }
0x7d: {  	v5 =	vsel vm0, $0x1, v1;
	s2 =	sadd.s32 s2, s0  }
0x7e: {  	(xrf0) =	vadd.scan.msk.s32 $0xffff, v5;
	v4, _, _ =	vpop (xrf0)  }
0x7f: {  	_ =	sdelay $0x1  }
0x80: {  	vm0 =	vlt.f32 v3, $0.0e+00;
	vm1 =	vgt.f32 v3, $0.0e+00  }
0x81: {  	vm0 =	vmor vm1, vm0  }
0x82: {  	v3 =	vsel vm0, $0x1, v1  }
0x83: {  	(xrf0) =	vadd.scan.msk.s32 $0xffff, v3;
	_ =	sdelay $0x4  }
0x84: {  	(v2sf) =	vpush v4, $0xF;
	v4 =	vld [tilespmem:s19+$0x180];
	v3, _, _ =	vpop (xrf0)  }
0x85: {  	(v2sf) =	vpush v3, $0xF;
	v3, _, _ =	vpop (xrf0)  }
0x86: {  	(v2sf) =	vpush v3, $0xF;
	v3 =	vld [tilespmem:s21+$0x180];
	_ =	sdelay $0x2  }
0x87: {  	vm7 =	vlt.f32 v4, $0.0e+00;
	vm8 =	vgt.f32 v4, $0.0e+00  }
0x88: {  	vm0 =	vmor vm8, vm7  }
0x89: {  	vm9 =	vlt.f32 v3, $0.0e+00;
	vm2 =	vgt.f32 v3, $0.0e+00;
	v3 =	vsel vm0, $0x1, v1  }
0x8a: {  	vm10 =	vmor vm2, vm9;
	(xrf0) =	vadd.scan.msk.s32 $0xffff, v3  }
0x8b: {  	v3 =	vld [tilespmem:s23+$0x180];
	v4 =	vsel vm10, $0x1, v1  }
0x8c: {  	(xrf0) =	vadd.scan.msk.s32 $0xffff, v4;
	_ =	sdelay $0x1  }
0x8d: {  	v5 =	vld [tilespmem:s22+$0x180];
	_ =	sdelay $0x1  }
0x8e: {  	vm14 =	vlt.f32 v3, $0.0e+00;
	vm15 =	vgt.f32 v3, $0.0e+00;
	v3, _, _ =	vpop (xrf0)  }
0x8f: {  	s0 =	spop (v2sf);
	(v2sf) =	vpush v3, $0xF  }
0x90: {  	v3, _, _ =	vpop (xrf0)  }
0x91: {  	vm11 =	vlt.f32 v5, $0.0e+00;
	vm12 =	vgt.f32 v5, $0.0e+00;
	s12 =	spop (v2sf);
	(v2sf) =	vpush v3, $0xF  }
0x92: {  	vm13 =	vmor vm12, vm11  }
0x93: {  	v4 =	vsel vm13, $0x1, v1  }
0x94: {  	(xrf0) =	vadd.scan.msk.s32 $0xffff, v4  }
0x95: {  	s0 =	sadd.s32 s2, s0;
	s2 =	simm.s32 $0x200  }
0x96: {  	s29 =	sand.u32 $0x3C00, s2;
	vm0 =	vmor vm15, vm14  }
0x97: {  	s31 =	sor.u32 s24, s29;
	s0 =	sadd.s32 s0, s12;
	s26 =	spop (v2sf);
	v4 =	vsel vm0, $0x1, v1  }
0x98: {  	s0 =	sadd.s32 s0, s26;
	s28 =	spop (v2sf);
	v3 =	vld [tilespmem:s31+$0x180]  }
0x99: {  	s0 =	sadd.s32 s0, s28;
	s30 =	spop (v2sf)  }
0x9a: {  	s21 =	simm.s32 $0x50;
	(xrf0) =	vadd.scan.msk.s32 $0xffff, v4;
	s19 =	sadd.s32 s0, s30;
	v4, _, _ =	vpop (xrf0)  }
.LBB2_11:
0x9b: {  	s0 =	sand.u32 $0x70, s21;
	s2 =	sadd.s32 $0x80, s2;
	(v2sf) =	vpush v4, $0xF;
	p0 =	sne.s32 s21, $0x7F0  }
.Ltmp5:
0x9c: {  	s21 =	sadd.s32 $0x10, s21;
	s12 =	sand.u32 $0x3C00, s2;
	(pc) =	sbr.rel @p0 .LBB2_11-.Ltmp5, $4  }
0x9d: {  	s0 =	sor.u32 s0, s12;
	vm0 =	vlt.f32 v3, $0.0e+00;
	vm1 =	vgt.f32 v3, $0.0e+00  }
0x9e: {  	v3 =	vld [tilespmem:s0+$0x180];
	vm0 =	vmor vm1, vm0;
	s0 =	spop (v2sf)  }
0x9f: {  	v5 =	vsel vm0, $0x1, v1;
	s20 =	sadd.s32 s20, s0  }
0xa0: {  	(xrf0) =	vadd.scan.msk.s32 $0xffff, v5;
	v4, _, _ =	vpop (xrf0)  }
0xa1: {  	_ =	sdelay $0x1  }
0xa2: {  	vm0 =	vlt.f32 v3, $0.0e+00;
	vm1 =	vgt.f32 v3, $0.0e+00  }
0xa3: {  	vm0 =	vmor vm1, vm0  }
0xa4: {  	v3 =	vsel vm0, $0x1, v1  }
0xa5: {  	(xrf0) =	vadd.scan.msk.s32 $0xffff, v3;
	_ =	sdelay $0x1  }
0xa6: {  	s22 =	simm.s32 $0x0  }
0xa7: {  	s0 =	sand.u32 $0x70, s22;
	s2 =	sand.u32 $0x3C00, s22  }
0xa8: {  	s12 =	simm.s32 $0x10;
	s25 =	simm.s32 $0x80;
	s21 =	sor.u32 s0, s2  }
0xa9: {  	(v2sf) =	vpush v4, $0xF;
	s23 =	sand.u32 $0x70, s12;
	s2 =	sand.u32 $0x3C00, s25;
	v4 =	vld [tilespmem:s21+$0x200];
	v3, _, _ =	vpop (xrf0)  }
0xaa: {  	s23 =	sor.u32 s23, s2;
	(v2sf) =	vpush v3, $0xF;
	v3, _, _ =	vpop (xrf0)  }
0xab: {  	(v2sf) =	vpush v3, $0xF;
	v3 =	vld [tilespmem:s23+$0x200];
	_ =	sdelay $0x2  }
0xac: {  	vm7 =	vlt.f32 v4, $0.0e+00;
	vm8 =	vgt.f32 v4, $0.0e+00  }
0xad: {  	s12 =	simm.s32 $0x30;
	s25 =	simm.s32 $0x180;
	vm0 =	vmor vm8, vm7  }
0xae: {  	s0 =	sand.u32 $0x70, s12;
	s2 =	sand.u32 $0x3C00, s25;
	vm9 =	vlt.f32 v3, $0.0e+00;
	vm2 =	vgt.f32 v3, $0.0e+00;
	v3 =	vsel vm0, $0x1, v1  }
0xaf: {  	s25 =	sor.u32 s0, s2;
	vm10 =	vmor vm2, vm9;
	(xrf0) =	vadd.scan.msk.s32 $0xffff, v3  }
0xb0: {  	s26 =	simm.s32 $0x20;
	s24 =	simm.s32 $0x100;
	v3 =	vld [tilespmem:s25+$0x200];
	v4 =	vsel vm10, $0x1, v1  }
0xb1: {  	s30 =	sand.u32 $0x70, s26;
	s31 =	sand.u32 $0x3C00, s24;
	(xrf0) =	vadd.scan.msk.s32 $0xffff, v4  }
0xb2: {  	s24 =	sor.u32 s30, s31  }
0xb3: {  	v5 =	vld [tilespmem:s24+$0x200];
	_ =	sdelay $0x1  }
0xb4: {  	vm14 =	vlt.f32 v3, $0.0e+00;
	vm15 =	vgt.f32 v3, $0.0e+00;
	v3, _, _ =	vpop (xrf0)  }
0xb5: {  	s26 =	spop (v2sf);
	(v2sf) =	vpush v3, $0xF  }
0xb6: {  	v3, _, _ =	vpop (xrf0)  }
0xb7: {  	vm11 =	vlt.f32 v5, $0.0e+00;
	vm12 =	vgt.f32 v5, $0.0e+00;
	s30 =	spop (v2sf);
	(v2sf) =	vpush v3, $0xF  }
0xb8: {  	vm13 =	vmor vm12, vm11  }
0xb9: {  	v4 =	vsel vm13, $0x1, v1  }
0xba: {  	(xrf0) =	vadd.scan.msk.s32 $0xffff, v4  }
0xbb: {  	s28 =	simm.s32 $0x200;
	s12 =	simm.s32 $0x40;
	s0 =	sadd.s32 s20, s26  }
0xbc: {  	s26 =	sand.u32 $0x70, s12;
	s0 =	sadd.s32 s0, s30;
	s30 =	sand.u32 $0x3C00, s28;
	vm0 =	vmor vm15, vm14  }
0xbd: {  	s2 =	sor.u32 s26, s30;
	s31 =	spop (v2sf);
	v4 =	vsel vm0, $0x1, v1  }
0xbe: {  	s0 =	sadd.s32 s0, s31;
	s20 =	spop (v2sf);
	v3 =	vld [tilespmem:s2+$0x200]  }
0xbf: {  	s0 =	sadd.s32 s0, s20;
	s31 =	spop (v2sf)  }
0xc0: {  	s29 =	simm.s32 $0x50;
	(xrf0) =	vadd.scan.msk.s32 $0xffff, v4;
	s2 =	simm.s32 $0x0;
	s20 =	sadd.s32 s0, s31;
	v4, _, _ =	vpop (xrf0)  }
.LBB2_13:
0xc1: {  	s0 =	sand.u32 $0x70, s29;
	s28 =	sadd.s32 $0x80, s28;
	(v2sf) =	vpush v4, $0xF;
	p0 =	sne.s32 s29, $0x7F0  }
.Ltmp6:
0xc2: {  	s29 =	sadd.s32 $0x10, s29;
	s12 =	sand.u32 $0x3C00, s28;
	(pc) =	sbr.rel @p0 .LBB2_13-.Ltmp6, $4  }
0xc3: {  	s0 =	sor.u32 s0, s12;
	vm0 =	vlt.f32 v3, $0.0e+00;
	vm1 =	vgt.f32 v3, $0.0e+00  }
0xc4: {  	v3 =	vld [tilespmem:s0+$0x200];
	vm0 =	vmor vm1, vm0;
	s0 =	spop (v2sf)  }
0xc5: {  	v5 =	vsel vm0, $0x1, v1;
	s2 =	sadd.s32 s2, s0  }
0xc6: {  	(xrf0) =	vadd.scan.msk.s32 $0xffff, v5;
	v4, _, _ =	vpop (xrf0)  }
0xc7: {  	_ =	sdelay $0x1  }
0xc8: {  	vm0 =	vlt.f32 v3, $0.0e+00;
	vm1 =	vgt.f32 v3, $0.0e+00  }
0xc9: {  	vm0 =	vmor vm1, vm0  }
0xca: {  	v3 =	vsel vm0, $0x1, v1  }
0xcb: {  	(xrf0) =	vadd.scan.msk.s32 $0xffff, v3;
	_ =	sdelay $0x4  }
0xcc: {  	(v2sf) =	vpush v4, $0xF;
	v4 =	vld [tilespmem:s21+$0x280];
	v3, _, _ =	vpop (xrf0)  }
0xcd: {  	(v2sf) =	vpush v3, $0xF;
	v3, _, _ =	vpop (xrf0)  }
0xce: {  	(v2sf) =	vpush v3, $0xF;
	v3 =	vld [tilespmem:s23+$0x280];
	_ =	sdelay $0x2  }
0xcf: {  	vm7 =	vlt.f32 v4, $0.0e+00;
	vm8 =	vgt.f32 v4, $0.0e+00  }
0xd0: {  	vm0 =	vmor vm8, vm7  }
0xd1: {  	vm9 =	vlt.f32 v3, $0.0e+00;
	vm2 =	vgt.f32 v3, $0.0e+00;
	v3 =	vsel vm0, $0x1, v1  }
0xd2: {  	vm10 =	vmor vm2, vm9;
	(xrf0) =	vadd.scan.msk.s32 $0xffff, v3  }
0xd3: {  	v3 =	vld [tilespmem:s25+$0x280];
	v4 =	vsel vm10, $0x1, v1  }
0xd4: {  	(xrf0) =	vadd.scan.msk.s32 $0xffff, v4;
	_ =	sdelay $0x1  }
0xd5: {  	v5 =	vld [tilespmem:s24+$0x280];
	_ =	sdelay $0x1  }
0xd6: {  	vm14 =	vlt.f32 v3, $0.0e+00;
	vm15 =	vgt.f32 v3, $0.0e+00;
	v3, _, _ =	vpop (xrf0)  }
0xd7: {  	s0 =	spop (v2sf);
	(v2sf) =	vpush v3, $0xF  }
0xd8: {  	v3, _, _ =	vpop (xrf0)  }
0xd9: {  	vm11 =	vlt.f32 v5, $0.0e+00;
	vm12 =	vgt.f32 v5, $0.0e+00;
	s12 =	spop (v2sf);
	(v2sf) =	vpush v3, $0xF  }
0xda: {  	vm13 =	vmor vm12, vm11  }
0xdb: {  	v4 =	vsel vm13, $0x1, v1  }
0xdc: {  	(xrf0) =	vadd.scan.msk.s32 $0xffff, v4  }
0xdd: {  	s0 =	sadd.s32 s2, s0;
	s2 =	simm.s32 $0x200  }
0xde: {  	s29 =	sand.u32 $0x3C00, s2;
	vm0 =	vmor vm15, vm14  }
0xdf: {  	s31 =	sor.u32 s26, s29;
	s0 =	sadd.s32 s0, s12;
	s25 =	spop (v2sf);
	v4 =	vsel vm0, $0x1, v1  }
0xe0: {  	s0 =	sadd.s32 s0, s25;
	s28 =	spop (v2sf);
	v3 =	vld [tilespmem:s31+$0x280]  }
0xe1: {  	s0 =	sadd.s32 s0, s28;
	s30 =	spop (v2sf)  }
0xe2: {  	s23 =	simm.s32 $0x50;
	(xrf0) =	vadd.scan.msk.s32 $0xffff, v4;
	s21 =	sadd.s32 s0, s30;
	v4, _, _ =	vpop (xrf0)  }
.LBB2_15:
0xe3: {  	s0 =	sand.u32 $0x70, s23;
	s2 =	sadd.s32 $0x80, s2;
	(v2sf) =	vpush v4, $0xF;
	p0 =	sne.s32 s23, $0x7F0  }
.Ltmp7:
0xe4: {  	s23 =	sadd.s32 $0x10, s23;
	s12 =	sand.u32 $0x3C00, s2;
	(pc) =	sbr.rel @p0 .LBB2_15-.Ltmp7, $4  }
0xe5: {  	s0 =	sor.u32 s0, s12;
	vm0 =	vlt.f32 v3, $0.0e+00;
	vm1 =	vgt.f32 v3, $0.0e+00  }
0xe6: {  	v3 =	vld [tilespmem:s0+$0x280];
	vm0 =	vmor vm1, vm0;
	s0 =	spop (v2sf)  }
0xe7: {  	v5 =	vsel vm0, $0x1, v1;
	s22 =	sadd.s32 s22, s0  }
0xe8: {  	(xrf0) =	vadd.scan.msk.s32 $0xffff, v5;
	v4, _, _ =	vpop (xrf0)  }
0xe9: {  	_ =	sdelay $0x1  }
0xea: {  	vm0 =	vlt.f32 v3, $0.0e+00;
	vm1 =	vgt.f32 v3, $0.0e+00  }
0xeb: {  	vm0 =	vmor vm1, vm0  }
0xec: {  	v3 =	vsel vm0, $0x1, v1  }
0xed: {  	(xrf0) =	vadd.scan.msk.s32 $0xffff, v3;
	_ =	sdelay $0x1  }
0xee: {  	s23 =	simm.s32 $0x0  }
0xef: {  	s0 =	sand.u32 $0x70, s23;
	s2 =	sand.u32 $0x3C00, s23  }
0xf0: {  	s12 =	simm.s32 $0x10;
	s25 =	simm.s32 $0x80;
	s0 =	sor.u32 s0, s2  }
0xf1: {  	(v2sf) =	vpush v4, $0xF;
	s31 =	sand.u32 $0x70, s12;
	s26 =	sand.u32 $0x3C00, s25;
	v4 =	vld [tilespmem:s0+$0x300];
	v3, _, _ =	vpop (xrf0)  }
0xf2: {  	s0 =	sor.u32 s31, s26;
	(v2sf) =	vpush v3, $0xF;
	v3, _, _ =	vpop (xrf0)  }
0xf3: {  	(v2sf) =	vpush v3, $0xF;
	v3 =	vld [tilespmem:s0+$0x300];
	_ =	sdelay $0x2  }
0xf4: {  	vm7 =	vlt.f32 v4, $0.0e+00;
	vm8 =	vgt.f32 v4, $0.0e+00  }
0xf5: {  	s12 =	simm.s32 $0x180;
	s2 =	simm.s32 $0x30;
	vm0 =	vmor vm8, vm7  }
0xf6: {  	s0 =	sand.u32 $0x70, s2;
	s2 =	sand.u32 $0x3C00, s12;
	vm9 =	vlt.f32 v3, $0.0e+00;
	vm2 =	vgt.f32 v3, $0.0e+00;
	v3 =	vsel vm0, $0x1, v1  }
0xf7: {  	s0 =	sor.u32 s0, s2;
	vm10 =	vmor vm2, vm9;
	(xrf0) =	vadd.scan.msk.s32 $0xffff, v3  }
0xf8: {  	s28 =	simm.s32 $0x20;
	s24 =	simm.s32 $0x100;
	v3 =	vld [tilespmem:s0+$0x300];
	v4 =	vsel vm10, $0x1, v1  }
0xf9: {  	s29 =	sand.u32 $0x70, s28;
	s30 =	sand.u32 $0x3C00, s24;
	(xrf0) =	vadd.scan.msk.s32 $0xffff, v4  }
0xfa: {  	s31 =	sor.u32 s29, s30  }
0xfb: {  	v5 =	vld [tilespmem:s31+$0x300];
	_ =	sdelay $0x1  }
0xfc: {  	vm14 =	vlt.f32 v3, $0.0e+00;
	vm15 =	vgt.f32 v3, $0.0e+00;
	v3, _, _ =	vpop (xrf0)  }
0xfd: {  	s24 =	spop (v2sf);
	(v2sf) =	vpush v3, $0xF  }
0xfe: {  	v3, _, _ =	vpop (xrf0)  }
0xff: {  	vm11 =	vlt.f32 v5, $0.0e+00;
	vm12 =	vgt.f32 v5, $0.0e+00;
	s25 =	spop (v2sf);
	(v2sf) =	vpush v3, $0xF  }
0x100: {  	vm13 =	vmor vm12, vm11  }
0x101: {  	v4 =	vsel vm13, $0x1, v1  }
0x102: {  	(xrf0) =	vadd.scan.msk.s32 $0xffff, v4  }
0x103: {  	s28 =	simm.s32 $0x40;
	s2 =	simm.s32 $0x200  }
0x104: {  	s12 =	sand.u32 $0x70, s28;
	s30 =	sand.u32 $0x3C00, s2;
	s0 =	sadd.s32 s22, s24;
	vm0 =	vmor vm15, vm14  }
0x105: {  	s26 =	spop (v2sf);
	s12 =	sor.u32 s12, s30;
	s0 =	sadd.s32 s0, s25;
	v4 =	vsel vm0, $0x1, v1  }
0x106: {  	s0 =	sadd.s32 s0, s26;
	s29 =	spop (v2sf);
	v3 =	vld [tilespmem:s12+$0x300]  }
0x107: {  	s0 =	sadd.s32 s0, s29;
	s31 =	spop (v2sf)  }
0x108: {  	s24 =	simm.s32 $0x0;
	s25 =	simm.s32 $0x50;
	(xrf0) =	vadd.scan.msk.s32 $0xffff, v4;
	s22 =	sadd.s32 s0, s31;
	v4, _, _ =	vpop (xrf0)  }
.LBB2_17:
0x109: {  	s0 =	sand.u32 $0x70, s25;
	s2 =	sadd.s32 $0x80, s2;
	(v2sf) =	vpush v4, $0xF;
	p0 =	sne.s32 s25, $0x7F0  }
.Ltmp8:
0x10a: {  	s25 =	sadd.s32 $0x10, s25;
	s12 =	sand.u32 $0x3C00, s2;
	(pc) =	sbr.rel @p0 .LBB2_17-.Ltmp8, $4  }
0x10b: {  	s0 =	sor.u32 s0, s12;
	vm0 =	vlt.f32 v3, $0.0e+00;
	vm1 =	vgt.f32 v3, $0.0e+00  }
0x10c: {  	v3 =	vld [tilespmem:s0+$0x300];
	vm0 =	vmor vm1, vm0;
	s0 =	spop (v2sf)  }
0x10d: {  	v5 =	vsel vm0, $0x1, v1;
	s24 =	sadd.s32 s24, s0  }
0x10e: {  	(xrf0) =	vadd.scan.msk.s32 $0xffff, v5;
	v4, _, _ =	vpop (xrf0)  }
0x10f: {  	_ =	sdelay $0x1  }
0x110: {  	vm0 =	vlt.f32 v3, $0.0e+00;
	vm1 =	vgt.f32 v3, $0.0e+00  }
0x111: {  	vm0 =	vmor vm1, vm0  }
0x112: {  	v3 =	vsel vm0, $0x1, v1  }
0x113: {  	(xrf0) =	vadd.scan.msk.s32 $0xffff, v3;
	_ =	sdelay $0x2  }
0x114: {  	s0 =	sand.u32 $0x7, s23;
	s2 =	simm.s32 $0x1  }
0x115: {  	s0 =	sshll.u32 s0, $0x4;
	s2 =	sand.u32 $0x7, s2  }
0x116: {  	(v2sf) =	vpush v4, $0xF;
	s0 =	sadd.s32 $0x0, s0;
	s2 =	sshll.u32 s2, $0x4;
	v3, _, _ =	vpop (xrf0)  }
0x117: {  	s0 =	sor.u32 $0x380, s0;
	s2 =	sadd.s32 $0x80, s2;
	(v2sf) =	vpush v3, $0xF;
	v3, _, _ =	vpop (xrf0)  }
0x118: {  	s29 =	sor.u32 $0x380, s2;
	(v2sf) =	vpush v3, $0xF;
	v3 =	vld [tilespmem:s0+$0x0]  }
0x119: {  	v4 =	vld [tilespmem:s29+$0x0];
	_ =	sdelay $0x2  }
0x11a: {  	s30 =	simm.s32 $0x2  }
0x11b: {  	s0 =	sand.u32 $0x7, s30;
	vm7 =	vlt.f32 v3, $0.0e+00;
	vm8 =	vgt.f32 v3, $0.0e+00  }
0x11c: {  	vm9 =	vlt.f32 v4, $0.0e+00;
	vm2 =	vgt.f32 v4, $0.0e+00;
	s0 =	sshll.u32 s0, $0x4;
	vm0 =	vmor vm8, vm7  }
0x11d: {  	vm10 =	vmor vm2, vm9;
	s0 =	sadd.s32 $0x100, s0;
	v3 =	vsel vm0, $0x1, v1  }
0x11e: {  	v4 =	vsel vm10, $0x1, v1;
	s0 =	sor.u32 $0x380, s0;
	(xrf0) =	vadd.scan.msk.s32 $0xffff, v3  }
0x11f: {  	s31 =	simm.s32 $0x3;
	v3 =	vld [tilespmem:s0+$0x0];
	(xrf0) =	vadd.scan.msk.s32 $0xffff, v4  }
0x120: {  	s2 =	sand.u32 $0x7, s31  }
0x121: {  	s2 =	sshll.u32 s2, $0x4  }
0x122: {  	s2 =	sadd.s32 $0x180, s2  }
0x123: {  	s12 =	sor.u32 $0x380, s2  }
0x124: {  	v4 =	vld [tilespmem:s12+$0x0];
	vm11 =	vlt.f32 v3, $0.0e+00;
	vm12 =	vgt.f32 v3, $0.0e+00;
	v3, _, _ =	vpop (xrf0)  }
0x125: {  	s25 =	spop (v2sf);
	(v2sf) =	vpush v3, $0xF;
	v3, _, _ =	vpop (xrf0)  }
0x126: {  	s26 =	spop (v2sf);
	(v2sf) =	vpush v3, $0xF;
	_ =	sdelay $0x1  }
0x127: {  	vm0 =	vmor vm12, vm11  }
0x128: {  	s12 =	simm.s32 $0x4;
	vm13 =	vlt.f32 v4, $0.0e+00;
	vm14 =	vgt.f32 v4, $0.0e+00;
	v4 =	vsel vm0, $0x1, v1  }
0x129: {  	s12 =	sand.u32 $0x7, s12;
	(xrf0) =	vadd.scan.msk.s32 $0xffff, v4  }
0x12a: {  	s0 =	sadd.s32 s24, s25;
	s12 =	sshll.u32 s12, $0x4  }
0x12b: {  	s28 =	spop (v2sf);
	s0 =	sadd.s32 s0, s26;
	s12 =	sadd.s32 $0x200, s12  }
0x12c: {  	s0 =	sadd.s32 s0, s28;
	s29 =	spop (v2sf);
	s31 =	sor.u32 $0x380, s12  }
0x12d: {  	s2 =	simm.s32 $0x50;
	s0 =	sadd.s32 s0, s29;
	s30 =	spop (v2sf);
	vm15 =	vmor vm14, vm13;
	v3 =	vld [tilespmem:s31+$0x0]  }
0x12e: {  	s25 =	simm.s32 $0x200;
	s26 =	simm.s32 $0x5;
	s24 =	sadd.s32 s0, s30;
	v4 =	vsel vm15, $0x1, v1  }
.LBB2_19:
0x12f: {  	s0 =	sand.u32 $0x7, s26;
	p0 =	sne.s32 s2, $0x7F0;
	s2 =	sadd.s32 $0x10, s2;
	(xrf0) =	vadd.scan.msk.s32 $0xffff, v4;
	v4, _, _ =	vpop (xrf0)  }
.Ltmp9:
0x130: {  	s25 =	sadd.s32 $0x80, s25;
	s0 =	sshll.u32 s0, $0x4;
	(v2sf) =	vpush v4, $0xF;
	(pc) =	sbr.rel @p0 .LBB2_19-.Ltmp9, $4  }
0x131: {  	s0 =	sadd.s32 s0, s25  }
0x132: {  	s0 =	sor.u32 $0x380, s0;
	vm0 =	vlt.f32 v3, $0.0e+00;
	vm1 =	vgt.f32 v3, $0.0e+00  }
0x133: {  	v3 =	vld [tilespmem:s0+$0x0];
	vm0 =	vmor vm1, vm0;
	s0 =	spop (v2sf)  }
0x134: {  	s26 =	sadd.s32 $0x1, s26;
	v4 =	vsel vm0, $0x1, v1;
	s23 =	sadd.s32 s23, s0  }
0x135: {  	_ =	sdelay $0x2  }
0x136: {  	vm0 =	vlt.f32 v3, $0.0e+00;
	vm1 =	vgt.f32 v3, $0.0e+00  }
0x137: {  	(xrf0) =	vadd.scan.msk.s32 $0xffff, v4;
	vm0 =	vmor vm1, vm0  }
0x138: {  	v3 =	vsel vm0, $0x1, v1  }
0x139: {  	(xrf0) =	vadd.scan.msk.s32 $0xffff, v3;
	_ =	sdelay $0x2  }
0x13a: {  	v3, _, _ =	vpop (xrf0)  }
0x13b: {  	(v2sf) =	vpush v3, $0xF;
	v3, _, _ =	vpop (xrf0)  }
0x13c: {  	(v2sf) =	vpush v3, $0xF  }
0x13d: {  	v3, _, _ =	vpop (xrf0)  }
0x13e: {  	(v2sf) =	vpush v3, $0xF;
	_ =	sdelay $0x6  }
0x13f: {  	s0 =	spop (v2sf);
	s17 =	sadd.s32 $0xFF, s17;
	s19 =	sadd.s32 $0xFF, s19  }
0x140: {  	s20 =	sadd.s32 $0xFF, s20;
	s21 =	sadd.s32 $0xFF, s21;
	s24 =	sadd.s32 $0xFF, s24  }
0x141: {  	s28 =	simm.s32 $0x1;
	s29 =	simm.s32 $0x1;
	s30 =	simm.s32 $0x1  }
0x142: {  	s0 =	sadd.s32 s23, s0;
	s25 =	sand.u32 $0xFF, s17;
	p0 =	slt.s32 s17, $0x1  }
0x143: {  	p5 =	slt.s32 s19, $0x1;
	p1 =	sne.s32 s25, $0x0;
	s2 =	spop (v2sf)  }
0x144: {  	s25 =	sand.u32 $0xFF, s20;
	s0 =	sadd.s32 s0, s2;
	s12 =	spop (v2sf)  }
0x145: {  	p0 =	por !p0, !p1;
	s0 =	sadd.s32 s0, s12;
	s23 =	spop (v2sf)  }
0x146: {  	p1 =	slt.s32 s20, $0x1;
	s0 =	sadd.s32 s0, s23;
	s23 =	sand.u32 $0xFF, s19  }
0x147: {  	p0 =	por !p0, !p0;
	p6 =	sne.s32 s23, $0x0;
	s12 =	spop (v2sf)  }
0x148: {  	p3 =	por !p5, !p6;
	p5 =	sne.s32 s25, $0x0;
	s25 =	sadd.s32 $0xFF, s22  }
0x149: {  	s0 =	sadd.s32 s0, s12;
	s12 =	sadd.s32 $0xFF, s18;
	s18 =	simm.s32 $0x1  }
0x14a: {  	p5 =	por !p1, !p5;
	s23 =	sand.u32 $0xFF, s25;
	p1 =	slt.s32 s25, $0x1  }
0x14b: {  	s26 =	sand.u32 $0xFF, s12;
	p4 =	slt.s32 s12, $0x1;
	s18 =	simm.s32 @!p0 $0x0  }
0x14c: {  	s2 =	sadd.s32 $0xFF, s0;
	p2 =	sne.s32 s26, $0x0;
	s26 =	sand.u32 $0xFF, s21  }
0x14d: {  	p2 =	por !p4, !p2;
	p4 =	slt.s32 s21, $0x1;
	p6 =	sne.s32 s26, $0x0  }
0x14e: {  	s26 =	sand.u32 $0xFF, s24;
	p4 =	por !p4, !p6;
	p6 =	sne.s32 s23, $0x0  }
0x14f: {  	p0 =	slt.s32 s24, $0x1;
	p6 =	por !p1, !p6;
	p1 =	sne.s32 s26, $0x0  }
0x150: {  	s0 =	sand.u32 $0xFF, s2;
	s23 =	sshra.s32 s17, $0x1F;
	p0 =	por !p0, !p1  }
0x151: {  	s26 =	simm.s32 $0x1;
	p1 =	sne.s32 s0, $0x0;
	s22 =	simm.s32 @!p0 $0x0  }
0x152: {  	s0 =	simm.s32 $0x1;
	s22 =	simm.s32 @p0 $0x1;
	p0 =	slt.s32 s2, $0x1  }
0x153: {  	[smem:$0x7FD] =	sst s22;
	p0 =	por !p0, !p1;
	p1 =	por !p2, !p2  }
0x154: {  	p2 =	por !p6, !p6;
	s22 =	sshrl.u32 s23, $0x18;
	s23 =	sshra.s32 s19, $0x1F  }
0x155: {  	s0 =	simm.s32 @!p1 $0x0;
	p1 =	por !p3, !p3;
	s30 =	simm.s32 @!p2 $0x0  }
0x156: {  	s17 =	sadd.s32 s22, s17;
	s22 =	sshra.s32 s12, $0x1F;
	s31 =	sshrl.u32 s23, $0x18  }
0x157: {  	p0 =	por !p0, !p0;
	s26 =	simm.s32 @!p1 $0x0;
	p1 =	por !p5, !p5  }
0x158: {  	s17 =	sshra.s32 s17, $0x8;
	s22 =	sshrl.u32 s22, $0x18;
	s28 =	simm.s32 @!p1 $0x0  }
0x159: {  	p1 =	por !p4, !p4;
	s23 =	ssub.s32 s17, s18;
	s12 =	sadd.s32 s22, s12  }
0x15a: {  	s18 =	sadd.s32 s31, s19;
	s19 =	sshra.s32 s20, $0x1F;
	s22 =	sshra.s32 s21, $0x1F  }
0x15b: {  	s12 =	sshra.s32 s12, $0x8;
	s17 =	sshra.s32 s18, $0x8;
	s18 =	sshrl.u32 s19, $0x18  }
0x15c: {  	s29 =	simm.s32 @!p1 $0x0;
	s12 =	sadd.s32 s23, s12;
	s18 =	sadd.s32 s18, s20  }
0x15d: {  	s19 =	sshrl.u32 s22, $0x18;
	s22 =	ssub.s32 s12, s0;
	s0 =	sshra.s32 s18, $0x8  }
0x15e: {  	s18 =	sadd.s32 s19, s21;
	s19 =	sshra.s32 s25, $0x1F;
	s17 =	sadd.s32 s22, s17  }
0x15f: {  	s12 =	sshra.s32 s18, $0x8;
	s20 =	sshrl.u32 s19, $0x18;
	s21 =	ssub.s32 s17, s26  }
0x160: {  	s26 =	sshra.s32 s24, $0x1F;
	s17 =	sadd.s32 s20, s25;
	s0 =	sadd.s32 s21, s0  }
0x161: {  	s25 =	sld [smem:$0x7FD];
	s18 =	sshrl.u32 s26, $0x18;
	s20 =	ssub.s32 s0, s28  }
0x162: {  	s0 =	sshra.s32 s17, $0x8;
	s19 =	sadd.s32 s18, s24;
	s12 =	sadd.s32 s20, s12  }
0x163: {  	s24 =	sshra.s32 s2, $0x1F;
	s17 =	sshra.s32 s19, $0x8;
	s19 =	ssub.s32 s12, s29  }
0x164: {  	p6 =	seq.s32 s25, $0x1;
	s26 =	sshrl.u32 s24, $0x18;
	s0 =	sadd.s32 s19, s0  }
0x165: {  	p1 =	por !p6, !p6;
	s18 =	ssub.s32 s0, s30;
	s0 =	simm.s32 $0x1  }
0x166: {  	s2 =	sadd.s32 s26, s2;
	s0 =	simm.s32 @!p1 $0x0;
	s17 =	sadd.s32 s18, s17  }
0x167: {  	s2 =	sshra.s32 s2, $0x8;
	s17 =	ssub.s32 s17, s0;
	s0 =	simm.s32 $0x1  }
0x168: {  	s0 =	simm.s32 @!p0 $0x0;
	s2 =	sadd.s32 s17, s2  }
0x169: {  	s0 =	ssub.s32 s2, s0  }
0x16a: {  	s2 =	sadd.s32 $0xFFFFFFFF, s0  }
0x16b: {  	v3 =	vmov s2  }
0x16c: {  	vm10 =	vlt.s32 v3, v0  }
0x16d: {  	v4 =	vsel vm10, s2, v0  }
0x16e: {  	vm0 =	vge.s32 v4, s23;
	vm11 =	vge.s32 v4, s22  }
0x16f: {  	vm12 =	vge.s32 v4, s21;
	v5 =	vsel vm0, $0x1, v1;
	v6 =	vsel vm11, $0x1, v1  }
0x170: {  	vm13 =	vge.s32 v4, s20;
	v5 =	vadd.s32 v6, v5;
	v6 =	vsel vm12, $0x1, v1  }
0x171: {  	vm14 =	vge.s32 v4, s19;
	v5 =	vadd.s32 v6, v5;
	v6 =	vsel vm13, $0x1, v1  }
0x172: {  	vm15 =	vlt.s32 v3, v2;
	v5 =	vadd.s32 v6, v5;
	v6 =	vsel vm14, $0x1, v1  }
0x173: {  	vm4 =	vge.s32 v4, s18;
	v3 =	vadd.s32 v6, v5;
	v5 =	vsel vm15, s2, v2  }
0x174: {  	vm9 =	vge.s32 v4, s17;
	v6 =	vsel vm4, $0x1, v1;
	vm0 =	vge.s32 v5, s23  }
0x175: {  	vm5 =	vge.s32 v5, s22;
	vm6 =	vge.s32 v5, s21;
	vm7 =	vge.s32 v5, s20  }
0x176: {  	vm8 =	vge.s32 v5, s19;
	v7 =	vsel vm0, $0x1, v1;
	v8 =	vsel vm5, $0x1, v1  }
0x177: {  	v3 =	vadd.s32 v6, v3;
	v62 =	vsel vm6, $0x1, v1;
	v7 =	vadd.s32 v8, v7  }
0x178: {  	vm10 =	vge.s32 v5, s18;
	v63 =	vsel vm7, $0x1, v1;
	v7 =	vadd.s32 v62, v7  }
0x179: {  	vm11 =	vge.s32 v5, s17;
	v6 =	vadd.s32 v63, v7;
	v7 =	vsel vm8, $0x1, v1  }
0x17a: {  	v5 =	vsel vm10, $0x1, v1;
	v4 =	vadd.s32 v7, v6;
	v6 =	vsel vm9, $0x1, v1  }
0x17b: {  	s24 =	simm.s32 $0x0;
	v3 =	vadd.s32 v6, v3;
	v4 =	vadd.s32 v5, v4;
	v5 =	vsel vm11, $0x1, v1  }
0x17c: {  	s25 =	sand.u32 $0xF000, s24;
	[tilespmem:$0x7000] =	vst v3;
	v3 =	vadd.s32 v5, v4  }
0x17d: {  	s26 =	sand.u32 $0x70, s24;
	s12 =	sshrl.u32 s25, $0x2;
	[tilespmem:$0x7010] =	vst v3;
	v3 =	vmov s0  }
0x17e: {  	s0 =	sor.u32 s26, s12;
	[tilespmem:$0x7080] =	vst v3  }
0x17f: {  	v3 =	vld [tilespmem:s0+$0x0];
	_ =	sdelay $0x4  }
0x180: {  	vm12 =	vlt.f32 v3, $0.0e+00;
	vm13 =	vgt.f32 v3, $0.0e+00  }
0x181: {  	vm0 =	vmor vm13, vm12  }
0x182: {  	v4 =	vsel vm0, $0x1, v1  }
0x183: {  	(xrf0) =	vadd.scan.msk.s32 $0xffff, v4;
	_ =	sdelay $0x2  }
0x184: {  	v5 =	vmov s24  }
0x185: {  	v5 =	vadd.s32 $0xFFFFFFFF, v5  }
0x186: {  	v5 =	vbroadcast v5, $0x0  }
0x187: {  	v6, _, _ =	vpop (xrf0)  }
0x188: {  	v5 =	vadd.s32 v6, v5;
	_ =	sdelay $0x2  }
0x189: {  	(v2sf) =	vpush v6, $0xF;
	_ =	sdelay $0x1  }
0x18a: {  	s24 =	simm.s32 $0x6800;
	[tilespmem:v5+s11+$0x0] =	vst.idx.msk vm0, v3  }
0x18b: {  	v3 =	vld [tilespmem:s24+$0x0]  }
0x18c: {  	s12 =	simm.s32 $0x5800  }
0x18d: {  	v6 =	vld [tilespmem:s12+$0x0];
	_ =	sdelay $0x2  }
0x18e: {  	vm14 =	veq.s32 v3, $0x0  }
0x18f: {  	vm1 =	vmand vm0, vm14  }
0x190: {  	v6 =	vsel vm1, v5, v6  }
0x191: {  	s2 =	simm.s32 $0x6000;
	[tilespmem:s12+$0x0] =	vst v6  }
0x192: {  	v6 =	vld [tilespmem:s2+$0x0];
	_ =	sdelay $0x2  }
0x193: {  	vm15 =	veq.s32 v3, $0x1;
	s25 =	spop (v2sf)  }
0x194: {  	s29 =	simm.s32 $0x200;
	vm0 =	vmand vm0, vm15;
	s12 =	simm.s32 $0x10;
	s28 =	sadd.s32 $0x0, s25  }
0x195: {  	s30 =	simm.s32 $0x20;
	s26 =	sand.u32 $0xF000, s29;
	s31 =	sand.u32 $0x70, s12;
	v5 =	vsel vm0, v5, v6;
	v6 =	vmov s28  }
0x196: {  	v4 =	vadd.s32 v4, v3;
	s12 =	sshrl.u32 s26, $0x2;
	s26 =	simm.s32 $0x5810;
	s25 =	simm.s32 $0x6010;
	v3 =	vadd.s32 $0xFFFFFFFF, v6;
	[tilespmem:s2+$0x0] =	vst v5  }
.LBB2_21:
0x197: {  	s12 =	sor.u32 s31, s12;
	[tilespmem:s24+$0x0] =	vst v4;
	s24 =	sadd.s32 $0x10, s24  }
0x198: {  	s31 =	smov.u32 s30;
	s0 =	sadd.s32 $0x10, s30;
	s2 =	smov.u32 s25  }
0x199: {  	p0 =	sne.s32 s30, $0x7F0;
	v4 =	vld [tilespmem:s12+$0x0];
	_ =	sdelay $0x4  }
0x19a: {  	vm0 =	vlt.f32 v4, $0.0e+00;
	vm1 =	vgt.f32 v4, $0.0e+00  }
0x19b: {  	vm0 =	vmor vm1, vm0  }
0x19c: {  	v5 =	vsel vm0, $0x1, v1  }
0x19d: {  	(xrf0) =	vadd.scan.msk.s32 $0xffff, v5;
	_ =	sdelay $0x4  }
0x19e: {  	v3 =	vbroadcast v3, $0x0  }
0x19f: {  	v6, _, _ =	vpop (xrf0)  }
0x1a0: {  	v7 =	vadd.s32 v6, v3;
	(v2sf) =	vpush v6, $0xF;
	_ =	sdelay $0x4  }
0x1a1: {  	[tilespmem:v7+s11+$0x0] =	vst.idx.msk vm0, v4  }
0x1a2: {  	v3 =	vld [tilespmem:s24+$0x0];
	_ =	sdelay $0x1  }
0x1a3: {  	v6 =	vld [tilespmem:s26+$0x0];
	_ =	sdelay $0x2  }
0x1a4: {  	vm1 =	veq.s32 v3, $0x0;
	vm2 =	veq.s32 v3, $0x1;
	v4 =	vadd.s32 v5, v3  }
0x1a5: {  	vm1 =	vmand vm0, vm1;
	vm0 =	vmand vm0, vm2  }
0x1a6: {  	v3 =	vsel vm1, v7, v6  }
0x1a7: {  	[tilespmem:s26+$0x0] =	vst v3  }
0x1a8: {  	v5 =	vld [tilespmem:s25+$0x0];
	s12 =	spop (v2sf)  }
0x1a9: {  	s28 =	sadd.s32 s28, s12  }
.Ltmp10:
0x1aa: {  	v3 =	vmov s28;
	(pc) =	sbr.rel @p0 .LBB2_21-.Ltmp10, $4  }
0x1ab: {  	v3 =	vadd.s32 $0xFFFFFFFF, v3  }
0x1ac: {  	s29 =	sadd.s32 $0x200, s29  }
0x1ad: {  	s31 =	sand.u32 $0x70, s31;
	s25 =	sadd.s32 $0x10, s25;
	s12 =	sand.u32 $0xF000, s29;
	v5 =	vsel vm0, v7, v5  }
0x1ae: {  	s30 =	smov.u32 s0;
	s26 =	sadd.s32 $0x10, s26;
	s12 =	sshrl.u32 s12, $0x2;
	[tilespmem:s2+$0x0] =	vst v5  }
0x1af: {  	s0 =	sor.u32 s31, s12;
	[tilespmem:s24+$0x0] =	vst v4  }
0x1b0: {  	v4 =	vld [tilespmem:s0+$0x0];
	_ =	sdelay $0x4  }
0x1b1: {  	vm0 =	vlt.f32 v4, $0.0e+00;
	vm1 =	vgt.f32 v4, $0.0e+00  }
0x1b2: {  	vm0 =	vmor vm1, vm0  }
0x1b3: {  	v5 =	vsel vm0, $0x1, v1  }
0x1b4: {  	(xrf0) =	vadd.scan.msk.s32 $0xffff, v5;
	_ =	sdelay $0x4  }
0x1b5: {  	v3 =	vbroadcast v3, $0x0  }
0x1b6: {  	v6, _, _ =	vpop (xrf0)  }
0x1b7: {  	v3 =	vadd.s32 v6, v3;
	_ =	sdelay $0x4  }
0x1b8: {  	s31 =	sadd.s32 $0x10, s24;
	[tilespmem:v3+s11+$0x0] =	vst.idx.msk vm0, v4  }
0x1b9: {  	v4 =	vld [tilespmem:s31+$0x0];
	_ =	sdelay $0x1  }
0x1ba: {  	v7 =	vld [tilespmem:s26+$0x0];
	_ =	sdelay $0x2  }
0x1bb: {  	vm10 =	veq.s32 v4, $0x0  }
0x1bc: {  	vm1 =	vmand vm0, vm10  }
0x1bd: {  	v7 =	vsel vm1, v3, v7  }
0x1be: {  	[tilespmem:s26+$0x0] =	vst v7  }
0x1bf: {  	v7 =	vld [tilespmem:s25+$0x0];
	_ =	sdelay $0x2  }
0x1c0: {  	vm11 =	veq.s32 v4, $0x1  }
0x1c1: {  	s2 =	simm.s32 $0x0;
	vm0 =	vmand vm0, vm11  }
0x1c2: {  	s24 =	sand.u32 $0xF000, s2;
	v3 =	vsel vm0, v3, v7  }
0x1c3: {  	s2 =	sand.u32 $0x70, s2;
	s12 =	sshrl.u32 s24, $0x2;
	v4 =	vadd.s32 v5, v4;
	[tilespmem:s25+$0x0] =	vst v3  }
0x1c4: {  	s25 =	sor.u32 s2, s12;
	[tilespmem:s31+$0x0] =	vst v4  }
0x1c5: {  	v3 =	vld [tilespmem:s25+$0x80];
	_ =	sdelay $0x4  }
0x1c6: {  	vm12 =	vlt.f32 v3, $0.0e+00;
	vm13 =	vgt.f32 v3, $0.0e+00  }
0x1c7: {  	vm0 =	vmor vm13, vm12  }
0x1c8: {  	v4 =	vsel vm0, $0x1, v1  }
0x1c9: {  	(xrf0) =	vadd.scan.msk.s32 $0xffff, v4;
	_ =	sdelay $0x1  }
0x1ca: {  	s26 =	sshll.u32 s23, $0x8  }
0x1cb: {  	v5 =	vmov s26  }
0x1cc: {  	v5 =	vadd.s32 $0xFFFFFFFF, v5  }
0x1cd: {  	v5 =	vbroadcast v5, $0x0  }
0x1ce: {  	v7, _, _ =	vpop (xrf0)  }
0x1cf: {  	v5 =	vadd.s32 v7, v5;
	_ =	sdelay $0x1  }
0x1d0: {  	(v2sf) =	vpush v6, $0xF  }
0x1d1: {  	(v2sf) =	vpush v7, $0xF;
	_ =	sdelay $0x1  }
0x1d2: {  	s23 =	simm.s32 $0x6800;
	[tilespmem:v5+s11+$0x0] =	vst.idx.msk vm0, v3  }
0x1d3: {  	v3 =	vld [tilespmem:s23+$0x0]  }
0x1d4: {  	s29 =	simm.s32 $0x5800  }
0x1d5: {  	v6 =	vld [tilespmem:s29+$0x0];
	_ =	sdelay $0x2  }
0x1d6: {  	vm14 =	veq.s32 v3, $0x0  }
0x1d7: {  	vm1 =	vmand vm0, vm14  }
0x1d8: {  	v6 =	vsel vm1, v5, v6  }
0x1d9: {  	s25 =	simm.s32 $0x6000;
	[tilespmem:s29+$0x0] =	vst v6  }
0x1da: {  	v6 =	vld [tilespmem:s25+$0x0];
	_ =	sdelay $0x1  }
0x1db: {  	s30 =	spop (v2sf)  }
0x1dc: {  	vm15 =	veq.s32 v3, $0x1;
	s2 =	spop (v2sf)  }
0x1dd: {  	s28 =	simm.s32 $0x200;
	s0 =	simm.s32 $0x20;
	vm0 =	vmand vm0, vm15;
	s26 =	sadd.s32 s26, s2  }
0x1de: {  	s24 =	simm.s32 $0x6010;
	s31 =	simm.s32 $0x10;
	s29 =	sand.u32 $0xF000, s28;
	v5 =	vsel vm0, v5, v6;
	v6 =	vmov s26  }
0x1df: {  	v4 =	vadd.s32 v4, v3;
	s12 =	sshrl.u32 s29, $0x2;
	s2 =	sand.u32 $0x70, s31;
	v3 =	vadd.s32 $0xFFFFFFFF, v6;
	[tilespmem:s25+$0x0] =	vst v5;
	s25 =	simm.s32 $0x5810  }
.LBB2_23:
0x1e0: {  	s12 =	sor.u32 s2, s12;
	[tilespmem:s23+$0x0] =	vst v4;
	s23 =	sadd.s32 $0x10, s23  }
0x1e1: {  	s2 =	smov.u32 s0;
	s29 =	sadd.s32 $0x10, s0;
	s30 =	smov.u32 s24  }
0x1e2: {  	p0 =	sne.s32 s0, $0x7F0;
	v4 =	vld [tilespmem:s12+$0x80];
	_ =	sdelay $0x4  }
0x1e3: {  	vm0 =	vlt.f32 v4, $0.0e+00;
	vm1 =	vgt.f32 v4, $0.0e+00  }
0x1e4: {  	vm0 =	vmor vm1, vm0  }
0x1e5: {  	v5 =	vsel vm0, $0x1, v1  }
0x1e6: {  	(xrf0) =	vadd.scan.msk.s32 $0xffff, v5;
	_ =	sdelay $0x4  }
0x1e7: {  	v3 =	vbroadcast v3, $0x0  }
0x1e8: {  	v6, _, _ =	vpop (xrf0)  }
0x1e9: {  	v7 =	vadd.s32 v6, v3;
	(v2sf) =	vpush v6, $0xF;
	_ =	sdelay $0x4  }
0x1ea: {  	[tilespmem:v7+s11+$0x0] =	vst.idx.msk vm0, v4  }
0x1eb: {  	v3 =	vld [tilespmem:s23+$0x0];
	_ =	sdelay $0x1  }
0x1ec: {  	v6 =	vld [tilespmem:s25+$0x0];
	_ =	sdelay $0x2  }
0x1ed: {  	vm1 =	veq.s32 v3, $0x0;
	vm2 =	veq.s32 v3, $0x1;
	v4 =	vadd.s32 v5, v3  }
0x1ee: {  	vm1 =	vmand vm0, vm1;
	vm0 =	vmand vm0, vm2  }
0x1ef: {  	v3 =	vsel vm1, v7, v6  }
0x1f0: {  	[tilespmem:s25+$0x0] =	vst v3  }
0x1f1: {  	v5 =	vld [tilespmem:s24+$0x0];
	s0 =	spop (v2sf)  }
0x1f2: {  	s26 =	sadd.s32 s26, s0  }
.Ltmp11:
0x1f3: {  	v3 =	vmov s26;
	(pc) =	sbr.rel @p0 .LBB2_23-.Ltmp11, $4  }
0x1f4: {  	v3 =	vadd.s32 $0xFFFFFFFF, v3  }
0x1f5: {  	s28 =	sadd.s32 $0x200, s28  }
0x1f6: {  	s2 =	sand.u32 $0x70, s2;
	s24 =	sadd.s32 $0x10, s24;
	s0 =	sand.u32 $0xF000, s28;
	v5 =	vsel vm0, v7, v5  }
0x1f7: {  	s25 =	sadd.s32 $0x10, s25;
	s12 =	sshrl.u32 s0, $0x2;
	s0 =	smov.u32 s29;
	[tilespmem:s30+$0x0] =	vst v5  }
0x1f8: {  	s0 =	sor.u32 s2, s12;
	[tilespmem:s23+$0x0] =	vst v4  }
0x1f9: {  	v4 =	vld [tilespmem:s0+$0x80];
	_ =	sdelay $0x4  }
0x1fa: {  	vm0 =	vlt.f32 v4, $0.0e+00;
	vm1 =	vgt.f32 v4, $0.0e+00  }
0x1fb: {  	vm0 =	vmor vm1, vm0  }
0x1fc: {  	v5 =	vsel vm0, $0x1, v1  }
0x1fd: {  	(xrf0) =	vadd.scan.msk.s32 $0xffff, v5;
	_ =	sdelay $0x4  }
0x1fe: {  	v3 =	vbroadcast v3, $0x0  }
0x1ff: {  	v6, _, _ =	vpop (xrf0)  }
0x200: {  	v3 =	vadd.s32 v6, v3;
	_ =	sdelay $0x4  }
0x201: {  	s31 =	sadd.s32 $0x10, s23;
	[tilespmem:v3+s11+$0x0] =	vst.idx.msk vm0, v4  }
0x202: {  	v4 =	vld [tilespmem:s31+$0x0];
	_ =	sdelay $0x1  }
0x203: {  	v7 =	vld [tilespmem:s25+$0x0];
	_ =	sdelay $0x2  }
0x204: {  	vm10 =	veq.s32 v4, $0x0  }
0x205: {  	vm1 =	vmand vm0, vm10  }
0x206: {  	v7 =	vsel vm1, v3, v7  }
0x207: {  	[tilespmem:s25+$0x0] =	vst v7  }
0x208: {  	v7 =	vld [tilespmem:s24+$0x0];
	_ =	sdelay $0x2  }
0x209: {  	vm11 =	veq.s32 v4, $0x1  }
0x20a: {  	s12 =	simm.s32 $0x0;
	vm0 =	vmand vm0, vm11  }
0x20b: {  	s23 =	sand.u32 $0xF000, s12;
	v3 =	vsel vm0, v3, v7  }
0x20c: {  	s2 =	sand.u32 $0x70, s12;
	s12 =	sshrl.u32 s23, $0x2;
	v4 =	vadd.s32 v5, v4;
	[tilespmem:s24+$0x0] =	vst v3  }
0x20d: {  	s25 =	sor.u32 s2, s12;
	[tilespmem:s31+$0x0] =	vst v4  }
0x20e: {  	v3 =	vld [tilespmem:s25+$0x100];
	_ =	sdelay $0x4  }
0x20f: {  	vm12 =	vlt.f32 v3, $0.0e+00;
	vm13 =	vgt.f32 v3, $0.0e+00  }
0x210: {  	vm0 =	vmor vm13, vm12  }
0x211: {  	v4 =	vsel vm0, $0x1, v1  }
0x212: {  	(xrf0) =	vadd.scan.msk.s32 $0xffff, v4;
	_ =	sdelay $0x1  }
0x213: {  	s26 =	sshll.u32 s22, $0x8  }
0x214: {  	v5 =	vmov s26  }
0x215: {  	v5 =	vadd.s32 $0xFFFFFFFF, v5  }
0x216: {  	v5 =	vbroadcast v5, $0x0  }
0x217: {  	v7, _, _ =	vpop (xrf0)  }
0x218: {  	v5 =	vadd.s32 v7, v5;
	_ =	sdelay $0x1  }
0x219: {  	(v2sf) =	vpush v6, $0xF  }
0x21a: {  	(v2sf) =	vpush v7, $0xF;
	_ =	sdelay $0x1  }
0x21b: {  	s22 =	simm.s32 $0x6800;
	[tilespmem:v5+s11+$0x0] =	vst.idx.msk vm0, v3  }
0x21c: {  	v3 =	vld [tilespmem:s22+$0x0]  }
0x21d: {  	s28 =	simm.s32 $0x5800  }
0x21e: {  	v6 =	vld [tilespmem:s28+$0x0];
	_ =	sdelay $0x2  }
0x21f: {  	vm14 =	veq.s32 v3, $0x0  }
0x220: {  	vm1 =	vmand vm0, vm14  }
0x221: {  	v6 =	vsel vm1, v5, v6  }
0x222: {  	s29 =	simm.s32 $0x6000;
	[tilespmem:s28+$0x0] =	vst v6  }
0x223: {  	v6 =	vld [tilespmem:s29+$0x0];
	_ =	sdelay $0x1  }
0x224: {  	s30 =	spop (v2sf)  }
0x225: {  	vm15 =	veq.s32 v3, $0x1;
	s2 =	spop (v2sf)  }
0x226: {  	s0 =	simm.s32 $0x20;
	vm0 =	vmand vm0, vm15;
	s25 =	sadd.s32 s26, s2;
	s26 =	simm.s32 $0x200  }
0x227: {  	s23 =	simm.s32 $0x6010;
	s31 =	simm.s32 $0x10;
	s28 =	sand.u32 $0xF000, s26;
	v5 =	vsel vm0, v5, v6;
	v6 =	vmov s25  }
0x228: {  	s24 =	simm.s32 $0x5810;
	v4 =	vadd.s32 v4, v3;
	s2 =	sand.u32 $0x70, s31;
	s12 =	sshrl.u32 s28, $0x2;
	v3 =	vadd.s32 $0xFFFFFFFF, v6;
	[tilespmem:s29+$0x0] =	vst v5  }
.LBB2_25:
0x229: {  	s12 =	sor.u32 s2, s12;
	[tilespmem:s22+$0x0] =	vst v4;
	s22 =	sadd.s32 $0x10, s22  }
0x22a: {  	s2 =	smov.u32 s0;
	s28 =	sadd.s32 $0x10, s0;
	s29 =	smov.u32 s23  }
0x22b: {  	p0 =	sne.s32 s0, $0x7F0;
	v4 =	vld [tilespmem:s12+$0x100];
	_ =	sdelay $0x4  }
0x22c: {  	vm0 =	vlt.f32 v4, $0.0e+00;
	vm1 =	vgt.f32 v4, $0.0e+00  }
0x22d: {  	vm0 =	vmor vm1, vm0  }
0x22e: {  	v5 =	vsel vm0, $0x1, v1  }
0x22f: {  	(xrf0) =	vadd.scan.msk.s32 $0xffff, v5;
	_ =	sdelay $0x4  }
0x230: {  	v3 =	vbroadcast v3, $0x0  }
0x231: {  	v6, _, _ =	vpop (xrf0)  }
0x232: {  	v7 =	vadd.s32 v6, v3;
	(v2sf) =	vpush v6, $0xF;
	_ =	sdelay $0x4  }
0x233: {  	[tilespmem:v7+s11+$0x0] =	vst.idx.msk vm0, v4  }
0x234: {  	v3 =	vld [tilespmem:s22+$0x0];
	_ =	sdelay $0x1  }
0x235: {  	v6 =	vld [tilespmem:s24+$0x0];
	_ =	sdelay $0x2  }
0x236: {  	vm1 =	veq.s32 v3, $0x0;
	vm2 =	veq.s32 v3, $0x1;
	v4 =	vadd.s32 v5, v3  }
0x237: {  	vm1 =	vmand vm0, vm1;
	vm0 =	vmand vm0, vm2  }
0x238: {  	v3 =	vsel vm1, v7, v6  }
0x239: {  	[tilespmem:s24+$0x0] =	vst v3  }
0x23a: {  	v5 =	vld [tilespmem:s23+$0x0];
	s0 =	spop (v2sf)  }
0x23b: {  	s25 =	sadd.s32 s25, s0  }
.Ltmp12:
0x23c: {  	v3 =	vmov s25;
	(pc) =	sbr.rel @p0 .LBB2_25-.Ltmp12, $4  }
0x23d: {  	v3 =	vadd.s32 $0xFFFFFFFF, v3  }
0x23e: {  	s26 =	sadd.s32 $0x200, s26  }
0x23f: {  	s2 =	sand.u32 $0x70, s2;
	s23 =	sadd.s32 $0x10, s23;
	s0 =	sand.u32 $0xF000, s26;
	v5 =	vsel vm0, v7, v5  }
0x240: {  	s24 =	sadd.s32 $0x10, s24;
	s12 =	sshrl.u32 s0, $0x2;
	s0 =	smov.u32 s28;
	[tilespmem:s29+$0x0] =	vst v5  }
0x241: {  	s0 =	sor.u32 s2, s12;
	[tilespmem:s22+$0x0] =	vst v4  }
0x242: {  	v4 =	vld [tilespmem:s0+$0x100];
	_ =	sdelay $0x4  }
0x243: {  	vm0 =	vlt.f32 v4, $0.0e+00;
	vm1 =	vgt.f32 v4, $0.0e+00  }
0x244: {  	vm0 =	vmor vm1, vm0  }
0x245: {  	v5 =	vsel vm0, $0x1, v1  }
0x246: {  	(xrf0) =	vadd.scan.msk.s32 $0xffff, v5;
	_ =	sdelay $0x4  }
0x247: {  	v3 =	vbroadcast v3, $0x0  }
0x248: {  	v6, _, _ =	vpop (xrf0)  }
0x249: {  	v3 =	vadd.s32 v6, v3;
	_ =	sdelay $0x4  }
0x24a: {  	s31 =	sadd.s32 $0x10, s22;
	[tilespmem:v3+s11+$0x0] =	vst.idx.msk vm0, v4  }
0x24b: {  	v4 =	vld [tilespmem:s31+$0x0];
	_ =	sdelay $0x1  }
0x24c: {  	v7 =	vld [tilespmem:s24+$0x0];
	_ =	sdelay $0x2  }
0x24d: {  	vm10 =	veq.s32 v4, $0x0  }
0x24e: {  	vm1 =	vmand vm0, vm10  }
0x24f: {  	v7 =	vsel vm1, v3, v7  }
0x250: {  	[tilespmem:s24+$0x0] =	vst v7  }
0x251: {  	v7 =	vld [tilespmem:s23+$0x0];
	_ =	sdelay $0x2  }
0x252: {  	vm11 =	veq.s32 v4, $0x1  }
0x253: {  	s22 =	simm.s32 $0x0;
	vm0 =	vmand vm0, vm11  }
0x254: {  	s24 =	sand.u32 $0xF000, s22;
	v3 =	vsel vm0, v3, v7  }
0x255: {  	s2 =	sand.u32 $0x70, s22;
	v4 =	vadd.s32 v5, v4;
	s12 =	sshrl.u32 s24, $0x2;
	[tilespmem:s23+$0x0] =	vst v3  }
0x256: {  	s25 =	sor.u32 s2, s12;
	[tilespmem:s31+$0x0] =	vst v4  }
0x257: {  	v3 =	vld [tilespmem:s25+$0x180];
	_ =	sdelay $0x4  }
0x258: {  	vm12 =	vlt.f32 v3, $0.0e+00;
	vm13 =	vgt.f32 v3, $0.0e+00  }
0x259: {  	vm0 =	vmor vm13, vm12  }
0x25a: {  	v4 =	vsel vm0, $0x1, v1  }
0x25b: {  	(xrf0) =	vadd.scan.msk.s32 $0xffff, v4;
	_ =	sdelay $0x1  }
0x25c: {  	s26 =	sshll.u32 s21, $0x8  }
0x25d: {  	v5 =	vmov s26  }
0x25e: {  	v5 =	vadd.s32 $0xFFFFFFFF, v5  }
0x25f: {  	v5 =	vbroadcast v5, $0x0  }
0x260: {  	v7, _, _ =	vpop (xrf0)  }
0x261: {  	v5 =	vadd.s32 v7, v5;
	_ =	sdelay $0x1  }
0x262: {  	(v2sf) =	vpush v6, $0xF  }
0x263: {  	(v2sf) =	vpush v7, $0xF;
	_ =	sdelay $0x1  }
0x264: {  	s21 =	simm.s32 $0x6800;
	[tilespmem:v5+s11+$0x0] =	vst.idx.msk vm0, v3  }
0x265: {  	v3 =	vld [tilespmem:s21+$0x0]  }
0x266: {  	s28 =	simm.s32 $0x5800  }
0x267: {  	v6 =	vld [tilespmem:s28+$0x0];
	_ =	sdelay $0x2  }
0x268: {  	vm14 =	veq.s32 v3, $0x0  }
0x269: {  	vm1 =	vmand vm0, vm14  }
0x26a: {  	v6 =	vsel vm1, v5, v6  }
0x26b: {  	s29 =	simm.s32 $0x6000;
	[tilespmem:s28+$0x0] =	vst v6  }
0x26c: {  	v6 =	vld [tilespmem:s29+$0x0];
	_ =	sdelay $0x1  }
0x26d: {  	s30 =	spop (v2sf)  }
0x26e: {  	vm15 =	veq.s32 v3, $0x1;
	s2 =	spop (v2sf)  }
0x26f: {  	s0 =	simm.s32 $0x20;
	s25 =	simm.s32 $0x200;
	vm0 =	vmand vm0, vm15;
	s24 =	sadd.s32 s26, s2  }
0x270: {  	s22 =	simm.s32 $0x6010;
	s31 =	simm.s32 $0x10;
	s26 =	sand.u32 $0xF000, s25;
	v5 =	vsel vm0, v5, v6;
	v6 =	vmov s24  }
0x271: {  	s23 =	simm.s32 $0x5810;
	v4 =	vadd.s32 v4, v3;
	s2 =	sand.u32 $0x70, s31;
	s12 =	sshrl.u32 s26, $0x2;
	v3 =	vadd.s32 $0xFFFFFFFF, v6;
	[tilespmem:s29+$0x0] =	vst v5  }
.LBB2_27:
0x272: {  	s12 =	sor.u32 s2, s12;
	[tilespmem:s21+$0x0] =	vst v4;
	s21 =	sadd.s32 $0x10, s21  }
0x273: {  	s2 =	smov.u32 s0;
	s26 =	sadd.s32 $0x10, s0;
	s28 =	smov.u32 s22  }
0x274: {  	p0 =	sne.s32 s0, $0x7F0;
	v4 =	vld [tilespmem:s12+$0x180];
	_ =	sdelay $0x4  }
0x275: {  	vm0 =	vlt.f32 v4, $0.0e+00;
	vm1 =	vgt.f32 v4, $0.0e+00  }
0x276: {  	vm0 =	vmor vm1, vm0  }
0x277: {  	v5 =	vsel vm0, $0x1, v1  }
0x278: {  	(xrf0) =	vadd.scan.msk.s32 $0xffff, v5;
	_ =	sdelay $0x4  }
0x279: {  	v3 =	vbroadcast v3, $0x0  }
0x27a: {  	v6, _, _ =	vpop (xrf0)  }
0x27b: {  	v7 =	vadd.s32 v6, v3;
	(v2sf) =	vpush v6, $0xF;
	_ =	sdelay $0x4  }
0x27c: {  	[tilespmem:v7+s11+$0x0] =	vst.idx.msk vm0, v4  }
0x27d: {  	v3 =	vld [tilespmem:s21+$0x0];
	_ =	sdelay $0x1  }
0x27e: {  	v6 =	vld [tilespmem:s23+$0x0];
	_ =	sdelay $0x2  }
0x27f: {  	vm1 =	veq.s32 v3, $0x0;
	vm2 =	veq.s32 v3, $0x1;
	v4 =	vadd.s32 v5, v3  }
0x280: {  	vm1 =	vmand vm0, vm1;
	vm0 =	vmand vm0, vm2  }
0x281: {  	v3 =	vsel vm1, v7, v6  }
0x282: {  	[tilespmem:s23+$0x0] =	vst v3  }
0x283: {  	v5 =	vld [tilespmem:s22+$0x0];
	s0 =	spop (v2sf)  }
0x284: {  	s24 =	sadd.s32 s24, s0  }
.Ltmp13:
0x285: {  	v3 =	vmov s24;
	(pc) =	sbr.rel @p0 .LBB2_27-.Ltmp13, $4  }
0x286: {  	v3 =	vadd.s32 $0xFFFFFFFF, v3  }
0x287: {  	s25 =	sadd.s32 $0x200, s25  }
0x288: {  	s2 =	sand.u32 $0x70, s2;
	s22 =	sadd.s32 $0x10, s22;
	s0 =	sand.u32 $0xF000, s25;
	v5 =	vsel vm0, v7, v5  }
0x289: {  	s23 =	sadd.s32 $0x10, s23;
	s12 =	sshrl.u32 s0, $0x2;
	s0 =	smov.u32 s26;
	[tilespmem:s28+$0x0] =	vst v5  }
0x28a: {  	s0 =	sor.u32 s2, s12;
	[tilespmem:s21+$0x0] =	vst v4  }
0x28b: {  	v4 =	vld [tilespmem:s0+$0x180];
	_ =	sdelay $0x4  }
0x28c: {  	vm0 =	vlt.f32 v4, $0.0e+00;
	vm1 =	vgt.f32 v4, $0.0e+00  }
0x28d: {  	vm0 =	vmor vm1, vm0  }
0x28e: {  	v5 =	vsel vm0, $0x1, v1  }
0x28f: {  	(xrf0) =	vadd.scan.msk.s32 $0xffff, v5;
	_ =	sdelay $0x4  }
0x290: {  	v3 =	vbroadcast v3, $0x0  }
0x291: {  	v6, _, _ =	vpop (xrf0)  }
0x292: {  	v3 =	vadd.s32 v6, v3;
	_ =	sdelay $0x4  }
0x293: {  	s21 =	sadd.s32 $0x10, s21;
	[tilespmem:v3+s11+$0x0] =	vst.idx.msk vm0, v4  }
0x294: {  	v4 =	vld [tilespmem:s21+$0x0];
	_ =	sdelay $0x1  }
0x295: {  	v7 =	vld [tilespmem:s23+$0x0];
	_ =	sdelay $0x2  }
0x296: {  	vm10 =	veq.s32 v4, $0x0  }
0x297: {  	vm1 =	vmand vm0, vm10  }
0x298: {  	v7 =	vsel vm1, v3, v7  }
0x299: {  	[tilespmem:s23+$0x0] =	vst v7  }
0x29a: {  	v7 =	vld [tilespmem:s22+$0x0];
	_ =	sdelay $0x2  }
0x29b: {  	vm11 =	veq.s32 v4, $0x1  }
0x29c: {  	vm0 =	vmand vm0, vm11;
	s23 =	simm.s32 $0x0  }
0x29d: {  	s24 =	sand.u32 $0xF000, s23;
	v3 =	vsel vm0, v3, v7  }
0x29e: {  	v4 =	vadd.s32 v5, v4;
	s2 =	sand.u32 $0x70, s23;
	s12 =	sshrl.u32 s24, $0x2;
	[tilespmem:s22+$0x0] =	vst v3  }
0x29f: {  	s25 =	sor.u32 s2, s12;
	[tilespmem:s21+$0x0] =	vst v4  }
0x2a0: {  	v3 =	vld [tilespmem:s25+$0x200];
	_ =	sdelay $0x4  }
0x2a1: {  	vm12 =	vlt.f32 v3, $0.0e+00;
	vm13 =	vgt.f32 v3, $0.0e+00  }
0x2a2: {  	vm0 =	vmor vm13, vm12  }
0x2a3: {  	v4 =	vsel vm0, $0x1, v1  }
0x2a4: {  	(xrf0) =	vadd.scan.msk.s32 $0xffff, v4;
	_ =	sdelay $0x1  }
0x2a5: {  	s26 =	sshll.u32 s20, $0x8  }
0x2a6: {  	v5 =	vmov s26  }
0x2a7: {  	v5 =	vadd.s32 $0xFFFFFFFF, v5  }
0x2a8: {  	v5 =	vbroadcast v5, $0x0  }
0x2a9: {  	v7, _, _ =	vpop (xrf0)  }
0x2aa: {  	v5 =	vadd.s32 v7, v5;
	_ =	sdelay $0x1  }
0x2ab: {  	(v2sf) =	vpush v6, $0xF  }
0x2ac: {  	(v2sf) =	vpush v7, $0xF;
	_ =	sdelay $0x1  }
0x2ad: {  	s20 =	simm.s32 $0x6800;
	[tilespmem:v5+s11+$0x0] =	vst.idx.msk vm0, v3  }
0x2ae: {  	v3 =	vld [tilespmem:s20+$0x0]  }
0x2af: {  	s28 =	simm.s32 $0x5800  }
0x2b0: {  	v6 =	vld [tilespmem:s28+$0x0];
	_ =	sdelay $0x2  }
0x2b1: {  	vm14 =	veq.s32 v3, $0x0  }
0x2b2: {  	vm1 =	vmand vm0, vm14  }
0x2b3: {  	v6 =	vsel vm1, v5, v6  }
0x2b4: {  	s29 =	simm.s32 $0x6000;
	[tilespmem:s28+$0x0] =	vst v6  }
0x2b5: {  	v6 =	vld [tilespmem:s29+$0x0];
	_ =	sdelay $0x1  }
0x2b6: {  	s30 =	spop (v2sf)  }
0x2b7: {  	vm15 =	veq.s32 v3, $0x1;
	s2 =	spop (v2sf)  }
0x2b8: {  	s31 =	simm.s32 $0x10;
	s24 =	simm.s32 $0x200;
	vm0 =	vmand vm0, vm15;
	s23 =	sadd.s32 s26, s2  }
0x2b9: {  	s0 =	simm.s32 $0x20;
	s22 =	simm.s32 $0x5810;
	s25 =	sand.u32 $0xF000, s24;
	v5 =	vsel vm0, v5, v6;
	v6 =	vmov s23  }
0x2ba: {  	s21 =	simm.s32 $0x6010;
	s12 =	sshrl.u32 s25, $0x2;
	v4 =	vadd.s32 v4, v3;
	s2 =	sand.u32 $0x70, s31;
	v3 =	vadd.s32 $0xFFFFFFFF, v6;
	[tilespmem:s29+$0x0] =	vst v5  }
.LBB2_29:
0x2bb: {  	s12 =	sor.u32 s2, s12;
	[tilespmem:s20+$0x0] =	vst v4;
	s20 =	sadd.s32 $0x10, s20  }
0x2bc: {  	s2 =	smov.u32 s0;
	s25 =	sadd.s32 $0x10, s0;
	s26 =	smov.u32 s21  }
0x2bd: {  	p0 =	sne.s32 s0, $0x7F0;
	v4 =	vld [tilespmem:s12+$0x200];
	_ =	sdelay $0x4  }
0x2be: {  	vm0 =	vlt.f32 v4, $0.0e+00;
	vm1 =	vgt.f32 v4, $0.0e+00  }
0x2bf: {  	vm0 =	vmor vm1, vm0  }
0x2c0: {  	v5 =	vsel vm0, $0x1, v1  }
0x2c1: {  	(xrf0) =	vadd.scan.msk.s32 $0xffff, v5;
	_ =	sdelay $0x4  }
0x2c2: {  	v3 =	vbroadcast v3, $0x0  }
0x2c3: {  	v6, _, _ =	vpop (xrf0)  }
0x2c4: {  	v7 =	vadd.s32 v6, v3;
	(v2sf) =	vpush v6, $0xF;
	_ =	sdelay $0x4  }
0x2c5: {  	[tilespmem:v7+s11+$0x0] =	vst.idx.msk vm0, v4  }
0x2c6: {  	v3 =	vld [tilespmem:s20+$0x0];
	_ =	sdelay $0x1  }
0x2c7: {  	v6 =	vld [tilespmem:s22+$0x0];
	_ =	sdelay $0x2  }
0x2c8: {  	vm1 =	veq.s32 v3, $0x0;
	vm2 =	veq.s32 v3, $0x1;
	v4 =	vadd.s32 v5, v3  }
0x2c9: {  	vm1 =	vmand vm0, vm1;
	vm0 =	vmand vm0, vm2  }
0x2ca: {  	v3 =	vsel vm1, v7, v6  }
0x2cb: {  	[tilespmem:s22+$0x0] =	vst v3  }
0x2cc: {  	v5 =	vld [tilespmem:s21+$0x0];
	s0 =	spop (v2sf)  }
0x2cd: {  	s23 =	sadd.s32 s23, s0  }
.Ltmp14:
0x2ce: {  	v3 =	vmov s23;
	(pc) =	sbr.rel @p0 .LBB2_29-.Ltmp14, $4  }
0x2cf: {  	v3 =	vadd.s32 $0xFFFFFFFF, v3  }
0x2d0: {  	s24 =	sadd.s32 $0x200, s24  }
0x2d1: {  	s2 =	sand.u32 $0x70, s2;
	s21 =	sadd.s32 $0x10, s21;
	s0 =	sand.u32 $0xF000, s24;
	v5 =	vsel vm0, v7, v5  }
0x2d2: {  	s22 =	sadd.s32 $0x10, s22;
	s12 =	sshrl.u32 s0, $0x2;
	s0 =	smov.u32 s25;
	[tilespmem:s26+$0x0] =	vst v5  }
0x2d3: {  	s0 =	sor.u32 s2, s12;
	[tilespmem:s20+$0x0] =	vst v4  }
0x2d4: {  	v4 =	vld [tilespmem:s0+$0x200];
	_ =	sdelay $0x4  }
0x2d5: {  	vm0 =	vlt.f32 v4, $0.0e+00;
	vm1 =	vgt.f32 v4, $0.0e+00  }
0x2d6: {  	vm0 =	vmor vm1, vm0  }
0x2d7: {  	v5 =	vsel vm0, $0x1, v1  }
0x2d8: {  	(xrf0) =	vadd.scan.msk.s32 $0xffff, v5;
	_ =	sdelay $0x4  }
0x2d9: {  	v3 =	vbroadcast v3, $0x0  }
0x2da: {  	v6, _, _ =	vpop (xrf0)  }
0x2db: {  	v3 =	vadd.s32 v6, v3;
	_ =	sdelay $0x4  }
0x2dc: {  	s20 =	sadd.s32 $0x10, s20;
	[tilespmem:v3+s11+$0x0] =	vst.idx.msk vm0, v4  }
0x2dd: {  	v4 =	vld [tilespmem:s20+$0x0];
	_ =	sdelay $0x1  }
0x2de: {  	v7 =	vld [tilespmem:s22+$0x0];
	_ =	sdelay $0x2  }
0x2df: {  	vm10 =	veq.s32 v4, $0x0  }
0x2e0: {  	vm1 =	vmand vm0, vm10  }
0x2e1: {  	v7 =	vsel vm1, v3, v7  }
0x2e2: {  	[tilespmem:s22+$0x0] =	vst v7  }
0x2e3: {  	v7 =	vld [tilespmem:s21+$0x0];
	_ =	sdelay $0x2  }
0x2e4: {  	vm11 =	veq.s32 v4, $0x1  }
0x2e5: {  	s23 =	simm.s32 $0x0;
	vm0 =	vmand vm0, vm11  }
0x2e6: {  	s24 =	sand.u32 $0xF000, s23;
	v3 =	vsel vm0, v3, v7  }
0x2e7: {  	s2 =	sand.u32 $0x70, s23;
	s12 =	sshrl.u32 s24, $0x2;
	v4 =	vadd.s32 v5, v4;
	[tilespmem:s21+$0x0] =	vst v3  }
0x2e8: {  	s25 =	sor.u32 s2, s12;
	[tilespmem:s20+$0x0] =	vst v4  }
0x2e9: {  	v3 =	vld [tilespmem:s25+$0x280];
	_ =	sdelay $0x4  }
0x2ea: {  	vm12 =	vlt.f32 v3, $0.0e+00;
	vm13 =	vgt.f32 v3, $0.0e+00  }
0x2eb: {  	vm0 =	vmor vm13, vm12  }
0x2ec: {  	v4 =	vsel vm0, $0x1, v1  }
0x2ed: {  	(xrf0) =	vadd.scan.msk.s32 $0xffff, v4;
	_ =	sdelay $0x1  }
0x2ee: {  	s26 =	sshll.u32 s19, $0x8  }
0x2ef: {  	v5 =	vmov s26  }
0x2f0: {  	v5 =	vadd.s32 $0xFFFFFFFF, v5  }
0x2f1: {  	v5 =	vbroadcast v5, $0x0  }
0x2f2: {  	v7, _, _ =	vpop (xrf0)  }
0x2f3: {  	v5 =	vadd.s32 v7, v5;
	_ =	sdelay $0x1  }
0x2f4: {  	(v2sf) =	vpush v6, $0xF  }
0x2f5: {  	(v2sf) =	vpush v7, $0xF;
	_ =	sdelay $0x1  }
0x2f6: {  	s19 =	simm.s32 $0x6800;
	[tilespmem:v5+s11+$0x0] =	vst.idx.msk vm0, v3  }
0x2f7: {  	v3 =	vld [tilespmem:s19+$0x0]  }
0x2f8: {  	s28 =	simm.s32 $0x5800  }
0x2f9: {  	v6 =	vld [tilespmem:s28+$0x0];
	_ =	sdelay $0x2  }
0x2fa: {  	vm14 =	veq.s32 v3, $0x0  }
0x2fb: {  	vm1 =	vmand vm0, vm14  }
0x2fc: {  	v6 =	vsel vm1, v5, v6  }
0x2fd: {  	s29 =	simm.s32 $0x6000;
	[tilespmem:s28+$0x0] =	vst v6  }
0x2fe: {  	v6 =	vld [tilespmem:s29+$0x0];
	_ =	sdelay $0x1  }
0x2ff: {  	s30 =	spop (v2sf)  }
0x300: {  	s23 =	simm.s32 $0x200;
	vm15 =	veq.s32 v3, $0x1;
	s2 =	spop (v2sf)  }
0x301: {  	s24 =	sand.u32 $0xF000, s23;
	vm0 =	vmand vm0, vm15;
	s22 =	sadd.s32 s26, s2  }
0x302: {  	s31 =	simm.s32 $0x10;
	s0 =	simm.s32 $0x20;
	s12 =	sshrl.u32 s24, $0x2;
	v5 =	vsel vm0, v5, v6;
	v6 =	vmov s22  }
0x303: {  	s21 =	simm.s32 $0x5810;
	s20 =	simm.s32 $0x6010;
	v4 =	vadd.s32 v4, v3;
	s2 =	sand.u32 $0x70, s31;
	v3 =	vadd.s32 $0xFFFFFFFF, v6;
	[tilespmem:s29+$0x0] =	vst v5  }
.LBB2_31:
0x304: {  	s12 =	sor.u32 s2, s12;
	[tilespmem:s19+$0x0] =	vst v4;
	s19 =	sadd.s32 $0x10, s19  }
0x305: {  	s2 =	smov.u32 s0;
	s24 =	sadd.s32 $0x10, s0;
	s25 =	smov.u32 s20  }
0x306: {  	p0 =	sne.s32 s0, $0x7F0;
	v4 =	vld [tilespmem:s12+$0x280];
	_ =	sdelay $0x4  }
0x307: {  	vm0 =	vlt.f32 v4, $0.0e+00;
	vm1 =	vgt.f32 v4, $0.0e+00  }
0x308: {  	vm0 =	vmor vm1, vm0  }
0x309: {  	v5 =	vsel vm0, $0x1, v1  }
0x30a: {  	(xrf0) =	vadd.scan.msk.s32 $0xffff, v5;
	_ =	sdelay $0x4  }
0x30b: {  	v3 =	vbroadcast v3, $0x0  }
0x30c: {  	v6, _, _ =	vpop (xrf0)  }
0x30d: {  	v7 =	vadd.s32 v6, v3;
	(v2sf) =	vpush v6, $0xF;
	_ =	sdelay $0x4  }
0x30e: {  	[tilespmem:v7+s11+$0x0] =	vst.idx.msk vm0, v4  }
0x30f: {  	v3 =	vld [tilespmem:s19+$0x0];
	_ =	sdelay $0x1  }
0x310: {  	v6 =	vld [tilespmem:s21+$0x0];
	_ =	sdelay $0x2  }
0x311: {  	vm1 =	veq.s32 v3, $0x0;
	vm2 =	veq.s32 v3, $0x1;
	v4 =	vadd.s32 v5, v3  }
0x312: {  	vm1 =	vmand vm0, vm1;
	vm0 =	vmand vm0, vm2  }
0x313: {  	v3 =	vsel vm1, v7, v6  }
0x314: {  	[tilespmem:s21+$0x0] =	vst v3  }
0x315: {  	v5 =	vld [tilespmem:s20+$0x0];
	s0 =	spop (v2sf)  }
0x316: {  	s22 =	sadd.s32 s22, s0  }
.Ltmp15:
0x317: {  	v3 =	vmov s22;
	(pc) =	sbr.rel @p0 .LBB2_31-.Ltmp15, $4  }
0x318: {  	v3 =	vadd.s32 $0xFFFFFFFF, v3  }
0x319: {  	s23 =	sadd.s32 $0x200, s23  }
0x31a: {  	s2 =	sand.u32 $0x70, s2;
	s20 =	sadd.s32 $0x10, s20;
	s0 =	sand.u32 $0xF000, s23;
	v5 =	vsel vm0, v7, v5  }
0x31b: {  	s21 =	sadd.s32 $0x10, s21;
	s12 =	sshrl.u32 s0, $0x2;
	s0 =	smov.u32 s24;
	[tilespmem:s25+$0x0] =	vst v5  }
0x31c: {  	s0 =	sor.u32 s2, s12;
	[tilespmem:s19+$0x0] =	vst v4  }
0x31d: {  	v4 =	vld [tilespmem:s0+$0x280];
	_ =	sdelay $0x4  }
0x31e: {  	vm0 =	vlt.f32 v4, $0.0e+00;
	vm1 =	vgt.f32 v4, $0.0e+00  }
0x31f: {  	vm0 =	vmor vm1, vm0  }
0x320: {  	v5 =	vsel vm0, $0x1, v1  }
0x321: {  	(xrf0) =	vadd.scan.msk.s32 $0xffff, v5;
	_ =	sdelay $0x4  }
0x322: {  	v3 =	vbroadcast v3, $0x0  }
0x323: {  	v6, _, _ =	vpop (xrf0)  }
0x324: {  	v3 =	vadd.s32 v6, v3;
	_ =	sdelay $0x4  }
0x325: {  	s22 =	sadd.s32 $0x10, s19;
	[tilespmem:v3+s11+$0x0] =	vst.idx.msk vm0, v4  }
0x326: {  	v4 =	vld [tilespmem:s22+$0x0];
	_ =	sdelay $0x1  }
0x327: {  	v7 =	vld [tilespmem:s21+$0x0];
	_ =	sdelay $0x2  }
0x328: {  	vm10 =	veq.s32 v4, $0x0  }
0x329: {  	vm1 =	vmand vm0, vm10  }
0x32a: {  	v7 =	vsel vm1, v3, v7  }
0x32b: {  	[tilespmem:s21+$0x0] =	vst v7  }
0x32c: {  	v7 =	vld [tilespmem:s20+$0x0];
	_ =	sdelay $0x2  }
0x32d: {  	vm11 =	veq.s32 v4, $0x1  }
0x32e: {  	s23 =	simm.s32 $0x0;
	vm0 =	vmand vm0, vm11  }
0x32f: {  	s24 =	sand.u32 $0xF000, s23;
	v3 =	vsel vm0, v3, v7  }
0x330: {  	s2 =	sand.u32 $0x70, s23;
	s12 =	sshrl.u32 s24, $0x2;
	v4 =	vadd.s32 v5, v4;
	[tilespmem:s20+$0x0] =	vst v3  }
0x331: {  	s25 =	sor.u32 s2, s12;
	[tilespmem:s22+$0x0] =	vst v4  }
0x332: {  	v3 =	vld [tilespmem:s25+$0x300];
	_ =	sdelay $0x4  }
0x333: {  	vm12 =	vlt.f32 v3, $0.0e+00;
	vm13 =	vgt.f32 v3, $0.0e+00  }
0x334: {  	vm0 =	vmor vm13, vm12  }
0x335: {  	v4 =	vsel vm0, $0x1, v1  }
0x336: {  	(xrf0) =	vadd.scan.msk.s32 $0xffff, v4;
	_ =	sdelay $0x1  }
0x337: {  	s26 =	sshll.u32 s18, $0x8  }
0x338: {  	v5 =	vmov s26  }
0x339: {  	v5 =	vadd.s32 $0xFFFFFFFF, v5  }
0x33a: {  	v5 =	vbroadcast v5, $0x0  }
0x33b: {  	v7, _, _ =	vpop (xrf0)  }
0x33c: {  	v5 =	vadd.s32 v7, v5;
	_ =	sdelay $0x1  }
0x33d: {  	(v2sf) =	vpush v6, $0xF  }
0x33e: {  	(v2sf) =	vpush v7, $0xF;
	_ =	sdelay $0x1  }
0x33f: {  	s18 =	simm.s32 $0x6800;
	[tilespmem:v5+s11+$0x0] =	vst.idx.msk vm0, v3  }
0x340: {  	v3 =	vld [tilespmem:s18+$0x0]  }
0x341: {  	s28 =	simm.s32 $0x5800  }
0x342: {  	v6 =	vld [tilespmem:s28+$0x0];
	_ =	sdelay $0x2  }
0x343: {  	vm14 =	veq.s32 v3, $0x0  }
0x344: {  	vm1 =	vmand vm0, vm14  }
0x345: {  	v6 =	vsel vm1, v5, v6  }
0x346: {  	s29 =	simm.s32 $0x6000;
	[tilespmem:s28+$0x0] =	vst v6  }
0x347: {  	v6 =	vld [tilespmem:s29+$0x0];
	_ =	sdelay $0x1  }
0x348: {  	s30 =	spop (v2sf)  }
0x349: {  	vm15 =	veq.s32 v3, $0x1;
	s2 =	spop (v2sf)  }
0x34a: {  	s31 =	simm.s32 $0x10;
	s22 =	simm.s32 $0x200;
	vm0 =	vmand vm0, vm15;
	s21 =	sadd.s32 s26, s2  }
0x34b: {  	s19 =	simm.s32 $0x6010;
	s0 =	simm.s32 $0x20;
	s23 =	sand.u32 $0xF000, s22;
	v5 =	vsel vm0, v5, v6;
	v6 =	vmov s21  }
0x34c: {  	s20 =	simm.s32 $0x5810;
	s12 =	sshrl.u32 s23, $0x2;
	v4 =	vadd.s32 v4, v3;
	s2 =	sand.u32 $0x70, s31;
	v3 =	vadd.s32 $0xFFFFFFFF, v6;
	[tilespmem:s29+$0x0] =	vst v5  }
.LBB2_33:
0x34d: {  	s12 =	sor.u32 s2, s12;
	[tilespmem:s18+$0x0] =	vst v4;
	s18 =	sadd.s32 $0x10, s18  }
0x34e: {  	s2 =	smov.u32 s0;
	s23 =	sadd.s32 $0x10, s0;
	s24 =	smov.u32 s19  }
0x34f: {  	p0 =	sne.s32 s0, $0x7F0;
	v4 =	vld [tilespmem:s12+$0x300];
	_ =	sdelay $0x4  }
0x350: {  	vm0 =	vlt.f32 v4, $0.0e+00;
	vm1 =	vgt.f32 v4, $0.0e+00  }
0x351: {  	vm0 =	vmor vm1, vm0  }
0x352: {  	v5 =	vsel vm0, $0x1, v1  }
0x353: {  	(xrf0) =	vadd.scan.msk.s32 $0xffff, v5;
	_ =	sdelay $0x4  }
0x354: {  	v3 =	vbroadcast v3, $0x0  }
0x355: {  	v6, _, _ =	vpop (xrf0)  }
0x356: {  	v7 =	vadd.s32 v6, v3;
	(v2sf) =	vpush v6, $0xF;
	_ =	sdelay $0x4  }
0x357: {  	[tilespmem:v7+s11+$0x0] =	vst.idx.msk vm0, v4  }
0x358: {  	v3 =	vld [tilespmem:s18+$0x0];
	_ =	sdelay $0x1  }
0x359: {  	v6 =	vld [tilespmem:s20+$0x0];
	_ =	sdelay $0x2  }
0x35a: {  	vm1 =	veq.s32 v3, $0x0;
	vm2 =	veq.s32 v3, $0x1;
	v4 =	vadd.s32 v5, v3  }
0x35b: {  	vm1 =	vmand vm0, vm1;
	vm0 =	vmand vm0, vm2  }
0x35c: {  	v3 =	vsel vm1, v7, v6  }
0x35d: {  	[tilespmem:s20+$0x0] =	vst v3  }
0x35e: {  	v5 =	vld [tilespmem:s19+$0x0];
	s0 =	spop (v2sf)  }
0x35f: {  	s21 =	sadd.s32 s21, s0  }
.Ltmp16:
0x360: {  	v3 =	vmov s21;
	(pc) =	sbr.rel @p0 .LBB2_33-.Ltmp16, $4  }
0x361: {  	v3 =	vadd.s32 $0xFFFFFFFF, v3  }
0x362: {  	s22 =	sadd.s32 $0x200, s22  }
0x363: {  	s2 =	sand.u32 $0x70, s2;
	s19 =	sadd.s32 $0x10, s19;
	s0 =	sand.u32 $0xF000, s22;
	v5 =	vsel vm0, v7, v5  }
0x364: {  	s20 =	sadd.s32 $0x10, s20;
	s12 =	sshrl.u32 s0, $0x2;
	s0 =	smov.u32 s23;
	[tilespmem:s24+$0x0] =	vst v5  }
0x365: {  	s0 =	sor.u32 s2, s12;
	[tilespmem:s18+$0x0] =	vst v4  }
0x366: {  	v4 =	vld [tilespmem:s0+$0x300];
	_ =	sdelay $0x4  }
0x367: {  	vm0 =	vlt.f32 v4, $0.0e+00;
	vm1 =	vgt.f32 v4, $0.0e+00  }
0x368: {  	vm0 =	vmor vm1, vm0  }
0x369: {  	v5 =	vsel vm0, $0x1, v1  }
0x36a: {  	(xrf0) =	vadd.scan.msk.s32 $0xffff, v5;
	_ =	sdelay $0x4  }
0x36b: {  	v3 =	vbroadcast v3, $0x0  }
0x36c: {  	v6, _, _ =	vpop (xrf0)  }
0x36d: {  	v3 =	vadd.s32 v6, v3;
	_ =	sdelay $0x4  }
0x36e: {  	s22 =	sadd.s32 $0x10, s18;
	[tilespmem:v3+s11+$0x0] =	vst.idx.msk vm0, v4  }
0x36f: {  	v4 =	vld [tilespmem:s22+$0x0];
	_ =	sdelay $0x1  }
0x370: {  	v7 =	vld [tilespmem:s20+$0x0];
	_ =	sdelay $0x2  }
0x371: {  	vm10 =	veq.s32 v4, $0x0  }
0x372: {  	vm1 =	vmand vm0, vm10  }
0x373: {  	v7 =	vsel vm1, v3, v7  }
0x374: {  	[tilespmem:s20+$0x0] =	vst v7  }
0x375: {  	v7 =	vld [tilespmem:s19+$0x0];
	_ =	sdelay $0x2  }
0x376: {  	vm11 =	veq.s32 v4, $0x1  }
0x377: {  	s23 =	simm.s32 $0x0;
	vm0 =	vmand vm0, vm11  }
0x378: {  	s24 =	sand.u32 $0xF000, s23;
	v3 =	vsel vm0, v3, v7  }
0x379: {  	s2 =	sand.u32 $0x70, s23;
	s12 =	sshrl.u32 s24, $0x2;
	v4 =	vadd.s32 v5, v4;
	[tilespmem:s19+$0x0] =	vst v3  }
0x37a: {  	s25 =	sor.u32 s2, s12;
	[tilespmem:s22+$0x0] =	vst v4  }
0x37b: {  	v3 =	vld [tilespmem:s25+$0x380];
	_ =	sdelay $0x4  }
0x37c: {  	vm12 =	vlt.f32 v3, $0.0e+00;
	vm13 =	vgt.f32 v3, $0.0e+00  }
0x37d: {  	vm0 =	vmor vm13, vm12  }
0x37e: {  	v4 =	vsel vm0, $0x1, v1  }
0x37f: {  	(xrf0) =	vadd.scan.msk.s32 $0xffff, v4;
	_ =	sdelay $0x1  }
0x380: {  	s26 =	sshll.u32 s17, $0x8  }
0x381: {  	v5 =	vmov s26  }
0x382: {  	v5 =	vadd.s32 $0xFFFFFFFF, v5  }
0x383: {  	v5 =	vbroadcast v5, $0x0  }
0x384: {  	v7, _, _ =	vpop (xrf0)  }
0x385: {  	v5 =	vadd.s32 v7, v5;
	_ =	sdelay $0x1  }
0x386: {  	(v2sf) =	vpush v6, $0xF  }
0x387: {  	(v2sf) =	vpush v7, $0xF;
	_ =	sdelay $0x1  }
0x388: {  	s17 =	simm.s32 $0x6800;
	[tilespmem:v5+s11+$0x0] =	vst.idx.msk vm0, v3  }
0x389: {  	v3 =	vld [tilespmem:s17+$0x0]  }
0x38a: {  	s28 =	simm.s32 $0x5800  }
0x38b: {  	v6 =	vld [tilespmem:s28+$0x0];
	_ =	sdelay $0x2  }
0x38c: {  	vm14 =	veq.s32 v3, $0x0  }
0x38d: {  	vm1 =	vmand vm0, vm14  }
0x38e: {  	v6 =	vsel vm1, v5, v6  }
0x38f: {  	s29 =	simm.s32 $0x6000;
	[tilespmem:s28+$0x0] =	vst v6  }
0x390: {  	v6 =	vld [tilespmem:s29+$0x0];
	_ =	sdelay $0x1  }
0x391: {  	s30 =	spop (v2sf)  }
0x392: {  	vm15 =	veq.s32 v3, $0x1;
	s2 =	spop (v2sf)  }
0x393: {  	s31 =	simm.s32 $0x10;
	s21 =	simm.s32 $0x200;
	vm0 =	vmand vm0, vm15;
	s20 =	sadd.s32 s26, s2  }
0x394: {  	s18 =	simm.s32 $0x6010;
	s0 =	simm.s32 $0x20;
	s22 =	sand.u32 $0xF000, s21;
	v5 =	vsel vm0, v5, v6;
	v6 =	vmov s20  }
0x395: {  	s19 =	simm.s32 $0x5810;
	s12 =	sshrl.u32 s22, $0x2;
	v4 =	vadd.s32 v4, v3;
	s2 =	sand.u32 $0x70, s31;
	v3 =	vadd.s32 $0xFFFFFFFF, v6;
	[tilespmem:s29+$0x0] =	vst v5  }
.LBB2_35:
0x396: {  	s12 =	sor.u32 s2, s12;
	[tilespmem:s17+$0x0] =	vst v4;
	s17 =	sadd.s32 $0x10, s17  }
0x397: {  	s2 =	smov.u32 s0;
	s22 =	sadd.s32 $0x10, s0;
	s23 =	smov.u32 s18  }
0x398: {  	p0 =	sne.s32 s0, $0x7F0;
	v4 =	vld [tilespmem:s12+$0x380];
	_ =	sdelay $0x4  }
0x399: {  	vm0 =	vlt.f32 v4, $0.0e+00;
	vm1 =	vgt.f32 v4, $0.0e+00  }
0x39a: {  	vm0 =	vmor vm1, vm0  }
0x39b: {  	v5 =	vsel vm0, $0x1, v1  }
0x39c: {  	(xrf0) =	vadd.scan.msk.s32 $0xffff, v5;
	_ =	sdelay $0x4  }
0x39d: {  	v3 =	vbroadcast v3, $0x0  }
0x39e: {  	v6, _, _ =	vpop (xrf0)  }
0x39f: {  	v7 =	vadd.s32 v6, v3;
	(v2sf) =	vpush v6, $0xF;
	_ =	sdelay $0x4  }
0x3a0: {  	[tilespmem:v7+s11+$0x0] =	vst.idx.msk vm0, v4  }
0x3a1: {  	v3 =	vld [tilespmem:s17+$0x0];
	_ =	sdelay $0x1  }
0x3a2: {  	v6 =	vld [tilespmem:s19+$0x0];
	_ =	sdelay $0x2  }
0x3a3: {  	vm1 =	veq.s32 v3, $0x0;
	vm2 =	veq.s32 v3, $0x1;
	v4 =	vadd.s32 v5, v3  }
0x3a4: {  	vm1 =	vmand vm0, vm1;
	vm0 =	vmand vm0, vm2  }
0x3a5: {  	v3 =	vsel vm1, v7, v6  }
0x3a6: {  	[tilespmem:s19+$0x0] =	vst v3  }
0x3a7: {  	v5 =	vld [tilespmem:s18+$0x0];
	s0 =	spop (v2sf)  }
0x3a8: {  	s20 =	sadd.s32 s20, s0  }
.Ltmp17:
0x3a9: {  	v3 =	vmov s20;
	(pc) =	sbr.rel @p0 .LBB2_35-.Ltmp17, $4  }
0x3aa: {  	v3 =	vadd.s32 $0xFFFFFFFF, v3  }
0x3ab: {  	s21 =	sadd.s32 $0x200, s21  }
0x3ac: {  	s2 =	sand.u32 $0x70, s2;
	s18 =	sadd.s32 $0x10, s18;
	s0 =	sand.u32 $0xF000, s21;
	v5 =	vsel vm0, v7, v5  }
0x3ad: {  	s19 =	sadd.s32 $0x10, s19;
	s12 =	sshrl.u32 s0, $0x2;
	s0 =	smov.u32 s22;
	[tilespmem:s23+$0x0] =	vst v5  }
0x3ae: {  	s0 =	sor.u32 s2, s12;
	[tilespmem:s17+$0x0] =	vst v4  }
0x3af: {  	v4 =	vld [tilespmem:s0+$0x380];
	_ =	sdelay $0x4  }
0x3b0: {  	vm0 =	vlt.f32 v4, $0.0e+00;
	vm1 =	vgt.f32 v4, $0.0e+00  }
0x3b1: {  	vm0 =	vmor vm1, vm0  }
0x3b2: {  	v5 =	vsel vm0, $0x1, v1  }
0x3b3: {  	(xrf0) =	vadd.scan.msk.s32 $0xffff, v5;
	_ =	sdelay $0x4  }
0x3b4: {  	v3 =	vbroadcast v3, $0x0  }
0x3b5: {  	v6, _, _ =	vpop (xrf0)  }
0x3b6: {  	v3 =	vadd.s32 v6, v3;
	_ =	sdelay $0x4  }
0x3b7: {  	s29 =	sadd.s32 $0x10, s17;
	[tilespmem:v3+s11+$0x0] =	vst.idx.msk vm0, v4  }
0x3b8: {  	v4 =	vld [tilespmem:s29+$0x0]  }
0x3b9: {  	(v2sf) =	vpush v6, $0xF  }
0x3ba: {  	v63 =	vld [tilespmem:s19+$0x0];
	_ =	sdelay $0x2  }
0x3bb: {  	vm14 =	veq.s32 v4, $0x0  }
0x3bc: {  	vm1 =	vmand vm0, vm14  }
0x3bd: {  	v6 =	vsel vm1, v3, v63  }
0x3be: {  	[tilespmem:s19+$0x0] =	vst v6  }
0x3bf: {  	v6 =	vld [tilespmem:s18+$0x0];
	_ =	sdelay $0x2  }
0x3c0: {  	vm15 =	veq.s32 v4, $0x1  }
0x3c1: {  	vm0 =	vmand vm0, vm15  }
0x3c2: {  	v3 =	vsel vm0, v3, v6  }
0x3c3: {  	v4 =	vadd.s32 v5, v4;
	[tilespmem:s18+$0x0] =	vst v3  }
0x3c4: {  	s30 =	spop (v2sf);
	[tilespmem:s29+$0x0] =	vst v4  }
0x3c5: {  	[hbm4b:s3+s9] =	stream.linear.scatter [tilespmem:s11], [sflag:$0x1], $0x1800, $0x38;
	[tilespmem:$0x7100] =	vst v63  }
0x3c6: {  	_ =	swait.ge [sflag:s10], $0x1800  }
0x3c7: {  	[sflag:s10] =	ssyncset.done $0x0  }
0x3c8: {  	s31 =	simm.s32 $0x5800;
	[sflag:s10] =	ssyncadd.s32 $0xFFFFE800  }
0x3c9: {  	[hbm4b:s4+s9] =	stream.linear.scatter [tilespmem:s31], [sflag:$0x1], $0x800, $0x38;
	[tilespmem:$0x7100] =	vst v63  }
0x3ca: {  	_ =	swait.ge [sflag:s10], $0x800  }
0x3cb: {  	[sflag:s10] =	ssyncset.done $0x0  }
0x3cc: {  	[sflag:s10] =	ssyncadd.s32 $0xFFFFF800  }
0x3cd: {  	[hbm4b:s5+s9] =	stream.linear.scatter [tilespmem:s13], [sflag:$0x1], $0x800, $0x38;
	[tilespmem:$0x7100] =	vst v63  }
0x3ce: {  	_ =	swait.ge [sflag:s10], $0x800  }
0x3cf: {  	[sflag:s10] =	ssyncset.done $0x0  }
0x3d0: {  	[sflag:s10] =	ssyncadd.s32 $0xFFFFF800  }
0x3d1: {  	[hbm4b:s6+s9] =	stream.linear.scatter [tilespmem:s14], [sflag:$0x1], $0x80, $0x38;
	[tilespmem:$0x7100] =	vst v63  }
0x3d2: {  	s16 =	sadd.s32 $0x1, s16;
	_ =	swait.ge [sflag:s10], $0x80  }
0x3d3: {  	p0 =	sne.s32 s16, s8;
	[sflag:s10] =	ssyncset.done $0x0  }
.Ltmp18:
0x3d4: {  	[sflag:s10] =	ssyncadd.s32 $0xFFFFFF80;
	(pc) =	sbr.rel @p0 .LBB2_2-.Ltmp18, $4  }
0x3d5: {  	[hbm4b:s7+s9] =	stream.linear.scatter [tilespmem:s15], [sflag:$0x1], $0x80, $0x38;
	[tilespmem:$0x7100] =	vst v63  }
0x3d6: {  	_ =	swait.ge [sflag:s10], $0x80  }
0x3d7: {  	[sflag:s10] =	ssyncset.done $0x0  }
0x3d8: {  	[sflag:s10] =	ssyncadd.s32 $0xFFFFFF80  }
.LBB2_37:
0x3d9: {  	_ =	sfence.sel $0x180000  }
0x3da: {  	[bflag:$0x0] =	sbarrier.arrive $0xFFFF  }
0x3db: {  	_ =	strace $0x90000047  }
0x3dc: {  	s0 =	stileid.u32;
	[bflag:$0x2] =	sbarrier.arrive $0xFFFF  }
0x3dd: {  	p0 =	sne.s32 s0, $0x0;
	s0 =	rddreg [dreg:$0x3]  }
0x3de: {  	s0 =	sadd.s32 @!p0 $0x100000, s0  }
0x3df: {  	[sflag:s0] =	ssyncadd.tile.s32 @!p0 $0x1;
	_ =	shalt  }
.Lfunc_end2:
_tile_overlayer_lowered:
.L_overlay_start_2:
0x3e0: {  	(tag) =	ssettag $0x2  }
0x3e1: {  	s0 =	rddreg [dreg:$0x0];
	s2 =	stileid.u32  }
0x3e2: {  	s1 =	rddreg [dreg:$0x1];
	p0 =	sne.s32 s2, $0x0  }
0x3e3: {  	s3 =	rddreg [dreg:$0x2];
	[bflag:$0x3] =	sbarrier.arrive $0xFFFF;
	s2 =	simm.s32 @!p0 $0x1C01  }
0x3e4: {  	[timem:s3], [sflag:s2] =	dma.local @!p0 [hbm:s0], s1  }
0x3e5: {  	s0 =	simm.s32 @!p0 $0x1  }
0x3e6: {  	_ =	swait.ge @!p0 [sflag:s0], s1  }
0x3e7: {  	s1 =	ssub.s32 @!p0 $0x0, s1;
	[sflag:s0] =	ssyncset.done @!p0 $0x0  }
0x3e8: {  	[sflag:s0] =	ssyncadd.s32 @!p0 s1  }
0x3e9: {  	[bflag:$0x3] =	sbarrier.arrive $0xFFFF  }
0x3ea: {  	_ =	shalt  }

</sc_bundles>
